<compile_context>
chip_gen: v7x
topology: tpu7x:2x2x1
jax: 0.10.2.dev20260603
libtpu: 0.0.44.dev20260713+nightly
codegen_flags: <defaults>
</compile_context>

<pallas_src>
import functools

import jax
import jax.numpy as jnp
from jax import lax
from jax.experimental import pallas as pl
from jax.experimental.pallas import tpu as pltpu
from jax.experimental.pallas import tpu_sc as plsc

B = 1024
D_VIDEO = 2048
D_TEXT = 768
EMB = 64
POP = 100000
TOPK = 100

CHUNK = 2048
POP_PAD = 100352
NBLK = POP_PAD // CHUNK

NC = 2
NS = 16
NW = NC * NS
ROWS_PER_W = B // NW
NSC = 8
SCH = POP_PAD // NSC
NVC = SCH // 16
CAP = 4096
CAP2 = 512
NSEL = 112
NBIS = 18

NEG = -3e38
BIG = 2**30


def _fuse_body(xv_ref, xt_ref, wv_ref, wt_ref, bv_ref, bt_ref, out_ref):
    v = jax.lax.dot_general(xv_ref[...], wv_ref[...], (((1,), (0,)), ((), ())),
                            preferred_element_type=jnp.float32)
    t = jax.lax.dot_general(xt_ref[...], wt_ref[...], (((1,), (0,)), ((), ())),
                            preferred_element_type=jnp.float32)
    out_ref[...] = (v + bv_ref[...] + t + bt_ref[...]) * 0.5


def _sims_body(fused_ref, pop_ref, sims_ref, tau_ref, m_scr):
    j = pl.program_id(0)
    sims = jax.lax.dot_general(fused_ref[...], pop_ref[...], (((1,), (1,)), ((), ())),
                               preferred_element_type=jnp.float32)
    col = j * CHUNK + jax.lax.broadcasted_iota(jnp.int32, (B, CHUNK), 1)
    sims = jnp.where(col < POP, sims, NEG)
    sims_ref[...] = sims

    cm = sims[:, 0:128]
    for s in range(1, CHUNK // 128):
        cm = jnp.maximum(cm, sims[:, s * 128:(s + 1) * 128])

    @pl.when(j == 0)
    def _():
        m_scr[...] = cm

    @pl.when(j > 0)
    def _():
        m_scr[...] = jnp.maximum(m_scr[...], cm)

    @pl.when(j == NBLK - 1)
    def _():
        tau = jnp.min(m_scr[...], axis=1, keepdims=True)
        tau_ref[...] = jnp.broadcast_to(tau, (B, 128))


def _make_sc_retrieve():
    mesh = plsc.VectorSubcoreMesh(core_axis_name="c", subcore_axis_name="s")

    @functools.partial(
        pl.kernel, mesh=mesh,
        out_type=jax.ShapeDtypeStruct((B, TOPK, EMB), jnp.float32),
        compiler_params=pltpu.CompilerParams(needs_layout_passes=False,
                                             use_tc_tiling_on_sc=False),
        scratch_types=[
            pltpu.VMEM((4, SCH), jnp.float32),
            pltpu.VMEM((ROWS_PER_W, 16), jnp.float32),
            pltpu.VMEM((CAP,), jnp.float32),
            pltpu.VMEM((CAP,), jnp.int32),
            pltpu.VMEM((CAP2,), jnp.float32),
            pltpu.VMEM((CAP2,), jnp.int32),
            pltpu.VMEM((NSEL,), jnp.int32),
            pltpu.VMEM((NSEL, EMB), jnp.float32),
            pltpu.SemaphoreType.DMA,
            pltpu.SemaphoreType.DMA,
            pltpu.SemaphoreType.DMA,
            pltpu.SemaphoreType.DMA,
            pltpu.SemaphoreType.DMA,
        ],
    )
    def sc_retrieve(sims_hbm, tau_hbm, cat_hbm, out_hbm,
                    ring, tau_v, cv, ci, cv2, ci2, knn_v, emb_v,
                    sem0, sem1, sem2, sem3, gsem):
        wid = lax.axis_index("s") * NC + lax.axis_index("c")
        base_row = wid * ROWS_PER_W
        pltpu.sync_copy(tau_hbm.at[pl.ds(base_row, ROWS_PER_W)], tau_v)
        iota16 = lax.iota(jnp.int32, 16)
        ones16 = iota16 >= 0
        sems = (sem0, sem1, sem2, sem3)

        pltpu.async_copy(sims_hbm.at[base_row, pl.ds(0, SCH)], ring.at[0], sem0)
        pltpu.async_copy(sims_hbm.at[base_row, pl.ds(SCH, SCH)], ring.at[1], sem1)

        def do_row(r, _):
            b = base_row + r
            tsp = tau_v[r]
            tau_s = tsp[0]

            off = jnp.int32(0)
            rmax_v = jnp.full((16,), NEG, jnp.float32)
            for g in range(NSC):
                pltpu.make_async_copy(sims_hbm.at[b, pl.ds(g * SCH, SCH)],
                                      ring.at[g % 4], sems[g % 4]).wait()
                if g + 2 < NSC:
                    pltpu.async_copy(sims_hbm.at[b, pl.ds((g + 2) * SCH, SCH)],
                                     ring.at[(g + 2) % 4], sems[(g + 2) % 4])
                else:
                    g2 = g + 2 - NSC

                    @pl.when(r + 1 < ROWS_PER_W)
                    def _():
                        pltpu.async_copy(
                            sims_hbm.at[b + 1, pl.ds(g2 * SCH, SCH)],
                            ring.at[(g + 2) % 4], sems[(g + 2) % 4])
                buf = ring.at[g % 4]
                gbase = g * SCH

                def filt(i, carry):
                    off0, rmax = carry
                    vs, masks, cnts = [], [], []
                    for u in range(4):
                        v = buf[pl.ds((i * 4 + u) * 16, 16)]
                        mask = v >= tsp
                        rmax = jnp.maximum(rmax, v)
                        cnts.append(plsc.all_reduce_population_count(mask))
                        vs.append(v)
                        masks.append(mask)
                    offs = [off0]
                    for u in range(3):
                        offs.append(offs[u] + cnts[u][0])
                    for u in range(4):
                        off_use = jnp.minimum(offs[u], CAP - 16)
                        plsc.store_compressed(cv.at[pl.ds(off_use, 16)],
                                              vs[u], mask=masks[u])
                        plsc.store_compressed(ci.at[pl.ds(off_use, 16)],
                                              gbase + (i * 4 + u) * 16 + iota16,
                                              mask=masks[u])
                    return offs[3] + cnts[3][0], rmax

                off, rmax_v = lax.fori_loop(0, NVC // 4, filt, (off, rmax_v))

            c = jnp.minimum(off, CAP - 64)
            negs = jnp.full((16,), NEG, jnp.float32)
            for u in range(4):
                plsc.store_compressed(cv.at[pl.ds(c + u * 16, 16)], negs,
                                      mask=ones16)
            nvec = (c + 15) // 16
            ngrp = (c + 63) // 64
            rmax = jnp.max(rmax_v)

            def bstep(_, lohi):
                lo, hi = lohi
                mid = 0.5 * (lo + hi)
                mids = jnp.full((16,), mid, jnp.float32)

                def cbody(i, accs):
                    outs = []
                    for u in range(4):
                        v = cv[pl.ds((i * 4 + u) * 16, 16)]
                        outs.append(accs[u] +
                                    plsc.all_reduce_population_count(v >= mids))
                    return tuple(outs)

                z = jnp.zeros((16,), jnp.int32)
                a0, a1, a2, a3 = lax.fori_loop(0, ngrp, cbody, (z, z, z, z))
                cnt = ((a0 + a1) + (a2 + a3))[0]
                ok = cnt >= NSEL
                return jnp.where(ok, mid, lo), jnp.where(ok, hi, mid)

            lo, _ = lax.fori_loop(0, NBIS, bstep, (tau_s, rmax + jnp.float32(1.0)))

            los = jnp.full((16,), lo, jnp.float32)

            def filt2(i, off2):
                v = cv[pl.ds(i * 16, 16)]
                ix = ci[pl.ds(i * 16, 16)]
                mask = v >= los
                off_use = jnp.minimum(off2, CAP2 - 16)
                plsc.store_compressed(cv2.at[pl.ds(off_use, 16)], v, mask=mask)
                plsc.store_compressed(ci2.at[pl.ds(off_use, 16)], ix, mask=mask)
                return off2 + plsc.all_reduce_population_count(mask)[0]

            c2 = lax.fori_loop(0, nvec, filt2, jnp.int32(0))
            c2 = jnp.minimum(c2, CAP2 - 32)
            for u in range(2):
                plsc.store_compressed(cv2.at[pl.ds(c2 + u * 16, 16)],
                                      jnp.full((16,), NEG, jnp.float32),
                                      mask=ones16)
            ngrp2 = (c2 + 31) // 32
            negs16 = jnp.full((16,), NEG, jnp.float32)
            bigs16 = jnp.full((16,), BIG, jnp.int32)

            pv = rmax + jnp.float32(1.0)
            pidx = jnp.int32(-1)
            for g in range(NSEL // 16):
                def ext(k, carry):
                    pv, pidx, selv = carry
                    pvs = jnp.full((16,), pv, jnp.float32)
                    pis = jnp.full((16,), pidx, jnp.int32)

                    def scan(i, mi):
                        mx, ix = mi
                        vv, dd = [], []
                        for u in range(2):
                            v = cv2[pl.ds((i * 2 + u) * 16, 16)]
                            d = ci2[pl.ds((i * 2 + u) * 16, 16)]
                            e = (v < pvs) | ((v == pvs) & (d > pis))
                            vv.append(jnp.where(e, v, negs16))
                            dd.append(jnp.where(e, d, bigs16))
                        t01 = (vv[1] > vv[0]) | ((vv[1] == vv[0]) & (dd[1] < dd[0]))
                        v01 = jnp.where(t01, vv[1], vv[0])
                        d01 = jnp.where(t01, dd[1], dd[0])
                        t = (v01 > mx) | ((v01 == mx) & (d01 < ix))
                        return jnp.where(t, v01, mx), jnp.where(t, d01, ix)

                    mx, ix = lax.fori_loop(0, ngrp2, scan, (negs16, bigs16))
                    m = jnp.max(mx)
                    ixm = jnp.where(mx == jnp.full((16,), m, jnp.float32), ix,
                                    jnp.full((16,), BIG, jnp.int32))
                    sel = jnp.min(ixm)
                    selv = jnp.where(iota16 == jnp.full((16,), k, jnp.int32),
                                     jnp.full((16,), sel, jnp.int32), selv)
                    return m, sel, selv

                pv, pidx, selv = lax.fori_loop(
                    0, 16, ext, (pv, pidx, jnp.zeros((16,), jnp.int32)))
                knn_v[pl.ds(g * 16, 16)] = selv

            pltpu.async_copy(cat_hbm.at[knn_v], emb_v, gsem).wait()
            pltpu.sync_copy(emb_v.at[pl.ds(0, TOPK)], out_hbm.at[b])
            return 0

        lax.fori_loop(0, ROWS_PER_W, do_row, 0)

    return sc_retrieve


_sc_retrieve = _make_sc_retrieve()


def kernel(input_video, input_text, W_video, b_video, W_text, b_text, category_embs):
    fused = pl.pallas_call(
        _fuse_body,
        out_shape=jax.ShapeDtypeStruct((B, EMB), jnp.float32),
    )(input_video, input_text, W_video, W_text,
      b_video.reshape(1, EMB), b_text.reshape(1, EMB))
    fused = fused / (jnp.linalg.norm(fused, axis=-1, keepdims=True) + 1e-6)

    pop = category_embs / (jnp.linalg.norm(category_embs, axis=-1, keepdims=True) + 1e-6)
    pop = jnp.pad(pop, ((0, POP_PAD - POP), (0, 0)))
    sims, tau2d = pl.pallas_call(
        _sims_body,
        grid=(NBLK,),
        in_specs=[
            pl.BlockSpec((B, EMB), lambda j: (0, 0)),
            pl.BlockSpec((CHUNK, EMB), lambda j: (j, 0)),
        ],
        out_specs=[
            pl.BlockSpec((B, CHUNK), lambda j: (0, j)),
            pl.BlockSpec((B, 128), lambda j: (0, 0)),
        ],
        out_shape=[
            jax.ShapeDtypeStruct((B, POP_PAD), jnp.float32),
            jax.ShapeDtypeStruct((B, 128), jnp.float32),
        ],
        scratch_shapes=[pltpu.VMEM((B, 128), jnp.float32)],
    )(fused, pop)

    tau = tau2d[:, :16]
    return _sc_retrieve(sims, tau, category_embs)

# --- scband reference (transcript-rebuilt; emitter-appended) ---
"""Pipeline reference for scband-multimodal-network-45174466019967 (READ-ONLY COPY).

The authoritative reference and input builder live on the scoring server;
editing this copy changes nothing except your own understanding.
"""

import jax, jax.numpy as jnp
import numpy as np

B = 1024
D_VIDEO = 2048
D_TEXT = 768
EMB = 64
POP = 100000
TOPK = 100


def setup_inputs(seed: int = 0) -> dict:
    key = jax.random.key(seed)
    ks = jax.random.split(key, 8)
    return {
        "input_video": jax.random.normal(ks[0], (B, D_VIDEO), dtype=jnp.float32),
        "input_text": jax.random.normal(ks[1], (B, D_TEXT), dtype=jnp.float32),
        "W_video": jax.random.normal(ks[2], (D_VIDEO, EMB), dtype=jnp.float32) * 0.02,
        "b_video": jnp.zeros((EMB,), dtype=jnp.float32),
        "W_text": jax.random.normal(ks[3], (D_TEXT, EMB), dtype=jnp.float32) * 0.02,
        "b_text": jnp.zeros((EMB,), dtype=jnp.float32),
        "category_embs": jax.random.normal(ks[4], (POP, EMB), dtype=jnp.float32),
    }


def reference(input_video, input_text, W_video, b_video, W_text, b_text, category_embs):
    # --- encoder + projection heads (image_encoder/text_encoder + ProjectionLayer) ---
    v_emb = input_video @ W_video + b_video            # [B, EMB]
    t_emb = input_text @ W_text + b_text               # [B, EMB]
    # --- fusion layer: mean-fuse aligned modality embeddings ---
    fused = (v_emb + t_emb) * 0.5                      # [B, EMB]
    fused = fused / (jnp.linalg.norm(fused, axis=-1, keepdims=True) + 1e-6)
    # --- embedding_retriever: normalized category embedding population ---
    pop = category_embs / (jnp.linalg.norm(category_embs, axis=-1, keepdims=True) + 1e-6)
    # --- faiss_searcher.search: inner-product kNN over the population ---
    sims = fused @ pop.T                               # [B, POP]
    _, knn_idx = jax.lax.top_k(sims, TOPK)             # [B, TOPK] int32
    # --- filter: gather the k most similar category embeddings per query ---
    filtered = jnp.take(category_embs, knn_idx, axis=0)  # [B, TOPK, EMB]
    return filtered

if __name__ == "__main__":
    import jax
    _d = setup_inputs()
    print(jax.jit(kernel)(*tuple(_d.values())))

</pallas_src>

<mosaic_0001>
#map = affine_map<(d0, d1) -> (0, 0)>
#map1 = affine_map<(d0, d1) -> (0, 0, 0)>
module attributes {stable_mosaic.version = 14 : i64} {
  func.func @sc_retrieve(%arg0: i32, %arg1: i32, %arg2: memref<1024x100352xf32, #tpu.memory_space<hbm>>, %arg3: memref<1024x16xf32, #tpu.memory_space<hbm>>, %arg4: memref<100000x64xf32, #tpu.memory_space<hbm>>, %arg5: memref<1024x100x64xf32, #tpu.memory_space<hbm>>, %arg6: memref<4x12544xf32, #tpu.memory_space<vmem>>, %arg7: memref<32x16xf32, #tpu.memory_space<vmem>>, %arg8: memref<4096xf32, #tpu.memory_space<vmem>>, %arg9: memref<4096xi32, #tpu.memory_space<vmem>>, %arg10: memref<512xf32, #tpu.memory_space<vmem>>, %arg11: memref<512xi32, #tpu.memory_space<vmem>>, %arg12: memref<112xi32, #tpu.memory_space<vmem>>, %arg13: memref<112x64xf32, #tpu.memory_space<vmem>>, %arg14: memref<!tpu.dma_semaphore, #tpu.memory_space<semaphore_mem>>, %arg15: memref<!tpu.dma_semaphore, #tpu.memory_space<semaphore_mem>>, %arg16: memref<!tpu.dma_semaphore, #tpu.memory_space<semaphore_mem>>, %arg17: memref<!tpu.dma_semaphore, #tpu.memory_space<semaphore_mem>>, %arg18: memref<!tpu.dma_semaphore, #tpu.memory_space<semaphore_mem>>) attributes {dimension_semantics = [#tpu.dimension_semantics<core_parallel>, #tpu.dimension_semantics<subcore_parallel>], iteration_bounds = array<i64: 2, 16>, scalar_prefetch = 0 : i64, scratch_operands = 13 : i64, tpu.core_type = #tpu.core_type<sc_vector_subcore>, window_params = [{transform_indices = #map}, {transform_indices = #map}, {transform_indices = #map}, {transform_indices = #map1}]} {
    %mul3A = arith.constant 2 : i32
    %mul3A_0 = arith.muli %arg1, %mul3A : i32
    %add3A = arith.addi %mul3A_0, %arg0 : i32
    %mul3A_1 = arith.constant 32 : i32
    %mul3A_2 = arith.muli %add3A, %mul3A_1 : i32
    "tpu.region"() ({
      %run_scoped3A = tpu.sem_alloc : memref<!tpu.dma_semaphore, #tpu.memory_space<semaphore_mem>>
      %dma_start3A_36 = arith.constant 0 : i32
      %dma_start3A_37 = tpu.memref_slice %arg3[%mul3A_2, %dma_start3A_36] : memref<1024x16xf32, #tpu.memory_space<hbm>> -> memref<32x16xf32, #tpu.memory_space<hbm>>
      %dma_start3A_38 = arith.constant 0 : i32
      %dma_start3A_39 = tpu.memref_slice %arg3[%mul3A_2, %dma_start3A_38] : memref<1024x16xf32, #tpu.memory_space<hbm>> -> memref<32x16xf32, #tpu.memory_space<hbm>>
      tpu.enqueue_dma source(%dma_start3A_39 : memref<32x16xf32, #tpu.memory_space<hbm>>) target(%arg7 : memref<32x16xf32, #tpu.memory_space<vmem>>) target_semaphore(%run_scoped3A : memref<!tpu.dma_semaphore, #tpu.memory_space<semaphore_mem>>)
      %dma_wait3A = arith.constant 0 : i32
      %dma_wait3A_40 = tpu.memref_slice %arg3[%mul3A_2, %dma_wait3A] : memref<1024x16xf32, #tpu.memory_space<hbm>> -> memref<32x16xf32, #tpu.memory_space<hbm>>
      %dma_wait3A_41 = arith.constant 0 : i32
      %dma_wait3A_42 = tpu.memref_slice %arg3[%mul3A_2, %dma_wait3A_41] : memref<1024x16xf32, #tpu.memory_space<hbm>> -> memref<32x16xf32, #tpu.memory_space<hbm>>
      tpu.wait_dma2 semaphore(%run_scoped3A : memref<!tpu.dma_semaphore, #tpu.memory_space<semaphore_mem>>) src(%dma_wait3A_42 : memref<32x16xf32, #tpu.memory_space<hbm>>) dst(%arg7 : memref<32x16xf32, #tpu.memory_space<vmem>>)
      tpu.yield
    }) : () -> ()
    %iota3A = tpu.iota {dimensions = array<i32: 0>} : vector<16xi32>
    %ge3A = arith.constant 0 : i32
    %ge3A_3 = vector.broadcast %ge3A : i32 to vector<16xi32>
    %ge3A_4 = arith.cmpi sge, %iota3A, %ge3A_3 : vector<16xi32>
    %dma_start3A = arith.constant 0 : i32
    %dma_start3A_5 = arith.constant 0 : i32
    %dma_start3A_6 = tpu.memref_slice %arg6[%dma_start3A, %dma_start3A_5] : memref<4x12544xf32, #tpu.memory_space<vmem>> -> memref<1x12544xf32, #tpu.memory_space<vmem>>
    %dma_start3A_7 = tpu.memref_squeeze %dma_start3A_6 : memref<1x12544xf32, #tpu.memory_space<vmem>> -> memref<12544xf32, #tpu.memory_space<vmem>>
    %dma_start3A_8 = arith.constant 0 : i32
    %dma_start3A_9 = tpu.memref_slice %arg2[%mul3A_2, %dma_start3A_8] : memref<1024x100352xf32, #tpu.memory_space<hbm>> -> memref<1x12544xf32, #tpu.memory_space<hbm>>
    %dma_start3A_10 = tpu.memref_squeeze %dma_start3A_9 : memref<1x12544xf32, #tpu.memory_space<hbm>> -> memref<12544xf32, #tpu.memory_space<hbm>>
    %dma_start3A_11 = arith.constant 0 : i32
    %dma_start3A_12 = tpu.memref_slice %arg6[%dma_start3A, %dma_start3A_11] : memref<4x12544xf32, #tpu.memory_space<vmem>> -> memref<1x12544xf32, #tpu.memory_space<vmem>>
    %dma_start3A_13 = tpu.memref_squeeze %dma_start3A_12 : memref<1x12544xf32, #tpu.memory_space<vmem>> -> memref<12544xf32, #tpu.memory_space<vmem>>
    %dma_start3A_14 = arith.constant 0 : i32
    %dma_start3A_15 = tpu.memref_slice %arg2[%mul3A_2, %dma_start3A_14] : memref<1024x100352xf32, #tpu.memory_space<hbm>> -> memref<1x12544xf32, #tpu.memory_space<hbm>>
    %dma_start3A_16 = tpu.memref_squeeze %dma_start3A_15 : memref<1x12544xf32, #tpu.memory_space<hbm>> -> memref<12544xf32, #tpu.memory_space<hbm>>
    tpu.enqueue_dma source(%dma_start3A_16 : memref<12544xf32, #tpu.memory_space<hbm>>) target(%dma_start3A_13 : memref<12544xf32, #tpu.memory_space<vmem>>) target_semaphore(%arg14 : memref<!tpu.dma_semaphore, #tpu.memory_space<semaphore_mem>>)
    %dma_start3A_17 = arith.constant 1 : i32
    %dma_start3A_18 = arith.constant 0 : i32
    %dma_start3A_19 = tpu.memref_slice %arg6[%dma_start3A_17, %dma_start3A_18] : memref<4x12544xf32, #tpu.memory_space<vmem>> -> memref<1x12544xf32, #tpu.memory_space<vmem>>
    %dma_start3A_20 = tpu.memref_squeeze %dma_start3A_19 : memref<1x12544xf32, #tpu.memory_space<vmem>> -> memref<12544xf32, #tpu.memory_space<vmem>>
    %dma_start3A_21 = arith.constant 12544 : i32
    %dma_start3A_22 = tpu.memref_slice %arg2[%mul3A_2, %dma_start3A_21] : memref<1024x100352xf32, #tpu.memory_space<hbm>> -> memref<1x12544xf32, #tpu.memory_space<hbm>>
    %dma_start3A_23 = tpu.memref_squeeze %dma_start3A_22 : memref<1x12544xf32, #tpu.memory_space<hbm>> -> memref<12544xf32, #tpu.memory_space<hbm>>
    %dma_start3A_24 = arith.constant 0 : i32
    %dma_start3A_25 = tpu.memref_slice %arg6[%dma_start3A_17, %dma_start3A_24] : memref<4x12544xf32, #tpu.memory_space<vmem>> -> memref<1x12544xf32, #tpu.memory_space<vmem>>
    %dma_start3A_26 = tpu.memref_squeeze %dma_start3A_25 : memref<1x12544xf32, #tpu.memory_space<vmem>> -> memref<12544xf32, #tpu.memory_space<vmem>>
    %dma_start3A_27 = arith.constant 12544 : i32
    %dma_start3A_28 = tpu.memref_slice %arg2[%mul3A_2, %dma_start3A_27] : memref<1024x100352xf32, #tpu.memory_space<hbm>> -> memref<1x12544xf32, #tpu.memory_space<hbm>>
    %dma_start3A_29 = tpu.memref_squeeze %dma_start3A_28 : memref<1x12544xf32, #tpu.memory_space<hbm>> -> memref<12544xf32, #tpu.memory_space<hbm>>
    tpu.enqueue_dma source(%dma_start3A_29 : memref<12544xf32, #tpu.memory_space<hbm>>) target(%dma_start3A_26 : memref<12544xf32, #tpu.memory_space<vmem>>) target_semaphore(%arg15 : memref<!tpu.dma_semaphore, #tpu.memory_space<semaphore_mem>>)
    %scan3A = arith.constant 0 : i32
    %scan3A_30 = arith.constant 0 : i32
    %scan3A_31 = arith.constant 32 : i32
    %scan3A_32 = arith.addi %scan3A_30, %scan3A_31 : i32
    %scan3A_33 = arith.constant 1 : i32
    %scan3A_34 = scf.for %scan3A_36 = %scan3A_30 to %scan3A_32 step %scan3A_33 iter_args(%scan3A_37 = %scan3A) -> (i32)  : i32 {
      %add3A_38 = arith.addi %mul3A_2, %scan3A_36 : i32
      %get3A = arith.index_cast %scan3A_36 : i32 to index
      %get3A_39 = arith.constant 0 : index
      %get3A_40 = tpu.vector_load %arg7[%get3A, %get3A_39] {strides = array<i32>} : memref<32x16xf32, #tpu.memory_space<vmem>>, vector<16xf32>,
      %slice3A = vector.extract_strided_slice %get3A_40 {offsets = [0], sizes = [1], strides = [1]} : vector<16xf32> to vector<1xf32>
      %squeeze3A = vector.extract %slice3A[0] : f32 from vector<1xf32>
      %broadcast_in_dim3A = arith.constant -3.000000e+38 : f32
      %broadcast_in_dim3A_41 = vector.broadcast %broadcast_in_dim3A : f32 to vector<16xf32>
      %dma_wait3A = arith.constant 0 : i32
      %dma_wait3A_42 = arith.constant 0 : i32
      %dma_wait3A_43 = tpu.memref_slice %arg6[%dma_wait3A, %dma_wait3A_42] : memref<4x12544xf32, #tpu.memory_space<vmem>> -> memref<1x12544xf32, #tpu.memory_space<vmem>>
      %dma_wait3A_44 = tpu.memref_squeeze %dma_wait3A_43 : memref<1x12544xf32, #tpu.memory_space<vmem>> -> memref<12544xf32, #tpu.memory_space<vmem>>
      %dma_wait3A_45 = arith.constant 0 : i32
      %dma_wait3A_46 = tpu.memref_slice %arg2[%add3A_38, %dma_wait3A_45] : memref<1024x100352xf32, #tpu.memory_space<hbm>> -> memref<1x12544xf32, #tpu.memory_space<hbm>>
      %dma_wait3A_47 = tpu.memref_squeeze %dma_wait3A_46 : memref<1x12544xf32, #tpu.memory_space<hbm>> -> memref<12544xf32, #tpu.memory_space<hbm>>
      %dma_wait3A_48 = arith.constant 0 : i32
      %dma_wait3A_49 = tpu.memref_slice %arg6[%dma_wait3A, %dma_wait3A_48] : memref<4x12544xf32, #tpu.memory_space<vmem>> -> memref<1x12544xf32, #tpu.memory_space<vmem>>
      %dma_wait3A_50 = tpu.memref_squeeze %dma_wait3A_49 : memref<1x12544xf32, #tpu.memory_space<vmem>> -> memref<12544xf32, #tpu.memory_space<vmem>>
      %dma_wait3A_51 = arith.constant 0 : i32
      %dma_wait3A_52 = tpu.memref_slice %arg2[%add3A_38, %dma_wait3A_51] : memref<1024x100352xf32, #tpu.memory_space<hbm>> -> memref<1x12544xf32, #tpu.memory_space<hbm>>
      %dma_wait3A_53 = tpu.memref_squeeze %dma_wait3A_52 : memref<1x12544xf32, #tpu.memory_space<hbm>> -> memref<12544xf32, #tpu.memory_space<hbm>>
      tpu.wait_dma2 semaphore(%arg14 : memref<!tpu.dma_semaphore, #tpu.memory_space<semaphore_mem>>) src(%dma_wait3A_53 : memref<12544xf32, #tpu.memory_space<hbm>>) dst(%dma_wait3A_50 : memref<12544xf32, #tpu.memory_space<vmem>>)
      %dma_start3A_54 = arith.constant 2 : i32
      %dma_start3A_55 = arith.constant 0 : i32
      %dma_start3A_56 = tpu.memref_slice %arg6[%dma_start3A_54, %dma_start3A_55] : memref<4x12544xf32, #tpu.memory_space<vmem>> -> memref<1x12544xf32, #tpu.memory_space<vmem>>
      %dma_start3A_57 = tpu.memref_squeeze %dma_start3A_56 : memref<1x12544xf32, #tpu.memory_space<vmem>> -> memref<12544xf32, #tpu.memory_space<vmem>>
      %dma_start3A_58 = arith.constant 25088 : i32
      %dma_start3A_59 = tpu.memref_slice %arg2[%add3A_38, %dma_start3A_58] : memref<1024x100352xf32, #tpu.memory_space<hbm>> -> memref<1x12544xf32, #tpu.memory_space<hbm>>
      %dma_start3A_60 = tpu.memref_squeeze %dma_start3A_59 : memref<1x12544xf32, #tpu.memory_space<hbm>> -> memref<12544xf32, #tpu.memory_space<hbm>>
      %dma_start3A_61 = arith.constant 0 : i32
      %dma_start3A_62 = tpu.memref_slice %arg6[%dma_start3A_54, %dma_start3A_61] : memref<4x12544xf32, #tpu.memory_space<vmem>> -> memref<1x12544xf32, #tpu.memory_space<vmem>>
      %dma_start3A_63 = tpu.memref_squeeze %dma_start3A_62 : memref<1x12544xf32, #tpu.memory_space<vmem>> -> memref<12544xf32, #tpu.memory_space<vmem>>
      %dma_start3A_64 = arith.constant 25088 : i32
      %dma_start3A_65 = tpu.memref_slice %arg2[%add3A_38, %dma_start3A_64] : memref<1024x100352xf32, #tpu.memory_space<hbm>> -> memref<1x12544xf32, #tpu.memory_space<hbm>>
      %dma_start3A_66 = tpu.memref_squeeze %dma_start3A_65 : memref<1x12544xf32, #tpu.memory_space<hbm>> -> memref<12544xf32, #tpu.memory_space<hbm>>
      tpu.enqueue_dma source(%dma_start3A_66 : memref<12544xf32, #tpu.memory_space<hbm>>) target(%dma_start3A_63 : memref<12544xf32, #tpu.memory_space<vmem>>) target_semaphore(%arg16 : memref<!tpu.dma_semaphore, #tpu.memory_space<semaphore_mem>>)
      %scan3A_67 = arith.constant 0 : i32
      %scan3A_68 = arith.constant 0 : i32
      %scan3A_69 = arith.constant 0 : i32
      %scan3A_70 = arith.constant 196 : i32
      %scan3A_71 = arith.addi %scan3A_69, %scan3A_70 : i32
      %scan3A_72 = arith.constant 1 : i32
      %scan3A_73:2 = scf.for %scan3A_500 = %scan3A_69 to %scan3A_71 step %scan3A_72 iter_args(%scan3A_501 = %scan3A_68, %scan3A_502 = %broadcast_in_dim3A_41) -> (i32, vector<16xf32>)  : i32 {
        %mul3A_503 = arith.constant 4 : i32
        %mul3A_504 = arith.muli %scan3A_500, %mul3A_503 : i32
        %add3A_505 = arith.constant 0 : i32
        %add3A_506 = arith.addi %mul3A_504, %add3A_505 : i32
        %mul3A_507 = arith.constant 16 : i32
        %mul3A_508 = arith.muli %add3A_506, %mul3A_507 : i32
        %get3A_509 = arith.constant 0 : i32
        %get3A_510 = tpu.memref_slice %arg6[%scan3A_67, %get3A_509] : memref<4x12544xf32, #tpu.memory_space<vmem>> -> memref<1x12544xf32, #tpu.memory_space<vmem>>
        %get3A_511 = tpu.memref_squeeze %get3A_510 : memref<1x12544xf32, #tpu.memory_space<vmem>> -> memref<12544xf32, #tpu.memory_space<vmem>>
        %get3A_512 = arith.index_cast %mul3A_508 : i32 to index
        %get3A_513 = tpu.vector_load %get3A_511[%get3A_512] {strides = array<i32>} : memref<12544xf32, #tpu.memory_space<vmem>>, vector<16xf32>,
        %ge3A_514 = arith.cmpf oge, %get3A_513, %get3A_40 : vector<16xf32>
        %max3A = arith.maximumf %scan3A_502, %get3A_513 : vector<16xf32>
        %all_reduce_population_count3A = tpu.all_reduce %ge3A_514 {dim = 0 : i64, kind = #tpu.reduction_kind<sum>} : vector<16xi1> -> vector<16xi32>
        %mul3A_515 = arith.constant 4 : i32
        %mul3A_516 = arith.muli %scan3A_500, %mul3A_515 : i32
        %add3A_517 = arith.constant 1 : i32
        %add3A_518 = arith.addi %mul3A_516, %add3A_517 : i32
        %mul3A_519 = arith.constant 16 : i32
        %mul3A_520 = arith.muli %add3A_518, %mul3A_519 : i32
        %get3A_521 = arith.constant 0 : i32
        %get3A_522 = tpu.memref_slice %arg6[%scan3A_67, %get3A_521] : memref<4x12544xf32, #tpu.memory_space<vmem>> -> memref<1x12544xf32, #tpu.memory_space<vmem>>
        %get3A_523 = tpu.memref_squeeze %get3A_522 : memref<1x12544xf32, #tpu.memory_space<vmem>> -> memref<12544xf32, #tpu.memory_space<vmem>>
        %get3A_524 = arith.index_cast %mul3A_520 : i32 to index
        %get3A_525 = tpu.vector_load %get3A_523[%get3A_524] {strides = array<i32>} : memref<12544xf32, #tpu.memory_space<vmem>>, vector<16xf32>,
        %ge3A_526 = arith.cmpf oge, %get3A_525, %get3A_40 : vector<16xf32>
        %max3A_527 = arith.maximumf %max3A, %get3A_525 : vector<16xf32>
        %all_reduce_population_count3A_528 = tpu.all_reduce %ge3A_526 {dim = 0 : i64, kind = #tpu.reduction_kind<sum>} : vector<16xi1> -> vector<16xi32>
        %mul3A_529 = arith.constant 4 : i32
        %mul3A_530 = arith.muli %scan3A_500, %mul3A_529 : i32
        %add3A_531 = arith.constant 2 : i32
        %add3A_532 = arith.addi %mul3A_530, %add3A_531 : i32
        %mul3A_533 = arith.constant 16 : i32
        %mul3A_534 = arith.muli %add3A_532, %mul3A_533 : i32
        %get3A_535 = arith.constant 0 : i32
        %get3A_536 = tpu.memref_slice %arg6[%scan3A_67, %get3A_535] : memref<4x12544xf32, #tpu.memory_space<vmem>> -> memref<1x12544xf32, #tpu.memory_space<vmem>>
        %get3A_537 = tpu.memref_squeeze %get3A_536 : memref<1x12544xf32, #tpu.memory_space<vmem>> -> memref<12544xf32, #tpu.memory_space<vmem>>
        %get3A_538 = arith.index_cast %mul3A_534 : i32 to index
        %get3A_539 = tpu.vector_load %get3A_537[%get3A_538] {strides = array<i32>} : memref<12544xf32, #tpu.memory_space<vmem>>, vector<16xf32>,
        %ge3A_540 = arith.cmpf oge, %get3A_539, %get3A_40 : vector<16xf32>
        %max3A_541 = arith.maximumf %max3A_527, %get3A_539 : vector<16xf32>
        %all_reduce_population_count3A_542 = tpu.all_reduce %ge3A_540 {dim = 0 : i64, kind = #tpu.reduction_kind<sum>} : vector<16xi1> -> vector<16xi32>
        %mul3A_543 = arith.constant 4 : i32
        %mul3A_544 = arith.muli %scan3A_500, %mul3A_543 : i32
        %add3A_545 = arith.constant 3 : i32
        %add3A_546 = arith.addi %mul3A_544, %add3A_545 : i32
        %mul3A_547 = arith.constant 16 : i32
        %mul3A_548 = arith.muli %add3A_546, %mul3A_547 : i32
        %get3A_549 = arith.constant 0 : i32
        %get3A_550 = tpu.memref_slice %arg6[%scan3A_67, %get3A_549] : memref<4x12544xf32, #tpu.memory_space<vmem>> -> memref<1x12544xf32, #tpu.memory_space<vmem>>
        %get3A_551 = tpu.memref_squeeze %get3A_550 : memref<1x12544xf32, #tpu.memory_space<vmem>> -> memref<12544xf32, #tpu.memory_space<vmem>>
        %get3A_552 = arith.index_cast %mul3A_548 : i32 to index
        %get3A_553 = tpu.vector_load %get3A_551[%get3A_552] {strides = array<i32>} : memref<12544xf32, #tpu.memory_space<vmem>>, vector<16xf32>,
        %ge3A_554 = arith.cmpf oge, %get3A_553, %get3A_40 : vector<16xf32>
        %max3A_555 = arith.maximumf %max3A_541, %get3A_553 : vector<16xf32>
        %all_reduce_population_count3A_556 = tpu.all_reduce %ge3A_554 {dim = 0 : i64, kind = #tpu.reduction_kind<sum>} : vector<16xi1> -> vector<16xi32>
        %slice3A_557 = vector.extract_strided_slice %all_reduce_population_count3A {offsets = [0], sizes = [1], strides = [1]} : vector<16xi32> to vector<1xi32>
        %squeeze3A_558 = vector.extract %slice3A_557[0] : i32 from vector<1xi32>
        %add3A_559 = arith.addi %scan3A_501, %squeeze3A_558 : i32
        %slice3A_560 = vector.extract_strided_slice %all_reduce_population_count3A_528 {offsets = [0], sizes = [1], strides = [1]} : vector<16xi32> to vector<1xi32>
        %squeeze3A_561 = vector.extract %slice3A_560[0] : i32 from vector<1xi32>
        %add3A_562 = arith.addi %add3A_559, %squeeze3A_561 : i32
        %slice3A_563 = vector.extract_strided_slice %all_reduce_population_count3A_542 {offsets = [0], sizes = [1], strides = [1]} : vector<16xi32> to vector<1xi32>
        %squeeze3A_564 = vector.extract %slice3A_563[0] : i32 from vector<1xi32>
        %add3A_565 = arith.addi %add3A_562, %squeeze3A_564 : i32
        %min3A_566 = arith.constant 4080 : i32
        %min3A_567 = arith.minsi %scan3A_501, %min3A_566 : i32
        %swap3A_568 = arith.index_cast %min3A_567 : i32 to index
        %swap3A_569 = tpu.vector_load %arg8[%swap3A_568] masked %ge3A_514 {strides = array<i32>} : memref<4096xf32, #tpu.memory_space<vmem>>, vector<16xf32>, vector<16xi1>
        tpu.vector_store %arg8[%swap3A_568], %get3A_513 masked %ge3A_514 {strides = array<i32>} : memref<4096xf32, #tpu.memory_space<vmem>>, vector<16xf32>, vector<16xi1>
        %mul3A_570 = arith.constant 4 : i32
        %mul3A_571 = arith.muli %scan3A_500, %mul3A_570 : i32
        %add3A_572 = arith.constant 0 : i32
        %add3A_573 = arith.addi %mul3A_571, %add3A_572 : i32
        %mul3A_574 = arith.constant 16 : i32
        %mul3A_575 = arith.muli %add3A_573, %mul3A_574 : i32
        %add3A_576 = arith.constant 0 : i32
        %add3A_577 = arith.addi %add3A_576, %mul3A_575 : i32
        %add3A_578 = vector.broadcast %add3A_577 : i32 to vector<16xi32>
        %add3A_579 = arith.addi %add3A_578, %iota3A : vector<16xi32>
        %swap3A_580 = arith.index_cast %min3A_567 : i32 to index
        %swap3A_581 = tpu.vector_load %arg9[%swap3A_580] masked %ge3A_514 {strides = array<i32>} : memref<4096xi32, #tpu.memory_space<vmem>>, vector<16xi32>, vector<16xi1>
        tpu.vector_store %arg9[%swap3A_580], %add3A_579 masked %ge3A_514 {strides = array<i32>} : memref<4096xi32, #tpu.memory_space<vmem>>, vector<16xi32>, vector<16xi1>
        %min3A_582 = arith.constant 4080 : i32
        %min3A_583 = arith.minsi %add3A_559, %min3A_582 : i32
        %swap3A_584 = arith.index_cast %min3A_583 : i32 to index
        %swap3A_585 = tpu.vector_load %arg8[%swap3A_584] masked %ge3A_526 {strides = array<i32>} : memref<4096xf32, #tpu.memory_space<vmem>>, vector<16xf32>, vector<16xi1>
        tpu.vector_store %arg8[%swap3A_584], %get3A_525 masked %ge3A_526 {strides = array<i32>} : memref<4096xf32, #tpu.memory_space<vmem>>, vector<16xf32>, vector<16xi1>
        %mul3A_586 = arith.constant 4 : i32
        %mul3A_587 = arith.muli %scan3A_500, %mul3A_586 : i32
        %add3A_588 = arith.constant 1 : i32
        %add3A_589 = arith.addi %mul3A_587, %add3A_588 : i32
        %mul3A_590 = arith.constant 16 : i32
        %mul3A_591 = arith.muli %add3A_589, %mul3A_590 : i32
        %add3A_592 = arith.constant 0 : i32
        %add3A_593 = arith.addi %add3A_592, %mul3A_591 : i32
        %add3A_594 = vector.broadcast %add3A_593 : i32 to vector<16xi32>
        %add3A_595 = arith.addi %add3A_594, %iota3A : vector<16xi32>
        %swap3A_596 = arith.index_cast %min3A_583 : i32 to index
        %swap3A_597 = tpu.vector_load %arg9[%swap3A_596] masked %ge3A_526 {strides = array<i32>} : memref<4096xi32, #tpu.memory_space<vmem>>, vector<16xi32>, vector<16xi1>
        tpu.vector_store %arg9[%swap3A_596], %add3A_595 masked %ge3A_526 {strides = array<i32>} : memref<4096xi32, #tpu.memory_space<vmem>>, vector<16xi32>, vector<16xi1>
        %min3A_598 = arith.constant 4080 : i32
        %min3A_599 = arith.minsi %add3A_562, %min3A_598 : i32
        %swap3A_600 = arith.index_cast %min3A_599 : i32 to index
        %swap3A_601 = tpu.vector_load %arg8[%swap3A_600] masked %ge3A_540 {strides = array<i32>} : memref<4096xf32, #tpu.memory_space<vmem>>, vector<16xf32>, vector<16xi1>
        tpu.vector_store %arg8[%swap3A_600], %get3A_539 masked %ge3A_540 {strides = array<i32>} : memref<4096xf32, #tpu.memory_space<vmem>>, vector<16xf32>, vector<16xi1>
        %mul3A_602 = arith.constant 4 : i32
        %mul3A_603 = arith.muli %scan3A_500, %mul3A_602 : i32
        %add3A_604 = arith.constant 2 : i32
        %add3A_605 = arith.addi %mul3A_603, %add3A_604 : i32
        %mul3A_606 = arith.constant 16 : i32
        %mul3A_607 = arith.muli %add3A_605, %mul3A_606 : i32
        %add3A_608 = arith.constant 0 : i32
        %add3A_609 = arith.addi %add3A_608, %mul3A_607 : i32
        %add3A_610 = vector.broadcast %add3A_609 : i32 to vector<16xi32>
        %add3A_611 = arith.addi %add3A_610, %iota3A : vector<16xi32>
        %swap3A_612 = arith.index_cast %min3A_599 : i32 to index
        %swap3A_613 = tpu.vector_load %arg9[%swap3A_612] masked %ge3A_540 {strides = array<i32>} : memref<4096xi32, #tpu.memory_space<vmem>>, vector<16xi32>, vector<16xi1>
        tpu.vector_store %arg9[%swap3A_612], %add3A_611 masked %ge3A_540 {strides = array<i32>} : memref<4096xi32, #tpu.memory_space<vmem>>, vector<16xi32>, vector<16xi1>
        %min3A_614 = arith.constant 4080 : i32
        %min3A_615 = arith.minsi %add3A_565, %min3A_614 : i32
        %swap3A_616 = arith.index_cast %min3A_615 : i32 to index
        %swap3A_617 = tpu.vector_load %arg8[%swap3A_616] masked %ge3A_554 {strides = array<i32>} : memref<4096xf32, #tpu.memory_space<vmem>>, vector<16xf32>, vector<16xi1>
        tpu.vector_store %arg8[%swap3A_616], %get3A_553 masked %ge3A_554 {strides = array<i32>} : memref<4096xf32, #tpu.memory_space<vmem>>, vector<16xf32>, vector<16xi1>
        %mul3A_618 = arith.constant 4 : i32
        %mul3A_619 = arith.muli %scan3A_500, %mul3A_618 : i32
        %add3A_620 = arith.constant 3 : i32
        %add3A_621 = arith.addi %mul3A_619, %add3A_620 : i32
        %mul3A_622 = arith.constant 16 : i32
        %mul3A_623 = arith.muli %add3A_621, %mul3A_622 : i32
        %add3A_624 = arith.constant 0 : i32
        %add3A_625 = arith.addi %add3A_624, %mul3A_623 : i32
        %add3A_626 = vector.broadcast %add3A_625 : i32 to vector<16xi32>
        %add3A_627 = arith.addi %add3A_626, %iota3A : vector<16xi32>
        %swap3A_628 = arith.index_cast %min3A_615 : i32 to index
        %swap3A_629 = tpu.vector_load %arg9[%swap3A_628] masked %ge3A_554 {strides = array<i32>} : memref<4096xi32, #tpu.memory_space<vmem>>, vector<16xi32>, vector<16xi1>
        tpu.vector_store %arg9[%swap3A_628], %add3A_627 masked %ge3A_554 {strides = array<i32>} : memref<4096xi32, #tpu.memory_space<vmem>>, vector<16xi32>, vector<16xi1>
        %slice3A_630 = vector.extract_strided_slice %all_reduce_population_count3A_556 {offsets = [0], sizes = [1], strides = [1]} : vector<16xi32> to vector<1xi32>
        %squeeze3A_631 = vector.extract %slice3A_630[0] : i32 from vector<1xi32>
        %add3A_632 = arith.addi %add3A_565, %squeeze3A_631 : i32
        scf.yield %add3A_632, %max3A_555 : i32, vector<16xf32>
      }
      %scan3A_74 = arith.constant 196 : i32
      %dma_wait3A_75 = arith.constant 1 : i32
      %dma_wait3A_76 = arith.constant 0 : i32
      %dma_wait3A_77 = tpu.memref_slice %arg6[%dma_wait3A_75, %dma_wait3A_76] : memref<4x12544xf32, #tpu.memory_space<vmem>> -> memref<1x12544xf32, #tpu.memory_space<vmem>>
      %dma_wait3A_78 = tpu.memref_squeeze %dma_wait3A_77 : memref<1x12544xf32, #tpu.memory_space<vmem>> -> memref<12544xf32, #tpu.memory_space<vmem>>
      %dma_wait3A_79 = arith.constant 12544 : i32
      %dma_wait3A_80 = tpu.memref_slice %arg2[%add3A_38, %dma_wait3A_79] : memref<1024x100352xf32, #tpu.memory_space<hbm>> -> memref<1x12544xf32, #tpu.memory_space<hbm>>
      %dma_wait3A_81 = tpu.memref_squeeze %dma_wait3A_80 : memref<1x12544xf32, #tpu.memory_space<hbm>> -> memref<12544xf32, #tpu.memory_space<hbm>>
      %dma_wait3A_82 = arith.constant 0 : i32
      %dma_wait3A_83 = tpu.memref_slice %arg6[%dma_wait3A_75, %dma_wait3A_82] : memref<4x12544xf32, #tpu.memory_space<vmem>> -> memref<1x12544xf32, #tpu.memory_space<vmem>>
      %dma_wait3A_84 = tpu.memref_squeeze %dma_wait3A_83 : memref<1x12544xf32, #tpu.memory_space<vmem>> -> memref<12544xf32, #tpu.memory_space<vmem>>
      %dma_wait3A_85 = arith.constant 12544 : i32
      %dma_wait3A_86 = tpu.memref_slice %arg2[%add3A_38, %dma_wait3A_85] : memref<1024x100352xf32, #tpu.memory_space<hbm>> -> memref<1x12544xf32, #tpu.memory_space<hbm>>
      %dma_wait3A_87 = tpu.memref_squeeze %dma_wait3A_86 : memref<1x12544xf32, #tpu.memory_space<hbm>> -> memref<12544xf32, #tpu.memory_space<hbm>>
      tpu.wait_dma2 semaphore(%arg15 : memref<!tpu.dma_semaphore, #tpu.memory_space<semaphore_mem>>) src(%dma_wait3A_87 : memref<12544xf32, #tpu.memory_space<hbm>>) dst(%dma_wait3A_84 : memref<12544xf32, #tpu.memory_space<vmem>>)
      %dma_start3A_88 = arith.constant 3 : i32
      %dma_start3A_89 = arith.constant 0 : i32
      %dma_start3A_90 = tpu.memref_slice %arg6[%dma_start3A_88, %dma_start3A_89] : memref<4x12544xf32, #tpu.memory_space<vmem>> -> memref<1x12544xf32, #tpu.memory_space<vmem>>
      %dma_start3A_91 = tpu.memref_squeeze %dma_start3A_90 : memref<1x12544xf32, #tpu.memory_space<vmem>> -> memref<12544xf32, #tpu.memory_space<vmem>>
      %dma_start3A_92 = arith.constant 37632 : i32
      %dma_start3A_93 = tpu.memref_slice %arg2[%add3A_38, %dma_start3A_92] : memref<1024x100352xf32, #tpu.memory_space<hbm>> -> memref<1x12544xf32, #tpu.memory_space<hbm>>
      %dma_start3A_94 = tpu.memref_squeeze %dma_start3A_93 : memref<1x12544xf32, #tpu.memory_space<hbm>> -> memref<12544xf32, #tpu.memory_space<hbm>>
      %dma_start3A_95 = arith.constant 0 : i32
      %dma_start3A_96 = tpu.memref_slice %arg6[%dma_start3A_88, %dma_start3A_95] : memref<4x12544xf32, #tpu.memory_space<vmem>> -> memref<1x12544xf32, #tpu.memory_space<vmem>>
      %dma_start3A_97 = tpu.memref_squeeze %dma_start3A_96 : memref<1x12544xf32, #tpu.memory_space<vmem>> -> memref<12544xf32, #tpu.memory_space<vmem>>
      %dma_start3A_98 = arith.constant 37632 : i32
      %dma_start3A_99 = tpu.memref_slice %arg2[%add3A_38, %dma_start3A_98] : memref<1024x100352xf32, #tpu.memory_space<hbm>> -> memref<1x12544xf32, #tpu.memory_space<hbm>>
      %dma_start3A_100 = tpu.memref_squeeze %dma_start3A_99 : memref<1x12544xf32, #tpu.memory_space<hbm>> -> memref<12544xf32, #tpu.memory_space<hbm>>
      tpu.enqueue_dma source(%dma_start3A_100 : memref<12544xf32, #tpu.memory_space<hbm>>) target(%dma_start3A_97 : memref<12544xf32, #tpu.memory_space<vmem>>) target_semaphore(%arg17 : memref<!tpu.dma_semaphore, #tpu.memory_space<semaphore_mem>>)
      %scan3A_101 = arith.constant 1 : i32
      %scan3A_102 = arith.constant 0 : i32
      %scan3A_103 = arith.constant 196 : i32
      %scan3A_104 = arith.addi %scan3A_102, %scan3A_103 : i32
      %scan3A_105 = arith.constant 1 : i32
      %scan3A_106:2 = scf.for %scan3A_500 = %scan3A_102 to %scan3A_104 step %scan3A_105 iter_args(%scan3A_501 = %scan3A_73#0, %scan3A_502 = %scan3A_73#1) -> (i32, vector<16xf32>)  : i32 {
        %mul3A_503 = arith.constant 4 : i32
        %mul3A_504 = arith.muli %scan3A_500, %mul3A_503 : i32
        %add3A_505 = arith.constant 0 : i32
        %add3A_506 = arith.addi %mul3A_504, %add3A_505 : i32
        %mul3A_507 = arith.constant 16 : i32
        %mul3A_508 = arith.muli %add3A_506, %mul3A_507 : i32
        %get3A_509 = arith.constant 0 : i32
        %get3A_510 = tpu.memref_slice %arg6[%scan3A_101, %get3A_509] : memref<4x12544xf32, #tpu.memory_space<vmem>> -> memref<1x12544xf32, #tpu.memory_space<vmem>>
        %get3A_511 = tpu.memref_squeeze %get3A_510 : memref<1x12544xf32, #tpu.memory_space<vmem>> -> memref<12544xf32, #tpu.memory_space<vmem>>
        %get3A_512 = arith.index_cast %mul3A_508 : i32 to index
        %get3A_513 = tpu.vector_load %get3A_511[%get3A_512] {strides = array<i32>} : memref<12544xf32, #tpu.memory_space<vmem>>, vector<16xf32>,
        %ge3A_514 = arith.cmpf oge, %get3A_513, %get3A_40 : vector<16xf32>
        %max3A = arith.maximumf %scan3A_502, %get3A_513 : vector<16xf32>
        %all_reduce_population_count3A = tpu.all_reduce %ge3A_514 {dim = 0 : i64, kind = #tpu.reduction_kind<sum>} : vector<16xi1> -> vector<16xi32>
        %mul3A_515 = arith.constant 4 : i32
        %mul3A_516 = arith.muli %scan3A_500, %mul3A_515 : i32
        %add3A_517 = arith.constant 1 : i32
        %add3A_518 = arith.addi %mul3A_516, %add3A_517 : i32
        %mul3A_519 = arith.constant 16 : i32
        %mul3A_520 = arith.muli %add3A_518, %mul3A_519 : i32
        %get3A_521 = arith.constant 0 : i32
        %get3A_522 = tpu.memref_slice %arg6[%scan3A_101, %get3A_521] : memref<4x12544xf32, #tpu.memory_space<vmem>> -> memref<1x12544xf32, #tpu.memory_space<vmem>>
        %get3A_523 = tpu.memref_squeeze %get3A_522 : memref<1x12544xf32, #tpu.memory_space<vmem>> -> memref<12544xf32, #tpu.memory_space<vmem>>
        %get3A_524 = arith.index_cast %mul3A_520 : i32 to index
        %get3A_525 = tpu.vector_load %get3A_523[%get3A_524] {strides = array<i32>} : memref<12544xf32, #tpu.memory_space<vmem>>, vector<16xf32>,
        %ge3A_526 = arith.cmpf oge, %get3A_525, %get3A_40 : vector<16xf32>
        %max3A_527 = arith.maximumf %max3A, %get3A_525 : vector<16xf32>
        %all_reduce_population_count3A_528 = tpu.all_reduce %ge3A_526 {dim = 0 : i64, kind = #tpu.reduction_kind<sum>} : vector<16xi1> -> vector<16xi32>
        %mul3A_529 = arith.constant 4 : i32
        %mul3A_530 = arith.muli %scan3A_500, %mul3A_529 : i32
        %add3A_531 = arith.constant 2 : i32
        %add3A_532 = arith.addi %mul3A_530, %add3A_531 : i32
        %mul3A_533 = arith.constant 16 : i32
        %mul3A_534 = arith.muli %add3A_532, %mul3A_533 : i32
        %get3A_535 = arith.constant 0 : i32
        %get3A_536 = tpu.memref_slice %arg6[%scan3A_101, %get3A_535] : memref<4x12544xf32, #tpu.memory_space<vmem>> -> memref<1x12544xf32, #tpu.memory_space<vmem>>
        %get3A_537 = tpu.memref_squeeze %get3A_536 : memref<1x12544xf32, #tpu.memory_space<vmem>> -> memref<12544xf32, #tpu.memory_space<vmem>>
        %get3A_538 = arith.index_cast %mul3A_534 : i32 to index
        %get3A_539 = tpu.vector_load %get3A_537[%get3A_538] {strides = array<i32>} : memref<12544xf32, #tpu.memory_space<vmem>>, vector<16xf32>,
        %ge3A_540 = arith.cmpf oge, %get3A_539, %get3A_40 : vector<16xf32>
        %max3A_541 = arith.maximumf %max3A_527, %get3A_539 : vector<16xf32>
        %all_reduce_population_count3A_542 = tpu.all_reduce %ge3A_540 {dim = 0 : i64, kind = #tpu.reduction_kind<sum>} : vector<16xi1> -> vector<16xi32>
        %mul3A_543 = arith.constant 4 : i32
        %mul3A_544 = arith.muli %scan3A_500, %mul3A_543 : i32
        %add3A_545 = arith.constant 3 : i32
        %add3A_546 = arith.addi %mul3A_544, %add3A_545 : i32
        %mul3A_547 = arith.constant 16 : i32
        %mul3A_548 = arith.muli %add3A_546, %mul3A_547 : i32
        %get3A_549 = arith.constant 0 : i32
        %get3A_550 = tpu.memref_slice %arg6[%scan3A_101, %get3A_549] : memref<4x12544xf32, #tpu.memory_space<vmem>> -> memref<1x12544xf32, #tpu.memory_space<vmem>>
        %get3A_551 = tpu.memref_squeeze %get3A_550 : memref<1x12544xf32, #tpu.memory_space<vmem>> -> memref<12544xf32, #tpu.memory_space<vmem>>
        %get3A_552 = arith.index_cast %mul3A_548 : i32 to index
        %get3A_553 = tpu.vector_load %get3A_551[%get3A_552] {strides = array<i32>} : memref<12544xf32, #tpu.memory_space<vmem>>, vector<16xf32>,
        %ge3A_554 = arith.cmpf oge, %get3A_553, %get3A_40 : vector<16xf32>
        %max3A_555 = arith.maximumf %max3A_541, %get3A_553 : vector<16xf32>
        %all_reduce_population_count3A_556 = tpu.all_reduce %ge3A_554 {dim = 0 : i64, kind = #tpu.reduction_kind<sum>} : vector<16xi1> -> vector<16xi32>
        %slice3A_557 = vector.extract_strided_slice %all_reduce_population_count3A {offsets = [0], sizes = [1], strides = [1]} : vector<16xi32> to vector<1xi32>
        %squeeze3A_558 = vector.extract %slice3A_557[0] : i32 from vector<1xi32>
        %add3A_559 = arith.addi %scan3A_501, %squeeze3A_558 : i32
        %slice3A_560 = vector.extract_strided_slice %all_reduce_population_count3A_528 {offsets = [0], sizes = [1], strides = [1]} : vector<16xi32> to vector<1xi32>
        %squeeze3A_561 = vector.extract %slice3A_560[0] : i32 from vector<1xi32>
        %add3A_562 = arith.addi %add3A_559, %squeeze3A_561 : i32
        %slice3A_563 = vector.extract_strided_slice %all_reduce_population_count3A_542 {offsets = [0], sizes = [1], strides = [1]} : vector<16xi32> to vector<1xi32>
        %squeeze3A_564 = vector.extract %slice3A_563[0] : i32 from vector<1xi32>
        %add3A_565 = arith.addi %add3A_562, %squeeze3A_564 : i32
        %min3A_566 = arith.constant 4080 : i32
        %min3A_567 = arith.minsi %scan3A_501, %min3A_566 : i32
        %swap3A_568 = arith.index_cast %min3A_567 : i32 to index
        %swap3A_569 = tpu.vector_load %arg8[%swap3A_568] masked %ge3A_514 {strides = array<i32>} : memref<4096xf32, #tpu.memory_space<vmem>>, vector<16xf32>, vector<16xi1>
        tpu.vector_store %arg8[%swap3A_568], %get3A_513 masked %ge3A_514 {strides = array<i32>} : memref<4096xf32, #tpu.memory_space<vmem>>, vector<16xf32>, vector<16xi1>
        %mul3A_570 = arith.constant 4 : i32
        %mul3A_571 = arith.muli %scan3A_500, %mul3A_570 : i32
        %add3A_572 = arith.constant 0 : i32
        %add3A_573 = arith.addi %mul3A_571, %add3A_572 : i32
        %mul3A_574 = arith.constant 16 : i32
        %mul3A_575 = arith.muli %add3A_573, %mul3A_574 : i32
        %add3A_576 = arith.constant 12544 : i32
        %add3A_577 = arith.addi %add3A_576, %mul3A_575 : i32
        %add3A_578 = vector.broadcast %add3A_577 : i32 to vector<16xi32>
        %add3A_579 = arith.addi %add3A_578, %iota3A : vector<16xi32>
        %swap3A_580 = arith.index_cast %min3A_567 : i32 to index
        %swap3A_581 = tpu.vector_load %arg9[%swap3A_580] masked %ge3A_514 {strides = array<i32>} : memref<4096xi32, #tpu.memory_space<vmem>>, vector<16xi32>, vector<16xi1>
        tpu.vector_store %arg9[%swap3A_580], %add3A_579 masked %ge3A_514 {strides = array<i32>} : memref<4096xi32, #tpu.memory_space<vmem>>, vector<16xi32>, vector<16xi1>
        %min3A_582 = arith.constant 4080 : i32
        %min3A_583 = arith.minsi %add3A_559, %min3A_582 : i32
        %swap3A_584 = arith.index_cast %min3A_583 : i32 to index
        %swap3A_585 = tpu.vector_load %arg8[%swap3A_584] masked %ge3A_526 {strides = array<i32>} : memref<4096xf32, #tpu.memory_space<vmem>>, vector<16xf32>, vector<16xi1>
        tpu.vector_store %arg8[%swap3A_584], %get3A_525 masked %ge3A_526 {strides = array<i32>} : memref<4096xf32, #tpu.memory_space<vmem>>, vector<16xf32>, vector<16xi1>
        %mul3A_586 = arith.constant 4 : i32
        %mul3A_587 = arith.muli %scan3A_500, %mul3A_586 : i32
        %add3A_588 = arith.constant 1 : i32
        %add3A_589 = arith.addi %mul3A_587, %add3A_588 : i32
        %mul3A_590 = arith.constant 16 : i32
        %mul3A_591 = arith.muli %add3A_589, %mul3A_590 : i32
        %add3A_592 = arith.constant 12544 : i32
        %add3A_593 = arith.addi %add3A_592, %mul3A_591 : i32
        %add3A_594 = vector.broadcast %add3A_593 : i32 to vector<16xi32>
        %add3A_595 = arith.addi %add3A_594, %iota3A : vector<16xi32>
        %swap3A_596 = arith.index_cast %min3A_583 : i32 to index
        %swap3A_597 = tpu.vector_load %arg9[%swap3A_596] masked %ge3A_526 {strides = array<i32>} : memref<4096xi32, #tpu.memory_space<vmem>>, vector<16xi32>, vector<16xi1>
        tpu.vector_store %arg9[%swap3A_596], %add3A_595 masked %ge3A_526 {strides = array<i32>} : memref<4096xi32, #tpu.memory_space<vmem>>, vector<16xi32>, vector<16xi1>
        %min3A_598 = arith.constant 4080 : i32
        %min3A_599 = arith.minsi %add3A_562, %min3A_598 : i32
        %swap3A_600 = arith.index_cast %min3A_599 : i32 to index
        %swap3A_601 = tpu.vector_load %arg8[%swap3A_600] masked %ge3A_540 {strides = array<i32>} : memref<4096xf32, #tpu.memory_space<vmem>>, vector<16xf32>, vector<16xi1>
        tpu.vector_store %arg8[%swap3A_600], %get3A_539 masked %ge3A_540 {strides = array<i32>} : memref<4096xf32, #tpu.memory_space<vmem>>, vector<16xf32>, vector<16xi1>
        %mul3A_602 = arith.constant 4 : i32
        %mul3A_603 = arith.muli %scan3A_500, %mul3A_602 : i32
        %add3A_604 = arith.constant 2 : i32
        %add3A_605 = arith.addi %mul3A_603, %add3A_604 : i32
        %mul3A_606 = arith.constant 16 : i32
        %mul3A_607 = arith.muli %add3A_605, %mul3A_606 : i32
        %add3A_608 = arith.constant 12544 : i32
        %add3A_609 = arith.addi %add3A_608, %mul3A_607 : i32
        %add3A_610 = vector.broadcast %add3A_609 : i32 to vector<16xi32>
        %add3A_611 = arith.addi %add3A_610, %iota3A : vector<16xi32>
        %swap3A_612 = arith.index_cast %min3A_599 : i32 to index
        %swap3A_613 = tpu.vector_load %arg9[%swap3A_612] masked %ge3A_540 {strides = array<i32>} : memref<4096xi32, #tpu.memory_space<vmem>>, vector<16xi32>, vector<16xi1>
        tpu.vector_store %arg9[%swap3A_612], %add3A_611 masked %ge3A_540 {strides = array<i32>} : memref<4096xi32, #tpu.memory_space<vmem>>, vector<16xi32>, vector<16xi1>
        %min3A_614 = arith.constant 4080 : i32
        %min3A_615 = arith.minsi %add3A_565, %min3A_614 : i32
        %swap3A_616 = arith.index_cast %min3A_615 : i32 to index
        %swap3A_617 = tpu.vector_load %arg8[%swap3A_616] masked %ge3A_554 {strides = array<i32>} : memref<4096xf32, #tpu.memory_space<vmem>>, vector<16xf32>, vector<16xi1>
        tpu.vector_store %arg8[%swap3A_616], %get3A_553 masked %ge3A_554 {strides = array<i32>} : memref<4096xf32, #tpu.memory_space<vmem>>, vector<16xf32>, vector<16xi1>
        %mul3A_618 = arith.constant 4 : i32
        %mul3A_619 = arith.muli %scan3A_500, %mul3A_618 : i32
        %add3A_620 = arith.constant 3 : i32
        %add3A_621 = arith.addi %mul3A_619, %add3A_620 : i32
        %mul3A_622 = arith.constant 16 : i32
        %mul3A_623 = arith.muli %add3A_621, %mul3A_622 : i32
        %add3A_624 = arith.constant 12544 : i32
        %add3A_625 = arith.addi %add3A_624, %mul3A_623 : i32
        %add3A_626 = vector.broadcast %add3A_625 : i32 to vector<16xi32>
        %add3A_627 = arith.addi %add3A_626, %iota3A : vector<16xi32>
        %swap3A_628 = arith.index_cast %min3A_615 : i32 to index
        %swap3A_629 = tpu.vector_load %arg9[%swap3A_628] masked %ge3A_554 {strides = array<i32>} : memref<4096xi32, #tpu.memory_space<vmem>>, vector<16xi32>, vector<16xi1>
        tpu.vector_store %arg9[%swap3A_628], %add3A_627 masked %ge3A_554 {strides = array<i32>} : memref<4096xi32, #tpu.memory_space<vmem>>, vector<16xi32>, vector<16xi1>
        %slice3A_630 = vector.extract_strided_slice %all_reduce_population_count3A_556 {offsets = [0], sizes = [1], strides = [1]} : vector<16xi32> to vector<1xi32>
        %squeeze3A_631 = vector.extract %slice3A_630[0] : i32 from vector<1xi32>
        %add3A_632 = arith.addi %add3A_565, %squeeze3A_631 : i32
        scf.yield %add3A_632, %max3A_555 : i32, vector<16xf32>
      }
      %scan3A_107 = arith.constant 196 : i32
      %dma_wait3A_108 = arith.constant 2 : i32
      %dma_wait3A_109 = arith.constant 0 : i32
      %dma_wait3A_110 = tpu.memref_slice %arg6[%dma_wait3A_108, %dma_wait3A_109] : memref<4x12544xf32, #tpu.memory_space<vmem>> -> memref<1x12544xf32, #tpu.memory_space<vmem>>
      %dma_wait3A_111 = tpu.memref_squeeze %dma_wait3A_110 : memref<1x12544xf32, #tpu.memory_space<vmem>> -> memref<12544xf32, #tpu.memory_space<vmem>>
      %dma_wait3A_112 = arith.constant 25088 : i32
      %dma_wait3A_113 = tpu.memref_slice %arg2[%add3A_38, %dma_wait3A_112] : memref<1024x100352xf32, #tpu.memory_space<hbm>> -> memref<1x12544xf32, #tpu.memory_space<hbm>>
      %dma_wait3A_114 = tpu.memref_squeeze %dma_wait3A_113 : memref<1x12544xf32, #tpu.memory_space<hbm>> -> memref<12544xf32, #tpu.memory_space<hbm>>
      %dma_wait3A_115 = arith.constant 0 : i32
      %dma_wait3A_116 = tpu.memref_slice %arg6[%dma_wait3A_108, %dma_wait3A_115] : memref<4x12544xf32, #tpu.memory_space<vmem>> -> memref<1x12544xf32, #tpu.memory_space<vmem>>
      %dma_wait3A_117 = tpu.memref_squeeze %dma_wait3A_116 : memref<1x12544xf32, #tpu.memory_space<vmem>> -> memref<12544xf32, #tpu.memory_space<vmem>>
      %dma_wait3A_118 = arith.constant 25088 : i32
      %dma_wait3A_119 = tpu.memref_slice %arg2[%add3A_38, %dma_wait3A_118] : memref<1024x100352xf32, #tpu.memory_space<hbm>> -> memref<1x12544xf32, #tpu.memory_space<hbm>>
      %dma_wait3A_120 = tpu.memref_squeeze %dma_wait3A_119 : memref<1x12544xf32, #tpu.memory_space<hbm>> -> memref<12544xf32, #tpu.memory_space<hbm>>
      tpu.wait_dma2 semaphore(%arg16 : memref<!tpu.dma_semaphore, #tpu.memory_space<semaphore_mem>>) src(%dma_wait3A_120 : memref<12544xf32, #tpu.memory_space<hbm>>) dst(%dma_wait3A_117 : memref<12544xf32, #tpu.memory_space<vmem>>)
      %dma_start3A_121 = arith.constant 0 : i32
      %dma_start3A_122 = arith.constant 0 : i32
      %dma_start3A_123 = tpu.memref_slice %arg6[%dma_start3A_121, %dma_start3A_122] : memref<4x12544xf32, #tpu.memory_space<vmem>> -> memref<1x12544xf32, #tpu.memory_space<vmem>>
      %dma_start3A_124 = tpu.memref_squeeze %dma_start3A_123 : memref<1x12544xf32, #tpu.memory_space<vmem>> -> memref<12544xf32, #tpu.memory_space<vmem>>
      %dma_start3A_125 = arith.constant 50176 : i32
      %dma_start3A_126 = tpu.memref_slice %arg2[%add3A_38, %dma_start3A_125] : memref<1024x100352xf32, #tpu.memory_space<hbm>> -> memref<1x12544xf32, #tpu.memory_space<hbm>>
      %dma_start3A_127 = tpu.memref_squeeze %dma_start3A_126 : memref<1x12544xf32, #tpu.memory_space<hbm>> -> memref<12544xf32, #tpu.memory_space<hbm>>
      %dma_start3A_128 = arith.constant 0 : i32
      %dma_start3A_129 = tpu.memref_slice %arg6[%dma_start3A_121, %dma_start3A_128] : memref<4x12544xf32, #tpu.memory_space<vmem>> -> memref<1x12544xf32, #tpu.memory_space<vmem>>
      %dma_start3A_130 = tpu.memref_squeeze %dma_start3A_129 : memref<1x12544xf32, #tpu.memory_space<vmem>> -> memref<12544xf32, #tpu.memory_space<vmem>>
      %dma_start3A_131 = arith.constant 50176 : i32
      %dma_start3A_132 = tpu.memref_slice %arg2[%add3A_38, %dma_start3A_131] : memref<1024x100352xf32, #tpu.memory_space<hbm>> -> memref<1x12544xf32, #tpu.memory_space<hbm>>
      %dma_start3A_133 = tpu.memref_squeeze %dma_start3A_132 : memref<1x12544xf32, #tpu.memory_space<hbm>> -> memref<12544xf32, #tpu.memory_space<hbm>>
      tpu.enqueue_dma source(%dma_start3A_133 : memref<12544xf32, #tpu.memory_space<hbm>>) target(%dma_start3A_130 : memref<12544xf32, #tpu.memory_space<vmem>>) target_semaphore(%arg14 : memref<!tpu.dma_semaphore, #tpu.memory_space<semaphore_mem>>)
      %scan3A_134 = arith.constant 2 : i32
      %scan3A_135 = arith.constant 0 : i32
      %scan3A_136 = arith.constant 196 : i32
      %scan3A_137 = arith.addi %scan3A_135, %scan3A_136 : i32
      %scan3A_138 = arith.constant 1 : i32
      %scan3A_139:2 = scf.for %scan3A_500 = %scan3A_135 to %scan3A_137 step %scan3A_138 iter_args(%scan3A_501 = %scan3A_106#0, %scan3A_502 = %scan3A_106#1) -> (i32, vector<16xf32>)  : i32 {
        %mul3A_503 = arith.constant 4 : i32
        %mul3A_504 = arith.muli %scan3A_500, %mul3A_503 : i32
        %add3A_505 = arith.constant 0 : i32
        %add3A_506 = arith.addi %mul3A_504, %add3A_505 : i32
        %mul3A_507 = arith.constant 16 : i32
        %mul3A_508 = arith.muli %add3A_506, %mul3A_507 : i32
        %get3A_509 = arith.constant 0 : i32
        %get3A_510 = tpu.memref_slice %arg6[%scan3A_134, %get3A_509] : memref<4x12544xf32, #tpu.memory_space<vmem>> -> memref<1x12544xf32, #tpu.memory_space<vmem>>
        %get3A_511 = tpu.memref_squeeze %get3A_510 : memref<1x12544xf32, #tpu.memory_space<vmem>> -> memref<12544xf32, #tpu.memory_space<vmem>>
        %get3A_512 = arith.index_cast %mul3A_508 : i32 to index
        %get3A_513 = tpu.vector_load %get3A_511[%get3A_512] {strides = array<i32>} : memref<12544xf32, #tpu.memory_space<vmem>>, vector<16xf32>,
        %ge3A_514 = arith.cmpf oge, %get3A_513, %get3A_40 : vector<16xf32>
        %max3A = arith.maximumf %scan3A_502, %get3A_513 : vector<16xf32>
        %all_reduce_population_count3A = tpu.all_reduce %ge3A_514 {dim = 0 : i64, kind = #tpu.reduction_kind<sum>} : vector<16xi1> -> vector<16xi32>
        %mul3A_515 = arith.constant 4 : i32
        %mul3A_516 = arith.muli %scan3A_500, %mul3A_515 : i32
        %add3A_517 = arith.constant 1 : i32
        %add3A_518 = arith.addi %mul3A_516, %add3A_517 : i32
        %mul3A_519 = arith.constant 16 : i32
        %mul3A_520 = arith.muli %add3A_518, %mul3A_519 : i32
        %get3A_521 = arith.constant 0 : i32
        %get3A_522 = tpu.memref_slice %arg6[%scan3A_134, %get3A_521] : memref<4x12544xf32, #tpu.memory_space<vmem>> -> memref<1x12544xf32, #tpu.memory_space<vmem>>
        %get3A_523 = tpu.memref_squeeze %get3A_522 : memref<1x12544xf32, #tpu.memory_space<vmem>> -> memref<12544xf32, #tpu.memory_space<vmem>>
        %get3A_524 = arith.index_cast %mul3A_520 : i32 to index
        %get3A_525 = tpu.vector_load %get3A_523[%get3A_524] {strides = array<i32>} : memref<12544xf32, #tpu.memory_space<vmem>>, vector<16xf32>,
        %ge3A_526 = arith.cmpf oge, %get3A_525, %get3A_40 : vector<16xf32>
        %max3A_527 = arith.maximumf %max3A, %get3A_525 : vector<16xf32>
        %all_reduce_population_count3A_528 = tpu.all_reduce %ge3A_526 {dim = 0 : i64, kind = #tpu.reduction_kind<sum>} : vector<16xi1> -> vector<16xi32>
        %mul3A_529 = arith.constant 4 : i32
        %mul3A_530 = arith.muli %scan3A_500, %mul3A_529 : i32
        %add3A_531 = arith.constant 2 : i32
        %add3A_532 = arith.addi %mul3A_530, %add3A_531 : i32
        %mul3A_533 = arith.constant 16 : i32
        %mul3A_534 = arith.muli %add3A_532, %mul3A_533 : i32
        %get3A_535 = arith.constant 0 : i32
        %get3A_536 = tpu.memref_slice %arg6[%scan3A_134, %get3A_535] : memref<4x12544xf32, #tpu.memory_space<vmem>> -> memref<1x12544xf32, #tpu.memory_space<vmem>>
        %get3A_537 = tpu.memref_squeeze %get3A_536 : memref<1x12544xf32, #tpu.memory_space<vmem>> -> memref<12544xf32, #tpu.memory_space<vmem>>
        %get3A_538 = arith.index_cast %mul3A_534 : i32 to index
        %get3A_539 = tpu.vector_load %get3A_537[%get3A_538] {strides = array<i32>} : memref<12544xf32, #tpu.memory_space<vmem>>, vector<16xf32>,
        %ge3A_540 = arith.cmpf oge, %get3A_539, %get3A_40 : vector<16xf32>
        %max3A_541 = arith.maximumf %max3A_527, %get3A_539 : vector<16xf32>
        %all_reduce_population_count3A_542 = tpu.all_reduce %ge3A_540 {dim = 0 : i64, kind = #tpu.reduction_kind<sum>} : vector<16xi1> -> vector<16xi32>
        %mul3A_543 = arith.constant 4 : i32
        %mul3A_544 = arith.muli %scan3A_500, %mul3A_543 : i32
        %add3A_545 = arith.constant 3 : i32
        %add3A_546 = arith.addi %mul3A_544, %add3A_545 : i32
        %mul3A_547 = arith.constant 16 : i32
        %mul3A_548 = arith.muli %add3A_546, %mul3A_547 : i32
        %get3A_549 = arith.constant 0 : i32
        %get3A_550 = tpu.memref_slice %arg6[%scan3A_134, %get3A_549] : memref<4x12544xf32, #tpu.memory_space<vmem>> -> memref<1x12544xf32, #tpu.memory_space<vmem>>
        %get3A_551 = tpu.memref_squeeze %get3A_550 : memref<1x12544xf32, #tpu.memory_space<vmem>> -> memref<12544xf32, #tpu.memory_space<vmem>>
        %get3A_552 = arith.index_cast %mul3A_548 : i32 to index
        %get3A_553 = tpu.vector_load %get3A_551[%get3A_552] {strides = array<i32>} : memref<12544xf32, #tpu.memory_space<vmem>>, vector<16xf32>,
        %ge3A_554 = arith.cmpf oge, %get3A_553, %get3A_40 : vector<16xf32>
        %max3A_555 = arith.maximumf %max3A_541, %get3A_553 : vector<16xf32>
        %all_reduce_population_count3A_556 = tpu.all_reduce %ge3A_554 {dim = 0 : i64, kind = #tpu.reduction_kind<sum>} : vector<16xi1> -> vector<16xi32>
        %slice3A_557 = vector.extract_strided_slice %all_reduce_population_count3A {offsets = [0], sizes = [1], strides = [1]} : vector<16xi32> to vector<1xi32>
        %squeeze3A_558 = vector.extract %slice3A_557[0] : i32 from vector<1xi32>
        %add3A_559 = arith.addi %scan3A_501, %squeeze3A_558 : i32
        %slice3A_560 = vector.extract_strided_slice %all_reduce_population_count3A_528 {offsets = [0], sizes = [1], strides = [1]} : vector<16xi32> to vector<1xi32>
        %squeeze3A_561 = vector.extract %slice3A_560[0] : i32 from vector<1xi32>
        %add3A_562 = arith.addi %add3A_559, %squeeze3A_561 : i32
        %slice3A_563 = vector.extract_strided_slice %all_reduce_population_count3A_542 {offsets = [0], sizes = [1], strides = [1]} : vector<16xi32> to vector<1xi32>
        %squeeze3A_564 = vector.extract %slice3A_563[0] : i32 from vector<1xi32>
        %add3A_565 = arith.addi %add3A_562, %squeeze3A_564 : i32
        %min3A_566 = arith.constant 4080 : i32
        %min3A_567 = arith.minsi %scan3A_501, %min3A_566 : i32
        %swap3A_568 = arith.index_cast %min3A_567 : i32 to index
        %swap3A_569 = tpu.vector_load %arg8[%swap3A_568] masked %ge3A_514 {strides = array<i32>} : memref<4096xf32, #tpu.memory_space<vmem>>, vector<16xf32>, vector<16xi1>
        tpu.vector_store %arg8[%swap3A_568], %get3A_513 masked %ge3A_514 {strides = array<i32>} : memref<4096xf32, #tpu.memory_space<vmem>>, vector<16xf32>, vector<16xi1>
        %mul3A_570 = arith.constant 4 : i32
        %mul3A_571 = arith.muli %scan3A_500, %mul3A_570 : i32
        %add3A_572 = arith.constant 0 : i32
        %add3A_573 = arith.addi %mul3A_571, %add3A_572 : i32
        %mul3A_574 = arith.constant 16 : i32
        %mul3A_575 = arith.muli %add3A_573, %mul3A_574 : i32
        %add3A_576 = arith.constant 25088 : i32
        %add3A_577 = arith.addi %add3A_576, %mul3A_575 : i32
        %add3A_578 = vector.broadcast %add3A_577 : i32 to vector<16xi32>
        %add3A_579 = arith.addi %add3A_578, %iota3A : vector<16xi32>
        %swap3A_580 = arith.index_cast %min3A_567 : i32 to index
        %swap3A_581 = tpu.vector_load %arg9[%swap3A_580] masked %ge3A_514 {strides = array<i32>} : memref<4096xi32, #tpu.memory_space<vmem>>, vector<16xi32>, vector<16xi1>
        tpu.vector_store %arg9[%swap3A_580], %add3A_579 masked %ge3A_514 {strides = array<i32>} : memref<4096xi32, #tpu.memory_space<vmem>>, vector<16xi32>, vector<16xi1>
        %min3A_582 = arith.constant 4080 : i32
        %min3A_583 = arith.minsi %add3A_559, %min3A_582 : i32
        %swap3A_584 = arith.index_cast %min3A_583 : i32 to index
        %swap3A_585 = tpu.vector_load %arg8[%swap3A_584] masked %ge3A_526 {strides = array<i32>} : memref<4096xf32, #tpu.memory_space<vmem>>, vector<16xf32>, vector<16xi1>
        tpu.vector_store %arg8[%swap3A_584], %get3A_525 masked %ge3A_526 {strides = array<i32>} : memref<4096xf32, #tpu.memory_space<vmem>>, vector<16xf32>, vector<16xi1>
        %mul3A_586 = arith.constant 4 : i32
        %mul3A_587 = arith.muli %scan3A_500, %mul3A_586 : i32
        %add3A_588 = arith.constant 1 : i32
        %add3A_589 = arith.addi %mul3A_587, %add3A_588 : i32
        %mul3A_590 = arith.constant 16 : i32
        %mul3A_591 = arith.muli %add3A_589, %mul3A_590 : i32
        %add3A_592 = arith.constant 25088 : i32
        %add3A_593 = arith.addi %add3A_592, %mul3A_591 : i32
        %add3A_594 = vector.broadcast %add3A_593 : i32 to vector<16xi32>
        %add3A_595 = arith.addi %add3A_594, %iota3A : vector<16xi32>
        %swap3A_596 = arith.index_cast %min3A_583 : i32 to index
        %swap3A_597 = tpu.vector_load %arg9[%swap3A_596] masked %ge3A_526 {strides = array<i32>} : memref<4096xi32, #tpu.memory_space<vmem>>, vector<16xi32>, vector<16xi1>
        tpu.vector_store %arg9[%swap3A_596], %add3A_595 masked %ge3A_526 {strides = array<i32>} : memref<4096xi32, #tpu.memory_space<vmem>>, vector<16xi32>, vector<16xi1>
        %min3A_598 = arith.constant 4080 : i32
        %min3A_599 = arith.minsi %add3A_562, %min3A_598 : i32
        %swap3A_600 = arith.index_cast %min3A_599 : i32 to index
        %swap3A_601 = tpu.vector_load %arg8[%swap3A_600] masked %ge3A_540 {strides = array<i32>} : memref<4096xf32, #tpu.memory_space<vmem>>, vector<16xf32>, vector<16xi1>
        tpu.vector_store %arg8[%swap3A_600], %get3A_539 masked %ge3A_540 {strides = array<i32>} : memref<4096xf32, #tpu.memory_space<vmem>>, vector<16xf32>, vector<16xi1>
        %mul3A_602 = arith.constant 4 : i32
        %mul3A_603 = arith.muli %scan3A_500, %mul3A_602 : i32
        %add3A_604 = arith.constant 2 : i32
        %add3A_605 = arith.addi %mul3A_603, %add3A_604 : i32
        %mul3A_606 = arith.constant 16 : i32
        %mul3A_607 = arith.muli %add3A_605, %mul3A_606 : i32
        %add3A_608 = arith.constant 25088 : i32
        %add3A_609 = arith.addi %add3A_608, %mul3A_607 : i32
        %add3A_610 = vector.broadcast %add3A_609 : i32 to vector<16xi32>
        %add3A_611 = arith.addi %add3A_610, %iota3A : vector<16xi32>
        %swap3A_612 = arith.index_cast %min3A_599 : i32 to index
        %swap3A_613 = tpu.vector_load %arg9[%swap3A_612] masked %ge3A_540 {strides = array<i32>} : memref<4096xi32, #tpu.memory_space<vmem>>, vector<16xi32>, vector<16xi1>
        tpu.vector_store %arg9[%swap3A_612], %add3A_611 masked %ge3A_540 {strides = array<i32>} : memref<4096xi32, #tpu.memory_space<vmem>>, vector<16xi32>, vector<16xi1>
        %min3A_614 = arith.constant 4080 : i32
        %min3A_615 = arith.minsi %add3A_565, %min3A_614 : i32
        %swap3A_616 = arith.index_cast %min3A_615 : i32 to index
        %swap3A_617 = tpu.vector_load %arg8[%swap3A_616] masked %ge3A_554 {strides = array<i32>} : memref<4096xf32, #tpu.memory_space<vmem>>, vector<16xf32>, vector<16xi1>
        tpu.vector_store %arg8[%swap3A_616], %get3A_553 masked %ge3A_554 {strides = array<i32>} : memref<4096xf32, #tpu.memory_space<vmem>>, vector<16xf32>, vector<16xi1>
        %mul3A_618 = arith.constant 4 : i32
        %mul3A_619 = arith.muli %scan3A_500, %mul3A_618 : i32
        %add3A_620 = arith.constant 3 : i32
        %add3A_621 = arith.addi %mul3A_619, %add3A_620 : i32
        %mul3A_622 = arith.constant 16 : i32
        %mul3A_623 = arith.muli %add3A_621, %mul3A_622 : i32
        %add3A_624 = arith.constant 25088 : i32
        %add3A_625 = arith.addi %add3A_624, %mul3A_623 : i32
        %add3A_626 = vector.broadcast %add3A_625 : i32 to vector<16xi32>
        %add3A_627 = arith.addi %add3A_626, %iota3A : vector<16xi32>
        %swap3A_628 = arith.index_cast %min3A_615 : i32 to index
        %swap3A_629 = tpu.vector_load %arg9[%swap3A_628] masked %ge3A_554 {strides = array<i32>} : memref<4096xi32, #tpu.memory_space<vmem>>, vector<16xi32>, vector<16xi1>
        tpu.vector_store %arg9[%swap3A_628], %add3A_627 masked %ge3A_554 {strides = array<i32>} : memref<4096xi32, #tpu.memory_space<vmem>>, vector<16xi32>, vector<16xi1>
        %slice3A_630 = vector.extract_strided_slice %all_reduce_population_count3A_556 {offsets = [0], sizes = [1], strides = [1]} : vector<16xi32> to vector<1xi32>
        %squeeze3A_631 = vector.extract %slice3A_630[0] : i32 from vector<1xi32>
        %add3A_632 = arith.addi %add3A_565, %squeeze3A_631 : i32
        scf.yield %add3A_632, %max3A_555 : i32, vector<16xf32>
      }
      %scan3A_140 = arith.constant 196 : i32
      %dma_wait3A_141 = arith.constant 3 : i32
      %dma_wait3A_142 = arith.constant 0 : i32
      %dma_wait3A_143 = tpu.memref_slice %arg6[%dma_wait3A_141, %dma_wait3A_142] : memref<4x12544xf32, #tpu.memory_space<vmem>> -> memref<1x12544xf32, #tpu.memory_space<vmem>>
      %dma_wait3A_144 = tpu.memref_squeeze %dma_wait3A_143 : memref<1x12544xf32, #tpu.memory_space<vmem>> -> memref<12544xf32, #tpu.memory_space<vmem>>
      %dma_wait3A_145 = arith.constant 37632 : i32
      %dma_wait3A_146 = tpu.memref_slice %arg2[%add3A_38, %dma_wait3A_145] : memref<1024x100352xf32, #tpu.memory_space<hbm>> -> memref<1x12544xf32, #tpu.memory_space<hbm>>
      %dma_wait3A_147 = tpu.memref_squeeze %dma_wait3A_146 : memref<1x12544xf32, #tpu.memory_space<hbm>> -> memref<12544xf32, #tpu.memory_space<hbm>>
      %dma_wait3A_148 = arith.constant 0 : i32
      %dma_wait3A_149 = tpu.memref_slice %arg6[%dma_wait3A_141, %dma_wait3A_148] : memref<4x12544xf32, #tpu.memory_space<vmem>> -> memref<1x12544xf32, #tpu.memory_space<vmem>>
      %dma_wait3A_150 = tpu.memref_squeeze %dma_wait3A_149 : memref<1x12544xf32, #tpu.memory_space<vmem>> -> memref<12544xf32, #tpu.memory_space<vmem>>
      %dma_wait3A_151 = arith.constant 37632 : i32
      %dma_wait3A_152 = tpu.memref_slice %arg2[%add3A_38, %dma_wait3A_151] : memref<1024x100352xf32, #tpu.memory_space<hbm>> -> memref<1x12544xf32, #tpu.memory_space<hbm>>
      %dma_wait3A_153 = tpu.memref_squeeze %dma_wait3A_152 : memref<1x12544xf32, #tpu.memory_space<hbm>> -> memref<12544xf32, #tpu.memory_space<hbm>>
      tpu.wait_dma2 semaphore(%arg17 : memref<!tpu.dma_semaphore, #tpu.memory_space<semaphore_mem>>) src(%dma_wait3A_153 : memref<12544xf32, #tpu.memory_space<hbm>>) dst(%dma_wait3A_150 : memref<12544xf32, #tpu.memory_space<vmem>>)
      %dma_start3A_154 = arith.constant 1 : i32
      %dma_start3A_155 = arith.constant 0 : i32
      %dma_start3A_156 = tpu.memref_slice %arg6[%dma_start3A_154, %dma_start3A_155] : memref<4x12544xf32, #tpu.memory_space<vmem>> -> memref<1x12544xf32, #tpu.memory_space<vmem>>
      %dma_start3A_157 = tpu.memref_squeeze %dma_start3A_156 : memref<1x12544xf32, #tpu.memory_space<vmem>> -> memref<12544xf32, #tpu.memory_space<vmem>>
      %dma_start3A_158 = arith.constant 62720 : i32
      %dma_start3A_159 = tpu.memref_slice %arg2[%add3A_38, %dma_start3A_158] : memref<1024x100352xf32, #tpu.memory_space<hbm>> -> memref<1x12544xf32, #tpu.memory_space<hbm>>
      %dma_start3A_160 = tpu.memref_squeeze %dma_start3A_159 : memref<1x12544xf32, #tpu.memory_space<hbm>> -> memref<12544xf32, #tpu.memory_space<hbm>>
      %dma_start3A_161 = arith.constant 0 : i32
      %dma_start3A_162 = tpu.memref_slice %arg6[%dma_start3A_154, %dma_start3A_161] : memref<4x12544xf32, #tpu.memory_space<vmem>> -> memref<1x12544xf32, #tpu.memory_space<vmem>>
      %dma_start3A_163 = tpu.memref_squeeze %dma_start3A_162 : memref<1x12544xf32, #tpu.memory_space<vmem>> -> memref<12544xf32, #tpu.memory_space<vmem>>
      %dma_start3A_164 = arith.constant 62720 : i32
      %dma_start3A_165 = tpu.memref_slice %arg2[%add3A_38, %dma_start3A_164] : memref<1024x100352xf32, #tpu.memory_space<hbm>> -> memref<1x12544xf32, #tpu.memory_space<hbm>>
      %dma_start3A_166 = tpu.memref_squeeze %dma_start3A_165 : memref<1x12544xf32, #tpu.memory_space<hbm>> -> memref<12544xf32, #tpu.memory_space<hbm>>
      tpu.enqueue_dma source(%dma_start3A_166 : memref<12544xf32, #tpu.memory_space<hbm>>) target(%dma_start3A_163 : memref<12544xf32, #tpu.memory_space<vmem>>) target_semaphore(%arg15 : memref<!tpu.dma_semaphore, #tpu.memory_space<semaphore_mem>>)
      %scan3A_167 = arith.constant 3 : i32
      %scan3A_168 = arith.constant 0 : i32
      %scan3A_169 = arith.constant 196 : i32
      %scan3A_170 = arith.addi %scan3A_168, %scan3A_169 : i32
      %scan3A_171 = arith.constant 1 : i32
      %scan3A_172:2 = scf.for %scan3A_500 = %scan3A_168 to %scan3A_170 step %scan3A_171 iter_args(%scan3A_501 = %scan3A_139#0, %scan3A_502 = %scan3A_139#1) -> (i32, vector<16xf32>)  : i32 {
        %mul3A_503 = arith.constant 4 : i32
        %mul3A_504 = arith.muli %scan3A_500, %mul3A_503 : i32
        %add3A_505 = arith.constant 0 : i32
        %add3A_506 = arith.addi %mul3A_504, %add3A_505 : i32
        %mul3A_507 = arith.constant 16 : i32
        %mul3A_508 = arith.muli %add3A_506, %mul3A_507 : i32
        %get3A_509 = arith.constant 0 : i32
        %get3A_510 = tpu.memref_slice %arg6[%scan3A_167, %get3A_509] : memref<4x12544xf32, #tpu.memory_space<vmem>> -> memref<1x12544xf32, #tpu.memory_space<vmem>>
        %get3A_511 = tpu.memref_squeeze %get3A_510 : memref<1x12544xf32, #tpu.memory_space<vmem>> -> memref<12544xf32, #tpu.memory_space<vmem>>
        %get3A_512 = arith.index_cast %mul3A_508 : i32 to index
        %get3A_513 = tpu.vector_load %get3A_511[%get3A_512] {strides = array<i32>} : memref<12544xf32, #tpu.memory_space<vmem>>, vector<16xf32>,
        %ge3A_514 = arith.cmpf oge, %get3A_513, %get3A_40 : vector<16xf32>
        %max3A = arith.maximumf %scan3A_502, %get3A_513 : vector<16xf32>
        %all_reduce_population_count3A = tpu.all_reduce %ge3A_514 {dim = 0 : i64, kind = #tpu.reduction_kind<sum>} : vector<16xi1> -> vector<16xi32>
        %mul3A_515 = arith.constant 4 : i32
        %mul3A_516 = arith.muli %scan3A_500, %mul3A_515 : i32
        %add3A_517 = arith.constant 1 : i32
        %add3A_518 = arith.addi %mul3A_516, %add3A_517 : i32
        %mul3A_519 = arith.constant 16 : i32
        %mul3A_520 = arith.muli %add3A_518, %mul3A_519 : i32
        %get3A_521 = arith.constant 0 : i32
        %get3A_522 = tpu.memref_slice %arg6[%scan3A_167, %get3A_521] : memref<4x12544xf32, #tpu.memory_space<vmem>> -> memref<1x12544xf32, #tpu.memory_space<vmem>>
        %get3A_523 = tpu.memref_squeeze %get3A_522 : memref<1x12544xf32, #tpu.memory_space<vmem>> -> memref<12544xf32, #tpu.memory_space<vmem>>
        %get3A_524 = arith.index_cast %mul3A_520 : i32 to index
        %get3A_525 = tpu.vector_load %get3A_523[%get3A_524] {strides = array<i32>} : memref<12544xf32, #tpu.memory_space<vmem>>, vector<16xf32>,
        %ge3A_526 = arith.cmpf oge, %get3A_525, %get3A_40 : vector<16xf32>
        %max3A_527 = arith.maximumf %max3A, %get3A_525 : vector<16xf32>
        %all_reduce_population_count3A_528 = tpu.all_reduce %ge3A_526 {dim = 0 : i64, kind = #tpu.reduction_kind<sum>} : vector<16xi1> -> vector<16xi32>
        %mul3A_529 = arith.constant 4 : i32
        %mul3A_530 = arith.muli %scan3A_500, %mul3A_529 : i32
        %add3A_531 = arith.constant 2 : i32
        %add3A_532 = arith.addi %mul3A_530, %add3A_531 : i32
        %mul3A_533 = arith.constant 16 : i32
        %mul3A_534 = arith.muli %add3A_532, %mul3A_533 : i32
        %get3A_535 = arith.constant 0 : i32
        %get3A_536 = tpu.memref_slice %arg6[%scan3A_167, %get3A_535] : memref<4x12544xf32, #tpu.memory_space<vmem>> -> memref<1x12544xf32, #tpu.memory_space<vmem>>
        %get3A_537 = tpu.memref_squeeze %get3A_536 : memref<1x12544xf32, #tpu.memory_space<vmem>> -> memref<12544xf32, #tpu.memory_space<vmem>>
        %get3A_538 = arith.index_cast %mul3A_534 : i32 to index
        %get3A_539 = tpu.vector_load %get3A_537[%get3A_538] {strides = array<i32>} : memref<12544xf32, #tpu.memory_space<vmem>>, vector<16xf32>,
        %ge3A_540 = arith.cmpf oge, %get3A_539, %get3A_40 : vector<16xf32>
        %max3A_541 = arith.maximumf %max3A_527, %get3A_539 : vector<16xf32>
        %all_reduce_population_count3A_542 = tpu.all_reduce %ge3A_540 {dim = 0 : i64, kind = #tpu.reduction_kind<sum>} : vector<16xi1> -> vector<16xi32>
        %mul3A_543 = arith.constant 4 : i32
        %mul3A_544 = arith.muli %scan3A_500, %mul3A_543 : i32
        %add3A_545 = arith.constant 3 : i32
        %add3A_546 = arith.addi %mul3A_544, %add3A_545 : i32
        %mul3A_547 = arith.constant 16 : i32
        %mul3A_548 = arith.muli %add3A_546, %mul3A_547 : i32
        %get3A_549 = arith.constant 0 : i32
        %get3A_550 = tpu.memref_slice %arg6[%scan3A_167, %get3A_549] : memref<4x12544xf32, #tpu.memory_space<vmem>> -> memref<1x12544xf32, #tpu.memory_space<vmem>>
        %get3A_551 = tpu.memref_squeeze %get3A_550 : memref<1x12544xf32, #tpu.memory_space<vmem>> -> memref<12544xf32, #tpu.memory_space<vmem>>
        %get3A_552 = arith.index_cast %mul3A_548 : i32 to index
        %get3A_553 = tpu.vector_load %get3A_551[%get3A_552] {strides = array<i32>} : memref<12544xf32, #tpu.memory_space<vmem>>, vector<16xf32>,
        %ge3A_554 = arith.cmpf oge, %get3A_553, %get3A_40 : vector<16xf32>
        %max3A_555 = arith.maximumf %max3A_541, %get3A_553 : vector<16xf32>
        %all_reduce_population_count3A_556 = tpu.all_reduce %ge3A_554 {dim = 0 : i64, kind = #tpu.reduction_kind<sum>} : vector<16xi1> -> vector<16xi32>
        %slice3A_557 = vector.extract_strided_slice %all_reduce_population_count3A {offsets = [0], sizes = [1], strides = [1]} : vector<16xi32> to vector<1xi32>
        %squeeze3A_558 = vector.extract %slice3A_557[0] : i32 from vector<1xi32>
        %add3A_559 = arith.addi %scan3A_501, %squeeze3A_558 : i32
        %slice3A_560 = vector.extract_strided_slice %all_reduce_population_count3A_528 {offsets = [0], sizes = [1], strides = [1]} : vector<16xi32> to vector<1xi32>
        %squeeze3A_561 = vector.extract %slice3A_560[0] : i32 from vector<1xi32>
        %add3A_562 = arith.addi %add3A_559, %squeeze3A_561 : i32
        %slice3A_563 = vector.extract_strided_slice %all_reduce_population_count3A_542 {offsets = [0], sizes = [1], strides = [1]} : vector<16xi32> to vector<1xi32>
        %squeeze3A_564 = vector.extract %slice3A_563[0] : i32 from vector<1xi32>
        %add3A_565 = arith.addi %add3A_562, %squeeze3A_564 : i32
        %min3A_566 = arith.constant 4080 : i32
        %min3A_567 = arith.minsi %scan3A_501, %min3A_566 : i32
        %swap3A_568 = arith.index_cast %min3A_567 : i32 to index
        %swap3A_569 = tpu.vector_load %arg8[%swap3A_568] masked %ge3A_514 {strides = array<i32>} : memref<4096xf32, #tpu.memory_space<vmem>>, vector<16xf32>, vector<16xi1>
        tpu.vector_store %arg8[%swap3A_568], %get3A_513 masked %ge3A_514 {strides = array<i32>} : memref<4096xf32, #tpu.memory_space<vmem>>, vector<16xf32>, vector<16xi1>
        %mul3A_570 = arith.constant 4 : i32
        %mul3A_571 = arith.muli %scan3A_500, %mul3A_570 : i32
        %add3A_572 = arith.constant 0 : i32
        %add3A_573 = arith.addi %mul3A_571, %add3A_572 : i32
        %mul3A_574 = arith.constant 16 : i32
        %mul3A_575 = arith.muli %add3A_573, %mul3A_574 : i32
        %add3A_576 = arith.constant 37632 : i32
        %add3A_577 = arith.addi %add3A_576, %mul3A_575 : i32
        %add3A_578 = vector.broadcast %add3A_577 : i32 to vector<16xi32>
        %add3A_579 = arith.addi %add3A_578, %iota3A : vector<16xi32>
        %swap3A_580 = arith.index_cast %min3A_567 : i32 to index
        %swap3A_581 = tpu.vector_load %arg9[%swap3A_580] masked %ge3A_514 {strides = array<i32>} : memref<4096xi32, #tpu.memory_space<vmem>>, vector<16xi32>, vector<16xi1>
        tpu.vector_store %arg9[%swap3A_580], %add3A_579 masked %ge3A_514 {strides = array<i32>} : memref<4096xi32, #tpu.memory_space<vmem>>, vector<16xi32>, vector<16xi1>
        %min3A_582 = arith.constant 4080 : i32
        %min3A_583 = arith.minsi %add3A_559, %min3A_582 : i32
        %swap3A_584 = arith.index_cast %min3A_583 : i32 to index
        %swap3A_585 = tpu.vector_load %arg8[%swap3A_584] masked %ge3A_526 {strides = array<i32>} : memref<4096xf32, #tpu.memory_space<vmem>>, vector<16xf32>, vector<16xi1>
        tpu.vector_store %arg8[%swap3A_584], %get3A_525 masked %ge3A_526 {strides = array<i32>} : memref<4096xf32, #tpu.memory_space<vmem>>, vector<16xf32>, vector<16xi1>
        %mul3A_586 = arith.constant 4 : i32
        %mul3A_587 = arith.muli %scan3A_500, %mul3A_586 : i32
        %add3A_588 = arith.constant 1 : i32
        %add3A_589 = arith.addi %mul3A_587, %add3A_588 : i32
        %mul3A_590 = arith.constant 16 : i32
        %mul3A_591 = arith.muli %add3A_589, %mul3A_590 : i32
        %add3A_592 = arith.constant 37632 : i32
        %add3A_593 = arith.addi %add3A_592, %mul3A_591 : i32
        %add3A_594 = vector.broadcast %add3A_593 : i32 to vector<16xi32>
        %add3A_595 = arith.addi %add3A_594, %iota3A : vector<16xi32>
        %swap3A_596 = arith.index_cast %min3A_583 : i32 to index
        %swap3A_597 = tpu.vector_load %arg9[%swap3A_596] masked %ge3A_526 {strides = array<i32>} : memref<4096xi32, #tpu.memory_space<vmem>>, vector<16xi32>, vector<16xi1>
        tpu.vector_store %arg9[%swap3A_596], %add3A_595 masked %ge3A_526 {strides = array<i32>} : memref<4096xi32, #tpu.memory_space<vmem>>, vector<16xi32>, vector<16xi1>
        %min3A_598 = arith.constant 4080 : i32
        %min3A_599 = arith.minsi %add3A_562, %min3A_598 : i32
        %swap3A_600 = arith.index_cast %min3A_599 : i32 to index
        %swap3A_601 = tpu.vector_load %arg8[%swap3A_600] masked %ge3A_540 {strides = array<i32>} : memref<4096xf32, #tpu.memory_space<vmem>>, vector<16xf32>, vector<16xi1>
        tpu.vector_store %arg8[%swap3A_600], %get3A_539 masked %ge3A_540 {strides = array<i32>} : memref<4096xf32, #tpu.memory_space<vmem>>, vector<16xf32>, vector<16xi1>
        %mul3A_602 = arith.constant 4 : i32
        %mul3A_603 = arith.muli %scan3A_500, %mul3A_602 : i32
        %add3A_604 = arith.constant 2 : i32
        %add3A_605 = arith.addi %mul3A_603, %add3A_604 : i32
        %mul3A_606 = arith.constant 16 : i32
        %mul3A_607 = arith.muli %add3A_605, %mul3A_606 : i32
        %add3A_608 = arith.constant 37632 : i32
        %add3A_609 = arith.addi %add3A_608, %mul3A_607 : i32
        %add3A_610 = vector.broadcast %add3A_609 : i32 to vector<16xi32>
        %add3A_611 = arith.addi %add3A_610, %iota3A : vector<16xi32>
        %swap3A_612 = arith.index_cast %min3A_599 : i32 to index
        %swap3A_613 = tpu.vector_load %arg9[%swap3A_612] masked %ge3A_540 {strides = array<i32>} : memref<4096xi32, #tpu.memory_space<vmem>>, vector<16xi32>, vector<16xi1>
        tpu.vector_store %arg9[%swap3A_612], %add3A_611 masked %ge3A_540 {strides = array<i32>} : memref<4096xi32, #tpu.memory_space<vmem>>, vector<16xi32>, vector<16xi1>
        %min3A_614 = arith.constant 4080 : i32
        %min3A_615 = arith.minsi %add3A_565, %min3A_614 : i32
        %swap3A_616 = arith.index_cast %min3A_615 : i32 to index
        %swap3A_617 = tpu.vector_load %arg8[%swap3A_616] masked %ge3A_554 {strides = array<i32>} : memref<4096xf32, #tpu.memory_space<vmem>>, vector<16xf32>, vector<16xi1>
        tpu.vector_store %arg8[%swap3A_616], %get3A_553 masked %ge3A_554 {strides = array<i32>} : memref<4096xf32, #tpu.memory_space<vmem>>, vector<16xf32>, vector<16xi1>
        %mul3A_618 = arith.constant 4 : i32
        %mul3A_619 = arith.muli %scan3A_500, %mul3A_618 : i32
        %add3A_620 = arith.constant 3 : i32
        %add3A_621 = arith.addi %mul3A_619, %add3A_620 : i32
        %mul3A_622 = arith.constant 16 : i32
        %mul3A_623 = arith.muli %add3A_621, %mul3A_622 : i32
        %add3A_624 = arith.constant 37632 : i32
        %add3A_625 = arith.addi %add3A_624, %mul3A_623 : i32
        %add3A_626 = vector.broadcast %add3A_625 : i32 to vector<16xi32>
        %add3A_627 = arith.addi %add3A_626, %iota3A : vector<16xi32>
        %swap3A_628 = arith.index_cast %min3A_615 : i32 to index
        %swap3A_629 = tpu.vector_load %arg9[%swap3A_628] masked %ge3A_554 {strides = array<i32>} : memref<4096xi32, #tpu.memory_space<vmem>>, vector<16xi32>, vector<16xi1>
        tpu.vector_store %arg9[%swap3A_628], %add3A_627 masked %ge3A_554 {strides = array<i32>} : memref<4096xi32, #tpu.memory_space<vmem>>, vector<16xi32>, vector<16xi1>
        %slice3A_630 = vector.extract_strided_slice %all_reduce_population_count3A_556 {offsets = [0], sizes = [1], strides = [1]} : vector<16xi32> to vector<1xi32>
        %squeeze3A_631 = vector.extract %slice3A_630[0] : i32 from vector<1xi32>
        %add3A_632 = arith.addi %add3A_565, %squeeze3A_631 : i32
        scf.yield %add3A_632, %max3A_555 : i32, vector<16xf32>
      }
      %scan3A_173 = arith.constant 196 : i32
      %dma_wait3A_174 = arith.constant 0 : i32
      %dma_wait3A_175 = arith.constant 0 : i32
      %dma_wait3A_176 = tpu.memref_slice %arg6[%dma_wait3A_174, %dma_wait3A_175] : memref<4x12544xf32, #tpu.memory_space<vmem>> -> memref<1x12544xf32, #tpu.memory_space<vmem>>
      %dma_wait3A_177 = tpu.memref_squeeze %dma_wait3A_176 : memref<1x12544xf32, #tpu.memory_space<vmem>> -> memref<12544xf32, #tpu.memory_space<vmem>>
      %dma_wait3A_178 = arith.constant 50176 : i32
      %dma_wait3A_179 = tpu.memref_slice %arg2[%add3A_38, %dma_wait3A_178] : memref<1024x100352xf32, #tpu.memory_space<hbm>> -> memref<1x12544xf32, #tpu.memory_space<hbm>>
      %dma_wait3A_180 = tpu.memref_squeeze %dma_wait3A_179 : memref<1x12544xf32, #tpu.memory_space<hbm>> -> memref<12544xf32, #tpu.memory_space<hbm>>
      %dma_wait3A_181 = arith.constant 0 : i32
      %dma_wait3A_182 = tpu.memref_slice %arg6[%dma_wait3A_174, %dma_wait3A_181] : memref<4x12544xf32, #tpu.memory_space<vmem>> -> memref<1x12544xf32, #tpu.memory_space<vmem>>
      %dma_wait3A_183 = tpu.memref_squeeze %dma_wait3A_182 : memref<1x12544xf32, #tpu.memory_space<vmem>> -> memref<12544xf32, #tpu.memory_space<vmem>>
      %dma_wait3A_184 = arith.constant 50176 : i32
      %dma_wait3A_185 = tpu.memref_slice %arg2[%add3A_38, %dma_wait3A_184] : memref<1024x100352xf32, #tpu.memory_space<hbm>> -> memref<1x12544xf32, #tpu.memory_space<hbm>>
      %dma_wait3A_186 = tpu.memref_squeeze %dma_wait3A_185 : memref<1x12544xf32, #tpu.memory_space<hbm>> -> memref<12544xf32, #tpu.memory_space<hbm>>
      tpu.wait_dma2 semaphore(%arg14 : memref<!tpu.dma_semaphore, #tpu.memory_space<semaphore_mem>>) src(%dma_wait3A_186 : memref<12544xf32, #tpu.memory_space<hbm>>) dst(%dma_wait3A_183 : memref<12544xf32, #tpu.memory_space<vmem>>)
      %dma_start3A_187 = arith.constant 2 : i32
      %dma_start3A_188 = arith.constant 0 : i32
      %dma_start3A_189 = tpu.memref_slice %arg6[%dma_start3A_187, %dma_start3A_188] : memref<4x12544xf32, #tpu.memory_space<vmem>> -> memref<1x12544xf32, #tpu.memory_space<vmem>>
      %dma_start3A_190 = tpu.memref_squeeze %dma_start3A_189 : memref<1x12544xf32, #tpu.memory_space<vmem>> -> memref<12544xf32, #tpu.memory_space<vmem>>
      %dma_start3A_191 = arith.constant 75264 : i32
      %dma_start3A_192 = tpu.memref_slice %arg2[%add3A_38, %dma_start3A_191] : memref<1024x100352xf32, #tpu.memory_space<hbm>> -> memref<1x12544xf32, #tpu.memory_space<hbm>>
      %dma_start3A_193 = tpu.memref_squeeze %dma_start3A_192 : memref<1x12544xf32, #tpu.memory_space<hbm>> -> memref<12544xf32, #tpu.memory_space<hbm>>
      %dma_start3A_194 = arith.constant 0 : i32
      %dma_start3A_195 = tpu.memref_slice %arg6[%dma_start3A_187, %dma_start3A_194] : memref<4x12544xf32, #tpu.memory_space<vmem>> -> memref<1x12544xf32, #tpu.memory_space<vmem>>
      %dma_start3A_196 = tpu.memref_squeeze %dma_start3A_195 : memref<1x12544xf32, #tpu.memory_space<vmem>> -> memref<12544xf32, #tpu.memory_space<vmem>>
      %dma_start3A_197 = arith.constant 75264 : i32
      %dma_start3A_198 = tpu.memref_slice %arg2[%add3A_38, %dma_start3A_197] : memref<1024x100352xf32, #tpu.memory_space<hbm>> -> memref<1x12544xf32, #tpu.memory_space<hbm>>
      %dma_start3A_199 = tpu.memref_squeeze %dma_start3A_198 : memref<1x12544xf32, #tpu.memory_space<hbm>> -> memref<12544xf32, #tpu.memory_space<hbm>>
      tpu.enqueue_dma source(%dma_start3A_199 : memref<12544xf32, #tpu.memory_space<hbm>>) target(%dma_start3A_196 : memref<12544xf32, #tpu.memory_space<vmem>>) target_semaphore(%arg16 : memref<!tpu.dma_semaphore, #tpu.memory_space<semaphore_mem>>)
      %scan3A_200 = arith.constant 0 : i32
      %scan3A_201 = arith.constant 0 : i32
      %scan3A_202 = arith.constant 196 : i32
      %scan3A_203 = arith.addi %scan3A_201, %scan3A_202 : i32
      %scan3A_204 = arith.constant 1 : i32
      %scan3A_205:2 = scf.for %scan3A_500 = %scan3A_201 to %scan3A_203 step %scan3A_204 iter_args(%scan3A_501 = %scan3A_172#0, %scan3A_502 = %scan3A_172#1) -> (i32, vector<16xf32>)  : i32 {
        %mul3A_503 = arith.constant 4 : i32
        %mul3A_504 = arith.muli %scan3A_500, %mul3A_503 : i32
        %add3A_505 = arith.constant 0 : i32
        %add3A_506 = arith.addi %mul3A_504, %add3A_505 : i32
        %mul3A_507 = arith.constant 16 : i32
        %mul3A_508 = arith.muli %add3A_506, %mul3A_507 : i32
        %get3A_509 = arith.constant 0 : i32
        %get3A_510 = tpu.memref_slice %arg6[%scan3A_200, %get3A_509] : memref<4x12544xf32, #tpu.memory_space<vmem>> -> memref<1x12544xf32, #tpu.memory_space<vmem>>
        %get3A_511 = tpu.memref_squeeze %get3A_510 : memref<1x12544xf32, #tpu.memory_space<vmem>> -> memref<12544xf32, #tpu.memory_space<vmem>>
        %get3A_512 = arith.index_cast %mul3A_508 : i32 to index
        %get3A_513 = tpu.vector_load %get3A_511[%get3A_512] {strides = array<i32>} : memref<12544xf32, #tpu.memory_space<vmem>>, vector<16xf32>,
        %ge3A_514 = arith.cmpf oge, %get3A_513, %get3A_40 : vector<16xf32>
        %max3A = arith.maximumf %scan3A_502, %get3A_513 : vector<16xf32>
        %all_reduce_population_count3A = tpu.all_reduce %ge3A_514 {dim = 0 : i64, kind = #tpu.reduction_kind<sum>} : vector<16xi1> -> vector<16xi32>
        %mul3A_515 = arith.constant 4 : i32
        %mul3A_516 = arith.muli %scan3A_500, %mul3A_515 : i32
        %add3A_517 = arith.constant 1 : i32
        %add3A_518 = arith.addi %mul3A_516, %add3A_517 : i32
        %mul3A_519 = arith.constant 16 : i32
        %mul3A_520 = arith.muli %add3A_518, %mul3A_519 : i32
        %get3A_521 = arith.constant 0 : i32
        %get3A_522 = tpu.memref_slice %arg6[%scan3A_200, %get3A_521] : memref<4x12544xf32, #tpu.memory_space<vmem>> -> memref<1x12544xf32, #tpu.memory_space<vmem>>
        %get3A_523 = tpu.memref_squeeze %get3A_522 : memref<1x12544xf32, #tpu.memory_space<vmem>> -> memref<12544xf32, #tpu.memory_space<vmem>>
        %get3A_524 = arith.index_cast %mul3A_520 : i32 to index
        %get3A_525 = tpu.vector_load %get3A_523[%get3A_524] {strides = array<i32>} : memref<12544xf32, #tpu.memory_space<vmem>>, vector<16xf32>,
        %ge3A_526 = arith.cmpf oge, %get3A_525, %get3A_40 : vector<16xf32>
        %max3A_527 = arith.maximumf %max3A, %get3A_525 : vector<16xf32>
        %all_reduce_population_count3A_528 = tpu.all_reduce %ge3A_526 {dim = 0 : i64, kind = #tpu.reduction_kind<sum>} : vector<16xi1> -> vector<16xi32>
        %mul3A_529 = arith.constant 4 : i32
        %mul3A_530 = arith.muli %scan3A_500, %mul3A_529 : i32
        %add3A_531 = arith.constant 2 : i32
        %add3A_532 = arith.addi %mul3A_530, %add3A_531 : i32
        %mul3A_533 = arith.constant 16 : i32
        %mul3A_534 = arith.muli %add3A_532, %mul3A_533 : i32
        %get3A_535 = arith.constant 0 : i32
        %get3A_536 = tpu.memref_slice %arg6[%scan3A_200, %get3A_535] : memref<4x12544xf32, #tpu.memory_space<vmem>> -> memref<1x12544xf32, #tpu.memory_space<vmem>>
        %get3A_537 = tpu.memref_squeeze %get3A_536 : memref<1x12544xf32, #tpu.memory_space<vmem>> -> memref<12544xf32, #tpu.memory_space<vmem>>
        %get3A_538 = arith.index_cast %mul3A_534 : i32 to index
        %get3A_539 = tpu.vector_load %get3A_537[%get3A_538] {strides = array<i32>} : memref<12544xf32, #tpu.memory_space<vmem>>, vector<16xf32>,
        %ge3A_540 = arith.cmpf oge, %get3A_539, %get3A_40 : vector<16xf32>
        %max3A_541 = arith.maximumf %max3A_527, %get3A_539 : vector<16xf32>
        %all_reduce_population_count3A_542 = tpu.all_reduce %ge3A_540 {dim = 0 : i64, kind = #tpu.reduction_kind<sum>} : vector<16xi1> -> vector<16xi32>
        %mul3A_543 = arith.constant 4 : i32
        %mul3A_544 = arith.muli %scan3A_500, %mul3A_543 : i32
        %add3A_545 = arith.constant 3 : i32
        %add3A_546 = arith.addi %mul3A_544, %add3A_545 : i32
        %mul3A_547 = arith.constant 16 : i32
        %mul3A_548 = arith.muli %add3A_546, %mul3A_547 : i32
        %get3A_549 = arith.constant 0 : i32
        %get3A_550 = tpu.memref_slice %arg6[%scan3A_200, %get3A_549] : memref<4x12544xf32, #tpu.memory_space<vmem>> -> memref<1x12544xf32, #tpu.memory_space<vmem>>
        %get3A_551 = tpu.memref_squeeze %get3A_550 : memref<1x12544xf32, #tpu.memory_space<vmem>> -> memref<12544xf32, #tpu.memory_space<vmem>>
        %get3A_552 = arith.index_cast %mul3A_548 : i32 to index
        %get3A_553 = tpu.vector_load %get3A_551[%get3A_552] {strides = array<i32>} : memref<12544xf32, #tpu.memory_space<vmem>>, vector<16xf32>,
        %ge3A_554 = arith.cmpf oge, %get3A_553, %get3A_40 : vector<16xf32>
        %max3A_555 = arith.maximumf %max3A_541, %get3A_553 : vector<16xf32>
        %all_reduce_population_count3A_556 = tpu.all_reduce %ge3A_554 {dim = 0 : i64, kind = #tpu.reduction_kind<sum>} : vector<16xi1> -> vector<16xi32>
        %slice3A_557 = vector.extract_strided_slice %all_reduce_population_count3A {offsets = [0], sizes = [1], strides = [1]} : vector<16xi32> to vector<1xi32>
        %squeeze3A_558 = vector.extract %slice3A_557[0] : i32 from vector<1xi32>
        %add3A_559 = arith.addi %scan3A_501, %squeeze3A_558 : i32
        %slice3A_560 = vector.extract_strided_slice %all_reduce_population_count3A_528 {offsets = [0], sizes = [1], strides = [1]} : vector<16xi32> to vector<1xi32>
        %squeeze3A_561 = vector.extract %slice3A_560[0] : i32 from vector<1xi32>
        %add3A_562 = arith.addi %add3A_559, %squeeze3A_561 : i32
        %slice3A_563 = vector.extract_strided_slice %all_reduce_population_count3A_542 {offsets = [0], sizes = [1], strides = [1]} : vector<16xi32> to vector<1xi32>
        %squeeze3A_564 = vector.extract %slice3A_563[0] : i32 from vector<1xi32>
        %add3A_565 = arith.addi %add3A_562, %squeeze3A_564 : i32
        %min3A_566 = arith.constant 4080 : i32
        %min3A_567 = arith.minsi %scan3A_501, %min3A_566 : i32
        %swap3A_568 = arith.index_cast %min3A_567 : i32 to index
        %swap3A_569 = tpu.vector_load %arg8[%swap3A_568] masked %ge3A_514 {strides = array<i32>} : memref<4096xf32, #tpu.memory_space<vmem>>, vector<16xf32>, vector<16xi1>
        tpu.vector_store %arg8[%swap3A_568], %get3A_513 masked %ge3A_514 {strides = array<i32>} : memref<4096xf32, #tpu.memory_space<vmem>>, vector<16xf32>, vector<16xi1>
        %mul3A_570 = arith.constant 4 : i32
        %mul3A_571 = arith.muli %scan3A_500, %mul3A_570 : i32
        %add3A_572 = arith.constant 0 : i32
        %add3A_573 = arith.addi %mul3A_571, %add3A_572 : i32
        %mul3A_574 = arith.constant 16 : i32
        %mul3A_575 = arith.muli %add3A_573, %mul3A_574 : i32
        %add3A_576 = arith.constant 50176 : i32
        %add3A_577 = arith.addi %add3A_576, %mul3A_575 : i32
        %add3A_578 = vector.broadcast %add3A_577 : i32 to vector<16xi32>
        %add3A_579 = arith.addi %add3A_578, %iota3A : vector<16xi32>
        %swap3A_580 = arith.index_cast %min3A_567 : i32 to index
        %swap3A_581 = tpu.vector_load %arg9[%swap3A_580] masked %ge3A_514 {strides = array<i32>} : memref<4096xi32, #tpu.memory_space<vmem>>, vector<16xi32>, vector<16xi1>
        tpu.vector_store %arg9[%swap3A_580], %add3A_579 masked %ge3A_514 {strides = array<i32>} : memref<4096xi32, #tpu.memory_space<vmem>>, vector<16xi32>, vector<16xi1>
        %min3A_582 = arith.constant 4080 : i32
        %min3A_583 = arith.minsi %add3A_559, %min3A_582 : i32
        %swap3A_584 = arith.index_cast %min3A_583 : i32 to index
        %swap3A_585 = tpu.vector_load %arg8[%swap3A_584] masked %ge3A_526 {strides = array<i32>} : memref<4096xf32, #tpu.memory_space<vmem>>, vector<16xf32>, vector<16xi1>
        tpu.vector_store %arg8[%swap3A_584], %get3A_525 masked %ge3A_526 {strides = array<i32>} : memref<4096xf32, #tpu.memory_space<vmem>>, vector<16xf32>, vector<16xi1>
        %mul3A_586 = arith.constant 4 : i32
        %mul3A_587 = arith.muli %scan3A_500, %mul3A_586 : i32
        %add3A_588 = arith.constant 1 : i32
        %add3A_589 = arith.addi %mul3A_587, %add3A_588 : i32
        %mul3A_590 = arith.constant 16 : i32
        %mul3A_591 = arith.muli %add3A_589, %mul3A_590 : i32
        %add3A_592 = arith.constant 50176 : i32
        %add3A_593 = arith.addi %add3A_592, %mul3A_591 : i32
        %add3A_594 = vector.broadcast %add3A_593 : i32 to vector<16xi32>
        %add3A_595 = arith.addi %add3A_594, %iota3A : vector<16xi32>
        %swap3A_596 = arith.index_cast %min3A_583 : i32 to index
        %swap3A_597 = tpu.vector_load %arg9[%swap3A_596] masked %ge3A_526 {strides = array<i32>} : memref<4096xi32, #tpu.memory_space<vmem>>, vector<16xi32>, vector<16xi1>
        tpu.vector_store %arg9[%swap3A_596], %add3A_595 masked %ge3A_526 {strides = array<i32>} : memref<4096xi32, #tpu.memory_space<vmem>>, vector<16xi32>, vector<16xi1>
        %min3A_598 = arith.constant 4080 : i32
        %min3A_599 = arith.minsi %add3A_562, %min3A_598 : i32
        %swap3A_600 = arith.index_cast %min3A_599 : i32 to index
        %swap3A_601 = tpu.vector_load %arg8[%swap3A_600] masked %ge3A_540 {strides = array<i32>} : memref<4096xf32, #tpu.memory_space<vmem>>, vector<16xf32>, vector<16xi1>
        tpu.vector_store %arg8[%swap3A_600], %get3A_539 masked %ge3A_540 {strides = array<i32>} : memref<4096xf32, #tpu.memory_space<vmem>>, vector<16xf32>, vector<16xi1>
        %mul3A_602 = arith.constant 4 : i32
        %mul3A_603 = arith.muli %scan3A_500, %mul3A_602 : i32
        %add3A_604 = arith.constant 2 : i32
        %add3A_605 = arith.addi %mul3A_603, %add3A_604 : i32
        %mul3A_606 = arith.constant 16 : i32
        %mul3A_607 = arith.muli %add3A_605, %mul3A_606 : i32
        %add3A_608 = arith.constant 50176 : i32
        %add3A_609 = arith.addi %add3A_608, %mul3A_607 : i32
        %add3A_610 = vector.broadcast %add3A_609 : i32 to vector<16xi32>
        %add3A_611 = arith.addi %add3A_610, %iota3A : vector<16xi32>
        %swap3A_612 = arith.index_cast %min3A_599 : i32 to index
        %swap3A_613 = tpu.vector_load %arg9[%swap3A_612] masked %ge3A_540 {strides = array<i32>} : memref<4096xi32, #tpu.memory_space<vmem>>, vector<16xi32>, vector<16xi1>
        tpu.vector_store %arg9[%swap3A_612], %add3A_611 masked %ge3A_540 {strides = array<i32>} : memref<4096xi32, #tpu.memory_space<vmem>>, vector<16xi32>, vector<16xi1>
        %min3A_614 = arith.constant 4080 : i32
        %min3A_615 = arith.minsi %add3A_565, %min3A_614 : i32
        %swap3A_616 = arith.index_cast %min3A_615 : i32 to index
        %swap3A_617 = tpu.vector_load %arg8[%swap3A_616] masked %ge3A_554 {strides = array<i32>} : memref<4096xf32, #tpu.memory_space<vmem>>, vector<16xf32>, vector<16xi1>
        tpu.vector_store %arg8[%swap3A_616], %get3A_553 masked %ge3A_554 {strides = array<i32>} : memref<4096xf32, #tpu.memory_space<vmem>>, vector<16xf32>, vector<16xi1>
        %mul3A_618 = arith.constant 4 : i32
        %mul3A_619 = arith.muli %scan3A_500, %mul3A_618 : i32
        %add3A_620 = arith.constant 3 : i32
        %add3A_621 = arith.addi %mul3A_619, %add3A_620 : i32
        %mul3A_622 = arith.constant 16 : i32
        %mul3A_623 = arith.muli %add3A_621, %mul3A_622 : i32
        %add3A_624 = arith.constant 50176 : i32
        %add3A_625 = arith.addi %add3A_624, %mul3A_623 : i32
        %add3A_626 = vector.broadcast %add3A_625 : i32 to vector<16xi32>
        %add3A_627 = arith.addi %add3A_626, %iota3A : vector<16xi32>
        %swap3A_628 = arith.index_cast %min3A_615 : i32 to index
        %swap3A_629 = tpu.vector_load %arg9[%swap3A_628] masked %ge3A_554 {strides = array<i32>} : memref<4096xi32, #tpu.memory_space<vmem>>, vector<16xi32>, vector<16xi1>
        tpu.vector_store %arg9[%swap3A_628], %add3A_627 masked %ge3A_554 {strides = array<i32>} : memref<4096xi32, #tpu.memory_space<vmem>>, vector<16xi32>, vector<16xi1>
        %slice3A_630 = vector.extract_strided_slice %all_reduce_population_count3A_556 {offsets = [0], sizes = [1], strides = [1]} : vector<16xi32> to vector<1xi32>
        %squeeze3A_631 = vector.extract %slice3A_630[0] : i32 from vector<1xi32>
        %add3A_632 = arith.addi %add3A_565, %squeeze3A_631 : i32
        scf.yield %add3A_632, %max3A_555 : i32, vector<16xf32>
      }
      %scan3A_206 = arith.constant 196 : i32
      %dma_wait3A_207 = arith.constant 1 : i32
      %dma_wait3A_208 = arith.constant 0 : i32
      %dma_wait3A_209 = tpu.memref_slice %arg6[%dma_wait3A_207, %dma_wait3A_208] : memref<4x12544xf32, #tpu.memory_space<vmem>> -> memref<1x12544xf32, #tpu.memory_space<vmem>>
      %dma_wait3A_210 = tpu.memref_squeeze %dma_wait3A_209 : memref<1x12544xf32, #tpu.memory_space<vmem>> -> memref<12544xf32, #tpu.memory_space<vmem>>
      %dma_wait3A_211 = arith.constant 62720 : i32
      %dma_wait3A_212 = tpu.memref_slice %arg2[%add3A_38, %dma_wait3A_211] : memref<1024x100352xf32, #tpu.memory_space<hbm>> -> memref<1x12544xf32, #tpu.memory_space<hbm>>
      %dma_wait3A_213 = tpu.memref_squeeze %dma_wait3A_212 : memref<1x12544xf32, #tpu.memory_space<hbm>> -> memref<12544xf32, #tpu.memory_space<hbm>>
      %dma_wait3A_214 = arith.constant 0 : i32
      %dma_wait3A_215 = tpu.memref_slice %arg6[%dma_wait3A_207, %dma_wait3A_214] : memref<4x12544xf32, #tpu.memory_space<vmem>> -> memref<1x12544xf32, #tpu.memory_space<vmem>>
      %dma_wait3A_216 = tpu.memref_squeeze %dma_wait3A_215 : memref<1x12544xf32, #tpu.memory_space<vmem>> -> memref<12544xf32, #tpu.memory_space<vmem>>
      %dma_wait3A_217 = arith.constant 62720 : i32
      %dma_wait3A_218 = tpu.memref_slice %arg2[%add3A_38, %dma_wait3A_217] : memref<1024x100352xf32, #tpu.memory_space<hbm>> -> memref<1x12544xf32, #tpu.memory_space<hbm>>
      %dma_wait3A_219 = tpu.memref_squeeze %dma_wait3A_218 : memref<1x12544xf32, #tpu.memory_space<hbm>> -> memref<12544xf32, #tpu.memory_space<hbm>>
      tpu.wait_dma2 semaphore(%arg15 : memref<!tpu.dma_semaphore, #tpu.memory_space<semaphore_mem>>) src(%dma_wait3A_219 : memref<12544xf32, #tpu.memory_space<hbm>>) dst(%dma_wait3A_216 : memref<12544xf32, #tpu.memory_space<vmem>>)
      %dma_start3A_220 = arith.constant 3 : i32
      %dma_start3A_221 = arith.constant 0 : i32
      %dma_start3A_222 = tpu.memref_slice %arg6[%dma_start3A_220, %dma_start3A_221] : memref<4x12544xf32, #tpu.memory_space<vmem>> -> memref<1x12544xf32, #tpu.memory_space<vmem>>
      %dma_start3A_223 = tpu.memref_squeeze %dma_start3A_222 : memref<1x12544xf32, #tpu.memory_space<vmem>> -> memref<12544xf32, #tpu.memory_space<vmem>>
      %dma_start3A_224 = arith.constant 87808 : i32
      %dma_start3A_225 = tpu.memref_slice %arg2[%add3A_38, %dma_start3A_224] : memref<1024x100352xf32, #tpu.memory_space<hbm>> -> memref<1x12544xf32, #tpu.memory_space<hbm>>
      %dma_start3A_226 = tpu.memref_squeeze %dma_start3A_225 : memref<1x12544xf32, #tpu.memory_space<hbm>> -> memref<12544xf32, #tpu.memory_space<hbm>>
      %dma_start3A_227 = arith.constant 0 : i32
      %dma_start3A_228 = tpu.memref_slice %arg6[%dma_start3A_220, %dma_start3A_227] : memref<4x12544xf32, #tpu.memory_space<vmem>> -> memref<1x12544xf32, #tpu.memory_space<vmem>>
      %dma_start3A_229 = tpu.memref_squeeze %dma_start3A_228 : memref<1x12544xf32, #tpu.memory_space<vmem>> -> memref<12544xf32, #tpu.memory_space<vmem>>
      %dma_start3A_230 = arith.constant 87808 : i32
      %dma_start3A_231 = tpu.memref_slice %arg2[%add3A_38, %dma_start3A_230] : memref<1024x100352xf32, #tpu.memory_space<hbm>> -> memref<1x12544xf32, #tpu.memory_space<hbm>>
      %dma_start3A_232 = tpu.memref_squeeze %dma_start3A_231 : memref<1x12544xf32, #tpu.memory_space<hbm>> -> memref<12544xf32, #tpu.memory_space<hbm>>
      tpu.enqueue_dma source(%dma_start3A_232 : memref<12544xf32, #tpu.memory_space<hbm>>) target(%dma_start3A_229 : memref<12544xf32, #tpu.memory_space<vmem>>) target_semaphore(%arg17 : memref<!tpu.dma_semaphore, #tpu.memory_space<semaphore_mem>>)
      %scan3A_233 = arith.constant 1 : i32
      %scan3A_234 = arith.constant 0 : i32
      %scan3A_235 = arith.constant 196 : i32
      %scan3A_236 = arith.addi %scan3A_234, %scan3A_235 : i32
      %scan3A_237 = arith.constant 1 : i32
      %scan3A_238:2 = scf.for %scan3A_500 = %scan3A_234 to %scan3A_236 step %scan3A_237 iter_args(%scan3A_501 = %scan3A_205#0, %scan3A_502 = %scan3A_205#1) -> (i32, vector<16xf32>)  : i32 {
        %mul3A_503 = arith.constant 4 : i32
        %mul3A_504 = arith.muli %scan3A_500, %mul3A_503 : i32
        %add3A_505 = arith.constant 0 : i32
        %add3A_506 = arith.addi %mul3A_504, %add3A_505 : i32
        %mul3A_507 = arith.constant 16 : i32
        %mul3A_508 = arith.muli %add3A_506, %mul3A_507 : i32
        %get3A_509 = arith.constant 0 : i32
        %get3A_510 = tpu.memref_slice %arg6[%scan3A_233, %get3A_509] : memref<4x12544xf32, #tpu.memory_space<vmem>> -> memref<1x12544xf32, #tpu.memory_space<vmem>>
        %get3A_511 = tpu.memref_squeeze %get3A_510 : memref<1x12544xf32, #tpu.memory_space<vmem>> -> memref<12544xf32, #tpu.memory_space<vmem>>
        %get3A_512 = arith.index_cast %mul3A_508 : i32 to index
        %get3A_513 = tpu.vector_load %get3A_511[%get3A_512] {strides = array<i32>} : memref<12544xf32, #tpu.memory_space<vmem>>, vector<16xf32>,
        %ge3A_514 = arith.cmpf oge, %get3A_513, %get3A_40 : vector<16xf32>
        %max3A = arith.maximumf %scan3A_502, %get3A_513 : vector<16xf32>
        %all_reduce_population_count3A = tpu.all_reduce %ge3A_514 {dim = 0 : i64, kind = #tpu.reduction_kind<sum>} : vector<16xi1> -> vector<16xi32>
        %mul3A_515 = arith.constant 4 : i32
        %mul3A_516 = arith.muli %scan3A_500, %mul3A_515 : i32
        %add3A_517 = arith.constant 1 : i32
        %add3A_518 = arith.addi %mul3A_516, %add3A_517 : i32
        %mul3A_519 = arith.constant 16 : i32
        %mul3A_520 = arith.muli %add3A_518, %mul3A_519 : i32
        %get3A_521 = arith.constant 0 : i32
        %get3A_522 = tpu.memref_slice %arg6[%scan3A_233, %get3A_521] : memref<4x12544xf32, #tpu.memory_space<vmem>> -> memref<1x12544xf32, #tpu.memory_space<vmem>>
        %get3A_523 = tpu.memref_squeeze %get3A_522 : memref<1x12544xf32, #tpu.memory_space<vmem>> -> memref<12544xf32, #tpu.memory_space<vmem>>
        %get3A_524 = arith.index_cast %mul3A_520 : i32 to index
        %get3A_525 = tpu.vector_load %get3A_523[%get3A_524] {strides = array<i32>} : memref<12544xf32, #tpu.memory_space<vmem>>, vector<16xf32>,
        %ge3A_526 = arith.cmpf oge, %get3A_525, %get3A_40 : vector<16xf32>
        %max3A_527 = arith.maximumf %max3A, %get3A_525 : vector<16xf32>
        %all_reduce_population_count3A_528 = tpu.all_reduce %ge3A_526 {dim = 0 : i64, kind = #tpu.reduction_kind<sum>} : vector<16xi1> -> vector<16xi32>
        %mul3A_529 = arith.constant 4 : i32
        %mul3A_530 = arith.muli %scan3A_500, %mul3A_529 : i32
        %add3A_531 = arith.constant 2 : i32
        %add3A_532 = arith.addi %mul3A_530, %add3A_531 : i32
        %mul3A_533 = arith.constant 16 : i32
        %mul3A_534 = arith.muli %add3A_532, %mul3A_533 : i32
        %get3A_535 = arith.constant 0 : i32
        %get3A_536 = tpu.memref_slice %arg6[%scan3A_233, %get3A_535] : memref<4x12544xf32, #tpu.memory_space<vmem>> -> memref<1x12544xf32, #tpu.memory_space<vmem>>
        %get3A_537 = tpu.memref_squeeze %get3A_536 : memref<1x12544xf32, #tpu.memory_space<vmem>> -> memref<12544xf32, #tpu.memory_space<vmem>>
        %get3A_538 = arith.index_cast %mul3A_534 : i32 to index
        %get3A_539 = tpu.vector_load %get3A_537[%get3A_538] {strides = array<i32>} : memref<12544xf32, #tpu.memory_space<vmem>>, vector<16xf32>,
        %ge3A_540 = arith.cmpf oge, %get3A_539, %get3A_40 : vector<16xf32>
        %max3A_541 = arith.maximumf %max3A_527, %get3A_539 : vector<16xf32>
        %all_reduce_population_count3A_542 = tpu.all_reduce %ge3A_540 {dim = 0 : i64, kind = #tpu.reduction_kind<sum>} : vector<16xi1> -> vector<16xi32>
        %mul3A_543 = arith.constant 4 : i32
        %mul3A_544 = arith.muli %scan3A_500, %mul3A_543 : i32
        %add3A_545 = arith.constant 3 : i32
        %add3A_546 = arith.addi %mul3A_544, %add3A_545 : i32
        %mul3A_547 = arith.constant 16 : i32
        %mul3A_548 = arith.muli %add3A_546, %mul3A_547 : i32
        %get3A_549 = arith.constant 0 : i32
        %get3A_550 = tpu.memref_slice %arg6[%scan3A_233, %get3A_549] : memref<4x12544xf32, #tpu.memory_space<vmem>> -> memref<1x12544xf32, #tpu.memory_space<vmem>>
        %get3A_551 = tpu.memref_squeeze %get3A_550 : memref<1x12544xf32, #tpu.memory_space<vmem>> -> memref<12544xf32, #tpu.memory_space<vmem>>
        %get3A_552 = arith.index_cast %mul3A_548 : i32 to index
        %get3A_553 = tpu.vector_load %get3A_551[%get3A_552] {strides = array<i32>} : memref<12544xf32, #tpu.memory_space<vmem>>, vector<16xf32>,
        %ge3A_554 = arith.cmpf oge, %get3A_553, %get3A_40 : vector<16xf32>
        %max3A_555 = arith.maximumf %max3A_541, %get3A_553 : vector<16xf32>
        %all_reduce_population_count3A_556 = tpu.all_reduce %ge3A_554 {dim = 0 : i64, kind = #tpu.reduction_kind<sum>} : vector<16xi1> -> vector<16xi32>
        %slice3A_557 = vector.extract_strided_slice %all_reduce_population_count3A {offsets = [0], sizes = [1], strides = [1]} : vector<16xi32> to vector<1xi32>
        %squeeze3A_558 = vector.extract %slice3A_557[0] : i32 from vector<1xi32>
        %add3A_559 = arith.addi %scan3A_501, %squeeze3A_558 : i32
        %slice3A_560 = vector.extract_strided_slice %all_reduce_population_count3A_528 {offsets = [0], sizes = [1], strides = [1]} : vector<16xi32> to vector<1xi32>
        %squeeze3A_561 = vector.extract %slice3A_560[0] : i32 from vector<1xi32>
        %add3A_562 = arith.addi %add3A_559, %squeeze3A_561 : i32
        %slice3A_563 = vector.extract_strided_slice %all_reduce_population_count3A_542 {offsets = [0], sizes = [1], strides = [1]} : vector<16xi32> to vector<1xi32>
        %squeeze3A_564 = vector.extract %slice3A_563[0] : i32 from vector<1xi32>
        %add3A_565 = arith.addi %add3A_562, %squeeze3A_564 : i32
        %min3A_566 = arith.constant 4080 : i32
        %min3A_567 = arith.minsi %scan3A_501, %min3A_566 : i32
        %swap3A_568 = arith.index_cast %min3A_567 : i32 to index
        %swap3A_569 = tpu.vector_load %arg8[%swap3A_568] masked %ge3A_514 {strides = array<i32>} : memref<4096xf32, #tpu.memory_space<vmem>>, vector<16xf32>, vector<16xi1>
        tpu.vector_store %arg8[%swap3A_568], %get3A_513 masked %ge3A_514 {strides = array<i32>} : memref<4096xf32, #tpu.memory_space<vmem>>, vector<16xf32>, vector<16xi1>
        %mul3A_570 = arith.constant 4 : i32
        %mul3A_571 = arith.muli %scan3A_500, %mul3A_570 : i32
        %add3A_572 = arith.constant 0 : i32
        %add3A_573 = arith.addi %mul3A_571, %add3A_572 : i32
        %mul3A_574 = arith.constant 16 : i32
        %mul3A_575 = arith.muli %add3A_573, %mul3A_574 : i32
        %add3A_576 = arith.constant 62720 : i32
        %add3A_577 = arith.addi %add3A_576, %mul3A_575 : i32
        %add3A_578 = vector.broadcast %add3A_577 : i32 to vector<16xi32>
        %add3A_579 = arith.addi %add3A_578, %iota3A : vector<16xi32>
        %swap3A_580 = arith.index_cast %min3A_567 : i32 to index
        %swap3A_581 = tpu.vector_load %arg9[%swap3A_580] masked %ge3A_514 {strides = array<i32>} : memref<4096xi32, #tpu.memory_space<vmem>>, vector<16xi32>, vector<16xi1>
        tpu.vector_store %arg9[%swap3A_580], %add3A_579 masked %ge3A_514 {strides = array<i32>} : memref<4096xi32, #tpu.memory_space<vmem>>, vector<16xi32>, vector<16xi1>
        %min3A_582 = arith.constant 4080 : i32
        %min3A_583 = arith.minsi %add3A_559, %min3A_582 : i32
        %swap3A_584 = arith.index_cast %min3A_583 : i32 to index
        %swap3A_585 = tpu.vector_load %arg8[%swap3A_584] masked %ge3A_526 {strides = array<i32>} : memref<4096xf32, #tpu.memory_space<vmem>>, vector<16xf32>, vector<16xi1>
        tpu.vector_store %arg8[%swap3A_584], %get3A_525 masked %ge3A_526 {strides = array<i32>} : memref<4096xf32, #tpu.memory_space<vmem>>, vector<16xf32>, vector<16xi1>
        %mul3A_586 = arith.constant 4 : i32
        %mul3A_587 = arith.muli %scan3A_500, %mul3A_586 : i32
        %add3A_588 = arith.constant 1 : i32
        %add3A_589 = arith.addi %mul3A_587, %add3A_588 : i32
        %mul3A_590 = arith.constant 16 : i32
        %mul3A_591 = arith.muli %add3A_589, %mul3A_590 : i32
        %add3A_592 = arith.constant 62720 : i32
        %add3A_593 = arith.addi %add3A_592, %mul3A_591 : i32
        %add3A_594 = vector.broadcast %add3A_593 : i32 to vector<16xi32>
        %add3A_595 = arith.addi %add3A_594, %iota3A : vector<16xi32>
        %swap3A_596 = arith.index_cast %min3A_583 : i32 to index
        %swap3A_597 = tpu.vector_load %arg9[%swap3A_596] masked %ge3A_526 {strides = array<i32>} : memref<4096xi32, #tpu.memory_space<vmem>>, vector<16xi32>, vector<16xi1>
        tpu.vector_store %arg9[%swap3A_596], %add3A_595 masked %ge3A_526 {strides = array<i32>} : memref<4096xi32, #tpu.memory_space<vmem>>, vector<16xi32>, vector<16xi1>
        %min3A_598 = arith.constant 4080 : i32
        %min3A_599 = arith.minsi %add3A_562, %min3A_598 : i32
        %swap3A_600 = arith.index_cast %min3A_599 : i32 to index
        %swap3A_601 = tpu.vector_load %arg8[%swap3A_600] masked %ge3A_540 {strides = array<i32>} : memref<4096xf32, #tpu.memory_space<vmem>>, vector<16xf32>, vector<16xi1>
        tpu.vector_store %arg8[%swap3A_600], %get3A_539 masked %ge3A_540 {strides = array<i32>} : memref<4096xf32, #tpu.memory_space<vmem>>, vector<16xf32>, vector<16xi1>
        %mul3A_602 = arith.constant 4 : i32
        %mul3A_603 = arith.muli %scan3A_500, %mul3A_602 : i32
        %add3A_604 = arith.constant 2 : i32
        %add3A_605 = arith.addi %mul3A_603, %add3A_604 : i32
        %mul3A_606 = arith.constant 16 : i32
        %mul3A_607 = arith.muli %add3A_605, %mul3A_606 : i32
        %add3A_608 = arith.constant 62720 : i32
        %add3A_609 = arith.addi %add3A_608, %mul3A_607 : i32
        %add3A_610 = vector.broadcast %add3A_609 : i32 to vector<16xi32>
        %add3A_611 = arith.addi %add3A_610, %iota3A : vector<16xi32>
        %swap3A_612 = arith.index_cast %min3A_599 : i32 to index
        %swap3A_613 = tpu.vector_load %arg9[%swap3A_612] masked %ge3A_540 {strides = array<i32>} : memref<4096xi32, #tpu.memory_space<vmem>>, vector<16xi32>, vector<16xi1>
        tpu.vector_store %arg9[%swap3A_612], %add3A_611 masked %ge3A_540 {strides = array<i32>} : memref<4096xi32, #tpu.memory_space<vmem>>, vector<16xi32>, vector<16xi1>
        %min3A_614 = arith.constant 4080 : i32
        %min3A_615 = arith.minsi %add3A_565, %min3A_614 : i32
        %swap3A_616 = arith.index_cast %min3A_615 : i32 to index
        %swap3A_617 = tpu.vector_load %arg8[%swap3A_616] masked %ge3A_554 {strides = array<i32>} : memref<4096xf32, #tpu.memory_space<vmem>>, vector<16xf32>, vector<16xi1>
        tpu.vector_store %arg8[%swap3A_616], %get3A_553 masked %ge3A_554 {strides = array<i32>} : memref<4096xf32, #tpu.memory_space<vmem>>, vector<16xf32>, vector<16xi1>
        %mul3A_618 = arith.constant 4 : i32
        %mul3A_619 = arith.muli %scan3A_500, %mul3A_618 : i32
        %add3A_620 = arith.constant 3 : i32
        %add3A_621 = arith.addi %mul3A_619, %add3A_620 : i32
        %mul3A_622 = arith.constant 16 : i32
        %mul3A_623 = arith.muli %add3A_621, %mul3A_622 : i32
        %add3A_624 = arith.constant 62720 : i32
        %add3A_625 = arith.addi %add3A_624, %mul3A_623 : i32
        %add3A_626 = vector.broadcast %add3A_625 : i32 to vector<16xi32>
        %add3A_627 = arith.addi %add3A_626, %iota3A : vector<16xi32>
        %swap3A_628 = arith.index_cast %min3A_615 : i32 to index
        %swap3A_629 = tpu.vector_load %arg9[%swap3A_628] masked %ge3A_554 {strides = array<i32>} : memref<4096xi32, #tpu.memory_space<vmem>>, vector<16xi32>, vector<16xi1>
        tpu.vector_store %arg9[%swap3A_628], %add3A_627 masked %ge3A_554 {strides = array<i32>} : memref<4096xi32, #tpu.memory_space<vmem>>, vector<16xi32>, vector<16xi1>
        %slice3A_630 = vector.extract_strided_slice %all_reduce_population_count3A_556 {offsets = [0], sizes = [1], strides = [1]} : vector<16xi32> to vector<1xi32>
        %squeeze3A_631 = vector.extract %slice3A_630[0] : i32 from vector<1xi32>
        %add3A_632 = arith.addi %add3A_565, %squeeze3A_631 : i32
        scf.yield %add3A_632, %max3A_555 : i32, vector<16xf32>
      }
      %scan3A_239 = arith.constant 196 : i32
      %dma_wait3A_240 = arith.constant 2 : i32
      %dma_wait3A_241 = arith.constant 0 : i32
      %dma_wait3A_242 = tpu.memref_slice %arg6[%dma_wait3A_240, %dma_wait3A_241] : memref<4x12544xf32, #tpu.memory_space<vmem>> -> memref<1x12544xf32, #tpu.memory_space<vmem>>
      %dma_wait3A_243 = tpu.memref_squeeze %dma_wait3A_242 : memref<1x12544xf32, #tpu.memory_space<vmem>> -> memref<12544xf32, #tpu.memory_space<vmem>>
      %dma_wait3A_244 = arith.constant 75264 : i32
      %dma_wait3A_245 = tpu.memref_slice %arg2[%add3A_38, %dma_wait3A_244] : memref<1024x100352xf32, #tpu.memory_space<hbm>> -> memref<1x12544xf32, #tpu.memory_space<hbm>>
      %dma_wait3A_246 = tpu.memref_squeeze %dma_wait3A_245 : memref<1x12544xf32, #tpu.memory_space<hbm>> -> memref<12544xf32, #tpu.memory_space<hbm>>
      %dma_wait3A_247 = arith.constant 0 : i32
      %dma_wait3A_248 = tpu.memref_slice %arg6[%dma_wait3A_240, %dma_wait3A_247] : memref<4x12544xf32, #tpu.memory_space<vmem>> -> memref<1x12544xf32, #tpu.memory_space<vmem>>
      %dma_wait3A_249 = tpu.memref_squeeze %dma_wait3A_248 : memref<1x12544xf32, #tpu.memory_space<vmem>> -> memref<12544xf32, #tpu.memory_space<vmem>>
      %dma_wait3A_250 = arith.constant 75264 : i32
      %dma_wait3A_251 = tpu.memref_slice %arg2[%add3A_38, %dma_wait3A_250] : memref<1024x100352xf32, #tpu.memory_space<hbm>> -> memref<1x12544xf32, #tpu.memory_space<hbm>>
      %dma_wait3A_252 = tpu.memref_squeeze %dma_wait3A_251 : memref<1x12544xf32, #tpu.memory_space<hbm>> -> memref<12544xf32, #tpu.memory_space<hbm>>
      tpu.wait_dma2 semaphore(%arg16 : memref<!tpu.dma_semaphore, #tpu.memory_space<semaphore_mem>>) src(%dma_wait3A_252 : memref<12544xf32, #tpu.memory_space<hbm>>) dst(%dma_wait3A_249 : memref<12544xf32, #tpu.memory_space<vmem>>)
      %add3A_253 = arith.constant 1 : i32
      %add3A_254 = arith.addi %scan3A_36, %add3A_253 : i32
      %lt3A = arith.constant 32 : i32
      %lt3A_255 = arith.cmpi slt, %add3A_254, %lt3A : i32
      %convert_element_type3A = arith.extui %lt3A_255 : i1 to i32
      %cond3A = arith.constant 0 : i32
      %cond3A_256 = arith.cmpi ne, %convert_element_type3A, %cond3A : i32
      scf.if %cond3A_256 {
        %add3A_500 = arith.constant 1 : i32
        %add3A_501 = arith.addi %add3A_38, %add3A_500 : i32
        %dma_start3A_502 = arith.constant 0 : i32
        %dma_start3A_503 = arith.constant 0 : i32
        %dma_start3A_504 = tpu.memref_slice %arg6[%dma_start3A_502, %dma_start3A_503] : memref<4x12544xf32, #tpu.memory_space<vmem>> -> memref<1x12544xf32, #tpu.memory_space<vmem>>
        %dma_start3A_505 = tpu.memref_squeeze %dma_start3A_504 : memref<1x12544xf32, #tpu.memory_space<vmem>> -> memref<12544xf32, #tpu.memory_space<vmem>>
        %dma_start3A_506 = arith.constant 0 : i32
        %dma_start3A_507 = tpu.memref_slice %arg2[%add3A_501, %dma_start3A_506] : memref<1024x100352xf32, #tpu.memory_space<hbm>> -> memref<1x12544xf32, #tpu.memory_space<hbm>>
        %dma_start3A_508 = tpu.memref_squeeze %dma_start3A_507 : memref<1x12544xf32, #tpu.memory_space<hbm>> -> memref<12544xf32, #tpu.memory_space<hbm>>
        %dma_start3A_509 = arith.constant 0 : i32
        %dma_start3A_510 = tpu.memref_slice %arg6[%dma_start3A_502, %dma_start3A_509] : memref<4x12544xf32, #tpu.memory_space<vmem>> -> memref<1x12544xf32, #tpu.memory_space<vmem>>
        %dma_start3A_511 = tpu.memref_squeeze %dma_start3A_510 : memref<1x12544xf32, #tpu.memory_space<vmem>> -> memref<12544xf32, #tpu.memory_space<vmem>>
        %dma_start3A_512 = arith.constant 0 : i32
        %dma_start3A_513 = tpu.memref_slice %arg2[%add3A_501, %dma_start3A_512] : memref<1024x100352xf32, #tpu.memory_space<hbm>> -> memref<1x12544xf32, #tpu.memory_space<hbm>>
        %dma_start3A_514 = tpu.memref_squeeze %dma_start3A_513 : memref<1x12544xf32, #tpu.memory_space<hbm>> -> memref<12544xf32, #tpu.memory_space<hbm>>
        tpu.enqueue_dma source(%dma_start3A_514 : memref<12544xf32, #tpu.memory_space<hbm>>) target(%dma_start3A_511 : memref<12544xf32, #tpu.memory_space<vmem>>) target_semaphore(%arg14 : memref<!tpu.dma_semaphore, #tpu.memory_space<semaphore_mem>>)
      } else {
      }
      %scan3A_257 = arith.constant 2 : i32
      %scan3A_258 = arith.constant 0 : i32
      %scan3A_259 = arith.constant 196 : i32
      %scan3A_260 = arith.addi %scan3A_258, %scan3A_259 : i32
      %scan3A_261 = arith.constant 1 : i32
      %scan3A_262:2 = scf.for %scan3A_500 = %scan3A_258 to %scan3A_260 step %scan3A_261 iter_args(%scan3A_501 = %scan3A_238#0, %scan3A_502 = %scan3A_238#1) -> (i32, vector<16xf32>)  : i32 {
        %mul3A_503 = arith.constant 4 : i32
        %mul3A_504 = arith.muli %scan3A_500, %mul3A_503 : i32
        %add3A_505 = arith.constant 0 : i32
        %add3A_506 = arith.addi %mul3A_504, %add3A_505 : i32
        %mul3A_507 = arith.constant 16 : i32
        %mul3A_508 = arith.muli %add3A_506, %mul3A_507 : i32
        %get3A_509 = arith.constant 0 : i32
        %get3A_510 = tpu.memref_slice %arg6[%scan3A_257, %get3A_509] : memref<4x12544xf32, #tpu.memory_space<vmem>> -> memref<1x12544xf32, #tpu.memory_space<vmem>>
        %get3A_511 = tpu.memref_squeeze %get3A_510 : memref<1x12544xf32, #tpu.memory_space<vmem>> -> memref<12544xf32, #tpu.memory_space<vmem>>
        %get3A_512 = arith.index_cast %mul3A_508 : i32 to index
        %get3A_513 = tpu.vector_load %get3A_511[%get3A_512] {strides = array<i32>} : memref<12544xf32, #tpu.memory_space<vmem>>, vector<16xf32>,
        %ge3A_514 = arith.cmpf oge, %get3A_513, %get3A_40 : vector<16xf32>
        %max3A = arith.maximumf %scan3A_502, %get3A_513 : vector<16xf32>
        %all_reduce_population_count3A = tpu.all_reduce %ge3A_514 {dim = 0 : i64, kind = #tpu.reduction_kind<sum>} : vector<16xi1> -> vector<16xi32>
        %mul3A_515 = arith.constant 4 : i32
        %mul3A_516 = arith.muli %scan3A_500, %mul3A_515 : i32
        %add3A_517 = arith.constant 1 : i32
        %add3A_518 = arith.addi %mul3A_516, %add3A_517 : i32
        %mul3A_519 = arith.constant 16 : i32
        %mul3A_520 = arith.muli %add3A_518, %mul3A_519 : i32
        %get3A_521 = arith.constant 0 : i32
        %get3A_522 = tpu.memref_slice %arg6[%scan3A_257, %get3A_521] : memref<4x12544xf32, #tpu.memory_space<vmem>> -> memref<1x12544xf32, #tpu.memory_space<vmem>>
        %get3A_523 = tpu.memref_squeeze %get3A_522 : memref<1x12544xf32, #tpu.memory_space<vmem>> -> memref<12544xf32, #tpu.memory_space<vmem>>
        %get3A_524 = arith.index_cast %mul3A_520 : i32 to index
        %get3A_525 = tpu.vector_load %get3A_523[%get3A_524] {strides = array<i32>} : memref<12544xf32, #tpu.memory_space<vmem>>, vector<16xf32>,
        %ge3A_526 = arith.cmpf oge, %get3A_525, %get3A_40 : vector<16xf32>
        %max3A_527 = arith.maximumf %max3A, %get3A_525 : vector<16xf32>
        %all_reduce_population_count3A_528 = tpu.all_reduce %ge3A_526 {dim = 0 : i64, kind = #tpu.reduction_kind<sum>} : vector<16xi1> -> vector<16xi32>
        %mul3A_529 = arith.constant 4 : i32
        %mul3A_530 = arith.muli %scan3A_500, %mul3A_529 : i32
        %add3A_531 = arith.constant 2 : i32
        %add3A_532 = arith.addi %mul3A_530, %add3A_531 : i32
        %mul3A_533 = arith.constant 16 : i32
        %mul3A_534 = arith.muli %add3A_532, %mul3A_533 : i32
        %get3A_535 = arith.constant 0 : i32
        %get3A_536 = tpu.memref_slice %arg6[%scan3A_257, %get3A_535] : memref<4x12544xf32, #tpu.memory_space<vmem>> -> memref<1x12544xf32, #tpu.memory_space<vmem>>
        %get3A_537 = tpu.memref_squeeze %get3A_536 : memref<1x12544xf32, #tpu.memory_space<vmem>> -> memref<12544xf32, #tpu.memory_space<vmem>>
        %get3A_538 = arith.index_cast %mul3A_534 : i32 to index
        %get3A_539 = tpu.vector_load %get3A_537[%get3A_538] {strides = array<i32>} : memref<12544xf32, #tpu.memory_space<vmem>>, vector<16xf32>,
        %ge3A_540 = arith.cmpf oge, %get3A_539, %get3A_40 : vector<16xf32>
        %max3A_541 = arith.maximumf %max3A_527, %get3A_539 : vector<16xf32>
        %all_reduce_population_count3A_542 = tpu.all_reduce %ge3A_540 {dim = 0 : i64, kind = #tpu.reduction_kind<sum>} : vector<16xi1> -> vector<16xi32>
        %mul3A_543 = arith.constant 4 : i32
        %mul3A_544 = arith.muli %scan3A_500, %mul3A_543 : i32
        %add3A_545 = arith.constant 3 : i32
        %add3A_546 = arith.addi %mul3A_544, %add3A_545 : i32
        %mul3A_547 = arith.constant 16 : i32
        %mul3A_548 = arith.muli %add3A_546, %mul3A_547 : i32
        %get3A_549 = arith.constant 0 : i32
        %get3A_550 = tpu.memref_slice %arg6[%scan3A_257, %get3A_549] : memref<4x12544xf32, #tpu.memory_space<vmem>> -> memref<1x12544xf32, #tpu.memory_space<vmem>>
        %get3A_551 = tpu.memref_squeeze %get3A_550 : memref<1x12544xf32, #tpu.memory_space<vmem>> -> memref<12544xf32, #tpu.memory_space<vmem>>
        %get3A_552 = arith.index_cast %mul3A_548 : i32 to index
        %get3A_553 = tpu.vector_load %get3A_551[%get3A_552] {strides = array<i32>} : memref<12544xf32, #tpu.memory_space<vmem>>, vector<16xf32>,
        %ge3A_554 = arith.cmpf oge, %get3A_553, %get3A_40 : vector<16xf32>
        %max3A_555 = arith.maximumf %max3A_541, %get3A_553 : vector<16xf32>
        %all_reduce_population_count3A_556 = tpu.all_reduce %ge3A_554 {dim = 0 : i64, kind = #tpu.reduction_kind<sum>} : vector<16xi1> -> vector<16xi32>
        %slice3A_557 = vector.extract_strided_slice %all_reduce_population_count3A {offsets = [0], sizes = [1], strides = [1]} : vector<16xi32> to vector<1xi32>
        %squeeze3A_558 = vector.extract %slice3A_557[0] : i32 from vector<1xi32>
        %add3A_559 = arith.addi %scan3A_501, %squeeze3A_558 : i32
        %slice3A_560 = vector.extract_strided_slice %all_reduce_population_count3A_528 {offsets = [0], sizes = [1], strides = [1]} : vector<16xi32> to vector<1xi32>
        %squeeze3A_561 = vector.extract %slice3A_560[0] : i32 from vector<1xi32>
        %add3A_562 = arith.addi %add3A_559, %squeeze3A_561 : i32
        %slice3A_563 = vector.extract_strided_slice %all_reduce_population_count3A_542 {offsets = [0], sizes = [1], strides = [1]} : vector<16xi32> to vector<1xi32>
        %squeeze3A_564 = vector.extract %slice3A_563[0] : i32 from vector<1xi32>
        %add3A_565 = arith.addi %add3A_562, %squeeze3A_564 : i32
        %min3A_566 = arith.constant 4080 : i32
        %min3A_567 = arith.minsi %scan3A_501, %min3A_566 : i32
        %swap3A_568 = arith.index_cast %min3A_567 : i32 to index
        %swap3A_569 = tpu.vector_load %arg8[%swap3A_568] masked %ge3A_514 {strides = array<i32>} : memref<4096xf32, #tpu.memory_space<vmem>>, vector<16xf32>, vector<16xi1>
        tpu.vector_store %arg8[%swap3A_568], %get3A_513 masked %ge3A_514 {strides = array<i32>} : memref<4096xf32, #tpu.memory_space<vmem>>, vector<16xf32>, vector<16xi1>
        %mul3A_570 = arith.constant 4 : i32
        %mul3A_571 = arith.muli %scan3A_500, %mul3A_570 : i32
        %add3A_572 = arith.constant 0 : i32
        %add3A_573 = arith.addi %mul3A_571, %add3A_572 : i32
        %mul3A_574 = arith.constant 16 : i32
        %mul3A_575 = arith.muli %add3A_573, %mul3A_574 : i32
        %add3A_576 = arith.constant 75264 : i32
        %add3A_577 = arith.addi %add3A_576, %mul3A_575 : i32
        %add3A_578 = vector.broadcast %add3A_577 : i32 to vector<16xi32>
        %add3A_579 = arith.addi %add3A_578, %iota3A : vector<16xi32>
        %swap3A_580 = arith.index_cast %min3A_567 : i32 to index
        %swap3A_581 = tpu.vector_load %arg9[%swap3A_580] masked %ge3A_514 {strides = array<i32>} : memref<4096xi32, #tpu.memory_space<vmem>>, vector<16xi32>, vector<16xi1>
        tpu.vector_store %arg9[%swap3A_580], %add3A_579 masked %ge3A_514 {strides = array<i32>} : memref<4096xi32, #tpu.memory_space<vmem>>, vector<16xi32>, vector<16xi1>
        %min3A_582 = arith.constant 4080 : i32
        %min3A_583 = arith.minsi %add3A_559, %min3A_582 : i32
        %swap3A_584 = arith.index_cast %min3A_583 : i32 to index
        %swap3A_585 = tpu.vector_load %arg8[%swap3A_584] masked %ge3A_526 {strides = array<i32>} : memref<4096xf32, #tpu.memory_space<vmem>>, vector<16xf32>, vector<16xi1>
        tpu.vector_store %arg8[%swap3A_584], %get3A_525 masked %ge3A_526 {strides = array<i32>} : memref<4096xf32, #tpu.memory_space<vmem>>, vector<16xf32>, vector<16xi1>
        %mul3A_586 = arith.constant 4 : i32
        %mul3A_587 = arith.muli %scan3A_500, %mul3A_586 : i32
        %add3A_588 = arith.constant 1 : i32
        %add3A_589 = arith.addi %mul3A_587, %add3A_588 : i32
        %mul3A_590 = arith.constant 16 : i32
        %mul3A_591 = arith.muli %add3A_589, %mul3A_590 : i32
        %add3A_592 = arith.constant 75264 : i32
        %add3A_593 = arith.addi %add3A_592, %mul3A_591 : i32
        %add3A_594 = vector.broadcast %add3A_593 : i32 to vector<16xi32>
        %add3A_595 = arith.addi %add3A_594, %iota3A : vector<16xi32>
        %swap3A_596 = arith.index_cast %min3A_583 : i32 to index
        %swap3A_597 = tpu.vector_load %arg9[%swap3A_596] masked %ge3A_526 {strides = array<i32>} : memref<4096xi32, #tpu.memory_space<vmem>>, vector<16xi32>, vector<16xi1>
        tpu.vector_store %arg9[%swap3A_596], %add3A_595 masked %ge3A_526 {strides = array<i32>} : memref<4096xi32, #tpu.memory_space<vmem>>, vector<16xi32>, vector<16xi1>
        %min3A_598 = arith.constant 4080 : i32
        %min3A_599 = arith.minsi %add3A_562, %min3A_598 : i32
        %swap3A_600 = arith.index_cast %min3A_599 : i32 to index
        %swap3A_601 = tpu.vector_load %arg8[%swap3A_600] masked %ge3A_540 {strides = array<i32>} : memref<4096xf32, #tpu.memory_space<vmem>>, vector<16xf32>, vector<16xi1>
        tpu.vector_store %arg8[%swap3A_600], %get3A_539 masked %ge3A_540 {strides = array<i32>} : memref<4096xf32, #tpu.memory_space<vmem>>, vector<16xf32>, vector<16xi1>
        %mul3A_602 = arith.constant 4 : i32
        %mul3A_603 = arith.muli %scan3A_500, %mul3A_602 : i32
        %add3A_604 = arith.constant 2 : i32
        %add3A_605 = arith.addi %mul3A_603, %add3A_604 : i32
        %mul3A_606 = arith.constant 16 : i32
        %mul3A_607 = arith.muli %add3A_605, %mul3A_606 : i32
        %add3A_608 = arith.constant 75264 : i32
        %add3A_609 = arith.addi %add3A_608, %mul3A_607 : i32
        %add3A_610 = vector.broadcast %add3A_609 : i32 to vector<16xi32>
        %add3A_611 = arith.addi %add3A_610, %iota3A : vector<16xi32>
        %swap3A_612 = arith.index_cast %min3A_599 : i32 to index
        %swap3A_613 = tpu.vector_load %arg9[%swap3A_612] masked %ge3A_540 {strides = array<i32>} : memref<4096xi32, #tpu.memory_space<vmem>>, vector<16xi32>, vector<16xi1>
        tpu.vector_store %arg9[%swap3A_612], %add3A_611 masked %ge3A_540 {strides = array<i32>} : memref<4096xi32, #tpu.memory_space<vmem>>, vector<16xi32>, vector<16xi1>
        %min3A_614 = arith.constant 4080 : i32
        %min3A_615 = arith.minsi %add3A_565, %min3A_614 : i32
        %swap3A_616 = arith.index_cast %min3A_615 : i32 to index
        %swap3A_617 = tpu.vector_load %arg8[%swap3A_616] masked %ge3A_554 {strides = array<i32>} : memref<4096xf32, #tpu.memory_space<vmem>>, vector<16xf32>, vector<16xi1>
        tpu.vector_store %arg8[%swap3A_616], %get3A_553 masked %ge3A_554 {strides = array<i32>} : memref<4096xf32, #tpu.memory_space<vmem>>, vector<16xf32>, vector<16xi1>
        %mul3A_618 = arith.constant 4 : i32
        %mul3A_619 = arith.muli %scan3A_500, %mul3A_618 : i32
        %add3A_620 = arith.constant 3 : i32
        %add3A_621 = arith.addi %mul3A_619, %add3A_620 : i32
        %mul3A_622 = arith.constant 16 : i32
        %mul3A_623 = arith.muli %add3A_621, %mul3A_622 : i32
        %add3A_624 = arith.constant 75264 : i32
        %add3A_625 = arith.addi %add3A_624, %mul3A_623 : i32
        %add3A_626 = vector.broadcast %add3A_625 : i32 to vector<16xi32>
        %add3A_627 = arith.addi %add3A_626, %iota3A : vector<16xi32>
        %swap3A_628 = arith.index_cast %min3A_615 : i32 to index
        %swap3A_629 = tpu.vector_load %arg9[%swap3A_628] masked %ge3A_554 {strides = array<i32>} : memref<4096xi32, #tpu.memory_space<vmem>>, vector<16xi32>, vector<16xi1>
        tpu.vector_store %arg9[%swap3A_628], %add3A_627 masked %ge3A_554 {strides = array<i32>} : memref<4096xi32, #tpu.memory_space<vmem>>, vector<16xi32>, vector<16xi1>
        %slice3A_630 = vector.extract_strided_slice %all_reduce_population_count3A_556 {offsets = [0], sizes = [1], strides = [1]} : vector<16xi32> to vector<1xi32>
        %squeeze3A_631 = vector.extract %slice3A_630[0] : i32 from vector<1xi32>
        %add3A_632 = arith.addi %add3A_565, %squeeze3A_631 : i32
        scf.yield %add3A_632, %max3A_555 : i32, vector<16xf32>
      }
      %scan3A_263 = arith.constant 196 : i32
      %dma_wait3A_264 = arith.constant 3 : i32
      %dma_wait3A_265 = arith.constant 0 : i32
      %dma_wait3A_266 = tpu.memref_slice %arg6[%dma_wait3A_264, %dma_wait3A_265] : memref<4x12544xf32, #tpu.memory_space<vmem>> -> memref<1x12544xf32, #tpu.memory_space<vmem>>
      %dma_wait3A_267 = tpu.memref_squeeze %dma_wait3A_266 : memref<1x12544xf32, #tpu.memory_space<vmem>> -> memref<12544xf32, #tpu.memory_space<vmem>>
      %dma_wait3A_268 = arith.constant 87808 : i32
      %dma_wait3A_269 = tpu.memref_slice %arg2[%add3A_38, %dma_wait3A_268] : memref<1024x100352xf32, #tpu.memory_space<hbm>> -> memref<1x12544xf32, #tpu.memory_space<hbm>>
      %dma_wait3A_270 = tpu.memref_squeeze %dma_wait3A_269 : memref<1x12544xf32, #tpu.memory_space<hbm>> -> memref<12544xf32, #tpu.memory_space<hbm>>
      %dma_wait3A_271 = arith.constant 0 : i32
      %dma_wait3A_272 = tpu.memref_slice %arg6[%dma_wait3A_264, %dma_wait3A_271] : memref<4x12544xf32, #tpu.memory_space<vmem>> -> memref<1x12544xf32, #tpu.memory_space<vmem>>
      %dma_wait3A_273 = tpu.memref_squeeze %dma_wait3A_272 : memref<1x12544xf32, #tpu.memory_space<vmem>> -> memref<12544xf32, #tpu.memory_space<vmem>>
      %dma_wait3A_274 = arith.constant 87808 : i32
      %dma_wait3A_275 = tpu.memref_slice %arg2[%add3A_38, %dma_wait3A_274] : memref<1024x100352xf32, #tpu.memory_space<hbm>> -> memref<1x12544xf32, #tpu.memory_space<hbm>>
      %dma_wait3A_276 = tpu.memref_squeeze %dma_wait3A_275 : memref<1x12544xf32, #tpu.memory_space<hbm>> -> memref<12544xf32, #tpu.memory_space<hbm>>
      tpu.wait_dma2 semaphore(%arg17 : memref<!tpu.dma_semaphore, #tpu.memory_space<semaphore_mem>>) src(%dma_wait3A_276 : memref<12544xf32, #tpu.memory_space<hbm>>) dst(%dma_wait3A_273 : memref<12544xf32, #tpu.memory_space<vmem>>)
      %add3A_277 = arith.constant 1 : i32
      %add3A_278 = arith.addi %scan3A_36, %add3A_277 : i32
      %lt3A_279 = arith.constant 32 : i32
      %lt3A_280 = arith.cmpi slt, %add3A_278, %lt3A_279 : i32
      %convert_element_type3A_281 = arith.extui %lt3A_280 : i1 to i32
      %cond3A_282 = arith.constant 0 : i32
      %cond3A_283 = arith.cmpi ne, %convert_element_type3A_281, %cond3A_282 : i32
      scf.if %cond3A_283 {
        %add3A_500 = arith.constant 1 : i32
        %add3A_501 = arith.addi %add3A_38, %add3A_500 : i32
        %dma_start3A_502 = arith.constant 1 : i32
        %dma_start3A_503 = arith.constant 0 : i32
        %dma_start3A_504 = tpu.memref_slice %arg6[%dma_start3A_502, %dma_start3A_503] : memref<4x12544xf32, #tpu.memory_space<vmem>> -> memref<1x12544xf32, #tpu.memory_space<vmem>>
        %dma_start3A_505 = tpu.memref_squeeze %dma_start3A_504 : memref<1x12544xf32, #tpu.memory_space<vmem>> -> memref<12544xf32, #tpu.memory_space<vmem>>
        %dma_start3A_506 = arith.constant 12544 : i32
        %dma_start3A_507 = tpu.memref_slice %arg2[%add3A_501, %dma_start3A_506] : memref<1024x100352xf32, #tpu.memory_space<hbm>> -> memref<1x12544xf32, #tpu.memory_space<hbm>>
        %dma_start3A_508 = tpu.memref_squeeze %dma_start3A_507 : memref<1x12544xf32, #tpu.memory_space<hbm>> -> memref<12544xf32, #tpu.memory_space<hbm>>
        %dma_start3A_509 = arith.constant 0 : i32
        %dma_start3A_510 = tpu.memref_slice %arg6[%dma_start3A_502, %dma_start3A_509] : memref<4x12544xf32, #tpu.memory_space<vmem>> -> memref<1x12544xf32, #tpu.memory_space<vmem>>
        %dma_start3A_511 = tpu.memref_squeeze %dma_start3A_510 : memref<1x12544xf32, #tpu.memory_space<vmem>> -> memref<12544xf32, #tpu.memory_space<vmem>>
        %dma_start3A_512 = arith.constant 12544 : i32
        %dma_start3A_513 = tpu.memref_slice %arg2[%add3A_501, %dma_start3A_512] : memref<1024x100352xf32, #tpu.memory_space<hbm>> -> memref<1x12544xf32, #tpu.memory_space<hbm>>
        %dma_start3A_514 = tpu.memref_squeeze %dma_start3A_513 : memref<1x12544xf32, #tpu.memory_space<hbm>> -> memref<12544xf32, #tpu.memory_space<hbm>>
        tpu.enqueue_dma source(%dma_start3A_514 : memref<12544xf32, #tpu.memory_space<hbm>>) target(%dma_start3A_511 : memref<12544xf32, #tpu.memory_space<vmem>>) target_semaphore(%arg15 : memref<!tpu.dma_semaphore, #tpu.memory_space<semaphore_mem>>)
      } else {
      }
      %scan3A_284 = arith.constant 3 : i32
      %scan3A_285 = arith.constant 0 : i32
      %scan3A_286 = arith.constant 196 : i32
      %scan3A_287 = arith.addi %scan3A_285, %scan3A_286 : i32
      %scan3A_288 = arith.constant 1 : i32
      %scan3A_289:2 = scf.for %scan3A_500 = %scan3A_285 to %scan3A_287 step %scan3A_288 iter_args(%scan3A_501 = %scan3A_262#0, %scan3A_502 = %scan3A_262#1) -> (i32, vector<16xf32>)  : i32 {
        %mul3A_503 = arith.constant 4 : i32
        %mul3A_504 = arith.muli %scan3A_500, %mul3A_503 : i32
        %add3A_505 = arith.constant 0 : i32
        %add3A_506 = arith.addi %mul3A_504, %add3A_505 : i32
        %mul3A_507 = arith.constant 16 : i32
        %mul3A_508 = arith.muli %add3A_506, %mul3A_507 : i32
        %get3A_509 = arith.constant 0 : i32
        %get3A_510 = tpu.memref_slice %arg6[%scan3A_284, %get3A_509] : memref<4x12544xf32, #tpu.memory_space<vmem>> -> memref<1x12544xf32, #tpu.memory_space<vmem>>
        %get3A_511 = tpu.memref_squeeze %get3A_510 : memref<1x12544xf32, #tpu.memory_space<vmem>> -> memref<12544xf32, #tpu.memory_space<vmem>>
        %get3A_512 = arith.index_cast %mul3A_508 : i32 to index
        %get3A_513 = tpu.vector_load %get3A_511[%get3A_512] {strides = array<i32>} : memref<12544xf32, #tpu.memory_space<vmem>>, vector<16xf32>,
        %ge3A_514 = arith.cmpf oge, %get3A_513, %get3A_40 : vector<16xf32>
        %max3A = arith.maximumf %scan3A_502, %get3A_513 : vector<16xf32>
        %all_reduce_population_count3A = tpu.all_reduce %ge3A_514 {dim = 0 : i64, kind = #tpu.reduction_kind<sum>} : vector<16xi1> -> vector<16xi32>
        %mul3A_515 = arith.constant 4 : i32
        %mul3A_516 = arith.muli %scan3A_500, %mul3A_515 : i32
        %add3A_517 = arith.constant 1 : i32
        %add3A_518 = arith.addi %mul3A_516, %add3A_517 : i32
        %mul3A_519 = arith.constant 16 : i32
        %mul3A_520 = arith.muli %add3A_518, %mul3A_519 : i32
        %get3A_521 = arith.constant 0 : i32
        %get3A_522 = tpu.memref_slice %arg6[%scan3A_284, %get3A_521] : memref<4x12544xf32, #tpu.memory_space<vmem>> -> memref<1x12544xf32, #tpu.memory_space<vmem>>
        %get3A_523 = tpu.memref_squeeze %get3A_522 : memref<1x12544xf32, #tpu.memory_space<vmem>> -> memref<12544xf32, #tpu.memory_space<vmem>>
        %get3A_524 = arith.index_cast %mul3A_520 : i32 to index
        %get3A_525 = tpu.vector_load %get3A_523[%get3A_524] {strides = array<i32>} : memref<12544xf32, #tpu.memory_space<vmem>>, vector<16xf32>,
        %ge3A_526 = arith.cmpf oge, %get3A_525, %get3A_40 : vector<16xf32>
        %max3A_527 = arith.maximumf %max3A, %get3A_525 : vector<16xf32>
        %all_reduce_population_count3A_528 = tpu.all_reduce %ge3A_526 {dim = 0 : i64, kind = #tpu.reduction_kind<sum>} : vector<16xi1> -> vector<16xi32>
        %mul3A_529 = arith.constant 4 : i32
        %mul3A_530 = arith.muli %scan3A_500, %mul3A_529 : i32
        %add3A_531 = arith.constant 2 : i32
        %add3A_532 = arith.addi %mul3A_530, %add3A_531 : i32
        %mul3A_533 = arith.constant 16 : i32
        %mul3A_534 = arith.muli %add3A_532, %mul3A_533 : i32
        %get3A_535 = arith.constant 0 : i32
        %get3A_536 = tpu.memref_slice %arg6[%scan3A_284, %get3A_535] : memref<4x12544xf32, #tpu.memory_space<vmem>> -> memref<1x12544xf32, #tpu.memory_space<vmem>>
        %get3A_537 = tpu.memref_squeeze %get3A_536 : memref<1x12544xf32, #tpu.memory_space<vmem>> -> memref<12544xf32, #tpu.memory_space<vmem>>
        %get3A_538 = arith.index_cast %mul3A_534 : i32 to index
        %get3A_539 = tpu.vector_load %get3A_537[%get3A_538] {strides = array<i32>} : memref<12544xf32, #tpu.memory_space<vmem>>, vector<16xf32>,
        %ge3A_540 = arith.cmpf oge, %get3A_539, %get3A_40 : vector<16xf32>
        %max3A_541 = arith.maximumf %max3A_527, %get3A_539 : vector<16xf32>
        %all_reduce_population_count3A_542 = tpu.all_reduce %ge3A_540 {dim = 0 : i64, kind = #tpu.reduction_kind<sum>} : vector<16xi1> -> vector<16xi32>
        %mul3A_543 = arith.constant 4 : i32
        %mul3A_544 = arith.muli %scan3A_500, %mul3A_543 : i32
        %add3A_545 = arith.constant 3 : i32
        %add3A_546 = arith.addi %mul3A_544, %add3A_545 : i32
        %mul3A_547 = arith.constant 16 : i32
        %mul3A_548 = arith.muli %add3A_546, %mul3A_547 : i32
        %get3A_549 = arith.constant 0 : i32
        %get3A_550 = tpu.memref_slice %arg6[%scan3A_284, %get3A_549] : memref<4x12544xf32, #tpu.memory_space<vmem>> -> memref<1x12544xf32, #tpu.memory_space<vmem>>
        %get3A_551 = tpu.memref_squeeze %get3A_550 : memref<1x12544xf32, #tpu.memory_space<vmem>> -> memref<12544xf32, #tpu.memory_space<vmem>>
        %get3A_552 = arith.index_cast %mul3A_548 : i32 to index
        %get3A_553 = tpu.vector_load %get3A_551[%get3A_552] {strides = array<i32>} : memref<12544xf32, #tpu.memory_space<vmem>>, vector<16xf32>,
        %ge3A_554 = arith.cmpf oge, %get3A_553, %get3A_40 : vector<16xf32>
        %max3A_555 = arith.maximumf %max3A_541, %get3A_553 : vector<16xf32>
        %all_reduce_population_count3A_556 = tpu.all_reduce %ge3A_554 {dim = 0 : i64, kind = #tpu.reduction_kind<sum>} : vector<16xi1> -> vector<16xi32>
        %slice3A_557 = vector.extract_strided_slice %all_reduce_population_count3A {offsets = [0], sizes = [1], strides = [1]} : vector<16xi32> to vector<1xi32>
        %squeeze3A_558 = vector.extract %slice3A_557[0] : i32 from vector<1xi32>
        %add3A_559 = arith.addi %scan3A_501, %squeeze3A_558 : i32
        %slice3A_560 = vector.extract_strided_slice %all_reduce_population_count3A_528 {offsets = [0], sizes = [1], strides = [1]} : vector<16xi32> to vector<1xi32>
        %squeeze3A_561 = vector.extract %slice3A_560[0] : i32 from vector<1xi32>
        %add3A_562 = arith.addi %add3A_559, %squeeze3A_561 : i32
        %slice3A_563 = vector.extract_strided_slice %all_reduce_population_count3A_542 {offsets = [0], sizes = [1], strides = [1]} : vector<16xi32> to vector<1xi32>
        %squeeze3A_564 = vector.extract %slice3A_563[0] : i32 from vector<1xi32>
        %add3A_565 = arith.addi %add3A_562, %squeeze3A_564 : i32
        %min3A_566 = arith.constant 4080 : i32
        %min3A_567 = arith.minsi %scan3A_501, %min3A_566 : i32
        %swap3A_568 = arith.index_cast %min3A_567 : i32 to index
        %swap3A_569 = tpu.vector_load %arg8[%swap3A_568] masked %ge3A_514 {strides = array<i32>} : memref<4096xf32, #tpu.memory_space<vmem>>, vector<16xf32>, vector<16xi1>
        tpu.vector_store %arg8[%swap3A_568], %get3A_513 masked %ge3A_514 {strides = array<i32>} : memref<4096xf32, #tpu.memory_space<vmem>>, vector<16xf32>, vector<16xi1>
        %mul3A_570 = arith.constant 4 : i32
        %mul3A_571 = arith.muli %scan3A_500, %mul3A_570 : i32
        %add3A_572 = arith.constant 0 : i32
        %add3A_573 = arith.addi %mul3A_571, %add3A_572 : i32
        %mul3A_574 = arith.constant 16 : i32
        %mul3A_575 = arith.muli %add3A_573, %mul3A_574 : i32
        %add3A_576 = arith.constant 87808 : i32
        %add3A_577 = arith.addi %add3A_576, %mul3A_575 : i32
        %add3A_578 = vector.broadcast %add3A_577 : i32 to vector<16xi32>
        %add3A_579 = arith.addi %add3A_578, %iota3A : vector<16xi32>
        %swap3A_580 = arith.index_cast %min3A_567 : i32 to index
        %swap3A_581 = tpu.vector_load %arg9[%swap3A_580] masked %ge3A_514 {strides = array<i32>} : memref<4096xi32, #tpu.memory_space<vmem>>, vector<16xi32>, vector<16xi1>
        tpu.vector_store %arg9[%swap3A_580], %add3A_579 masked %ge3A_514 {strides = array<i32>} : memref<4096xi32, #tpu.memory_space<vmem>>, vector<16xi32>, vector<16xi1>
        %min3A_582 = arith.constant 4080 : i32
        %min3A_583 = arith.minsi %add3A_559, %min3A_582 : i32
        %swap3A_584 = arith.index_cast %min3A_583 : i32 to index
        %swap3A_585 = tpu.vector_load %arg8[%swap3A_584] masked %ge3A_526 {strides = array<i32>} : memref<4096xf32, #tpu.memory_space<vmem>>, vector<16xf32>, vector<16xi1>
        tpu.vector_store %arg8[%swap3A_584], %get3A_525 masked %ge3A_526 {strides = array<i32>} : memref<4096xf32, #tpu.memory_space<vmem>>, vector<16xf32>, vector<16xi1>
        %mul3A_586 = arith.constant 4 : i32
        %mul3A_587 = arith.muli %scan3A_500, %mul3A_586 : i32
        %add3A_588 = arith.constant 1 : i32
        %add3A_589 = arith.addi %mul3A_587, %add3A_588 : i32
        %mul3A_590 = arith.constant 16 : i32
        %mul3A_591 = arith.muli %add3A_589, %mul3A_590 : i32
        %add3A_592 = arith.constant 87808 : i32
        %add3A_593 = arith.addi %add3A_592, %mul3A_591 : i32
        %add3A_594 = vector.broadcast %add3A_593 : i32 to vector<16xi32>
        %add3A_595 = arith.addi %add3A_594, %iota3A : vector<16xi32>
        %swap3A_596 = arith.index_cast %min3A_583 : i32 to index
        %swap3A_597 = tpu.vector_load %arg9[%swap3A_596] masked %ge3A_526 {strides = array<i32>} : memref<4096xi32, #tpu.memory_space<vmem>>, vector<16xi32>, vector<16xi1>
        tpu.vector_store %arg9[%swap3A_596], %add3A_595 masked %ge3A_526 {strides = array<i32>} : memref<4096xi32, #tpu.memory_space<vmem>>, vector<16xi32>, vector<16xi1>
        %min3A_598 = arith.constant 4080 : i32
        %min3A_599 = arith.minsi %add3A_562, %min3A_598 : i32
        %swap3A_600 = arith.index_cast %min3A_599 : i32 to index
        %swap3A_601 = tpu.vector_load %arg8[%swap3A_600] masked %ge3A_540 {strides = array<i32>} : memref<4096xf32, #tpu.memory_space<vmem>>, vector<16xf32>, vector<16xi1>
        tpu.vector_store %arg8[%swap3A_600], %get3A_539 masked %ge3A_540 {strides = array<i32>} : memref<4096xf32, #tpu.memory_space<vmem>>, vector<16xf32>, vector<16xi1>
        %mul3A_602 = arith.constant 4 : i32
        %mul3A_603 = arith.muli %scan3A_500, %mul3A_602 : i32
        %add3A_604 = arith.constant 2 : i32
        %add3A_605 = arith.addi %mul3A_603, %add3A_604 : i32
        %mul3A_606 = arith.constant 16 : i32
        %mul3A_607 = arith.muli %add3A_605, %mul3A_606 : i32
        %add3A_608 = arith.constant 87808 : i32
        %add3A_609 = arith.addi %add3A_608, %mul3A_607 : i32
        %add3A_610 = vector.broadcast %add3A_609 : i32 to vector<16xi32>
        %add3A_611 = arith.addi %add3A_610, %iota3A : vector<16xi32>
        %swap3A_612 = arith.index_cast %min3A_599 : i32 to index
        %swap3A_613 = tpu.vector_load %arg9[%swap3A_612] masked %ge3A_540 {strides = array<i32>} : memref<4096xi32, #tpu.memory_space<vmem>>, vector<16xi32>, vector<16xi1>
        tpu.vector_store %arg9[%swap3A_612], %add3A_611 masked %ge3A_540 {strides = array<i32>} : memref<4096xi32, #tpu.memory_space<vmem>>, vector<16xi32>, vector<16xi1>
        %min3A_614 = arith.constant 4080 : i32
        %min3A_615 = arith.minsi %add3A_565, %min3A_614 : i32
        %swap3A_616 = arith.index_cast %min3A_615 : i32 to index
        %swap3A_617 = tpu.vector_load %arg8[%swap3A_616] masked %ge3A_554 {strides = array<i32>} : memref<4096xf32, #tpu.memory_space<vmem>>, vector<16xf32>, vector<16xi1>
        tpu.vector_store %arg8[%swap3A_616], %get3A_553 masked %ge3A_554 {strides = array<i32>} : memref<4096xf32, #tpu.memory_space<vmem>>, vector<16xf32>, vector<16xi1>
        %mul3A_618 = arith.constant 4 : i32
        %mul3A_619 = arith.muli %scan3A_500, %mul3A_618 : i32
        %add3A_620 = arith.constant 3 : i32
        %add3A_621 = arith.addi %mul3A_619, %add3A_620 : i32
        %mul3A_622 = arith.constant 16 : i32
        %mul3A_623 = arith.muli %add3A_621, %mul3A_622 : i32
        %add3A_624 = arith.constant 87808 : i32
        %add3A_625 = arith.addi %add3A_624, %mul3A_623 : i32
        %add3A_626 = vector.broadcast %add3A_625 : i32 to vector<16xi32>
        %add3A_627 = arith.addi %add3A_626, %iota3A : vector<16xi32>
        %swap3A_628 = arith.index_cast %min3A_615 : i32 to index
        %swap3A_629 = tpu.vector_load %arg9[%swap3A_628] masked %ge3A_554 {strides = array<i32>} : memref<4096xi32, #tpu.memory_space<vmem>>, vector<16xi32>, vector<16xi1>
        tpu.vector_store %arg9[%swap3A_628], %add3A_627 masked %ge3A_554 {strides = array<i32>} : memref<4096xi32, #tpu.memory_space<vmem>>, vector<16xi32>, vector<16xi1>
        %slice3A_630 = vector.extract_strided_slice %all_reduce_population_count3A_556 {offsets = [0], sizes = [1], strides = [1]} : vector<16xi32> to vector<1xi32>
        %squeeze3A_631 = vector.extract %slice3A_630[0] : i32 from vector<1xi32>
        %add3A_632 = arith.addi %add3A_565, %squeeze3A_631 : i32
        scf.yield %add3A_632, %max3A_555 : i32, vector<16xf32>
      }
      %scan3A_290 = arith.constant 196 : i32
      %min3A = arith.constant 4032 : i32
      %min3A_291 = arith.minsi %scan3A_289#0, %min3A : i32
      %broadcast_in_dim3A_292 = arith.constant -3.000000e+38 : f32
      %broadcast_in_dim3A_293 = vector.broadcast %broadcast_in_dim3A_292 : f32 to vector<16xf32>
      %add3A_294 = arith.constant 0 : i32
      %add3A_295 = arith.addi %min3A_291, %add3A_294 : i32
      %swap3A = arith.index_cast %add3A_295 : i32 to index
      %swap3A_296 = tpu.vector_load %arg8[%swap3A] masked %ge3A_4 {strides = array<i32>} : memref<4096xf32, #tpu.memory_space<vmem>>, vector<16xf32>, vector<16xi1>
      tpu.vector_store %arg8[%swap3A], %broadcast_in_dim3A_293 masked %ge3A_4 {strides = array<i32>} : memref<4096xf32, #tpu.memory_space<vmem>>, vector<16xf32>, vector<16xi1>
      %add3A_297 = arith.constant 16 : i32
      %add3A_298 = arith.addi %min3A_291, %add3A_297 : i32
      %swap3A_299 = arith.index_cast %add3A_298 : i32 to index
      %swap3A_300 = tpu.vector_load %arg8[%swap3A_299] masked %ge3A_4 {strides = array<i32>} : memref<4096xf32, #tpu.memory_space<vmem>>, vector<16xf32>, vector<16xi1>
      tpu.vector_store %arg8[%swap3A_299], %broadcast_in_dim3A_293 masked %ge3A_4 {strides = array<i32>} : memref<4096xf32, #tpu.memory_space<vmem>>, vector<16xf32>, vector<16xi1>
      %add3A_301 = arith.constant 32 : i32
      %add3A_302 = arith.addi %min3A_291, %add3A_301 : i32
      %swap3A_303 = arith.index_cast %add3A_302 : i32 to index
      %swap3A_304 = tpu.vector_load %arg8[%swap3A_303] masked %ge3A_4 {strides = array<i32>} : memref<4096xf32, #tpu.memory_space<vmem>>, vector<16xf32>, vector<16xi1>
      tpu.vector_store %arg8[%swap3A_303], %broadcast_in_dim3A_293 masked %ge3A_4 {strides = array<i32>} : memref<4096xf32, #tpu.memory_space<vmem>>, vector<16xf32>, vector<16xi1>
      %add3A_305 = arith.constant 48 : i32
      %add3A_306 = arith.addi %min3A_291, %add3A_305 : i32
      %swap3A_307 = arith.index_cast %add3A_306 : i32 to index
      %swap3A_308 = tpu.vector_load %arg8[%swap3A_307] masked %ge3A_4 {strides = array<i32>} : memref<4096xf32, #tpu.memory_space<vmem>>, vector<16xf32>, vector<16xi1>
      tpu.vector_store %arg8[%swap3A_307], %broadcast_in_dim3A_293 masked %ge3A_4 {strides = array<i32>} : memref<4096xf32, #tpu.memory_space<vmem>>, vector<16xf32>, vector<16xi1>
      %add3A_309 = arith.constant 15 : i32
      %add3A_310 = arith.addi %min3A_291, %add3A_309 : i32
      %jit3A = arith.constant 16 : i32
      %div3A = arith.divsi %add3A_310, %jit3A : i32
      %sign3A = arith.constant 0 : i32
      %sign3A_311 = arith.cmpi sgt, %add3A_310, %sign3A : i32
      %sign3A_312 = arith.extui %sign3A_311 : i1 to i32
      %sign3A_313 = arith.constant 0 : i32
      %sign3A_314 = arith.cmpi slt, %add3A_310, %sign3A_313 : i32
      %sign3A_315 = arith.extui %sign3A_314 : i1 to i32
      %sign3A_316 = arith.subi %sign3A_312, %sign3A_315 : i32
      %sign3A_317 = arith.constant 0 : i32
      %sign3A_318 = arith.cmpi sgt, %jit3A, %sign3A_317 : i32
      %sign3A_319 = arith.extui %sign3A_318 : i1 to i32
      %sign3A_320 = arith.constant 0 : i32
      %sign3A_321 = arith.cmpi slt, %jit3A, %sign3A_320 : i32
      %sign3A_322 = arith.extui %sign3A_321 : i1 to i32
      %sign3A_323 = arith.subi %sign3A_319, %sign3A_322 : i32
      %ne3A = arith.cmpi ne, %sign3A_316, %sign3A_323 : i32
      %rem3A = arith.remsi %add3A_310, %jit3A : i32
      %ne3A_324 = arith.constant 0 : i32
      %ne3A_325 = arith.cmpi ne, %rem3A, %ne3A_324 : i32
      %and3A = arith.andi %ne3A, %ne3A_325 : i1
      %sub3A = arith.constant 1 : i32
      %sub3A_326 = arith.subi %div3A, %sub3A : i32
      %select_n3A = arith.select %and3A, %sub3A_326, %div3A : i32
      %add3A_327 = arith.constant 63 : i32
      %add3A_328 = arith.addi %min3A_291, %add3A_327 : i32
      %jit3A_329 = arith.constant 64 : i32
      %div3A_330 = arith.divsi %add3A_328, %jit3A_329 : i32
      %sign3A_331 = arith.constant 0 : i32
      %sign3A_332 = arith.cmpi sgt, %add3A_328, %sign3A_331 : i32
      %sign3A_333 = arith.extui %sign3A_332 : i1 to i32
      %sign3A_334 = arith.constant 0 : i32
      %sign3A_335 = arith.cmpi slt, %add3A_328, %sign3A_334 : i32
      %sign3A_336 = arith.extui %sign3A_335 : i1 to i32
      %sign3A_337 = arith.subi %sign3A_333, %sign3A_336 : i32
      %sign3A_338 = arith.constant 0 : i32
      %sign3A_339 = arith.cmpi sgt, %jit3A_329, %sign3A_338 : i32
      %sign3A_340 = arith.extui %sign3A_339 : i1 to i32
      %sign3A_341 = arith.constant 0 : i32
      %sign3A_342 = arith.cmpi slt, %jit3A_329, %sign3A_341 : i32
      %sign3A_343 = arith.extui %sign3A_342 : i1 to i32
      %sign3A_344 = arith.subi %sign3A_340, %sign3A_343 : i32
      %ne3A_345 = arith.cmpi ne, %sign3A_337, %sign3A_344 : i32
      %rem3A_346 = arith.remsi %add3A_328, %jit3A_329 : i32
      %ne3A_347 = arith.constant 0 : i32
      %ne3A_348 = arith.cmpi ne, %rem3A_346, %ne3A_347 : i32
      %and3A_349 = arith.andi %ne3A_345, %ne3A_348 : i1
      %sub3A_350 = arith.constant 1 : i32
      %sub3A_351 = arith.subi %div3A_330, %sub3A_350 : i32
      %select_n3A_352 = arith.select %and3A_349, %sub3A_351, %div3A_330 : i32
      %reduce_max3A = arith.constant true
      %reduce_max3A_353 = vector.broadcast %reduce_max3A : i1 to vector<16xi1>
      %reduce_max3A_354 = tpu.scan <max>, %scan3A_289#1 masked %reduce_max3A_353 : vector<16xf32>, vector<16xi1> -> vector<16xf32>
      %reduce_max3A_355 = vector.extract %reduce_max3A_354[15] : f32 from vector<16xf32>
      %add3A_356 = arith.constant 1.000000e+00 : f32
      %add3A_357 = arith.addf %reduce_max3A_355, %add3A_356 : f32
      %scan3A_358 = arith.constant 0 : i32
      %scan3A_359 = arith.constant 18 : i32
      %scan3A_360 = arith.addi %scan3A_358, %scan3A_359 : i32
      %scan3A_361 = arith.constant 1 : i32
      %scan3A_362:2 = scf.for %scan3A_500 = %scan3A_358 to %scan3A_360 step %scan3A_361 iter_args(%scan3A_501 = %squeeze3A, %scan3A_502 = %add3A_357) -> (f32, f32)  : i32 {
        %add3A_503 = arith.addf %scan3A_501, %scan3A_502 : f32
        %mul3A_504 = arith.constant 5.000000e-01 : f32
        %mul3A_505 = arith.mulf %mul3A_504, %add3A_503 : f32
        %broadcast_in_dim3A_506 = vector.broadcast %mul3A_505 : f32 to vector<16xf32>
        %broadcast_in_dim3A_507 = arith.constant 0 : i32
        %broadcast_in_dim3A_508 = vector.broadcast %broadcast_in_dim3A_507 : i32 to vector<16xi32>
        %while3A_509 = arith.constant 0 : i32
        %while3A_510 = arith.subi %select_n3A_352, %while3A_509 : i32
        %while3A_511 = arith.addi %while3A_509, %while3A_510 : i32
        %while3A_512 = arith.constant 1 : i32
        %while3A_513 = arith.divsi %while3A_510, %while3A_512 : i32
        %while3A_514 = arith.muli %while3A_513, %while3A_512 : i32
        %while3A_515 = arith.addi %while3A_509, %while3A_514 : i32
        %while3A_516 = arith.constant 1 : i32
        %while3A_517:4 = scf.for %while3A_529 = %while3A_509 to %while3A_515 step %while3A_516 iter_args(%while3A_530 = %broadcast_in_dim3A_508, %while3A_531 = %broadcast_in_dim3A_508, %while3A_532 = %broadcast_in_dim3A_508, %while3A_533 = %broadcast_in_dim3A_508) -> (vector<16xi32>, vector<16xi32>, vector<16xi32>, vector<16xi32>)  : i32 {
          %mul3A_534 = arith.constant 4 : i32
          %mul3A_535 = arith.muli %while3A_529, %mul3A_534 : i32
          %add3A_536 = arith.constant 0 : i32
          %add3A_537 = arith.addi %mul3A_535, %add3A_536 : i32
          %mul3A_538 = arith.constant 16 : i32
          %mul3A_539 = arith.muli %add3A_537, %mul3A_538 : i32
          %get3A_540 = arith.index_cast %mul3A_539 : i32 to index
          %get3A_541 = tpu.vector_load %arg8[%get3A_540] {strides = array<i32>} : memref<4096xf32, #tpu.memory_space<vmem>>, vector<16xf32>,
          %ge3A_542 = arith.cmpf oge, %get3A_541, %broadcast_in_dim3A_506 : vector<16xf32>
          %all_reduce_population_count3A = tpu.all_reduce %ge3A_542 {dim = 0 : i64, kind = #tpu.reduction_kind<sum>} : vector<16xi1> -> vector<16xi32>
          %add3A_543 = arith.addi %while3A_530, %all_reduce_population_count3A : vector<16xi32>
          %mul3A_544 = arith.constant 4 : i32
          %mul3A_545 = arith.muli %while3A_529, %mul3A_544 : i32
          %add3A_546 = arith.constant 1 : i32
          %add3A_547 = arith.addi %mul3A_545, %add3A_546 : i32
          %mul3A_548 = arith.constant 16 : i32
          %mul3A_549 = arith.muli %add3A_547, %mul3A_548 : i32
          %get3A_550 = arith.index_cast %mul3A_549 : i32 to index
          %get3A_551 = tpu.vector_load %arg8[%get3A_550] {strides = array<i32>} : memref<4096xf32, #tpu.memory_space<vmem>>, vector<16xf32>,
          %ge3A_552 = arith.cmpf oge, %get3A_551, %broadcast_in_dim3A_506 : vector<16xf32>
          %all_reduce_population_count3A_553 = tpu.all_reduce %ge3A_552 {dim = 0 : i64, kind = #tpu.reduction_kind<sum>} : vector<16xi1> -> vector<16xi32>
          %add3A_554 = arith.addi %while3A_531, %all_reduce_population_count3A_553 : vector<16xi32>
          %mul3A_555 = arith.constant 4 : i32
          %mul3A_556 = arith.muli %while3A_529, %mul3A_555 : i32
          %add3A_557 = arith.constant 2 : i32
          %add3A_558 = arith.addi %mul3A_556, %add3A_557 : i32
          %mul3A_559 = arith.constant 16 : i32
          %mul3A_560 = arith.muli %add3A_558, %mul3A_559 : i32
          %get3A_561 = arith.index_cast %mul3A_560 : i32 to index
          %get3A_562 = tpu.vector_load %arg8[%get3A_561] {strides = array<i32>} : memref<4096xf32, #tpu.memory_space<vmem>>, vector<16xf32>,
          %ge3A_563 = arith.cmpf oge, %get3A_562, %broadcast_in_dim3A_506 : vector<16xf32>
          %all_reduce_population_count3A_564 = tpu.all_reduce %ge3A_563 {dim = 0 : i64, kind = #tpu.reduction_kind<sum>} : vector<16xi1> -> vector<16xi32>
          %add3A_565 = arith.addi %while3A_532, %all_reduce_population_count3A_564 : vector<16xi32>
          %mul3A_566 = arith.constant 4 : i32
          %mul3A_567 = arith.muli %while3A_529, %mul3A_566 : i32
          %add3A_568 = arith.constant 3 : i32
          %add3A_569 = arith.addi %mul3A_567, %add3A_568 : i32
          %mul3A_570 = arith.constant 16 : i32
          %mul3A_571 = arith.muli %add3A_569, %mul3A_570 : i32
          %get3A_572 = arith.index_cast %mul3A_571 : i32 to index
          %get3A_573 = tpu.vector_load %arg8[%get3A_572] {strides = array<i32>} : memref<4096xf32, #tpu.memory_space<vmem>>, vector<16xf32>,
          %ge3A_574 = arith.cmpf oge, %get3A_573, %broadcast_in_dim3A_506 : vector<16xf32>
          %all_reduce_population_count3A_575 = tpu.all_reduce %ge3A_574 {dim = 0 : i64, kind = #tpu.reduction_kind<sum>} : vector<16xi1> -> vector<16xi32>
          %add3A_576 = arith.addi %while3A_533, %all_reduce_population_count3A_575 : vector<16xi32>
          scf.yield %add3A_543, %add3A_554, %add3A_565, %add3A_576 : vector<16xi32>, vector<16xi32>, vector<16xi32>, vector<16xi32>
        }
        %while3A_518 = arith.constant 1 : i32
        %while3A_519:4 = scf.for %while3A_529 = %while3A_515 to %while3A_511 step %while3A_518 iter_args(%while3A_530 = %while3A_517#0, %while3A_531 = %while3A_517#1, %while3A_532 = %while3A_517#2, %while3A_533 = %while3A_517#3) -> (vector<16xi32>, vector<16xi32>, vector<16xi32>, vector<16xi32>)  : i32 {
          %mul3A_534 = arith.constant 4 : i32
          %mul3A_535 = arith.muli %while3A_529, %mul3A_534 : i32
          %add3A_536 = arith.constant 0 : i32
          %add3A_537 = arith.addi %mul3A_535, %add3A_536 : i32
          %mul3A_538 = arith.constant 16 : i32
          %mul3A_539 = arith.muli %add3A_537, %mul3A_538 : i32
          %get3A_540 = arith.index_cast %mul3A_539 : i32 to index
          %get3A_541 = tpu.vector_load %arg8[%get3A_540] {strides = array<i32>} : memref<4096xf32, #tpu.memory_space<vmem>>, vector<16xf32>,
          %ge3A_542 = arith.cmpf oge, %get3A_541, %broadcast_in_dim3A_506 : vector<16xf32>
          %all_reduce_population_count3A = tpu.all_reduce %ge3A_542 {dim = 0 : i64, kind = #tpu.reduction_kind<sum>} : vector<16xi1> -> vector<16xi32>
          %add3A_543 = arith.addi %while3A_530, %all_reduce_population_count3A : vector<16xi32>
          %mul3A_544 = arith.constant 4 : i32
          %mul3A_545 = arith.muli %while3A_529, %mul3A_544 : i32
          %add3A_546 = arith.constant 1 : i32
          %add3A_547 = arith.addi %mul3A_545, %add3A_546 : i32
          %mul3A_548 = arith.constant 16 : i32
          %mul3A_549 = arith.muli %add3A_547, %mul3A_548 : i32
          %get3A_550 = arith.index_cast %mul3A_549 : i32 to index
          %get3A_551 = tpu.vector_load %arg8[%get3A_550] {strides = array<i32>} : memref<4096xf32, #tpu.memory_space<vmem>>, vector<16xf32>,
          %ge3A_552 = arith.cmpf oge, %get3A_551, %broadcast_in_dim3A_506 : vector<16xf32>
          %all_reduce_population_count3A_553 = tpu.all_reduce %ge3A_552 {dim = 0 : i64, kind = #tpu.reduction_kind<sum>} : vector<16xi1> -> vector<16xi32>
          %add3A_554 = arith.addi %while3A_531, %all_reduce_population_count3A_553 : vector<16xi32>
          %mul3A_555 = arith.constant 4 : i32
          %mul3A_556 = arith.muli %while3A_529, %mul3A_555 : i32
          %add3A_557 = arith.constant 2 : i32
          %add3A_558 = arith.addi %mul3A_556, %add3A_557 : i32
          %mul3A_559 = arith.constant 16 : i32
          %mul3A_560 = arith.muli %add3A_558, %mul3A_559 : i32
          %get3A_561 = arith.index_cast %mul3A_560 : i32 to index
          %get3A_562 = tpu.vector_load %arg8[%get3A_561] {strides = array<i32>} : memref<4096xf32, #tpu.memory_space<vmem>>, vector<16xf32>,
          %ge3A_563 = arith.cmpf oge, %get3A_562, %broadcast_in_dim3A_506 : vector<16xf32>
          %all_reduce_population_count3A_564 = tpu.all_reduce %ge3A_563 {dim = 0 : i64, kind = #tpu.reduction_kind<sum>} : vector<16xi1> -> vector<16xi32>
          %add3A_565 = arith.addi %while3A_532, %all_reduce_population_count3A_564 : vector<16xi32>
          %mul3A_566 = arith.constant 4 : i32
          %mul3A_567 = arith.muli %while3A_529, %mul3A_566 : i32
          %add3A_568 = arith.constant 3 : i32
          %add3A_569 = arith.addi %mul3A_567, %add3A_568 : i32
          %mul3A_570 = arith.constant 16 : i32
          %mul3A_571 = arith.muli %add3A_569, %mul3A_570 : i32
          %get3A_572 = arith.index_cast %mul3A_571 : i32 to index
          %get3A_573 = tpu.vector_load %arg8[%get3A_572] {strides = array<i32>} : memref<4096xf32, #tpu.memory_space<vmem>>, vector<16xf32>,
          %ge3A_574 = arith.cmpf oge, %get3A_573, %broadcast_in_dim3A_506 : vector<16xf32>
          %all_reduce_population_count3A_575 = tpu.all_reduce %ge3A_574 {dim = 0 : i64, kind = #tpu.reduction_kind<sum>} : vector<16xi1> -> vector<16xi32>
          %add3A_576 = arith.addi %while3A_533, %all_reduce_population_count3A_575 : vector<16xi32>
          scf.yield %add3A_543, %add3A_554, %add3A_565, %add3A_576 : vector<16xi32>, vector<16xi32>, vector<16xi32>, vector<16xi32>
        }
        %add3A_520 = arith.addi %while3A_519#0, %while3A_519#1 : vector<16xi32>
        %add3A_521 = arith.addi %while3A_519#2, %while3A_519#3 : vector<16xi32>
        %add3A_522 = arith.addi %add3A_520, %add3A_521 : vector<16xi32>
        %slice3A_523 = vector.extract_strided_slice %add3A_522 {offsets = [0], sizes = [1], strides = [1]} : vector<16xi32> to vector<1xi32>
        %squeeze3A_524 = vector.extract %slice3A_523[0] : i32 from vector<1xi32>
        %ge3A_525 = arith.constant 112 : i32
        %ge3A_526 = arith.cmpi sge, %squeeze3A_524, %ge3A_525 : i32
        %select_n3A_527 = arith.select %ge3A_526, %mul3A_505, %scan3A_501 : f32
        %select_n3A_528 = arith.select %ge3A_526, %scan3A_502, %mul3A_505 : f32
        scf.yield %select_n3A_527, %select_n3A_528 : f32, f32
      }
      %scan3A_363 = arith.constant 18 : i32
      %broadcast_in_dim3A_364 = vector.broadcast %scan3A_362#0 : f32 to vector<16xf32>
      %while3A = arith.constant 0 : i32
      %while3A_365 = arith.constant 0 : i32
      %while3A_366 = arith.subi %select_n3A, %while3A : i32
      %while3A_367 = arith.addi %while3A, %while3A_366 : i32
      %while3A_368 = arith.constant 1 : i32
      %while3A_369 = arith.divsi %while3A_366, %while3A_368 : i32
      %while3A_370 = arith.muli %while3A_369, %while3A_368 : i32
      %while3A_371 = arith.addi %while3A, %while3A_370 : i32
      %while3A_372 = arith.constant 1 : i32
      %while3A_373 = scf.for %while3A_500 = %while3A to %while3A_371 step %while3A_372 iter_args(%while3A_501 = %while3A_365) -> (i32)  : i32 {
        %mul3A_502 = arith.constant 16 : i32
        %mul3A_503 = arith.muli %while3A_500, %mul3A_502 : i32
        %get3A_504 = arith.index_cast %mul3A_503 : i32 to index
        %get3A_505 = tpu.vector_load %arg8[%get3A_504] {strides = array<i32>} : memref<4096xf32, #tpu.memory_space<vmem>>, vector<16xf32>,
        %mul3A_506 = arith.constant 16 : i32
        %mul3A_507 = arith.muli %while3A_500, %mul3A_506 : i32
        %get3A_508 = arith.index_cast %mul3A_507 : i32 to index
        %get3A_509 = tpu.vector_load %arg9[%get3A_508] {strides = array<i32>} : memref<4096xi32, #tpu.memory_space<vmem>>, vector<16xi32>,
        %ge3A_510 = arith.cmpf oge, %get3A_505, %broadcast_in_dim3A_364 : vector<16xf32>
        %min3A_511 = arith.constant 496 : i32
        %min3A_512 = arith.minsi %while3A_501, %min3A_511 : i32
        %swap3A_513 = arith.index_cast %min3A_512 : i32 to index
        %swap3A_514 = tpu.vector_load %arg10[%swap3A_513] masked %ge3A_510 {strides = array<i32>} : memref<512xf32, #tpu.memory_space<vmem>>, vector<16xf32>, vector<16xi1>
        tpu.vector_store %arg10[%swap3A_513], %get3A_505 masked %ge3A_510 {strides = array<i32>} : memref<512xf32, #tpu.memory_space<vmem>>, vector<16xf32>, vector<16xi1>
        %swap3A_515 = arith.index_cast %min3A_512 : i32 to index
        %swap3A_516 = tpu.vector_load %arg11[%swap3A_515] masked %ge3A_510 {strides = array<i32>} : memref<512xi32, #tpu.memory_space<vmem>>, vector<16xi32>, vector<16xi1>
        tpu.vector_store %arg11[%swap3A_515], %get3A_509 masked %ge3A_510 {strides = array<i32>} : memref<512xi32, #tpu.memory_space<vmem>>, vector<16xi32>, vector<16xi1>
        %all_reduce_population_count3A = tpu.all_reduce %ge3A_510 {dim = 0 : i64, kind = #tpu.reduction_kind<sum>} : vector<16xi1> -> vector<16xi32>
        %slice3A_517 = vector.extract_strided_slice %all_reduce_population_count3A {offsets = [0], sizes = [1], strides = [1]} : vector<16xi32> to vector<1xi32>
        %squeeze3A_518 = vector.extract %slice3A_517[0] : i32 from vector<1xi32>
        %add3A_519 = arith.addi %while3A_501, %squeeze3A_518 : i32
        scf.yield %add3A_519 : i32
      }
      %while3A_374 = arith.constant 1 : i32
      %while3A_375 = scf.for %while3A_500 = %while3A_371 to %while3A_367 step %while3A_374 iter_args(%while3A_501 = %while3A_373) -> (i32)  : i32 {
        %mul3A_502 = arith.constant 16 : i32
        %mul3A_503 = arith.muli %while3A_500, %mul3A_502 : i32
        %get3A_504 = arith.index_cast %mul3A_503 : i32 to index
        %get3A_505 = tpu.vector_load %arg8[%get3A_504] {strides = array<i32>} : memref<4096xf32, #tpu.memory_space<vmem>>, vector<16xf32>,
        %mul3A_506 = arith.constant 16 : i32
        %mul3A_507 = arith.muli %while3A_500, %mul3A_506 : i32
        %get3A_508 = arith.index_cast %mul3A_507 : i32 to index
        %get3A_509 = tpu.vector_load %arg9[%get3A_508] {strides = array<i32>} : memref<4096xi32, #tpu.memory_space<vmem>>, vector<16xi32>,
        %ge3A_510 = arith.cmpf oge, %get3A_505, %broadcast_in_dim3A_364 : vector<16xf32>
        %min3A_511 = arith.constant 496 : i32
        %min3A_512 = arith.minsi %while3A_501, %min3A_511 : i32
        %swap3A_513 = arith.index_cast %min3A_512 : i32 to index
        %swap3A_514 = tpu.vector_load %arg10[%swap3A_513] masked %ge3A_510 {strides = array<i32>} : memref<512xf32, #tpu.memory_space<vmem>>, vector<16xf32>, vector<16xi1>
        tpu.vector_store %arg10[%swap3A_513], %get3A_505 masked %ge3A_510 {strides = array<i32>} : memref<512xf32, #tpu.memory_space<vmem>>, vector<16xf32>, vector<16xi1>
        %swap3A_515 = arith.index_cast %min3A_512 : i32 to index
        %swap3A_516 = tpu.vector_load %arg11[%swap3A_515] masked %ge3A_510 {strides = array<i32>} : memref<512xi32, #tpu.memory_space<vmem>>, vector<16xi32>, vector<16xi1>
        tpu.vector_store %arg11[%swap3A_515], %get3A_509 masked %ge3A_510 {strides = array<i32>} : memref<512xi32, #tpu.memory_space<vmem>>, vector<16xi32>, vector<16xi1>
        %all_reduce_population_count3A = tpu.all_reduce %ge3A_510 {dim = 0 : i64, kind = #tpu.reduction_kind<sum>} : vector<16xi1> -> vector<16xi32>
        %slice3A_517 = vector.extract_strided_slice %all_reduce_population_count3A {offsets = [0], sizes = [1], strides = [1]} : vector<16xi32> to vector<1xi32>
        %squeeze3A_518 = vector.extract %slice3A_517[0] : i32 from vector<1xi32>
        %add3A_519 = arith.addi %while3A_501, %squeeze3A_518 : i32
        scf.yield %add3A_519 : i32
      }
      %min3A_376 = arith.constant 480 : i32
      %min3A_377 = arith.minsi %while3A_375, %min3A_376 : i32
      %add3A_378 = arith.constant 0 : i32
      %add3A_379 = arith.addi %min3A_377, %add3A_378 : i32
      %broadcast_in_dim3A_380 = arith.constant -3.000000e+38 : f32
      %broadcast_in_dim3A_381 = vector.broadcast %broadcast_in_dim3A_380 : f32 to vector<16xf32>
      %swap3A_382 = arith.index_cast %add3A_379 : i32 to index
      %swap3A_383 = tpu.vector_load %arg10[%swap3A_382] masked %ge3A_4 {strides = array<i32>} : memref<512xf32, #tpu.memory_space<vmem>>, vector<16xf32>, vector<16xi1>
      tpu.vector_store %arg10[%swap3A_382], %broadcast_in_dim3A_381 masked %ge3A_4 {strides = array<i32>} : memref<512xf32, #tpu.memory_space<vmem>>, vector<16xf32>, vector<16xi1>
      %add3A_384 = arith.constant 16 : i32
      %add3A_385 = arith.addi %min3A_377, %add3A_384 : i32
      %broadcast_in_dim3A_386 = arith.constant -3.000000e+38 : f32
      %broadcast_in_dim3A_387 = vector.broadcast %broadcast_in_dim3A_386 : f32 to vector<16xf32>
      %swap3A_388 = arith.index_cast %add3A_385 : i32 to index
      %swap3A_389 = tpu.vector_load %arg10[%swap3A_388] masked %ge3A_4 {strides = array<i32>} : memref<512xf32, #tpu.memory_space<vmem>>, vector<16xf32>, vector<16xi1>
      tpu.vector_store %arg10[%swap3A_388], %broadcast_in_dim3A_387 masked %ge3A_4 {strides = array<i32>} : memref<512xf32, #tpu.memory_space<vmem>>, vector<16xf32>, vector<16xi1>
      %add3A_390 = arith.constant 31 : i32
      %add3A_391 = arith.addi %min3A_377, %add3A_390 : i32
      %jit3A_392 = arith.constant 32 : i32
      %div3A_393 = arith.divsi %add3A_391, %jit3A_392 : i32
      %sign3A_394 = arith.constant 0 : i32
      %sign3A_395 = arith.cmpi sgt, %add3A_391, %sign3A_394 : i32
      %sign3A_396 = arith.extui %sign3A_395 : i1 to i32
      %sign3A_397 = arith.constant 0 : i32
      %sign3A_398 = arith.cmpi slt, %add3A_391, %sign3A_397 : i32
      %sign3A_399 = arith.extui %sign3A_398 : i1 to i32
      %sign3A_400 = arith.subi %sign3A_396, %sign3A_399 : i32
      %sign3A_401 = arith.constant 0 : i32
      %sign3A_402 = arith.cmpi sgt, %jit3A_392, %sign3A_401 : i32
      %sign3A_403 = arith.extui %sign3A_402 : i1 to i32
      %sign3A_404 = arith.constant 0 : i32
      %sign3A_405 = arith.cmpi slt, %jit3A_392, %sign3A_404 : i32
      %sign3A_406 = arith.extui %sign3A_405 : i1 to i32
      %sign3A_407 = arith.subi %sign3A_403, %sign3A_406 : i32
      %ne3A_408 = arith.cmpi ne, %sign3A_400, %sign3A_407 : i32
      %rem3A_409 = arith.remsi %add3A_391, %jit3A_392 : i32
      %ne3A_410 = arith.constant 0 : i32
      %ne3A_411 = arith.cmpi ne, %rem3A_409, %ne3A_410 : i32
      %and3A_412 = arith.andi %ne3A_408, %ne3A_411 : i1
      %sub3A_413 = arith.constant 1 : i32
      %sub3A_414 = arith.subi %div3A_393, %sub3A_413 : i32
      %select_n3A_415 = arith.select %and3A_412, %sub3A_414, %div3A_393 : i32
      %broadcast_in_dim3A_416 = arith.constant -3.000000e+38 : f32
      %broadcast_in_dim3A_417 = vector.broadcast %broadcast_in_dim3A_416 : f32 to vector<16xf32>
      %broadcast_in_dim3A_418 = arith.constant 1073741824 : i32
      %broadcast_in_dim3A_419 = vector.broadcast %broadcast_in_dim3A_418 : i32 to vector<16xi32>
      %add3A_420 = arith.constant 1.000000e+00 : f32
      %add3A_421 = arith.addf %reduce_max3A_355, %add3A_420 : f32
      %broadcast_in_dim3A_422 = arith.constant 0 : i32
      %broadcast_in_dim3A_423 = vector.broadcast %broadcast_in_dim3A_422 : i32 to vector<16xi32>
      %scan3A_424 = arith.constant -1 : i32
      %scan3A_425 = arith.constant 0 : i32
      %scan3A_426 = arith.constant 16 : i32
      %scan3A_427 = arith.addi %scan3A_425, %scan3A_426 : i32
      %scan3A_428 = arith.constant 1 : i32
      %scan3A_429:3 = scf.for %scan3A_500 = %scan3A_425 to %scan3A_427 step %scan3A_428 iter_args(%scan3A_501 = %add3A_421, %scan3A_502 = %scan3A_424, %scan3A_503 = %broadcast_in_dim3A_423) -> (f32, i32, vector<16xi32>)  : i32 {
        %broadcast_in_dim3A_504 = vector.broadcast %scan3A_501 : f32 to vector<16xf32>
        %broadcast_in_dim3A_505 = vector.broadcast %scan3A_502 : i32 to vector<16xi32>
        %while3A_506 = arith.constant 0 : i32
        %while3A_507 = arith.subi %select_n3A_415, %while3A_506 : i32
        %while3A_508 = arith.addi %while3A_506, %while3A_507 : i32
        %while3A_509 = arith.constant 1 : i32
        %while3A_510 = arith.divsi %while3A_507, %while3A_509 : i32
        %while3A_511 = arith.muli %while3A_510, %while3A_509 : i32
        %while3A_512 = arith.addi %while3A_506, %while3A_511 : i32
        %while3A_513 = arith.constant 1 : i32
        %while3A_514:2 = scf.for %while3A_536 = %while3A_506 to %while3A_512 step %while3A_513 iter_args(%while3A_537 = %broadcast_in_dim3A_417, %while3A_538 = %broadcast_in_dim3A_419) -> (vector<16xf32>, vector<16xi32>)  : i32 {
          %mul3A_539 = arith.constant 2 : i32
          %mul3A_540 = arith.muli %while3A_536, %mul3A_539 : i32
          %add3A_541 = arith.constant 0 : i32
          %add3A_542 = arith.addi %mul3A_540, %add3A_541 : i32
          %mul3A_543 = arith.constant 16 : i32
          %mul3A_544 = arith.muli %add3A_542, %mul3A_543 : i32
          %get3A_545 = arith.index_cast %mul3A_544 : i32 to index
          %get3A_546 = tpu.vector_load %arg10[%get3A_545] {strides = array<i32>} : memref<512xf32, #tpu.memory_space<vmem>>, vector<16xf32>,
          %mul3A_547 = arith.constant 2 : i32
          %mul3A_548 = arith.muli %while3A_536, %mul3A_547 : i32
          %add3A_549 = arith.constant 0 : i32
          %add3A_550 = arith.addi %mul3A_548, %add3A_549 : i32
          %mul3A_551 = arith.constant 16 : i32
          %mul3A_552 = arith.muli %add3A_550, %mul3A_551 : i32
          %get3A_553 = arith.index_cast %mul3A_552 : i32 to index
          %get3A_554 = tpu.vector_load %arg11[%get3A_553] {strides = array<i32>} : memref<512xi32, #tpu.memory_space<vmem>>, vector<16xi32>,
          %lt3A_555 = arith.cmpf olt, %get3A_546, %broadcast_in_dim3A_504 : vector<16xf32>
          %eq3A_556 = arith.cmpf oeq, %get3A_546, %broadcast_in_dim3A_504 : vector<16xf32>
          %gt3A = arith.cmpi sgt, %get3A_554, %broadcast_in_dim3A_505 : vector<16xi32>
          %and3A_557 = arith.andi %eq3A_556, %gt3A : vector<16xi1>
          %or3A = arith.ori %lt3A_555, %and3A_557 : vector<16xi1>
          %select_n3A_558 = arith.select %or3A, %get3A_546, %broadcast_in_dim3A_417 : vector<16xi1>, vector<16xf32>
          %select_n3A_559 = arith.select %or3A, %get3A_554, %broadcast_in_dim3A_419 : vector<16xi1>, vector<16xi32>
          %mul3A_560 = arith.constant 2 : i32
          %mul3A_561 = arith.muli %while3A_536, %mul3A_560 : i32
          %add3A_562 = arith.constant 1 : i32
          %add3A_563 = arith.addi %mul3A_561, %add3A_562 : i32
          %mul3A_564 = arith.constant 16 : i32
          %mul3A_565 = arith.muli %add3A_563, %mul3A_564 : i32
          %get3A_566 = arith.index_cast %mul3A_565 : i32 to index
          %get3A_567 = tpu.vector_load %arg10[%get3A_566] {strides = array<i32>} : memref<512xf32, #tpu.memory_space<vmem>>, vector<16xf32>,
          %mul3A_568 = arith.constant 2 : i32
          %mul3A_569 = arith.muli %while3A_536, %mul3A_568 : i32
          %add3A_570 = arith.constant 1 : i32
          %add3A_571 = arith.addi %mul3A_569, %add3A_570 : i32
          %mul3A_572 = arith.constant 16 : i32
          %mul3A_573 = arith.muli %add3A_571, %mul3A_572 : i32
          %get3A_574 = arith.index_cast %mul3A_573 : i32 to index
          %get3A_575 = tpu.vector_load %arg11[%get3A_574] {strides = array<i32>} : memref<512xi32, #tpu.memory_space<vmem>>, vector<16xi32>,
          %lt3A_576 = arith.cmpf olt, %get3A_567, %broadcast_in_dim3A_504 : vector<16xf32>
          %eq3A_577 = arith.cmpf oeq, %get3A_567, %broadcast_in_dim3A_504 : vector<16xf32>
          %gt3A_578 = arith.cmpi sgt, %get3A_575, %broadcast_in_dim3A_505 : vector<16xi32>
          %and3A_579 = arith.andi %eq3A_577, %gt3A_578 : vector<16xi1>
          %or3A_580 = arith.ori %lt3A_576, %and3A_579 : vector<16xi1>
          %select_n3A_581 = arith.select %or3A_580, %get3A_567, %broadcast_in_dim3A_417 : vector<16xi1>, vector<16xf32>
          %select_n3A_582 = arith.select %or3A_580, %get3A_575, %broadcast_in_dim3A_419 : vector<16xi1>, vector<16xi32>
          %gt3A_583 = arith.cmpf ogt, %select_n3A_581, %select_n3A_558 : vector<16xf32>
          %eq3A_584 = arith.cmpf oeq, %select_n3A_581, %select_n3A_558 : vector<16xf32>
          %lt3A_585 = arith.cmpi slt, %select_n3A_582, %select_n3A_559 : vector<16xi32>
          %and3A_586 = arith.andi %eq3A_584, %lt3A_585 : vector<16xi1>
          %or3A_587 = arith.ori %gt3A_583, %and3A_586 : vector<16xi1>
          %select_n3A_588 = arith.select %or3A_587, %select_n3A_581, %select_n3A_558 : vector<16xi1>, vector<16xf32>
          %select_n3A_589 = arith.select %or3A_587, %select_n3A_582, %select_n3A_559 : vector<16xi1>, vector<16xi32>
          %gt3A_590 = arith.cmpf ogt, %select_n3A_588, %while3A_537 : vector<16xf32>
          %eq3A_591 = arith.cmpf oeq, %select_n3A_588, %while3A_537 : vector<16xf32>
          %lt3A_592 = arith.cmpi slt, %select_n3A_589, %while3A_538 : vector<16xi32>
          %and3A_593 = arith.andi %eq3A_591, %lt3A_592 : vector<16xi1>
          %or3A_594 = arith.ori %gt3A_590, %and3A_593 : vector<16xi1>
          %select_n3A_595 = arith.select %or3A_594, %select_n3A_588, %while3A_537 : vector<16xi1>, vector<16xf32>
          %select_n3A_596 = arith.select %or3A_594, %select_n3A_589, %while3A_538 : vector<16xi1>, vector<16xi32>
          scf.yield %select_n3A_595, %select_n3A_596 : vector<16xf32>, vector<16xi32>
        }
        %while3A_515 = arith.constant 1 : i32
        %while3A_516:2 = scf.for %while3A_536 = %while3A_512 to %while3A_508 step %while3A_515 iter_args(%while3A_537 = %while3A_514#0, %while3A_538 = %while3A_514#1) -> (vector<16xf32>, vector<16xi32>)  : i32 {
          %mul3A_539 = arith.constant 2 : i32
          %mul3A_540 = arith.muli %while3A_536, %mul3A_539 : i32
          %add3A_541 = arith.constant 0 : i32
          %add3A_542 = arith.addi %mul3A_540, %add3A_541 : i32
          %mul3A_543 = arith.constant 16 : i32
          %mul3A_544 = arith.muli %add3A_542, %mul3A_543 : i32
          %get3A_545 = arith.index_cast %mul3A_544 : i32 to index
          %get3A_546 = tpu.vector_load %arg10[%get3A_545] {strides = array<i32>} : memref<512xf32, #tpu.memory_space<vmem>>, vector<16xf32>,
          %mul3A_547 = arith.constant 2 : i32
          %mul3A_548 = arith.muli %while3A_536, %mul3A_547 : i32
          %add3A_549 = arith.constant 0 : i32
          %add3A_550 = arith.addi %mul3A_548, %add3A_549 : i32
          %mul3A_551 = arith.constant 16 : i32
          %mul3A_552 = arith.muli %add3A_550, %mul3A_551 : i32
          %get3A_553 = arith.index_cast %mul3A_552 : i32 to index
          %get3A_554 = tpu.vector_load %arg11[%get3A_553] {strides = array<i32>} : memref<512xi32, #tpu.memory_space<vmem>>, vector<16xi32>,
          %lt3A_555 = arith.cmpf olt, %get3A_546, %broadcast_in_dim3A_504 : vector<16xf32>
          %eq3A_556 = arith.cmpf oeq, %get3A_546, %broadcast_in_dim3A_504 : vector<16xf32>
          %gt3A = arith.cmpi sgt, %get3A_554, %broadcast_in_dim3A_505 : vector<16xi32>
          %and3A_557 = arith.andi %eq3A_556, %gt3A : vector<16xi1>
          %or3A = arith.ori %lt3A_555, %and3A_557 : vector<16xi1>
          %select_n3A_558 = arith.select %or3A, %get3A_546, %broadcast_in_dim3A_417 : vector<16xi1>, vector<16xf32>
          %select_n3A_559 = arith.select %or3A, %get3A_554, %broadcast_in_dim3A_419 : vector<16xi1>, vector<16xi32>
          %mul3A_560 = arith.constant 2 : i32
          %mul3A_561 = arith.muli %while3A_536, %mul3A_560 : i32
          %add3A_562 = arith.constant 1 : i32
          %add3A_563 = arith.addi %mul3A_561, %add3A_562 : i32
          %mul3A_564 = arith.constant 16 : i32
          %mul3A_565 = arith.muli %add3A_563, %mul3A_564 : i32
          %get3A_566 = arith.index_cast %mul3A_565 : i32 to index
          %get3A_567 = tpu.vector_load %arg10[%get3A_566] {strides = array<i32>} : memref<512xf32, #tpu.memory_space<vmem>>, vector<16xf32>,
          %mul3A_568 = arith.constant 2 : i32
          %mul3A_569 = arith.muli %while3A_536, %mul3A_568 : i32
          %add3A_570 = arith.constant 1 : i32
          %add3A_571 = arith.addi %mul3A_569, %add3A_570 : i32
          %mul3A_572 = arith.constant 16 : i32
          %mul3A_573 = arith.muli %add3A_571, %mul3A_572 : i32
          %get3A_574 = arith.index_cast %mul3A_573 : i32 to index
          %get3A_575 = tpu.vector_load %arg11[%get3A_574] {strides = array<i32>} : memref<512xi32, #tpu.memory_space<vmem>>, vector<16xi32>,
          %lt3A_576 = arith.cmpf olt, %get3A_567, %broadcast_in_dim3A_504 : vector<16xf32>
          %eq3A_577 = arith.cmpf oeq, %get3A_567, %broadcast_in_dim3A_504 : vector<16xf32>
          %gt3A_578 = arith.cmpi sgt, %get3A_575, %broadcast_in_dim3A_505 : vector<16xi32>
          %and3A_579 = arith.andi %eq3A_577, %gt3A_578 : vector<16xi1>
          %or3A_580 = arith.ori %lt3A_576, %and3A_579 : vector<16xi1>
          %select_n3A_581 = arith.select %or3A_580, %get3A_567, %broadcast_in_dim3A_417 : vector<16xi1>, vector<16xf32>
          %select_n3A_582 = arith.select %or3A_580, %get3A_575, %broadcast_in_dim3A_419 : vector<16xi1>, vector<16xi32>
          %gt3A_583 = arith.cmpf ogt, %select_n3A_581, %select_n3A_558 : vector<16xf32>
          %eq3A_584 = arith.cmpf oeq, %select_n3A_581, %select_n3A_558 : vector<16xf32>
          %lt3A_585 = arith.cmpi slt, %select_n3A_582, %select_n3A_559 : vector<16xi32>
          %and3A_586 = arith.andi %eq3A_584, %lt3A_585 : vector<16xi1>
          %or3A_587 = arith.ori %gt3A_583, %and3A_586 : vector<16xi1>
          %select_n3A_588 = arith.select %or3A_587, %select_n3A_581, %select_n3A_558 : vector<16xi1>, vector<16xf32>
          %select_n3A_589 = arith.select %or3A_587, %select_n3A_582, %select_n3A_559 : vector<16xi1>, vector<16xi32>
          %gt3A_590 = arith.cmpf ogt, %select_n3A_588, %while3A_537 : vector<16xf32>
          %eq3A_591 = arith.cmpf oeq, %select_n3A_588, %while3A_537 : vector<16xf32>
          %lt3A_592 = arith.cmpi slt, %select_n3A_589, %while3A_538 : vector<16xi32>
          %and3A_593 = arith.andi %eq3A_591, %lt3A_592 : vector<16xi1>
          %or3A_594 = arith.ori %gt3A_590, %and3A_593 : vector<16xi1>
          %select_n3A_595 = arith.select %or3A_594, %select_n3A_588, %while3A_537 : vector<16xi1>, vector<16xf32>
          %select_n3A_596 = arith.select %or3A_594, %select_n3A_589, %while3A_538 : vector<16xi1>, vector<16xi32>
          scf.yield %select_n3A_595, %select_n3A_596 : vector<16xf32>, vector<16xi32>
        }
        %reduce_max3A_517 = arith.constant true
        %reduce_max3A_518 = vector.broadcast %reduce_max3A_517 : i1 to vector<16xi1>
        %reduce_max3A_519 = tpu.scan <max>, %while3A_516#0 masked %reduce_max3A_518 : vector<16xf32>, vector<16xi1> -> vector<16xf32>
        %reduce_max3A_520 = vector.extract %reduce_max3A_519[15] : f32 from vector<16xf32>
        %broadcast_in_dim3A_521 = vector.broadcast %reduce_max3A_520 : f32 to vector<16xf32>
        %eq3A = arith.cmpf oeq, %while3A_516#0, %broadcast_in_dim3A_521 : vector<16xf32>
        %broadcast_in_dim3A_522 = arith.constant 1073741824 : i32
        %broadcast_in_dim3A_523 = vector.broadcast %broadcast_in_dim3A_522 : i32 to vector<16xi32>
        %select_n3A_524 = arith.select %eq3A, %while3A_516#1, %broadcast_in_dim3A_523 : vector<16xi1>, vector<16xi32>
        %reduce_min3A = arith.constant true
        %reduce_min3A_525 = vector.broadcast %reduce_min3A : i1 to vector<16xi1>
        %reduce_min3A_526 = arith.constant -2147483648 : i32
        %reduce_min3A_527 = vector.broadcast %reduce_min3A_526 : i32 to vector<16xi32>
        %reduce_min3A_528 = arith.xori %select_n3A_524, %reduce_min3A_527 : vector<16xi32>
        %reduce_min3A_529 = tpu.scan <min>, %reduce_min3A_528 masked %reduce_min3A_525 : vector<16xi32>, vector<16xi1> -> vector<16xi32>
        %reduce_min3A_530 = arith.xori %reduce_min3A_529, %reduce_min3A_527 : vector<16xi32>
        %reduce_min3A_531 = vector.extract %reduce_min3A_530[15] : i32 from vector<16xi32>
        %broadcast_in_dim3A_532 = vector.broadcast %scan3A_500 : i32 to vector<16xi32>
        %eq3A_533 = arith.cmpi eq, %iota3A, %broadcast_in_dim3A_532 : vector<16xi32>
        %broadcast_in_dim3A_534 = vector.broadcast %reduce_min3A_531 : i32 to vector<16xi32>
        %select_n3A_535 = arith.select %eq3A_533, %broadcast_in_dim3A_534, %scan3A_503 : vector<16xi1>, vector<16xi32>
        scf.yield %reduce_max3A_520, %reduce_min3A_531, %select_n3A_535 : f32, i32, vector<16xi32>
      }
      %scan3A_430 = arith.constant 16 : i32
      %swap3A_431 = arith.constant 0 : index
      %swap3A_432 = tpu.vector_load %arg12[%swap3A_431] {strides = array<i32>} : memref<112xi32, #tpu.memory_space<vmem>>, vector<16xi32>,
      tpu.vector_store %arg12[%swap3A_431], %scan3A_429#2 {strides = array<i32>} : memref<112xi32, #tpu.memory_space<vmem>>, vector<16xi32>,
      %broadcast_in_dim3A_433 = arith.constant 0 : i32
      %broadcast_in_dim3A_434 = vector.broadcast %broadcast_in_dim3A_433 : i32 to vector<16xi32>
      %scan3A_435 = arith.constant 0 : i32
      %scan3A_436 = arith.constant 16 : i32
      %scan3A_437 = arith.addi %scan3A_435, %scan3A_436 : i32
      %scan3A_438 = arith.constant 1 : i32
      %scan3A_439:3 = scf.for %scan3A_500 = %scan3A_435 to %scan3A_437 step %scan3A_438 iter_args(%scan3A_501 = %scan3A_429#0, %scan3A_502 = %scan3A_429#1, %scan3A_503 = %broadcast_in_dim3A_434) -> (f32, i32, vector<16xi32>)  : i32 {
        %broadcast_in_dim3A_504 = vector.broadcast %scan3A_501 : f32 to vector<16xf32>
        %broadcast_in_dim3A_505 = vector.broadcast %scan3A_502 : i32 to vector<16xi32>
        %while3A_506 = arith.constant 0 : i32
        %while3A_507 = arith.subi %select_n3A_415, %while3A_506 : i32
        %while3A_508 = arith.addi %while3A_506, %while3A_507 : i32
        %while3A_509 = arith.constant 1 : i32
        %while3A_510 = arith.divsi %while3A_507, %while3A_509 : i32
        %while3A_511 = arith.muli %while3A_510, %while3A_509 : i32
        %while3A_512 = arith.addi %while3A_506, %while3A_511 : i32
        %while3A_513 = arith.constant 1 : i32
        %while3A_514:2 = scf.for %while3A_536 = %while3A_506 to %while3A_512 step %while3A_513 iter_args(%while3A_537 = %broadcast_in_dim3A_417, %while3A_538 = %broadcast_in_dim3A_419) -> (vector<16xf32>, vector<16xi32>)  : i32 {
          %mul3A_539 = arith.constant 2 : i32
          %mul3A_540 = arith.muli %while3A_536, %mul3A_539 : i32
          %add3A_541 = arith.constant 0 : i32
          %add3A_542 = arith.addi %mul3A_540, %add3A_541 : i32
          %mul3A_543 = arith.constant 16 : i32
          %mul3A_544 = arith.muli %add3A_542, %mul3A_543 : i32
          %get3A_545 = arith.index_cast %mul3A_544 : i32 to index
          %get3A_546 = tpu.vector_load %arg10[%get3A_545] {strides = array<i32>} : memref<512xf32, #tpu.memory_space<vmem>>, vector<16xf32>,
          %mul3A_547 = arith.constant 2 : i32
          %mul3A_548 = arith.muli %while3A_536, %mul3A_547 : i32
          %add3A_549 = arith.constant 0 : i32
          %add3A_550 = arith.addi %mul3A_548, %add3A_549 : i32
          %mul3A_551 = arith.constant 16 : i32
          %mul3A_552 = arith.muli %add3A_550, %mul3A_551 : i32
          %get3A_553 = arith.index_cast %mul3A_552 : i32 to index
          %get3A_554 = tpu.vector_load %arg11[%get3A_553] {strides = array<i32>} : memref<512xi32, #tpu.memory_space<vmem>>, vector<16xi32>,
          %lt3A_555 = arith.cmpf olt, %get3A_546, %broadcast_in_dim3A_504 : vector<16xf32>
          %eq3A_556 = arith.cmpf oeq, %get3A_546, %broadcast_in_dim3A_504 : vector<16xf32>
          %gt3A = arith.cmpi sgt, %get3A_554, %broadcast_in_dim3A_505 : vector<16xi32>
          %and3A_557 = arith.andi %eq3A_556, %gt3A : vector<16xi1>
          %or3A = arith.ori %lt3A_555, %and3A_557 : vector<16xi1>
          %select_n3A_558 = arith.select %or3A, %get3A_546, %broadcast_in_dim3A_417 : vector<16xi1>, vector<16xf32>
          %select_n3A_559 = arith.select %or3A, %get3A_554, %broadcast_in_dim3A_419 : vector<16xi1>, vector<16xi32>
          %mul3A_560 = arith.constant 2 : i32
          %mul3A_561 = arith.muli %while3A_536, %mul3A_560 : i32
          %add3A_562 = arith.constant 1 : i32
          %add3A_563 = arith.addi %mul3A_561, %add3A_562 : i32
          %mul3A_564 = arith.constant 16 : i32
          %mul3A_565 = arith.muli %add3A_563, %mul3A_564 : i32
          %get3A_566 = arith.index_cast %mul3A_565 : i32 to index
          %get3A_567 = tpu.vector_load %arg10[%get3A_566] {strides = array<i32>} : memref<512xf32, #tpu.memory_space<vmem>>, vector<16xf32>,
          %mul3A_568 = arith.constant 2 : i32
          %mul3A_569 = arith.muli %while3A_536, %mul3A_568 : i32
          %add3A_570 = arith.constant 1 : i32
          %add3A_571 = arith.addi %mul3A_569, %add3A_570 : i32
          %mul3A_572 = arith.constant 16 : i32
          %mul3A_573 = arith.muli %add3A_571, %mul3A_572 : i32
          %get3A_574 = arith.index_cast %mul3A_573 : i32 to index
          %get3A_575 = tpu.vector_load %arg11[%get3A_574] {strides = array<i32>} : memref<512xi32, #tpu.memory_space<vmem>>, vector<16xi32>,
          %lt3A_576 = arith.cmpf olt, %get3A_567, %broadcast_in_dim3A_504 : vector<16xf32>
          %eq3A_577 = arith.cmpf oeq, %get3A_567, %broadcast_in_dim3A_504 : vector<16xf32>
          %gt3A_578 = arith.cmpi sgt, %get3A_575, %broadcast_in_dim3A_505 : vector<16xi32>
          %and3A_579 = arith.andi %eq3A_577, %gt3A_578 : vector<16xi1>
          %or3A_580 = arith.ori %lt3A_576, %and3A_579 : vector<16xi1>
          %select_n3A_581 = arith.select %or3A_580, %get3A_567, %broadcast_in_dim3A_417 : vector<16xi1>, vector<16xf32>
          %select_n3A_582 = arith.select %or3A_580, %get3A_575, %broadcast_in_dim3A_419 : vector<16xi1>, vector<16xi32>
          %gt3A_583 = arith.cmpf ogt, %select_n3A_581, %select_n3A_558 : vector<16xf32>
          %eq3A_584 = arith.cmpf oeq, %select_n3A_581, %select_n3A_558 : vector<16xf32>
          %lt3A_585 = arith.cmpi slt, %select_n3A_582, %select_n3A_559 : vector<16xi32>
          %and3A_586 = arith.andi %eq3A_584, %lt3A_585 : vector<16xi1>
          %or3A_587 = arith.ori %gt3A_583, %and3A_586 : vector<16xi1>
          %select_n3A_588 = arith.select %or3A_587, %select_n3A_581, %select_n3A_558 : vector<16xi1>, vector<16xf32>
          %select_n3A_589 = arith.select %or3A_587, %select_n3A_582, %select_n3A_559 : vector<16xi1>, vector<16xi32>
          %gt3A_590 = arith.cmpf ogt, %select_n3A_588, %while3A_537 : vector<16xf32>
          %eq3A_591 = arith.cmpf oeq, %select_n3A_588, %while3A_537 : vector<16xf32>
          %lt3A_592 = arith.cmpi slt, %select_n3A_589, %while3A_538 : vector<16xi32>
          %and3A_593 = arith.andi %eq3A_591, %lt3A_592 : vector<16xi1>
          %or3A_594 = arith.ori %gt3A_590, %and3A_593 : vector<16xi1>
          %select_n3A_595 = arith.select %or3A_594, %select_n3A_588, %while3A_537 : vector<16xi1>, vector<16xf32>
          %select_n3A_596 = arith.select %or3A_594, %select_n3A_589, %while3A_538 : vector<16xi1>, vector<16xi32>
          scf.yield %select_n3A_595, %select_n3A_596 : vector<16xf32>, vector<16xi32>
        }
        %while3A_515 = arith.constant 1 : i32
        %while3A_516:2 = scf.for %while3A_536 = %while3A_512 to %while3A_508 step %while3A_515 iter_args(%while3A_537 = %while3A_514#0, %while3A_538 = %while3A_514#1) -> (vector<16xf32>, vector<16xi32>)  : i32 {
          %mul3A_539 = arith.constant 2 : i32
          %mul3A_540 = arith.muli %while3A_536, %mul3A_539 : i32
          %add3A_541 = arith.constant 0 : i32
          %add3A_542 = arith.addi %mul3A_540, %add3A_541 : i32
          %mul3A_543 = arith.constant 16 : i32
          %mul3A_544 = arith.muli %add3A_542, %mul3A_543 : i32
          %get3A_545 = arith.index_cast %mul3A_544 : i32 to index
          %get3A_546 = tpu.vector_load %arg10[%get3A_545] {strides = array<i32>} : memref<512xf32, #tpu.memory_space<vmem>>, vector<16xf32>,
          %mul3A_547 = arith.constant 2 : i32
          %mul3A_548 = arith.muli %while3A_536, %mul3A_547 : i32
          %add3A_549 = arith.constant 0 : i32
          %add3A_550 = arith.addi %mul3A_548, %add3A_549 : i32
          %mul3A_551 = arith.constant 16 : i32
          %mul3A_552 = arith.muli %add3A_550, %mul3A_551 : i32
          %get3A_553 = arith.index_cast %mul3A_552 : i32 to index
          %get3A_554 = tpu.vector_load %arg11[%get3A_553] {strides = array<i32>} : memref<512xi32, #tpu.memory_space<vmem>>, vector<16xi32>,
          %lt3A_555 = arith.cmpf olt, %get3A_546, %broadcast_in_dim3A_504 : vector<16xf32>
          %eq3A_556 = arith.cmpf oeq, %get3A_546, %broadcast_in_dim3A_504 : vector<16xf32>
          %gt3A = arith.cmpi sgt, %get3A_554, %broadcast_in_dim3A_505 : vector<16xi32>
          %and3A_557 = arith.andi %eq3A_556, %gt3A : vector<16xi1>
          %or3A = arith.ori %lt3A_555, %and3A_557 : vector<16xi1>
          %select_n3A_558 = arith.select %or3A, %get3A_546, %broadcast_in_dim3A_417 : vector<16xi1>, vector<16xf32>
          %select_n3A_559 = arith.select %or3A, %get3A_554, %broadcast_in_dim3A_419 : vector<16xi1>, vector<16xi32>
          %mul3A_560 = arith.constant 2 : i32
          %mul3A_561 = arith.muli %while3A_536, %mul3A_560 : i32
          %add3A_562 = arith.constant 1 : i32
          %add3A_563 = arith.addi %mul3A_561, %add3A_562 : i32
          %mul3A_564 = arith.constant 16 : i32
          %mul3A_565 = arith.muli %add3A_563, %mul3A_564 : i32
          %get3A_566 = arith.index_cast %mul3A_565 : i32 to index
          %get3A_567 = tpu.vector_load %arg10[%get3A_566] {strides = array<i32>} : memref<512xf32, #tpu.memory_space<vmem>>, vector<16xf32>,
          %mul3A_568 = arith.constant 2 : i32
          %mul3A_569 = arith.muli %while3A_536, %mul3A_568 : i32
          %add3A_570 = arith.constant 1 : i32
          %add3A_571 = arith.addi %mul3A_569, %add3A_570 : i32
          %mul3A_572 = arith.constant 16 : i32
          %mul3A_573 = arith.muli %add3A_571, %mul3A_572 : i32
          %get3A_574 = arith.index_cast %mul3A_573 : i32 to index
          %get3A_575 = tpu.vector_load %arg11[%get3A_574] {strides = array<i32>} : memref<512xi32, #tpu.memory_space<vmem>>, vector<16xi32>,
          %lt3A_576 = arith.cmpf olt, %get3A_567, %broadcast_in_dim3A_504 : vector<16xf32>
          %eq3A_577 = arith.cmpf oeq, %get3A_567, %broadcast_in_dim3A_504 : vector<16xf32>
          %gt3A_578 = arith.cmpi sgt, %get3A_575, %broadcast_in_dim3A_505 : vector<16xi32>
          %and3A_579 = arith.andi %eq3A_577, %gt3A_578 : vector<16xi1>
          %or3A_580 = arith.ori %lt3A_576, %and3A_579 : vector<16xi1>
          %select_n3A_581 = arith.select %or3A_580, %get3A_567, %broadcast_in_dim3A_417 : vector<16xi1>, vector<16xf32>
          %select_n3A_582 = arith.select %or3A_580, %get3A_575, %broadcast_in_dim3A_419 : vector<16xi1>, vector<16xi32>
          %gt3A_583 = arith.cmpf ogt, %select_n3A_581, %select_n3A_558 : vector<16xf32>
          %eq3A_584 = arith.cmpf oeq, %select_n3A_581, %select_n3A_558 : vector<16xf32>
          %lt3A_585 = arith.cmpi slt, %select_n3A_582, %select_n3A_559 : vector<16xi32>
          %and3A_586 = arith.andi %eq3A_584, %lt3A_585 : vector<16xi1>
          %or3A_587 = arith.ori %gt3A_583, %and3A_586 : vector<16xi1>
          %select_n3A_588 = arith.select %or3A_587, %select_n3A_581, %select_n3A_558 : vector<16xi1>, vector<16xf32>
          %select_n3A_589 = arith.select %or3A_587, %select_n3A_582, %select_n3A_559 : vector<16xi1>, vector<16xi32>
          %gt3A_590 = arith.cmpf ogt, %select_n3A_588, %while3A_537 : vector<16xf32>
          %eq3A_591 = arith.cmpf oeq, %select_n3A_588, %while3A_537 : vector<16xf32>
          %lt3A_592 = arith.cmpi slt, %select_n3A_589, %while3A_538 : vector<16xi32>
          %and3A_593 = arith.andi %eq3A_591, %lt3A_592 : vector<16xi1>
          %or3A_594 = arith.ori %gt3A_590, %and3A_593 : vector<16xi1>
          %select_n3A_595 = arith.select %or3A_594, %select_n3A_588, %while3A_537 : vector<16xi1>, vector<16xf32>
          %select_n3A_596 = arith.select %or3A_594, %select_n3A_589, %while3A_538 : vector<16xi1>, vector<16xi32>
          scf.yield %select_n3A_595, %select_n3A_596 : vector<16xf32>, vector<16xi32>
        }
        %reduce_max3A_517 = arith.constant true
        %reduce_max3A_518 = vector.broadcast %reduce_max3A_517 : i1 to vector<16xi1>
        %reduce_max3A_519 = tpu.scan <max>, %while3A_516#0 masked %reduce_max3A_518 : vector<16xf32>, vector<16xi1> -> vector<16xf32>
        %reduce_max3A_520 = vector.extract %reduce_max3A_519[15] : f32 from vector<16xf32>
        %broadcast_in_dim3A_521 = vector.broadcast %reduce_max3A_520 : f32 to vector<16xf32>
        %eq3A = arith.cmpf oeq, %while3A_516#0, %broadcast_in_dim3A_521 : vector<16xf32>
        %broadcast_in_dim3A_522 = arith.constant 1073741824 : i32
        %broadcast_in_dim3A_523 = vector.broadcast %broadcast_in_dim3A_522 : i32 to vector<16xi32>
        %select_n3A_524 = arith.select %eq3A, %while3A_516#1, %broadcast_in_dim3A_523 : vector<16xi1>, vector<16xi32>
        %reduce_min3A = arith.constant true
        %reduce_min3A_525 = vector.broadcast %reduce_min3A : i1 to vector<16xi1>
        %reduce_min3A_526 = arith.constant -2147483648 : i32
        %reduce_min3A_527 = vector.broadcast %reduce_min3A_526 : i32 to vector<16xi32>
        %reduce_min3A_528 = arith.xori %select_n3A_524, %reduce_min3A_527 : vector<16xi32>
        %reduce_min3A_529 = tpu.scan <min>, %reduce_min3A_528 masked %reduce_min3A_525 : vector<16xi32>, vector<16xi1> -> vector<16xi32>
        %reduce_min3A_530 = arith.xori %reduce_min3A_529, %reduce_min3A_527 : vector<16xi32>
        %reduce_min3A_531 = vector.extract %reduce_min3A_530[15] : i32 from vector<16xi32>
        %broadcast_in_dim3A_532 = vector.broadcast %scan3A_500 : i32 to vector<16xi32>
        %eq3A_533 = arith.cmpi eq, %iota3A, %broadcast_in_dim3A_532 : vector<16xi32>
        %broadcast_in_dim3A_534 = vector.broadcast %reduce_min3A_531 : i32 to vector<16xi32>
        %select_n3A_535 = arith.select %eq3A_533, %broadcast_in_dim3A_534, %scan3A_503 : vector<16xi1>, vector<16xi32>
        scf.yield %reduce_max3A_520, %reduce_min3A_531, %select_n3A_535 : f32, i32, vector<16xi32>
      }
      %scan3A_440 = arith.constant 16 : i32
      %swap3A_441 = arith.constant 16 : index
      %swap3A_442 = tpu.vector_load %arg12[%swap3A_441] {strides = array<i32>} : memref<112xi32, #tpu.memory_space<vmem>>, vector<16xi32>,
      tpu.vector_store %arg12[%swap3A_441], %scan3A_439#2 {strides = array<i32>} : memref<112xi32, #tpu.memory_space<vmem>>, vector<16xi32>,
      %broadcast_in_dim3A_443 = arith.constant 0 : i32
      %broadcast_in_dim3A_444 = vector.broadcast %broadcast_in_dim3A_443 : i32 to vector<16xi32>
      %scan3A_445 = arith.constant 0 : i32
      %scan3A_446 = arith.constant 16 : i32
      %scan3A_447 = arith.addi %scan3A_445, %scan3A_446 : i32
      %scan3A_448 = arith.constant 1 : i32
      %scan3A_449:3 = scf.for %scan3A_500 = %scan3A_445 to %scan3A_447 step %scan3A_448 iter_args(%scan3A_501 = %scan3A_439#0, %scan3A_502 = %scan3A_439#1, %scan3A_503 = %broadcast_in_dim3A_444) -> (f32, i32, vector<16xi32>)  : i32 {
        %broadcast_in_dim3A_504 = vector.broadcast %scan3A_501 : f32 to vector<16xf32>
        %broadcast_in_dim3A_505 = vector.broadcast %scan3A_502 : i32 to vector<16xi32>
        %while3A_506 = arith.constant 0 : i32
        %while3A_507 = arith.subi %select_n3A_415, %while3A_506 : i32
        %while3A_508 = arith.addi %while3A_506, %while3A_507 : i32
        %while3A_509 = arith.constant 1 : i32
        %while3A_510 = arith.divsi %while3A_507, %while3A_509 : i32
        %while3A_511 = arith.muli %while3A_510, %while3A_509 : i32
        %while3A_512 = arith.addi %while3A_506, %while3A_511 : i32
        %while3A_513 = arith.constant 1 : i32
        %while3A_514:2 = scf.for %while3A_536 = %while3A_506 to %while3A_512 step %while3A_513 iter_args(%while3A_537 = %broadcast_in_dim3A_417, %while3A_538 = %broadcast_in_dim3A_419) -> (vector<16xf32>, vector<16xi32>)  : i32 {
          %mul3A_539 = arith.constant 2 : i32
          %mul3A_540 = arith.muli %while3A_536, %mul3A_539 : i32
          %add3A_541 = arith.constant 0 : i32
          %add3A_542 = arith.addi %mul3A_540, %add3A_541 : i32
          %mul3A_543 = arith.constant 16 : i32
          %mul3A_544 = arith.muli %add3A_542, %mul3A_543 : i32
          %get3A_545 = arith.index_cast %mul3A_544 : i32 to index
          %get3A_546 = tpu.vector_load %arg10[%get3A_545] {strides = array<i32>} : memref<512xf32, #tpu.memory_space<vmem>>, vector<16xf32>,
          %mul3A_547 = arith.constant 2 : i32
          %mul3A_548 = arith.muli %while3A_536, %mul3A_547 : i32
          %add3A_549 = arith.constant 0 : i32
          %add3A_550 = arith.addi %mul3A_548, %add3A_549 : i32
          %mul3A_551 = arith.constant 16 : i32
          %mul3A_552 = arith.muli %add3A_550, %mul3A_551 : i32
          %get3A_553 = arith.index_cast %mul3A_552 : i32 to index
          %get3A_554 = tpu.vector_load %arg11[%get3A_553] {strides = array<i32>} : memref<512xi32, #tpu.memory_space<vmem>>, vector<16xi32>,
          %lt3A_555 = arith.cmpf olt, %get3A_546, %broadcast_in_dim3A_504 : vector<16xf32>
          %eq3A_556 = arith.cmpf oeq, %get3A_546, %broadcast_in_dim3A_504 : vector<16xf32>
          %gt3A = arith.cmpi sgt, %get3A_554, %broadcast_in_dim3A_505 : vector<16xi32>
          %and3A_557 = arith.andi %eq3A_556, %gt3A : vector<16xi1>
          %or3A = arith.ori %lt3A_555, %and3A_557 : vector<16xi1>
          %select_n3A_558 = arith.select %or3A, %get3A_546, %broadcast_in_dim3A_417 : vector<16xi1>, vector<16xf32>
          %select_n3A_559 = arith.select %or3A, %get3A_554, %broadcast_in_dim3A_419 : vector<16xi1>, vector<16xi32>
          %mul3A_560 = arith.constant 2 : i32
          %mul3A_561 = arith.muli %while3A_536, %mul3A_560 : i32
          %add3A_562 = arith.constant 1 : i32
          %add3A_563 = arith.addi %mul3A_561, %add3A_562 : i32
          %mul3A_564 = arith.constant 16 : i32
          %mul3A_565 = arith.muli %add3A_563, %mul3A_564 : i32
          %get3A_566 = arith.index_cast %mul3A_565 : i32 to index
          %get3A_567 = tpu.vector_load %arg10[%get3A_566] {strides = array<i32>} : memref<512xf32, #tpu.memory_space<vmem>>, vector<16xf32>,
          %mul3A_568 = arith.constant 2 : i32
          %mul3A_569 = arith.muli %while3A_536, %mul3A_568 : i32
          %add3A_570 = arith.constant 1 : i32
          %add3A_571 = arith.addi %mul3A_569, %add3A_570 : i32
          %mul3A_572 = arith.constant 16 : i32
          %mul3A_573 = arith.muli %add3A_571, %mul3A_572 : i32
          %get3A_574 = arith.index_cast %mul3A_573 : i32 to index
          %get3A_575 = tpu.vector_load %arg11[%get3A_574] {strides = array<i32>} : memref<512xi32, #tpu.memory_space<vmem>>, vector<16xi32>,
          %lt3A_576 = arith.cmpf olt, %get3A_567, %broadcast_in_dim3A_504 : vector<16xf32>
          %eq3A_577 = arith.cmpf oeq, %get3A_567, %broadcast_in_dim3A_504 : vector<16xf32>
          %gt3A_578 = arith.cmpi sgt, %get3A_575, %broadcast_in_dim3A_505 : vector<16xi32>
          %and3A_579 = arith.andi %eq3A_577, %gt3A_578 : vector<16xi1>
          %or3A_580 = arith.ori %lt3A_576, %and3A_579 : vector<16xi1>
          %select_n3A_581 = arith.select %or3A_580, %get3A_567, %broadcast_in_dim3A_417 : vector<16xi1>, vector<16xf32>
          %select_n3A_582 = arith.select %or3A_580, %get3A_575, %broadcast_in_dim3A_419 : vector<16xi1>, vector<16xi32>
          %gt3A_583 = arith.cmpf ogt, %select_n3A_581, %select_n3A_558 : vector<16xf32>
          %eq3A_584 = arith.cmpf oeq, %select_n3A_581, %select_n3A_558 : vector<16xf32>
          %lt3A_585 = arith.cmpi slt, %select_n3A_582, %select_n3A_559 : vector<16xi32>
          %and3A_586 = arith.andi %eq3A_584, %lt3A_585 : vector<16xi1>
          %or3A_587 = arith.ori %gt3A_583, %and3A_586 : vector<16xi1>
          %select_n3A_588 = arith.select %or3A_587, %select_n3A_581, %select_n3A_558 : vector<16xi1>, vector<16xf32>
          %select_n3A_589 = arith.select %or3A_587, %select_n3A_582, %select_n3A_559 : vector<16xi1>, vector<16xi32>
          %gt3A_590 = arith.cmpf ogt, %select_n3A_588, %while3A_537 : vector<16xf32>
          %eq3A_591 = arith.cmpf oeq, %select_n3A_588, %while3A_537 : vector<16xf32>
          %lt3A_592 = arith.cmpi slt, %select_n3A_589, %while3A_538 : vector<16xi32>
          %and3A_593 = arith.andi %eq3A_591, %lt3A_592 : vector<16xi1>
          %or3A_594 = arith.ori %gt3A_590, %and3A_593 : vector<16xi1>
          %select_n3A_595 = arith.select %or3A_594, %select_n3A_588, %while3A_537 : vector<16xi1>, vector<16xf32>
          %select_n3A_596 = arith.select %or3A_594, %select_n3A_589, %while3A_538 : vector<16xi1>, vector<16xi32>
          scf.yield %select_n3A_595, %select_n3A_596 : vector<16xf32>, vector<16xi32>
        }
        %while3A_515 = arith.constant 1 : i32
        %while3A_516:2 = scf.for %while3A_536 = %while3A_512 to %while3A_508 step %while3A_515 iter_args(%while3A_537 = %while3A_514#0, %while3A_538 = %while3A_514#1) -> (vector<16xf32>, vector<16xi32>)  : i32 {
          %mul3A_539 = arith.constant 2 : i32
          %mul3A_540 = arith.muli %while3A_536, %mul3A_539 : i32
          %add3A_541 = arith.constant 0 : i32
          %add3A_542 = arith.addi %mul3A_540, %add3A_541 : i32
          %mul3A_543 = arith.constant 16 : i32
          %mul3A_544 = arith.muli %add3A_542, %mul3A_543 : i32
          %get3A_545 = arith.index_cast %mul3A_544 : i32 to index
          %get3A_546 = tpu.vector_load %arg10[%get3A_545] {strides = array<i32>} : memref<512xf32, #tpu.memory_space<vmem>>, vector<16xf32>,
          %mul3A_547 = arith.constant 2 : i32
          %mul3A_548 = arith.muli %while3A_536, %mul3A_547 : i32
          %add3A_549 = arith.constant 0 : i32
          %add3A_550 = arith.addi %mul3A_548, %add3A_549 : i32
          %mul3A_551 = arith.constant 16 : i32
          %mul3A_552 = arith.muli %add3A_550, %mul3A_551 : i32
          %get3A_553 = arith.index_cast %mul3A_552 : i32 to index
          %get3A_554 = tpu.vector_load %arg11[%get3A_553] {strides = array<i32>} : memref<512xi32, #tpu.memory_space<vmem>>, vector<16xi32>,
          %lt3A_555 = arith.cmpf olt, %get3A_546, %broadcast_in_dim3A_504 : vector<16xf32>
          %eq3A_556 = arith.cmpf oeq, %get3A_546, %broadcast_in_dim3A_504 : vector<16xf32>
          %gt3A = arith.cmpi sgt, %get3A_554, %broadcast_in_dim3A_505 : vector<16xi32>
          %and3A_557 = arith.andi %eq3A_556, %gt3A : vector<16xi1>
          %or3A = arith.ori %lt3A_555, %and3A_557 : vector<16xi1>
          %select_n3A_558 = arith.select %or3A, %get3A_546, %broadcast_in_dim3A_417 : vector<16xi1>, vector<16xf32>
          %select_n3A_559 = arith.select %or3A, %get3A_554, %broadcast_in_dim3A_419 : vector<16xi1>, vector<16xi32>
          %mul3A_560 = arith.constant 2 : i32
          %mul3A_561 = arith.muli %while3A_536, %mul3A_560 : i32
          %add3A_562 = arith.constant 1 : i32
          %add3A_563 = arith.addi %mul3A_561, %add3A_562 : i32
          %mul3A_564 = arith.constant 16 : i32
          %mul3A_565 = arith.muli %add3A_563, %mul3A_564 : i32
          %get3A_566 = arith.index_cast %mul3A_565 : i32 to index
          %get3A_567 = tpu.vector_load %arg10[%get3A_566] {strides = array<i32>} : memref<512xf32, #tpu.memory_space<vmem>>, vector<16xf32>,
          %mul3A_568 = arith.constant 2 : i32
          %mul3A_569 = arith.muli %while3A_536, %mul3A_568 : i32
          %add3A_570 = arith.constant 1 : i32
          %add3A_571 = arith.addi %mul3A_569, %add3A_570 : i32
          %mul3A_572 = arith.constant 16 : i32
          %mul3A_573 = arith.muli %add3A_571, %mul3A_572 : i32
          %get3A_574 = arith.index_cast %mul3A_573 : i32 to index
          %get3A_575 = tpu.vector_load %arg11[%get3A_574] {strides = array<i32>} : memref<512xi32, #tpu.memory_space<vmem>>, vector<16xi32>,
          %lt3A_576 = arith.cmpf olt, %get3A_567, %broadcast_in_dim3A_504 : vector<16xf32>
          %eq3A_577 = arith.cmpf oeq, %get3A_567, %broadcast_in_dim3A_504 : vector<16xf32>
          %gt3A_578 = arith.cmpi sgt, %get3A_575, %broadcast_in_dim3A_505 : vector<16xi32>
          %and3A_579 = arith.andi %eq3A_577, %gt3A_578 : vector<16xi1>
          %or3A_580 = arith.ori %lt3A_576, %and3A_579 : vector<16xi1>
          %select_n3A_581 = arith.select %or3A_580, %get3A_567, %broadcast_in_dim3A_417 : vector<16xi1>, vector<16xf32>
          %select_n3A_582 = arith.select %or3A_580, %get3A_575, %broadcast_in_dim3A_419 : vector<16xi1>, vector<16xi32>
          %gt3A_583 = arith.cmpf ogt, %select_n3A_581, %select_n3A_558 : vector<16xf32>
          %eq3A_584 = arith.cmpf oeq, %select_n3A_581, %select_n3A_558 : vector<16xf32>
          %lt3A_585 = arith.cmpi slt, %select_n3A_582, %select_n3A_559 : vector<16xi32>
          %and3A_586 = arith.andi %eq3A_584, %lt3A_585 : vector<16xi1>
          %or3A_587 = arith.ori %gt3A_583, %and3A_586 : vector<16xi1>
          %select_n3A_588 = arith.select %or3A_587, %select_n3A_581, %select_n3A_558 : vector<16xi1>, vector<16xf32>
          %select_n3A_589 = arith.select %or3A_587, %select_n3A_582, %select_n3A_559 : vector<16xi1>, vector<16xi32>
          %gt3A_590 = arith.cmpf ogt, %select_n3A_588, %while3A_537 : vector<16xf32>
          %eq3A_591 = arith.cmpf oeq, %select_n3A_588, %while3A_537 : vector<16xf32>
          %lt3A_592 = arith.cmpi slt, %select_n3A_589, %while3A_538 : vector<16xi32>
          %and3A_593 = arith.andi %eq3A_591, %lt3A_592 : vector<16xi1>
          %or3A_594 = arith.ori %gt3A_590, %and3A_593 : vector<16xi1>
          %select_n3A_595 = arith.select %or3A_594, %select_n3A_588, %while3A_537 : vector<16xi1>, vector<16xf32>
          %select_n3A_596 = arith.select %or3A_594, %select_n3A_589, %while3A_538 : vector<16xi1>, vector<16xi32>
          scf.yield %select_n3A_595, %select_n3A_596 : vector<16xf32>, vector<16xi32>
        }
        %reduce_max3A_517 = arith.constant true
        %reduce_max3A_518 = vector.broadcast %reduce_max3A_517 : i1 to vector<16xi1>
        %reduce_max3A_519 = tpu.scan <max>, %while3A_516#0 masked %reduce_max3A_518 : vector<16xf32>, vector<16xi1> -> vector<16xf32>
        %reduce_max3A_520 = vector.extract %reduce_max3A_519[15] : f32 from vector<16xf32>
        %broadcast_in_dim3A_521 = vector.broadcast %reduce_max3A_520 : f32 to vector<16xf32>
        %eq3A = arith.cmpf oeq, %while3A_516#0, %broadcast_in_dim3A_521 : vector<16xf32>
        %broadcast_in_dim3A_522 = arith.constant 1073741824 : i32
        %broadcast_in_dim3A_523 = vector.broadcast %broadcast_in_dim3A_522 : i32 to vector<16xi32>
        %select_n3A_524 = arith.select %eq3A, %while3A_516#1, %broadcast_in_dim3A_523 : vector<16xi1>, vector<16xi32>
        %reduce_min3A = arith.constant true
        %reduce_min3A_525 = vector.broadcast %reduce_min3A : i1 to vector<16xi1>
        %reduce_min3A_526 = arith.constant -2147483648 : i32
        %reduce_min3A_527 = vector.broadcast %reduce_min3A_526 : i32 to vector<16xi32>
        %reduce_min3A_528 = arith.xori %select_n3A_524, %reduce_min3A_527 : vector<16xi32>
        %reduce_min3A_529 = tpu.scan <min>, %reduce_min3A_528 masked %reduce_min3A_525 : vector<16xi32>, vector<16xi1> -> vector<16xi32>
        %reduce_min3A_530 = arith.xori %reduce_min3A_529, %reduce_min3A_527 : vector<16xi32>
        %reduce_min3A_531 = vector.extract %reduce_min3A_530[15] : i32 from vector<16xi32>
        %broadcast_in_dim3A_532 = vector.broadcast %scan3A_500 : i32 to vector<16xi32>
        %eq3A_533 = arith.cmpi eq, %iota3A, %broadcast_in_dim3A_532 : vector<16xi32>
        %broadcast_in_dim3A_534 = vector.broadcast %reduce_min3A_531 : i32 to vector<16xi32>
        %select_n3A_535 = arith.select %eq3A_533, %broadcast_in_dim3A_534, %scan3A_503 : vector<16xi1>, vector<16xi32>
        scf.yield %reduce_max3A_520, %reduce_min3A_531, %select_n3A_535 : f32, i32, vector<16xi32>
      }
      %scan3A_450 = arith.constant 16 : i32
      %swap3A_451 = arith.constant 32 : index
      %swap3A_452 = tpu.vector_load %arg12[%swap3A_451] {strides = array<i32>} : memref<112xi32, #tpu.memory_space<vmem>>, vector<16xi32>,
      tpu.vector_store %arg12[%swap3A_451], %scan3A_449#2 {strides = array<i32>} : memref<112xi32, #tpu.memory_space<vmem>>, vector<16xi32>,
      %broadcast_in_dim3A_453 = arith.constant 0 : i32
      %broadcast_in_dim3A_454 = vector.broadcast %broadcast_in_dim3A_453 : i32 to vector<16xi32>
      %scan3A_455 = arith.constant 0 : i32
      %scan3A_456 = arith.constant 16 : i32
      %scan3A_457 = arith.addi %scan3A_455, %scan3A_456 : i32
      %scan3A_458 = arith.constant 1 : i32
      %scan3A_459:3 = scf.for %scan3A_500 = %scan3A_455 to %scan3A_457 step %scan3A_458 iter_args(%scan3A_501 = %scan3A_449#0, %scan3A_502 = %scan3A_449#1, %scan3A_503 = %broadcast_in_dim3A_454) -> (f32, i32, vector<16xi32>)  : i32 {
        %broadcast_in_dim3A_504 = vector.broadcast %scan3A_501 : f32 to vector<16xf32>
        %broadcast_in_dim3A_505 = vector.broadcast %scan3A_502 : i32 to vector<16xi32>
        %while3A_506 = arith.constant 0 : i32
        %while3A_507 = arith.subi %select_n3A_415, %while3A_506 : i32
        %while3A_508 = arith.addi %while3A_506, %while3A_507 : i32
        %while3A_509 = arith.constant 1 : i32
        %while3A_510 = arith.divsi %while3A_507, %while3A_509 : i32
        %while3A_511 = arith.muli %while3A_510, %while3A_509 : i32
        %while3A_512 = arith.addi %while3A_506, %while3A_511 : i32
        %while3A_513 = arith.constant 1 : i32
        %while3A_514:2 = scf.for %while3A_536 = %while3A_506 to %while3A_512 step %while3A_513 iter_args(%while3A_537 = %broadcast_in_dim3A_417, %while3A_538 = %broadcast_in_dim3A_419) -> (vector<16xf32>, vector<16xi32>)  : i32 {
          %mul3A_539 = arith.constant 2 : i32
          %mul3A_540 = arith.muli %while3A_536, %mul3A_539 : i32
          %add3A_541 = arith.constant 0 : i32
          %add3A_542 = arith.addi %mul3A_540, %add3A_541 : i32
          %mul3A_543 = arith.constant 16 : i32
          %mul3A_544 = arith.muli %add3A_542, %mul3A_543 : i32
          %get3A_545 = arith.index_cast %mul3A_544 : i32 to index
          %get3A_546 = tpu.vector_load %arg10[%get3A_545] {strides = array<i32>} : memref<512xf32, #tpu.memory_space<vmem>>, vector<16xf32>,
          %mul3A_547 = arith.constant 2 : i32
          %mul3A_548 = arith.muli %while3A_536, %mul3A_547 : i32
          %add3A_549 = arith.constant 0 : i32
          %add3A_550 = arith.addi %mul3A_548, %add3A_549 : i32
          %mul3A_551 = arith.constant 16 : i32
          %mul3A_552 = arith.muli %add3A_550, %mul3A_551 : i32
          %get3A_553 = arith.index_cast %mul3A_552 : i32 to index
          %get3A_554 = tpu.vector_load %arg11[%get3A_553] {strides = array<i32>} : memref<512xi32, #tpu.memory_space<vmem>>, vector<16xi32>,
          %lt3A_555 = arith.cmpf olt, %get3A_546, %broadcast_in_dim3A_504 : vector<16xf32>
          %eq3A_556 = arith.cmpf oeq, %get3A_546, %broadcast_in_dim3A_504 : vector<16xf32>
          %gt3A = arith.cmpi sgt, %get3A_554, %broadcast_in_dim3A_505 : vector<16xi32>
          %and3A_557 = arith.andi %eq3A_556, %gt3A : vector<16xi1>
          %or3A = arith.ori %lt3A_555, %and3A_557 : vector<16xi1>
          %select_n3A_558 = arith.select %or3A, %get3A_546, %broadcast_in_dim3A_417 : vector<16xi1>, vector<16xf32>
          %select_n3A_559 = arith.select %or3A, %get3A_554, %broadcast_in_dim3A_419 : vector<16xi1>, vector<16xi32>
          %mul3A_560 = arith.constant 2 : i32
          %mul3A_561 = arith.muli %while3A_536, %mul3A_560 : i32
          %add3A_562 = arith.constant 1 : i32
          %add3A_563 = arith.addi %mul3A_561, %add3A_562 : i32
          %mul3A_564 = arith.constant 16 : i32
          %mul3A_565 = arith.muli %add3A_563, %mul3A_564 : i32
          %get3A_566 = arith.index_cast %mul3A_565 : i32 to index
          %get3A_567 = tpu.vector_load %arg10[%get3A_566] {strides = array<i32>} : memref<512xf32, #tpu.memory_space<vmem>>, vector<16xf32>,
          %mul3A_568 = arith.constant 2 : i32
          %mul3A_569 = arith.muli %while3A_536, %mul3A_568 : i32
          %add3A_570 = arith.constant 1 : i32
          %add3A_571 = arith.addi %mul3A_569, %add3A_570 : i32
          %mul3A_572 = arith.constant 16 : i32
          %mul3A_573 = arith.muli %add3A_571, %mul3A_572 : i32
          %get3A_574 = arith.index_cast %mul3A_573 : i32 to index
          %get3A_575 = tpu.vector_load %arg11[%get3A_574] {strides = array<i32>} : memref<512xi32, #tpu.memory_space<vmem>>, vector<16xi32>,
          %lt3A_576 = arith.cmpf olt, %get3A_567, %broadcast_in_dim3A_504 : vector<16xf32>
          %eq3A_577 = arith.cmpf oeq, %get3A_567, %broadcast_in_dim3A_504 : vector<16xf32>
          %gt3A_578 = arith.cmpi sgt, %get3A_575, %broadcast_in_dim3A_505 : vector<16xi32>
          %and3A_579 = arith.andi %eq3A_577, %gt3A_578 : vector<16xi1>
          %or3A_580 = arith.ori %lt3A_576, %and3A_579 : vector<16xi1>
          %select_n3A_581 = arith.select %or3A_580, %get3A_567, %broadcast_in_dim3A_417 : vector<16xi1>, vector<16xf32>
          %select_n3A_582 = arith.select %or3A_580, %get3A_575, %broadcast_in_dim3A_419 : vector<16xi1>, vector<16xi32>
          %gt3A_583 = arith.cmpf ogt, %select_n3A_581, %select_n3A_558 : vector<16xf32>
          %eq3A_584 = arith.cmpf oeq, %select_n3A_581, %select_n3A_558 : vector<16xf32>
          %lt3A_585 = arith.cmpi slt, %select_n3A_582, %select_n3A_559 : vector<16xi32>
          %and3A_586 = arith.andi %eq3A_584, %lt3A_585 : vector<16xi1>
          %or3A_587 = arith.ori %gt3A_583, %and3A_586 : vector<16xi1>
          %select_n3A_588 = arith.select %or3A_587, %select_n3A_581, %select_n3A_558 : vector<16xi1>, vector<16xf32>
          %select_n3A_589 = arith.select %or3A_587, %select_n3A_582, %select_n3A_559 : vector<16xi1>, vector<16xi32>
          %gt3A_590 = arith.cmpf ogt, %select_n3A_588, %while3A_537 : vector<16xf32>
          %eq3A_591 = arith.cmpf oeq, %select_n3A_588, %while3A_537 : vector<16xf32>
          %lt3A_592 = arith.cmpi slt, %select_n3A_589, %while3A_538 : vector<16xi32>
          %and3A_593 = arith.andi %eq3A_591, %lt3A_592 : vector<16xi1>
          %or3A_594 = arith.ori %gt3A_590, %and3A_593 : vector<16xi1>
          %select_n3A_595 = arith.select %or3A_594, %select_n3A_588, %while3A_537 : vector<16xi1>, vector<16xf32>
          %select_n3A_596 = arith.select %or3A_594, %select_n3A_589, %while3A_538 : vector<16xi1>, vector<16xi32>
          scf.yield %select_n3A_595, %select_n3A_596 : vector<16xf32>, vector<16xi32>
        }
        %while3A_515 = arith.constant 1 : i32
        %while3A_516:2 = scf.for %while3A_536 = %while3A_512 to %while3A_508 step %while3A_515 iter_args(%while3A_537 = %while3A_514#0, %while3A_538 = %while3A_514#1) -> (vector<16xf32>, vector<16xi32>)  : i32 {
          %mul3A_539 = arith.constant 2 : i32
          %mul3A_540 = arith.muli %while3A_536, %mul3A_539 : i32
          %add3A_541 = arith.constant 0 : i32
          %add3A_542 = arith.addi %mul3A_540, %add3A_541 : i32
          %mul3A_543 = arith.constant 16 : i32
          %mul3A_544 = arith.muli %add3A_542, %mul3A_543 : i32
          %get3A_545 = arith.index_cast %mul3A_544 : i32 to index
          %get3A_546 = tpu.vector_load %arg10[%get3A_545] {strides = array<i32>} : memref<512xf32, #tpu.memory_space<vmem>>, vector<16xf32>,
          %mul3A_547 = arith.constant 2 : i32
          %mul3A_548 = arith.muli %while3A_536, %mul3A_547 : i32
          %add3A_549 = arith.constant 0 : i32
          %add3A_550 = arith.addi %mul3A_548, %add3A_549 : i32
          %mul3A_551 = arith.constant 16 : i32
          %mul3A_552 = arith.muli %add3A_550, %mul3A_551 : i32
          %get3A_553 = arith.index_cast %mul3A_552 : i32 to index
          %get3A_554 = tpu.vector_load %arg11[%get3A_553] {strides = array<i32>} : memref<512xi32, #tpu.memory_space<vmem>>, vector<16xi32>,
          %lt3A_555 = arith.cmpf olt, %get3A_546, %broadcast_in_dim3A_504 : vector<16xf32>
          %eq3A_556 = arith.cmpf oeq, %get3A_546, %broadcast_in_dim3A_504 : vector<16xf32>
          %gt3A = arith.cmpi sgt, %get3A_554, %broadcast_in_dim3A_505 : vector<16xi32>
          %and3A_557 = arith.andi %eq3A_556, %gt3A : vector<16xi1>
          %or3A = arith.ori %lt3A_555, %and3A_557 : vector<16xi1>
          %select_n3A_558 = arith.select %or3A, %get3A_546, %broadcast_in_dim3A_417 : vector<16xi1>, vector<16xf32>
          %select_n3A_559 = arith.select %or3A, %get3A_554, %broadcast_in_dim3A_419 : vector<16xi1>, vector<16xi32>
          %mul3A_560 = arith.constant 2 : i32
          %mul3A_561 = arith.muli %while3A_536, %mul3A_560 : i32
          %add3A_562 = arith.constant 1 : i32
          %add3A_563 = arith.addi %mul3A_561, %add3A_562 : i32
          %mul3A_564 = arith.constant 16 : i32
          %mul3A_565 = arith.muli %add3A_563, %mul3A_564 : i32
          %get3A_566 = arith.index_cast %mul3A_565 : i32 to index
          %get3A_567 = tpu.vector_load %arg10[%get3A_566] {strides = array<i32>} : memref<512xf32, #tpu.memory_space<vmem>>, vector<16xf32>,
          %mul3A_568 = arith.constant 2 : i32
          %mul3A_569 = arith.muli %while3A_536, %mul3A_568 : i32
          %add3A_570 = arith.constant 1 : i32
          %add3A_571 = arith.addi %mul3A_569, %add3A_570 : i32
          %mul3A_572 = arith.constant 16 : i32
          %mul3A_573 = arith.muli %add3A_571, %mul3A_572 : i32
          %get3A_574 = arith.index_cast %mul3A_573 : i32 to index
          %get3A_575 = tpu.vector_load %arg11[%get3A_574] {strides = array<i32>} : memref<512xi32, #tpu.memory_space<vmem>>, vector<16xi32>,
          %lt3A_576 = arith.cmpf olt, %get3A_567, %broadcast_in_dim3A_504 : vector<16xf32>
          %eq3A_577 = arith.cmpf oeq, %get3A_567, %broadcast_in_dim3A_504 : vector<16xf32>
          %gt3A_578 = arith.cmpi sgt, %get3A_575, %broadcast_in_dim3A_505 : vector<16xi32>
          %and3A_579 = arith.andi %eq3A_577, %gt3A_578 : vector<16xi1>
          %or3A_580 = arith.ori %lt3A_576, %and3A_579 : vector<16xi1>
          %select_n3A_581 = arith.select %or3A_580, %get3A_567, %broadcast_in_dim3A_417 : vector<16xi1>, vector<16xf32>
          %select_n3A_582 = arith.select %or3A_580, %get3A_575, %broadcast_in_dim3A_419 : vector<16xi1>, vector<16xi32>
          %gt3A_583 = arith.cmpf ogt, %select_n3A_581, %select_n3A_558 : vector<16xf32>
          %eq3A_584 = arith.cmpf oeq, %select_n3A_581, %select_n3A_558 : vector<16xf32>
          %lt3A_585 = arith.cmpi slt, %select_n3A_582, %select_n3A_559 : vector<16xi32>
          %and3A_586 = arith.andi %eq3A_584, %lt3A_585 : vector<16xi1>
          %or3A_587 = arith.ori %gt3A_583, %and3A_586 : vector<16xi1>
          %select_n3A_588 = arith.select %or3A_587, %select_n3A_581, %select_n3A_558 : vector<16xi1>, vector<16xf32>
          %select_n3A_589 = arith.select %or3A_587, %select_n3A_582, %select_n3A_559 : vector<16xi1>, vector<16xi32>
          %gt3A_590 = arith.cmpf ogt, %select_n3A_588, %while3A_537 : vector<16xf32>
          %eq3A_591 = arith.cmpf oeq, %select_n3A_588, %while3A_537 : vector<16xf32>
          %lt3A_592 = arith.cmpi slt, %select_n3A_589, %while3A_538 : vector<16xi32>
          %and3A_593 = arith.andi %eq3A_591, %lt3A_592 : vector<16xi1>
          %or3A_594 = arith.ori %gt3A_590, %and3A_593 : vector<16xi1>
          %select_n3A_595 = arith.select %or3A_594, %select_n3A_588, %while3A_537 : vector<16xi1>, vector<16xf32>
          %select_n3A_596 = arith.select %or3A_594, %select_n3A_589, %while3A_538 : vector<16xi1>, vector<16xi32>
          scf.yield %select_n3A_595, %select_n3A_596 : vector<16xf32>, vector<16xi32>
        }
        %reduce_max3A_517 = arith.constant true
        %reduce_max3A_518 = vector.broadcast %reduce_max3A_517 : i1 to vector<16xi1>
        %reduce_max3A_519 = tpu.scan <max>, %while3A_516#0 masked %reduce_max3A_518 : vector<16xf32>, vector<16xi1> -> vector<16xf32>
        %reduce_max3A_520 = vector.extract %reduce_max3A_519[15] : f32 from vector<16xf32>
        %broadcast_in_dim3A_521 = vector.broadcast %reduce_max3A_520 : f32 to vector<16xf32>
        %eq3A = arith.cmpf oeq, %while3A_516#0, %broadcast_in_dim3A_521 : vector<16xf32>
        %broadcast_in_dim3A_522 = arith.constant 1073741824 : i32
        %broadcast_in_dim3A_523 = vector.broadcast %broadcast_in_dim3A_522 : i32 to vector<16xi32>
        %select_n3A_524 = arith.select %eq3A, %while3A_516#1, %broadcast_in_dim3A_523 : vector<16xi1>, vector<16xi32>
        %reduce_min3A = arith.constant true
        %reduce_min3A_525 = vector.broadcast %reduce_min3A : i1 to vector<16xi1>
        %reduce_min3A_526 = arith.constant -2147483648 : i32
        %reduce_min3A_527 = vector.broadcast %reduce_min3A_526 : i32 to vector<16xi32>
        %reduce_min3A_528 = arith.xori %select_n3A_524, %reduce_min3A_527 : vector<16xi32>
        %reduce_min3A_529 = tpu.scan <min>, %reduce_min3A_528 masked %reduce_min3A_525 : vector<16xi32>, vector<16xi1> -> vector<16xi32>
        %reduce_min3A_530 = arith.xori %reduce_min3A_529, %reduce_min3A_527 : vector<16xi32>
        %reduce_min3A_531 = vector.extract %reduce_min3A_530[15] : i32 from vector<16xi32>
        %broadcast_in_dim3A_532 = vector.broadcast %scan3A_500 : i32 to vector<16xi32>
        %eq3A_533 = arith.cmpi eq, %iota3A, %broadcast_in_dim3A_532 : vector<16xi32>
        %broadcast_in_dim3A_534 = vector.broadcast %reduce_min3A_531 : i32 to vector<16xi32>
        %select_n3A_535 = arith.select %eq3A_533, %broadcast_in_dim3A_534, %scan3A_503 : vector<16xi1>, vector<16xi32>
        scf.yield %reduce_max3A_520, %reduce_min3A_531, %select_n3A_535 : f32, i32, vector<16xi32>
      }
      %scan3A_460 = arith.constant 16 : i32
      %swap3A_461 = arith.constant 48 : index
      %swap3A_462 = tpu.vector_load %arg12[%swap3A_461] {strides = array<i32>} : memref<112xi32, #tpu.memory_space<vmem>>, vector<16xi32>,
      tpu.vector_store %arg12[%swap3A_461], %scan3A_459#2 {strides = array<i32>} : memref<112xi32, #tpu.memory_space<vmem>>, vector<16xi32>,
      %broadcast_in_dim3A_463 = arith.constant 0 : i32
      %broadcast_in_dim3A_464 = vector.broadcast %broadcast_in_dim3A_463 : i32 to vector<16xi32>
      %scan3A_465 = arith.constant 0 : i32
      %scan3A_466 = arith.constant 16 : i32
      %scan3A_467 = arith.addi %scan3A_465, %scan3A_466 : i32
      %scan3A_468 = arith.constant 1 : i32
      %scan3A_469:3 = scf.for %scan3A_500 = %scan3A_465 to %scan3A_467 step %scan3A_468 iter_args(%scan3A_501 = %scan3A_459#0, %scan3A_502 = %scan3A_459#1, %scan3A_503 = %broadcast_in_dim3A_464) -> (f32, i32, vector<16xi32>)  : i32 {
        %broadcast_in_dim3A_504 = vector.broadcast %scan3A_501 : f32 to vector<16xf32>
        %broadcast_in_dim3A_505 = vector.broadcast %scan3A_502 : i32 to vector<16xi32>
        %while3A_506 = arith.constant 0 : i32
        %while3A_507 = arith.subi %select_n3A_415, %while3A_506 : i32
        %while3A_508 = arith.addi %while3A_506, %while3A_507 : i32
        %while3A_509 = arith.constant 1 : i32
        %while3A_510 = arith.divsi %while3A_507, %while3A_509 : i32
        %while3A_511 = arith.muli %while3A_510, %while3A_509 : i32
        %while3A_512 = arith.addi %while3A_506, %while3A_511 : i32
        %while3A_513 = arith.constant 1 : i32
        %while3A_514:2 = scf.for %while3A_536 = %while3A_506 to %while3A_512 step %while3A_513 iter_args(%while3A_537 = %broadcast_in_dim3A_417, %while3A_538 = %broadcast_in_dim3A_419) -> (vector<16xf32>, vector<16xi32>)  : i32 {
          %mul3A_539 = arith.constant 2 : i32
          %mul3A_540 = arith.muli %while3A_536, %mul3A_539 : i32
          %add3A_541 = arith.constant 0 : i32
          %add3A_542 = arith.addi %mul3A_540, %add3A_541 : i32
          %mul3A_543 = arith.constant 16 : i32
          %mul3A_544 = arith.muli %add3A_542, %mul3A_543 : i32
          %get3A_545 = arith.index_cast %mul3A_544 : i32 to index
          %get3A_546 = tpu.vector_load %arg10[%get3A_545] {strides = array<i32>} : memref<512xf32, #tpu.memory_space<vmem>>, vector<16xf32>,
          %mul3A_547 = arith.constant 2 : i32
          %mul3A_548 = arith.muli %while3A_536, %mul3A_547 : i32
          %add3A_549 = arith.constant 0 : i32
          %add3A_550 = arith.addi %mul3A_548, %add3A_549 : i32
          %mul3A_551 = arith.constant 16 : i32
          %mul3A_552 = arith.muli %add3A_550, %mul3A_551 : i32
          %get3A_553 = arith.index_cast %mul3A_552 : i32 to index
          %get3A_554 = tpu.vector_load %arg11[%get3A_553] {strides = array<i32>} : memref<512xi32, #tpu.memory_space<vmem>>, vector<16xi32>,
          %lt3A_555 = arith.cmpf olt, %get3A_546, %broadcast_in_dim3A_504 : vector<16xf32>
          %eq3A_556 = arith.cmpf oeq, %get3A_546, %broadcast_in_dim3A_504 : vector<16xf32>
          %gt3A = arith.cmpi sgt, %get3A_554, %broadcast_in_dim3A_505 : vector<16xi32>
          %and3A_557 = arith.andi %eq3A_556, %gt3A : vector<16xi1>
          %or3A = arith.ori %lt3A_555, %and3A_557 : vector<16xi1>
          %select_n3A_558 = arith.select %or3A, %get3A_546, %broadcast_in_dim3A_417 : vector<16xi1>, vector<16xf32>
          %select_n3A_559 = arith.select %or3A, %get3A_554, %broadcast_in_dim3A_419 : vector<16xi1>, vector<16xi32>
          %mul3A_560 = arith.constant 2 : i32
          %mul3A_561 = arith.muli %while3A_536, %mul3A_560 : i32
          %add3A_562 = arith.constant 1 : i32
          %add3A_563 = arith.addi %mul3A_561, %add3A_562 : i32
          %mul3A_564 = arith.constant 16 : i32
          %mul3A_565 = arith.muli %add3A_563, %mul3A_564 : i32
          %get3A_566 = arith.index_cast %mul3A_565 : i32 to index
          %get3A_567 = tpu.vector_load %arg10[%get3A_566] {strides = array<i32>} : memref<512xf32, #tpu.memory_space<vmem>>, vector<16xf32>,
          %mul3A_568 = arith.constant 2 : i32
          %mul3A_569 = arith.muli %while3A_536, %mul3A_568 : i32
          %add3A_570 = arith.constant 1 : i32
          %add3A_571 = arith.addi %mul3A_569, %add3A_570 : i32
          %mul3A_572 = arith.constant 16 : i32
          %mul3A_573 = arith.muli %add3A_571, %mul3A_572 : i32
          %get3A_574 = arith.index_cast %mul3A_573 : i32 to index
          %get3A_575 = tpu.vector_load %arg11[%get3A_574] {strides = array<i32>} : memref<512xi32, #tpu.memory_space<vmem>>, vector<16xi32>,
          %lt3A_576 = arith.cmpf olt, %get3A_567, %broadcast_in_dim3A_504 : vector<16xf32>
          %eq3A_577 = arith.cmpf oeq, %get3A_567, %broadcast_in_dim3A_504 : vector<16xf32>
          %gt3A_578 = arith.cmpi sgt, %get3A_575, %broadcast_in_dim3A_505 : vector<16xi32>
          %and3A_579 = arith.andi %eq3A_577, %gt3A_578 : vector<16xi1>
          %or3A_580 = arith.ori %lt3A_576, %and3A_579 : vector<16xi1>
          %select_n3A_581 = arith.select %or3A_580, %get3A_567, %broadcast_in_dim3A_417 : vector<16xi1>, vector<16xf32>
          %select_n3A_582 = arith.select %or3A_580, %get3A_575, %broadcast_in_dim3A_419 : vector<16xi1>, vector<16xi32>
          %gt3A_583 = arith.cmpf ogt, %select_n3A_581, %select_n3A_558 : vector<16xf32>
          %eq3A_584 = arith.cmpf oeq, %select_n3A_581, %select_n3A_558 : vector<16xf32>
          %lt3A_585 = arith.cmpi slt, %select_n3A_582, %select_n3A_559 : vector<16xi32>
          %and3A_586 = arith.andi %eq3A_584, %lt3A_585 : vector<16xi1>
          %or3A_587 = arith.ori %gt3A_583, %and3A_586 : vector<16xi1>
          %select_n3A_588 = arith.select %or3A_587, %select_n3A_581, %select_n3A_558 : vector<16xi1>, vector<16xf32>
          %select_n3A_589 = arith.select %or3A_587, %select_n3A_582, %select_n3A_559 : vector<16xi1>, vector<16xi32>
          %gt3A_590 = arith.cmpf ogt, %select_n3A_588, %while3A_537 : vector<16xf32>
          %eq3A_591 = arith.cmpf oeq, %select_n3A_588, %while3A_537 : vector<16xf32>
          %lt3A_592 = arith.cmpi slt, %select_n3A_589, %while3A_538 : vector<16xi32>
          %and3A_593 = arith.andi %eq3A_591, %lt3A_592 : vector<16xi1>
          %or3A_594 = arith.ori %gt3A_590, %and3A_593 : vector<16xi1>
          %select_n3A_595 = arith.select %or3A_594, %select_n3A_588, %while3A_537 : vector<16xi1>, vector<16xf32>
          %select_n3A_596 = arith.select %or3A_594, %select_n3A_589, %while3A_538 : vector<16xi1>, vector<16xi32>
          scf.yield %select_n3A_595, %select_n3A_596 : vector<16xf32>, vector<16xi32>
        }
        %while3A_515 = arith.constant 1 : i32
        %while3A_516:2 = scf.for %while3A_536 = %while3A_512 to %while3A_508 step %while3A_515 iter_args(%while3A_537 = %while3A_514#0, %while3A_538 = %while3A_514#1) -> (vector<16xf32>, vector<16xi32>)  : i32 {
          %mul3A_539 = arith.constant 2 : i32
          %mul3A_540 = arith.muli %while3A_536, %mul3A_539 : i32
          %add3A_541 = arith.constant 0 : i32
          %add3A_542 = arith.addi %mul3A_540, %add3A_541 : i32
          %mul3A_543 = arith.constant 16 : i32
          %mul3A_544 = arith.muli %add3A_542, %mul3A_543 : i32
          %get3A_545 = arith.index_cast %mul3A_544 : i32 to index
          %get3A_546 = tpu.vector_load %arg10[%get3A_545] {strides = array<i32>} : memref<512xf32, #tpu.memory_space<vmem>>, vector<16xf32>,
          %mul3A_547 = arith.constant 2 : i32
          %mul3A_548 = arith.muli %while3A_536, %mul3A_547 : i32
          %add3A_549 = arith.constant 0 : i32
          %add3A_550 = arith.addi %mul3A_548, %add3A_549 : i32
          %mul3A_551 = arith.constant 16 : i32
          %mul3A_552 = arith.muli %add3A_550, %mul3A_551 : i32
          %get3A_553 = arith.index_cast %mul3A_552 : i32 to index
          %get3A_554 = tpu.vector_load %arg11[%get3A_553] {strides = array<i32>} : memref<512xi32, #tpu.memory_space<vmem>>, vector<16xi32>,
          %lt3A_555 = arith.cmpf olt, %get3A_546, %broadcast_in_dim3A_504 : vector<16xf32>
          %eq3A_556 = arith.cmpf oeq, %get3A_546, %broadcast_in_dim3A_504 : vector<16xf32>
          %gt3A = arith.cmpi sgt, %get3A_554, %broadcast_in_dim3A_505 : vector<16xi32>
          %and3A_557 = arith.andi %eq3A_556, %gt3A : vector<16xi1>
          %or3A = arith.ori %lt3A_555, %and3A_557 : vector<16xi1>
          %select_n3A_558 = arith.select %or3A, %get3A_546, %broadcast_in_dim3A_417 : vector<16xi1>, vector<16xf32>
          %select_n3A_559 = arith.select %or3A, %get3A_554, %broadcast_in_dim3A_419 : vector<16xi1>, vector<16xi32>
          %mul3A_560 = arith.constant 2 : i32
          %mul3A_561 = arith.muli %while3A_536, %mul3A_560 : i32
          %add3A_562 = arith.constant 1 : i32
          %add3A_563 = arith.addi %mul3A_561, %add3A_562 : i32
          %mul3A_564 = arith.constant 16 : i32
          %mul3A_565 = arith.muli %add3A_563, %mul3A_564 : i32
          %get3A_566 = arith.index_cast %mul3A_565 : i32 to index
          %get3A_567 = tpu.vector_load %arg10[%get3A_566] {strides = array<i32>} : memref<512xf32, #tpu.memory_space<vmem>>, vector<16xf32>,
          %mul3A_568 = arith.constant 2 : i32
          %mul3A_569 = arith.muli %while3A_536, %mul3A_568 : i32
          %add3A_570 = arith.constant 1 : i32
          %add3A_571 = arith.addi %mul3A_569, %add3A_570 : i32
          %mul3A_572 = arith.constant 16 : i32
          %mul3A_573 = arith.muli %add3A_571, %mul3A_572 : i32
          %get3A_574 = arith.index_cast %mul3A_573 : i32 to index
          %get3A_575 = tpu.vector_load %arg11[%get3A_574] {strides = array<i32>} : memref<512xi32, #tpu.memory_space<vmem>>, vector<16xi32>,
          %lt3A_576 = arith.cmpf olt, %get3A_567, %broadcast_in_dim3A_504 : vector<16xf32>
          %eq3A_577 = arith.cmpf oeq, %get3A_567, %broadcast_in_dim3A_504 : vector<16xf32>
          %gt3A_578 = arith.cmpi sgt, %get3A_575, %broadcast_in_dim3A_505 : vector<16xi32>
          %and3A_579 = arith.andi %eq3A_577, %gt3A_578 : vector<16xi1>
          %or3A_580 = arith.ori %lt3A_576, %and3A_579 : vector<16xi1>
          %select_n3A_581 = arith.select %or3A_580, %get3A_567, %broadcast_in_dim3A_417 : vector<16xi1>, vector<16xf32>
          %select_n3A_582 = arith.select %or3A_580, %get3A_575, %broadcast_in_dim3A_419 : vector<16xi1>, vector<16xi32>
          %gt3A_583 = arith.cmpf ogt, %select_n3A_581, %select_n3A_558 : vector<16xf32>
          %eq3A_584 = arith.cmpf oeq, %select_n3A_581, %select_n3A_558 : vector<16xf32>
          %lt3A_585 = arith.cmpi slt, %select_n3A_582, %select_n3A_559 : vector<16xi32>
          %and3A_586 = arith.andi %eq3A_584, %lt3A_585 : vector<16xi1>
          %or3A_587 = arith.ori %gt3A_583, %and3A_586 : vector<16xi1>
          %select_n3A_588 = arith.select %or3A_587, %select_n3A_581, %select_n3A_558 : vector<16xi1>, vector<16xf32>
          %select_n3A_589 = arith.select %or3A_587, %select_n3A_582, %select_n3A_559 : vector<16xi1>, vector<16xi32>
          %gt3A_590 = arith.cmpf ogt, %select_n3A_588, %while3A_537 : vector<16xf32>
          %eq3A_591 = arith.cmpf oeq, %select_n3A_588, %while3A_537 : vector<16xf32>
          %lt3A_592 = arith.cmpi slt, %select_n3A_589, %while3A_538 : vector<16xi32>
          %and3A_593 = arith.andi %eq3A_591, %lt3A_592 : vector<16xi1>
          %or3A_594 = arith.ori %gt3A_590, %and3A_593 : vector<16xi1>
          %select_n3A_595 = arith.select %or3A_594, %select_n3A_588, %while3A_537 : vector<16xi1>, vector<16xf32>
          %select_n3A_596 = arith.select %or3A_594, %select_n3A_589, %while3A_538 : vector<16xi1>, vector<16xi32>
          scf.yield %select_n3A_595, %select_n3A_596 : vector<16xf32>, vector<16xi32>
        }
        %reduce_max3A_517 = arith.constant true
        %reduce_max3A_518 = vector.broadcast %reduce_max3A_517 : i1 to vector<16xi1>
        %reduce_max3A_519 = tpu.scan <max>, %while3A_516#0 masked %reduce_max3A_518 : vector<16xf32>, vector<16xi1> -> vector<16xf32>
        %reduce_max3A_520 = vector.extract %reduce_max3A_519[15] : f32 from vector<16xf32>
        %broadcast_in_dim3A_521 = vector.broadcast %reduce_max3A_520 : f32 to vector<16xf32>
        %eq3A = arith.cmpf oeq, %while3A_516#0, %broadcast_in_dim3A_521 : vector<16xf32>
        %broadcast_in_dim3A_522 = arith.constant 1073741824 : i32
        %broadcast_in_dim3A_523 = vector.broadcast %broadcast_in_dim3A_522 : i32 to vector<16xi32>
        %select_n3A_524 = arith.select %eq3A, %while3A_516#1, %broadcast_in_dim3A_523 : vector<16xi1>, vector<16xi32>
        %reduce_min3A = arith.constant true
        %reduce_min3A_525 = vector.broadcast %reduce_min3A : i1 to vector<16xi1>
        %reduce_min3A_526 = arith.constant -2147483648 : i32
        %reduce_min3A_527 = vector.broadcast %reduce_min3A_526 : i32 to vector<16xi32>
        %reduce_min3A_528 = arith.xori %select_n3A_524, %reduce_min3A_527 : vector<16xi32>
        %reduce_min3A_529 = tpu.scan <min>, %reduce_min3A_528 masked %reduce_min3A_525 : vector<16xi32>, vector<16xi1> -> vector<16xi32>
        %reduce_min3A_530 = arith.xori %reduce_min3A_529, %reduce_min3A_527 : vector<16xi32>
        %reduce_min3A_531 = vector.extract %reduce_min3A_530[15] : i32 from vector<16xi32>
        %broadcast_in_dim3A_532 = vector.broadcast %scan3A_500 : i32 to vector<16xi32>
        %eq3A_533 = arith.cmpi eq, %iota3A, %broadcast_in_dim3A_532 : vector<16xi32>
        %broadcast_in_dim3A_534 = vector.broadcast %reduce_min3A_531 : i32 to vector<16xi32>
        %select_n3A_535 = arith.select %eq3A_533, %broadcast_in_dim3A_534, %scan3A_503 : vector<16xi1>, vector<16xi32>
        scf.yield %reduce_max3A_520, %reduce_min3A_531, %select_n3A_535 : f32, i32, vector<16xi32>
      }
      %scan3A_470 = arith.constant 16 : i32
      %swap3A_471 = arith.constant 64 : index
      %swap3A_472 = tpu.vector_load %arg12[%swap3A_471] {strides = array<i32>} : memref<112xi32, #tpu.memory_space<vmem>>, vector<16xi32>,
      tpu.vector_store %arg12[%swap3A_471], %scan3A_469#2 {strides = array<i32>} : memref<112xi32, #tpu.memory_space<vmem>>, vector<16xi32>,
      %broadcast_in_dim3A_473 = arith.constant 0 : i32
      %broadcast_in_dim3A_474 = vector.broadcast %broadcast_in_dim3A_473 : i32 to vector<16xi32>
      %scan3A_475 = arith.constant 0 : i32
      %scan3A_476 = arith.constant 16 : i32
      %scan3A_477 = arith.addi %scan3A_475, %scan3A_476 : i32
      %scan3A_478 = arith.constant 1 : i32
      %scan3A_479:3 = scf.for %scan3A_500 = %scan3A_475 to %scan3A_477 step %scan3A_478 iter_args(%scan3A_501 = %scan3A_469#0, %scan3A_502 = %scan3A_469#1, %scan3A_503 = %broadcast_in_dim3A_474) -> (f32, i32, vector<16xi32>)  : i32 {
        %broadcast_in_dim3A_504 = vector.broadcast %scan3A_501 : f32 to vector<16xf32>
        %broadcast_in_dim3A_505 = vector.broadcast %scan3A_502 : i32 to vector<16xi32>
        %while3A_506 = arith.constant 0 : i32
        %while3A_507 = arith.subi %select_n3A_415, %while3A_506 : i32
        %while3A_508 = arith.addi %while3A_506, %while3A_507 : i32
        %while3A_509 = arith.constant 1 : i32
        %while3A_510 = arith.divsi %while3A_507, %while3A_509 : i32
        %while3A_511 = arith.muli %while3A_510, %while3A_509 : i32
        %while3A_512 = arith.addi %while3A_506, %while3A_511 : i32
        %while3A_513 = arith.constant 1 : i32
        %while3A_514:2 = scf.for %while3A_536 = %while3A_506 to %while3A_512 step %while3A_513 iter_args(%while3A_537 = %broadcast_in_dim3A_417, %while3A_538 = %broadcast_in_dim3A_419) -> (vector<16xf32>, vector<16xi32>)  : i32 {
          %mul3A_539 = arith.constant 2 : i32
          %mul3A_540 = arith.muli %while3A_536, %mul3A_539 : i32
          %add3A_541 = arith.constant 0 : i32
          %add3A_542 = arith.addi %mul3A_540, %add3A_541 : i32
          %mul3A_543 = arith.constant 16 : i32
          %mul3A_544 = arith.muli %add3A_542, %mul3A_543 : i32
          %get3A_545 = arith.index_cast %mul3A_544 : i32 to index
          %get3A_546 = tpu.vector_load %arg10[%get3A_545] {strides = array<i32>} : memref<512xf32, #tpu.memory_space<vmem>>, vector<16xf32>,
          %mul3A_547 = arith.constant 2 : i32
          %mul3A_548 = arith.muli %while3A_536, %mul3A_547 : i32
          %add3A_549 = arith.constant 0 : i32
          %add3A_550 = arith.addi %mul3A_548, %add3A_549 : i32
          %mul3A_551 = arith.constant 16 : i32
          %mul3A_552 = arith.muli %add3A_550, %mul3A_551 : i32
          %get3A_553 = arith.index_cast %mul3A_552 : i32 to index
          %get3A_554 = tpu.vector_load %arg11[%get3A_553] {strides = array<i32>} : memref<512xi32, #tpu.memory_space<vmem>>, vector<16xi32>,
          %lt3A_555 = arith.cmpf olt, %get3A_546, %broadcast_in_dim3A_504 : vector<16xf32>
          %eq3A_556 = arith.cmpf oeq, %get3A_546, %broadcast_in_dim3A_504 : vector<16xf32>
          %gt3A = arith.cmpi sgt, %get3A_554, %broadcast_in_dim3A_505 : vector<16xi32>
          %and3A_557 = arith.andi %eq3A_556, %gt3A : vector<16xi1>
          %or3A = arith.ori %lt3A_555, %and3A_557 : vector<16xi1>
          %select_n3A_558 = arith.select %or3A, %get3A_546, %broadcast_in_dim3A_417 : vector<16xi1>, vector<16xf32>
          %select_n3A_559 = arith.select %or3A, %get3A_554, %broadcast_in_dim3A_419 : vector<16xi1>, vector<16xi32>
          %mul3A_560 = arith.constant 2 : i32
          %mul3A_561 = arith.muli %while3A_536, %mul3A_560 : i32
          %add3A_562 = arith.constant 1 : i32
          %add3A_563 = arith.addi %mul3A_561, %add3A_562 : i32
          %mul3A_564 = arith.constant 16 : i32
          %mul3A_565 = arith.muli %add3A_563, %mul3A_564 : i32
          %get3A_566 = arith.index_cast %mul3A_565 : i32 to index
          %get3A_567 = tpu.vector_load %arg10[%get3A_566] {strides = array<i32>} : memref<512xf32, #tpu.memory_space<vmem>>, vector<16xf32>,
          %mul3A_568 = arith.constant 2 : i32
          %mul3A_569 = arith.muli %while3A_536, %mul3A_568 : i32
          %add3A_570 = arith.constant 1 : i32
          %add3A_571 = arith.addi %mul3A_569, %add3A_570 : i32
          %mul3A_572 = arith.constant 16 : i32
          %mul3A_573 = arith.muli %add3A_571, %mul3A_572 : i32
          %get3A_574 = arith.index_cast %mul3A_573 : i32 to index
          %get3A_575 = tpu.vector_load %arg11[%get3A_574] {strides = array<i32>} : memref<512xi32, #tpu.memory_space<vmem>>, vector<16xi32>,
          %lt3A_576 = arith.cmpf olt, %get3A_567, %broadcast_in_dim3A_504 : vector<16xf32>
          %eq3A_577 = arith.cmpf oeq, %get3A_567, %broadcast_in_dim3A_504 : vector<16xf32>
          %gt3A_578 = arith.cmpi sgt, %get3A_575, %broadcast_in_dim3A_505 : vector<16xi32>
          %and3A_579 = arith.andi %eq3A_577, %gt3A_578 : vector<16xi1>
          %or3A_580 = arith.ori %lt3A_576, %and3A_579 : vector<16xi1>
          %select_n3A_581 = arith.select %or3A_580, %get3A_567, %broadcast_in_dim3A_417 : vector<16xi1>, vector<16xf32>
          %select_n3A_582 = arith.select %or3A_580, %get3A_575, %broadcast_in_dim3A_419 : vector<16xi1>, vector<16xi32>
          %gt3A_583 = arith.cmpf ogt, %select_n3A_581, %select_n3A_558 : vector<16xf32>
          %eq3A_584 = arith.cmpf oeq, %select_n3A_581, %select_n3A_558 : vector<16xf32>
          %lt3A_585 = arith.cmpi slt, %select_n3A_582, %select_n3A_559 : vector<16xi32>
          %and3A_586 = arith.andi %eq3A_584, %lt3A_585 : vector<16xi1>
          %or3A_587 = arith.ori %gt3A_583, %and3A_586 : vector<16xi1>
          %select_n3A_588 = arith.select %or3A_587, %select_n3A_581, %select_n3A_558 : vector<16xi1>, vector<16xf32>
          %select_n3A_589 = arith.select %or3A_587, %select_n3A_582, %select_n3A_559 : vector<16xi1>, vector<16xi32>
          %gt3A_590 = arith.cmpf ogt, %select_n3A_588, %while3A_537 : vector<16xf32>
          %eq3A_591 = arith.cmpf oeq, %select_n3A_588, %while3A_537 : vector<16xf32>
          %lt3A_592 = arith.cmpi slt, %select_n3A_589, %while3A_538 : vector<16xi32>
          %and3A_593 = arith.andi %eq3A_591, %lt3A_592 : vector<16xi1>
          %or3A_594 = arith.ori %gt3A_590, %and3A_593 : vector<16xi1>
          %select_n3A_595 = arith.select %or3A_594, %select_n3A_588, %while3A_537 : vector<16xi1>, vector<16xf32>
          %select_n3A_596 = arith.select %or3A_594, %select_n3A_589, %while3A_538 : vector<16xi1>, vector<16xi32>
          scf.yield %select_n3A_595, %select_n3A_596 : vector<16xf32>, vector<16xi32>
        }
        %while3A_515 = arith.constant 1 : i32
        %while3A_516:2 = scf.for %while3A_536 = %while3A_512 to %while3A_508 step %while3A_515 iter_args(%while3A_537 = %while3A_514#0, %while3A_538 = %while3A_514#1) -> (vector<16xf32>, vector<16xi32>)  : i32 {
          %mul3A_539 = arith.constant 2 : i32
          %mul3A_540 = arith.muli %while3A_536, %mul3A_539 : i32
          %add3A_541 = arith.constant 0 : i32
          %add3A_542 = arith.addi %mul3A_540, %add3A_541 : i32
          %mul3A_543 = arith.constant 16 : i32
          %mul3A_544 = arith.muli %add3A_542, %mul3A_543 : i32
          %get3A_545 = arith.index_cast %mul3A_544 : i32 to index
          %get3A_546 = tpu.vector_load %arg10[%get3A_545] {strides = array<i32>} : memref<512xf32, #tpu.memory_space<vmem>>, vector<16xf32>,
          %mul3A_547 = arith.constant 2 : i32
          %mul3A_548 = arith.muli %while3A_536, %mul3A_547 : i32
          %add3A_549 = arith.constant 0 : i32
          %add3A_550 = arith.addi %mul3A_548, %add3A_549 : i32
          %mul3A_551 = arith.constant 16 : i32
          %mul3A_552 = arith.muli %add3A_550, %mul3A_551 : i32
          %get3A_553 = arith.index_cast %mul3A_552 : i32 to index
          %get3A_554 = tpu.vector_load %arg11[%get3A_553] {strides = array<i32>} : memref<512xi32, #tpu.memory_space<vmem>>, vector<16xi32>,
          %lt3A_555 = arith.cmpf olt, %get3A_546, %broadcast_in_dim3A_504 : vector<16xf32>
          %eq3A_556 = arith.cmpf oeq, %get3A_546, %broadcast_in_dim3A_504 : vector<16xf32>
          %gt3A = arith.cmpi sgt, %get3A_554, %broadcast_in_dim3A_505 : vector<16xi32>
          %and3A_557 = arith.andi %eq3A_556, %gt3A : vector<16xi1>
          %or3A = arith.ori %lt3A_555, %and3A_557 : vector<16xi1>
          %select_n3A_558 = arith.select %or3A, %get3A_546, %broadcast_in_dim3A_417 : vector<16xi1>, vector<16xf32>
          %select_n3A_559 = arith.select %or3A, %get3A_554, %broadcast_in_dim3A_419 : vector<16xi1>, vector<16xi32>
          %mul3A_560 = arith.constant 2 : i32
          %mul3A_561 = arith.muli %while3A_536, %mul3A_560 : i32
          %add3A_562 = arith.constant 1 : i32
          %add3A_563 = arith.addi %mul3A_561, %add3A_562 : i32
          %mul3A_564 = arith.constant 16 : i32
          %mul3A_565 = arith.muli %add3A_563, %mul3A_564 : i32
          %get3A_566 = arith.index_cast %mul3A_565 : i32 to index
          %get3A_567 = tpu.vector_load %arg10[%get3A_566] {strides = array<i32>} : memref<512xf32, #tpu.memory_space<vmem>>, vector<16xf32>,
          %mul3A_568 = arith.constant 2 : i32
          %mul3A_569 = arith.muli %while3A_536, %mul3A_568 : i32
          %add3A_570 = arith.constant 1 : i32
          %add3A_571 = arith.addi %mul3A_569, %add3A_570 : i32
          %mul3A_572 = arith.constant 16 : i32
          %mul3A_573 = arith.muli %add3A_571, %mul3A_572 : i32
          %get3A_574 = arith.index_cast %mul3A_573 : i32 to index
          %get3A_575 = tpu.vector_load %arg11[%get3A_574] {strides = array<i32>} : memref<512xi32, #tpu.memory_space<vmem>>, vector<16xi32>,
          %lt3A_576 = arith.cmpf olt, %get3A_567, %broadcast_in_dim3A_504 : vector<16xf32>
          %eq3A_577 = arith.cmpf oeq, %get3A_567, %broadcast_in_dim3A_504 : vector<16xf32>
          %gt3A_578 = arith.cmpi sgt, %get3A_575, %broadcast_in_dim3A_505 : vector<16xi32>
          %and3A_579 = arith.andi %eq3A_577, %gt3A_578 : vector<16xi1>
          %or3A_580 = arith.ori %lt3A_576, %and3A_579 : vector<16xi1>
          %select_n3A_581 = arith.select %or3A_580, %get3A_567, %broadcast_in_dim3A_417 : vector<16xi1>, vector<16xf32>
          %select_n3A_582 = arith.select %or3A_580, %get3A_575, %broadcast_in_dim3A_419 : vector<16xi1>, vector<16xi32>
          %gt3A_583 = arith.cmpf ogt, %select_n3A_581, %select_n3A_558 : vector<16xf32>
          %eq3A_584 = arith.cmpf oeq, %select_n3A_581, %select_n3A_558 : vector<16xf32>
          %lt3A_585 = arith.cmpi slt, %select_n3A_582, %select_n3A_559 : vector<16xi32>
          %and3A_586 = arith.andi %eq3A_584, %lt3A_585 : vector<16xi1>
          %or3A_587 = arith.ori %gt3A_583, %and3A_586 : vector<16xi1>
          %select_n3A_588 = arith.select %or3A_587, %select_n3A_581, %select_n3A_558 : vector<16xi1>, vector<16xf32>
          %select_n3A_589 = arith.select %or3A_587, %select_n3A_582, %select_n3A_559 : vector<16xi1>, vector<16xi32>
          %gt3A_590 = arith.cmpf ogt, %select_n3A_588, %while3A_537 : vector<16xf32>
          %eq3A_591 = arith.cmpf oeq, %select_n3A_588, %while3A_537 : vector<16xf32>
          %lt3A_592 = arith.cmpi slt, %select_n3A_589, %while3A_538 : vector<16xi32>
          %and3A_593 = arith.andi %eq3A_591, %lt3A_592 : vector<16xi1>
          %or3A_594 = arith.ori %gt3A_590, %and3A_593 : vector<16xi1>
          %select_n3A_595 = arith.select %or3A_594, %select_n3A_588, %while3A_537 : vector<16xi1>, vector<16xf32>
          %select_n3A_596 = arith.select %or3A_594, %select_n3A_589, %while3A_538 : vector<16xi1>, vector<16xi32>
          scf.yield %select_n3A_595, %select_n3A_596 : vector<16xf32>, vector<16xi32>
        }
        %reduce_max3A_517 = arith.constant true
        %reduce_max3A_518 = vector.broadcast %reduce_max3A_517 : i1 to vector<16xi1>
        %reduce_max3A_519 = tpu.scan <max>, %while3A_516#0 masked %reduce_max3A_518 : vector<16xf32>, vector<16xi1> -> vector<16xf32>
        %reduce_max3A_520 = vector.extract %reduce_max3A_519[15] : f32 from vector<16xf32>
        %broadcast_in_dim3A_521 = vector.broadcast %reduce_max3A_520 : f32 to vector<16xf32>
        %eq3A = arith.cmpf oeq, %while3A_516#0, %broadcast_in_dim3A_521 : vector<16xf32>
        %broadcast_in_dim3A_522 = arith.constant 1073741824 : i32
        %broadcast_in_dim3A_523 = vector.broadcast %broadcast_in_dim3A_522 : i32 to vector<16xi32>
        %select_n3A_524 = arith.select %eq3A, %while3A_516#1, %broadcast_in_dim3A_523 : vector<16xi1>, vector<16xi32>
        %reduce_min3A = arith.constant true
        %reduce_min3A_525 = vector.broadcast %reduce_min3A : i1 to vector<16xi1>
        %reduce_min3A_526 = arith.constant -2147483648 : i32
        %reduce_min3A_527 = vector.broadcast %reduce_min3A_526 : i32 to vector<16xi32>
        %reduce_min3A_528 = arith.xori %select_n3A_524, %reduce_min3A_527 : vector<16xi32>
        %reduce_min3A_529 = tpu.scan <min>, %reduce_min3A_528 masked %reduce_min3A_525 : vector<16xi32>, vector<16xi1> -> vector<16xi32>
        %reduce_min3A_530 = arith.xori %reduce_min3A_529, %reduce_min3A_527 : vector<16xi32>
        %reduce_min3A_531 = vector.extract %reduce_min3A_530[15] : i32 from vector<16xi32>
        %broadcast_in_dim3A_532 = vector.broadcast %scan3A_500 : i32 to vector<16xi32>
        %eq3A_533 = arith.cmpi eq, %iota3A, %broadcast_in_dim3A_532 : vector<16xi32>
        %broadcast_in_dim3A_534 = vector.broadcast %reduce_min3A_531 : i32 to vector<16xi32>
        %select_n3A_535 = arith.select %eq3A_533, %broadcast_in_dim3A_534, %scan3A_503 : vector<16xi1>, vector<16xi32>
        scf.yield %reduce_max3A_520, %reduce_min3A_531, %select_n3A_535 : f32, i32, vector<16xi32>
      }
      %scan3A_480 = arith.constant 16 : i32
      %swap3A_481 = arith.constant 80 : index
      %swap3A_482 = tpu.vector_load %arg12[%swap3A_481] {strides = array<i32>} : memref<112xi32, #tpu.memory_space<vmem>>, vector<16xi32>,
      tpu.vector_store %arg12[%swap3A_481], %scan3A_479#2 {strides = array<i32>} : memref<112xi32, #tpu.memory_space<vmem>>, vector<16xi32>,
      %broadcast_in_dim3A_483 = arith.constant 0 : i32
      %broadcast_in_dim3A_484 = vector.broadcast %broadcast_in_dim3A_483 : i32 to vector<16xi32>
      %scan3A_485 = arith.constant 0 : i32
      %scan3A_486 = arith.constant 16 : i32
      %scan3A_487 = arith.addi %scan3A_485, %scan3A_486 : i32
      %scan3A_488 = arith.constant 1 : i32
      %scan3A_489:3 = scf.for %scan3A_500 = %scan3A_485 to %scan3A_487 step %scan3A_488 iter_args(%scan3A_501 = %scan3A_479#0, %scan3A_502 = %scan3A_479#1, %scan3A_503 = %broadcast_in_dim3A_484) -> (f32, i32, vector<16xi32>)  : i32 {
        %broadcast_in_dim3A_504 = vector.broadcast %scan3A_501 : f32 to vector<16xf32>
        %broadcast_in_dim3A_505 = vector.broadcast %scan3A_502 : i32 to vector<16xi32>
        %while3A_506 = arith.constant 0 : i32
        %while3A_507 = arith.subi %select_n3A_415, %while3A_506 : i32
        %while3A_508 = arith.addi %while3A_506, %while3A_507 : i32
        %while3A_509 = arith.constant 1 : i32
        %while3A_510 = arith.divsi %while3A_507, %while3A_509 : i32
        %while3A_511 = arith.muli %while3A_510, %while3A_509 : i32
        %while3A_512 = arith.addi %while3A_506, %while3A_511 : i32
        %while3A_513 = arith.constant 1 : i32
        %while3A_514:2 = scf.for %while3A_536 = %while3A_506 to %while3A_512 step %while3A_513 iter_args(%while3A_537 = %broadcast_in_dim3A_417, %while3A_538 = %broadcast_in_dim3A_419) -> (vector<16xf32>, vector<16xi32>)  : i32 {
          %mul3A_539 = arith.constant 2 : i32
          %mul3A_540 = arith.muli %while3A_536, %mul3A_539 : i32
          %add3A_541 = arith.constant 0 : i32
          %add3A_542 = arith.addi %mul3A_540, %add3A_541 : i32
          %mul3A_543 = arith.constant 16 : i32
          %mul3A_544 = arith.muli %add3A_542, %mul3A_543 : i32
          %get3A_545 = arith.index_cast %mul3A_544 : i32 to index
          %get3A_546 = tpu.vector_load %arg10[%get3A_545] {strides = array<i32>} : memref<512xf32, #tpu.memory_space<vmem>>, vector<16xf32>,
          %mul3A_547 = arith.constant 2 : i32
          %mul3A_548 = arith.muli %while3A_536, %mul3A_547 : i32
          %add3A_549 = arith.constant 0 : i32
          %add3A_550 = arith.addi %mul3A_548, %add3A_549 : i32
          %mul3A_551 = arith.constant 16 : i32
          %mul3A_552 = arith.muli %add3A_550, %mul3A_551 : i32
          %get3A_553 = arith.index_cast %mul3A_552 : i32 to index
          %get3A_554 = tpu.vector_load %arg11[%get3A_553] {strides = array<i32>} : memref<512xi32, #tpu.memory_space<vmem>>, vector<16xi32>,
          %lt3A_555 = arith.cmpf olt, %get3A_546, %broadcast_in_dim3A_504 : vector<16xf32>
          %eq3A_556 = arith.cmpf oeq, %get3A_546, %broadcast_in_dim3A_504 : vector<16xf32>
          %gt3A = arith.cmpi sgt, %get3A_554, %broadcast_in_dim3A_505 : vector<16xi32>
          %and3A_557 = arith.andi %eq3A_556, %gt3A : vector<16xi1>
          %or3A = arith.ori %lt3A_555, %and3A_557 : vector<16xi1>
          %select_n3A_558 = arith.select %or3A, %get3A_546, %broadcast_in_dim3A_417 : vector<16xi1>, vector<16xf32>
          %select_n3A_559 = arith.select %or3A, %get3A_554, %broadcast_in_dim3A_419 : vector<16xi1>, vector<16xi32>
          %mul3A_560 = arith.constant 2 : i32
          %mul3A_561 = arith.muli %while3A_536, %mul3A_560 : i32
          %add3A_562 = arith.constant 1 : i32
          %add3A_563 = arith.addi %mul3A_561, %add3A_562 : i32
          %mul3A_564 = arith.constant 16 : i32
          %mul3A_565 = arith.muli %add3A_563, %mul3A_564 : i32
          %get3A_566 = arith.index_cast %mul3A_565 : i32 to index
          %get3A_567 = tpu.vector_load %arg10[%get3A_566] {strides = array<i32>} : memref<512xf32, #tpu.memory_space<vmem>>, vector<16xf32>,
          %mul3A_568 = arith.constant 2 : i32
          %mul3A_569 = arith.muli %while3A_536, %mul3A_568 : i32
          %add3A_570 = arith.constant 1 : i32
          %add3A_571 = arith.addi %mul3A_569, %add3A_570 : i32
          %mul3A_572 = arith.constant 16 : i32
          %mul3A_573 = arith.muli %add3A_571, %mul3A_572 : i32
          %get3A_574 = arith.index_cast %mul3A_573 : i32 to index
          %get3A_575 = tpu.vector_load %arg11[%get3A_574] {strides = array<i32>} : memref<512xi32, #tpu.memory_space<vmem>>, vector<16xi32>,
          %lt3A_576 = arith.cmpf olt, %get3A_567, %broadcast_in_dim3A_504 : vector<16xf32>
          %eq3A_577 = arith.cmpf oeq, %get3A_567, %broadcast_in_dim3A_504 : vector<16xf32>
          %gt3A_578 = arith.cmpi sgt, %get3A_575, %broadcast_in_dim3A_505 : vector<16xi32>
          %and3A_579 = arith.andi %eq3A_577, %gt3A_578 : vector<16xi1>
          %or3A_580 = arith.ori %lt3A_576, %and3A_579 : vector<16xi1>
          %select_n3A_581 = arith.select %or3A_580, %get3A_567, %broadcast_in_dim3A_417 : vector<16xi1>, vector<16xf32>
          %select_n3A_582 = arith.select %or3A_580, %get3A_575, %broadcast_in_dim3A_419 : vector<16xi1>, vector<16xi32>
          %gt3A_583 = arith.cmpf ogt, %select_n3A_581, %select_n3A_558 : vector<16xf32>
          %eq3A_584 = arith.cmpf oeq, %select_n3A_581, %select_n3A_558 : vector<16xf32>
          %lt3A_585 = arith.cmpi slt, %select_n3A_582, %select_n3A_559 : vector<16xi32>
          %and3A_586 = arith.andi %eq3A_584, %lt3A_585 : vector<16xi1>
          %or3A_587 = arith.ori %gt3A_583, %and3A_586 : vector<16xi1>
          %select_n3A_588 = arith.select %or3A_587, %select_n3A_581, %select_n3A_558 : vector<16xi1>, vector<16xf32>
          %select_n3A_589 = arith.select %or3A_587, %select_n3A_582, %select_n3A_559 : vector<16xi1>, vector<16xi32>
          %gt3A_590 = arith.cmpf ogt, %select_n3A_588, %while3A_537 : vector<16xf32>
          %eq3A_591 = arith.cmpf oeq, %select_n3A_588, %while3A_537 : vector<16xf32>
          %lt3A_592 = arith.cmpi slt, %select_n3A_589, %while3A_538 : vector<16xi32>
          %and3A_593 = arith.andi %eq3A_591, %lt3A_592 : vector<16xi1>
          %or3A_594 = arith.ori %gt3A_590, %and3A_593 : vector<16xi1>
          %select_n3A_595 = arith.select %or3A_594, %select_n3A_588, %while3A_537 : vector<16xi1>, vector<16xf32>
          %select_n3A_596 = arith.select %or3A_594, %select_n3A_589, %while3A_538 : vector<16xi1>, vector<16xi32>
          scf.yield %select_n3A_595, %select_n3A_596 : vector<16xf32>, vector<16xi32>
        }
        %while3A_515 = arith.constant 1 : i32
        %while3A_516:2 = scf.for %while3A_536 = %while3A_512 to %while3A_508 step %while3A_515 iter_args(%while3A_537 = %while3A_514#0, %while3A_538 = %while3A_514#1) -> (vector<16xf32>, vector<16xi32>)  : i32 {
          %mul3A_539 = arith.constant 2 : i32
          %mul3A_540 = arith.muli %while3A_536, %mul3A_539 : i32
          %add3A_541 = arith.constant 0 : i32
          %add3A_542 = arith.addi %mul3A_540, %add3A_541 : i32
          %mul3A_543 = arith.constant 16 : i32
          %mul3A_544 = arith.muli %add3A_542, %mul3A_543 : i32
          %get3A_545 = arith.index_cast %mul3A_544 : i32 to index
          %get3A_546 = tpu.vector_load %arg10[%get3A_545] {strides = array<i32>} : memref<512xf32, #tpu.memory_space<vmem>>, vector<16xf32>,
          %mul3A_547 = arith.constant 2 : i32
          %mul3A_548 = arith.muli %while3A_536, %mul3A_547 : i32
          %add3A_549 = arith.constant 0 : i32
          %add3A_550 = arith.addi %mul3A_548, %add3A_549 : i32
          %mul3A_551 = arith.constant 16 : i32
          %mul3A_552 = arith.muli %add3A_550, %mul3A_551 : i32
          %get3A_553 = arith.index_cast %mul3A_552 : i32 to index
          %get3A_554 = tpu.vector_load %arg11[%get3A_553] {strides = array<i32>} : memref<512xi32, #tpu.memory_space<vmem>>, vector<16xi32>,
          %lt3A_555 = arith.cmpf olt, %get3A_546, %broadcast_in_dim3A_504 : vector<16xf32>
          %eq3A_556 = arith.cmpf oeq, %get3A_546, %broadcast_in_dim3A_504 : vector<16xf32>
          %gt3A = arith.cmpi sgt, %get3A_554, %broadcast_in_dim3A_505 : vector<16xi32>
          %and3A_557 = arith.andi %eq3A_556, %gt3A : vector<16xi1>
          %or3A = arith.ori %lt3A_555, %and3A_557 : vector<16xi1>
          %select_n3A_558 = arith.select %or3A, %get3A_546, %broadcast_in_dim3A_417 : vector<16xi1>, vector<16xf32>
          %select_n3A_559 = arith.select %or3A, %get3A_554, %broadcast_in_dim3A_419 : vector<16xi1>, vector<16xi32>
          %mul3A_560 = arith.constant 2 : i32
          %mul3A_561 = arith.muli %while3A_536, %mul3A_560 : i32
          %add3A_562 = arith.constant 1 : i32
          %add3A_563 = arith.addi %mul3A_561, %add3A_562 : i32
          %mul3A_564 = arith.constant 16 : i32
          %mul3A_565 = arith.muli %add3A_563, %mul3A_564 : i32
          %get3A_566 = arith.index_cast %mul3A_565 : i32 to index
          %get3A_567 = tpu.vector_load %arg10[%get3A_566] {strides = array<i32>} : memref<512xf32, #tpu.memory_space<vmem>>, vector<16xf32>,
          %mul3A_568 = arith.constant 2 : i32
          %mul3A_569 = arith.muli %while3A_536, %mul3A_568 : i32
          %add3A_570 = arith.constant 1 : i32
          %add3A_571 = arith.addi %mul3A_569, %add3A_570 : i32
          %mul3A_572 = arith.constant 16 : i32
          %mul3A_573 = arith.muli %add3A_571, %mul3A_572 : i32
          %get3A_574 = arith.index_cast %mul3A_573 : i32 to index
          %get3A_575 = tpu.vector_load %arg11[%get3A_574] {strides = array<i32>} : memref<512xi32, #tpu.memory_space<vmem>>, vector<16xi32>,
          %lt3A_576 = arith.cmpf olt, %get3A_567, %broadcast_in_dim3A_504 : vector<16xf32>
          %eq3A_577 = arith.cmpf oeq, %get3A_567, %broadcast_in_dim3A_504 : vector<16xf32>
          %gt3A_578 = arith.cmpi sgt, %get3A_575, %broadcast_in_dim3A_505 : vector<16xi32>
          %and3A_579 = arith.andi %eq3A_577, %gt3A_578 : vector<16xi1>
          %or3A_580 = arith.ori %lt3A_576, %and3A_579 : vector<16xi1>
          %select_n3A_581 = arith.select %or3A_580, %get3A_567, %broadcast_in_dim3A_417 : vector<16xi1>, vector<16xf32>
          %select_n3A_582 = arith.select %or3A_580, %get3A_575, %broadcast_in_dim3A_419 : vector<16xi1>, vector<16xi32>
          %gt3A_583 = arith.cmpf ogt, %select_n3A_581, %select_n3A_558 : vector<16xf32>
          %eq3A_584 = arith.cmpf oeq, %select_n3A_581, %select_n3A_558 : vector<16xf32>
          %lt3A_585 = arith.cmpi slt, %select_n3A_582, %select_n3A_559 : vector<16xi32>
          %and3A_586 = arith.andi %eq3A_584, %lt3A_585 : vector<16xi1>
          %or3A_587 = arith.ori %gt3A_583, %and3A_586 : vector<16xi1>
          %select_n3A_588 = arith.select %or3A_587, %select_n3A_581, %select_n3A_558 : vector<16xi1>, vector<16xf32>
          %select_n3A_589 = arith.select %or3A_587, %select_n3A_582, %select_n3A_559 : vector<16xi1>, vector<16xi32>
          %gt3A_590 = arith.cmpf ogt, %select_n3A_588, %while3A_537 : vector<16xf32>
          %eq3A_591 = arith.cmpf oeq, %select_n3A_588, %while3A_537 : vector<16xf32>
          %lt3A_592 = arith.cmpi slt, %select_n3A_589, %while3A_538 : vector<16xi32>
          %and3A_593 = arith.andi %eq3A_591, %lt3A_592 : vector<16xi1>
          %or3A_594 = arith.ori %gt3A_590, %and3A_593 : vector<16xi1>
          %select_n3A_595 = arith.select %or3A_594, %select_n3A_588, %while3A_537 : vector<16xi1>, vector<16xf32>
          %select_n3A_596 = arith.select %or3A_594, %select_n3A_589, %while3A_538 : vector<16xi1>, vector<16xi32>
          scf.yield %select_n3A_595, %select_n3A_596 : vector<16xf32>, vector<16xi32>
        }
        %reduce_max3A_517 = arith.constant true
        %reduce_max3A_518 = vector.broadcast %reduce_max3A_517 : i1 to vector<16xi1>
        %reduce_max3A_519 = tpu.scan <max>, %while3A_516#0 masked %reduce_max3A_518 : vector<16xf32>, vector<16xi1> -> vector<16xf32>
        %reduce_max3A_520 = vector.extract %reduce_max3A_519[15] : f32 from vector<16xf32>
        %broadcast_in_dim3A_521 = vector.broadcast %reduce_max3A_520 : f32 to vector<16xf32>
        %eq3A = arith.cmpf oeq, %while3A_516#0, %broadcast_in_dim3A_521 : vector<16xf32>
        %broadcast_in_dim3A_522 = arith.constant 1073741824 : i32
        %broadcast_in_dim3A_523 = vector.broadcast %broadcast_in_dim3A_522 : i32 to vector<16xi32>
        %select_n3A_524 = arith.select %eq3A, %while3A_516#1, %broadcast_in_dim3A_523 : vector<16xi1>, vector<16xi32>
        %reduce_min3A = arith.constant true
        %reduce_min3A_525 = vector.broadcast %reduce_min3A : i1 to vector<16xi1>
        %reduce_min3A_526 = arith.constant -2147483648 : i32
        %reduce_min3A_527 = vector.broadcast %reduce_min3A_526 : i32 to vector<16xi32>
        %reduce_min3A_528 = arith.xori %select_n3A_524, %reduce_min3A_527 : vector<16xi32>
        %reduce_min3A_529 = tpu.scan <min>, %reduce_min3A_528 masked %reduce_min3A_525 : vector<16xi32>, vector<16xi1> -> vector<16xi32>
        %reduce_min3A_530 = arith.xori %reduce_min3A_529, %reduce_min3A_527 : vector<16xi32>
        %reduce_min3A_531 = vector.extract %reduce_min3A_530[15] : i32 from vector<16xi32>
        %broadcast_in_dim3A_532 = vector.broadcast %scan3A_500 : i32 to vector<16xi32>
        %eq3A_533 = arith.cmpi eq, %iota3A, %broadcast_in_dim3A_532 : vector<16xi32>
        %broadcast_in_dim3A_534 = vector.broadcast %reduce_min3A_531 : i32 to vector<16xi32>
        %select_n3A_535 = arith.select %eq3A_533, %broadcast_in_dim3A_534, %scan3A_503 : vector<16xi1>, vector<16xi32>
        scf.yield %reduce_max3A_520, %reduce_min3A_531, %select_n3A_535 : f32, i32, vector<16xi32>
      }
      %scan3A_490 = arith.constant 16 : i32
      %swap3A_491 = arith.constant 96 : index
      %swap3A_492 = tpu.vector_load %arg12[%swap3A_491] {strides = array<i32>} : memref<112xi32, #tpu.memory_space<vmem>>, vector<16xi32>,
      tpu.vector_store %arg12[%swap3A_491], %scan3A_489#2 {strides = array<i32>} : memref<112xi32, #tpu.memory_space<vmem>>, vector<16xi32>,
      %dma_start3A_493 = arith.constant 0 : i32
      %dma_start3A_494 = arith.constant 0 : i32
      %dma_start3A_495 = tpu.memref_slice %arg4[%dma_start3A_493, %dma_start3A_494] : memref<100000x64xf32, #tpu.memory_space<hbm>> -> memref<100000x64xf32, #tpu.memory_space<hbm>>
      tpu.enqueue_indirect_dma source(%dma_start3A_495 : memref<100000x64xf32, #tpu.memory_space<hbm>>) target(%arg13 : memref<112x64xf32, #tpu.memory_space<vmem>>) offsets(%arg12 : memref<112xi32, #tpu.memory_space<vmem>>) semaphore(%arg18 : memref<!tpu.dma_semaphore, #tpu.memory_space<semaphore_mem>>)
      %dma_wait3A_496 = arith.constant 0 : i32
      %dma_wait3A_497 = arith.constant 0 : i32
      %dma_wait3A_498 = tpu.memref_slice %arg4[%dma_wait3A_496, %dma_wait3A_497] : memref<100000x64xf32, #tpu.memory_space<hbm>> -> memref<100000x64xf32, #tpu.memory_space<hbm>>
      tpu.wait_indirect_dma semaphore(%arg18 : memref<!tpu.dma_semaphore, #tpu.memory_space<semaphore_mem>>) src(%dma_wait3A_498 : memref<100000x64xf32, #tpu.memory_space<hbm>>) dst(%arg13 : memref<112x64xf32, #tpu.memory_space<vmem>>)
      "tpu.region"() ({
        %run_scoped3A = tpu.sem_alloc : memref<!tpu.dma_semaphore, #tpu.memory_space<semaphore_mem>>
        %dma_start3A_500 = arith.constant 0 : i32
        %dma_start3A_501 = arith.constant 0 : i32
        %dma_start3A_502 = tpu.memref_slice %arg13[%dma_start3A_500, %dma_start3A_501] : memref<112x64xf32, #tpu.memory_space<vmem>> -> memref<100x64xf32, #tpu.memory_space<vmem>>
        %dma_start3A_503 = arith.constant 0 : i32
        %dma_start3A_504 = arith.constant 0 : i32
        %dma_start3A_505 = tpu.memref_slice %arg5[%add3A_38, %dma_start3A_503, %dma_start3A_504] : memref<1024x100x64xf32, #tpu.memory_space<hbm>> -> memref<1x100x64xf32, #tpu.memory_space<hbm>>
        %dma_start3A_506 = tpu.memref_squeeze %dma_start3A_505 : memref<1x100x64xf32, #tpu.memory_space<hbm>> -> memref<100x64xf32, #tpu.memory_space<hbm>>
        %dma_start3A_507 = arith.constant 0 : i32
        %dma_start3A_508 = arith.constant 0 : i32
        %dma_start3A_509 = tpu.memref_slice %arg5[%add3A_38, %dma_start3A_507, %dma_start3A_508] : memref<1024x100x64xf32, #tpu.memory_space<hbm>> -> memref<1x100x64xf32, #tpu.memory_space<hbm>>
        %dma_start3A_510 = tpu.memref_squeeze %dma_start3A_509 : memref<1x100x64xf32, #tpu.memory_space<hbm>> -> memref<100x64xf32, #tpu.memory_space<hbm>>
        %dma_start3A_511 = arith.constant 0 : i32
        %dma_start3A_512 = arith.constant 0 : i32
        %dma_start3A_513 = tpu.memref_slice %arg13[%dma_start3A_511, %dma_start3A_512] : memref<112x64xf32, #tpu.memory_space<vmem>> -> memref<100x64xf32, #tpu.memory_space<vmem>>
        tpu.enqueue_dma source(%dma_start3A_513 : memref<100x64xf32, #tpu.memory_space<vmem>>) target(%dma_start3A_510 : memref<100x64xf32, #tpu.memory_space<hbm>>) target_semaphore(%run_scoped3A : memref<!tpu.dma_semaphore, #tpu.memory_space<semaphore_mem>>)
        %dma_wait3A_514 = arith.constant 0 : i32
        %dma_wait3A_515 = arith.constant 0 : i32
        %dma_wait3A_516 = tpu.memref_slice %arg13[%dma_wait3A_514, %dma_wait3A_515] : memref<112x64xf32, #tpu.memory_space<vmem>> -> memref<100x64xf32, #tpu.memory_space<vmem>>
        %dma_wait3A_517 = arith.constant 0 : i32
        %dma_wait3A_518 = arith.constant 0 : i32
        %dma_wait3A_519 = tpu.memref_slice %arg5[%add3A_38, %dma_wait3A_517, %dma_wait3A_518] : memref<1024x100x64xf32, #tpu.memory_space<hbm>> -> memref<1x100x64xf32, #tpu.memory_space<hbm>>
        %dma_wait3A_520 = tpu.memref_squeeze %dma_wait3A_519 : memref<1x100x64xf32, #tpu.memory_space<hbm>> -> memref<100x64xf32, #tpu.memory_space<hbm>>
        %dma_wait3A_521 = arith.constant 0 : i32
        %dma_wait3A_522 = arith.constant 0 : i32
        %dma_wait3A_523 = tpu.memref_slice %arg5[%add3A_38, %dma_wait3A_521, %dma_wait3A_522] : memref<1024x100x64xf32, #tpu.memory_space<hbm>> -> memref<1x100x64xf32, #tpu.memory_space<hbm>>
        %dma_wait3A_524 = tpu.memref_squeeze %dma_wait3A_523 : memref<1x100x64xf32, #tpu.memory_space<hbm>> -> memref<100x64xf32, #tpu.memory_space<hbm>>
        %dma_wait3A_525 = arith.constant 0 : i32
        %dma_wait3A_526 = arith.constant 0 : i32
        %dma_wait3A_527 = tpu.memref_slice %arg13[%dma_wait3A_525, %dma_wait3A_526] : memref<112x64xf32, #tpu.memory_space<vmem>> -> memref<100x64xf32, #tpu.memory_space<vmem>>
        tpu.wait_dma2 semaphore(%run_scoped3A : memref<!tpu.dma_semaphore, #tpu.memory_space<semaphore_mem>>) src(%dma_wait3A_527 : memref<100x64xf32, #tpu.memory_space<vmem>>) dst(%dma_wait3A_524 : memref<100x64xf32, #tpu.memory_space<hbm>>)
        tpu.yield
      }) : () -> ()
      %scan3A_499 = arith.constant 0 : i32
      scf.yield %scan3A_499 : i32
    }
    %scan3A_35 = arith.constant 32 : i32
    return
  }
}

module attributes {stable_mosaic.version = 14 : i64} {
  func.func @_fuse_body(%arg0: memref<1024x2048xf32, #tpu.memory_space<vmem>>, %arg1: memref<1024x768xf32, #tpu.memory_space<vmem>>, %arg2: memref<2048x64xf32, #tpu.memory_space<vmem>>, %arg3: memref<768x64xf32, #tpu.memory_space<vmem>>, %arg4: memref<1x64xf32, #tpu.memory_space<vmem>>, %arg5: memref<1x64xf32, #tpu.memory_space<vmem>>, %arg6: memref<1024x64xf32, #tpu.memory_space<vmem>>) attributes {dimension_semantics = [], scalar_prefetch = 0 : i64, scratch_operands = 0 : i64, tpu.core_type = #tpu.core_type<tc>} {
    %get3A = arith.constant 0 : index
    %get3A_0 = arith.constant 0 : index
    %get3A_1 = vector.load %arg0[%get3A, %get3A_0] : memref<1024x2048xf32, #tpu.memory_space<vmem>>, vector<1024x2048xf32>
    %get3A_2 = arith.constant 0 : index
    %get3A_3 = arith.constant 0 : index
    %get3A_4 = vector.load %arg2[%get3A_2, %get3A_3] : memref<2048x64xf32, #tpu.memory_space<vmem>>, vector<2048x64xf32>
    %dot_general3A = arith.constant dense<0.000000e+00> : vector<1024x64xf32>
    %dot_general3A_5 = tpu.matmul %get3A_1, %get3A_4, %dot_general3A {dimension_numbers = #tpu.dot_dimension_numbers<[1], [0], [0], [1], [0, 0, 1, 1], [], []>, transpose_lhs_hint = false} : vector<1024x2048xf32>, vector<2048x64xf32>, vector<1024x64xf32> -> vector<1024x64xf32>
    %get3A_6 = arith.constant 0 : index
    %get3A_7 = arith.constant 0 : index
    %get3A_8 = vector.load %arg1[%get3A_6, %get3A_7] : memref<1024x768xf32, #tpu.memory_space<vmem>>, vector<1024x768xf32>
    %get3A_9 = arith.constant 0 : index
    %get3A_10 = arith.constant 0 : index
    %get3A_11 = vector.load %arg3[%get3A_9, %get3A_10] : memref<768x64xf32, #tpu.memory_space<vmem>>, vector<768x64xf32>
    %dot_general3A_12 = arith.constant dense<0.000000e+00> : vector<1024x64xf32>
    %dot_general3A_13 = tpu.matmul %get3A_8, %get3A_11, %dot_general3A_12 {dimension_numbers = #tpu.dot_dimension_numbers<[1], [0], [0], [1], [0, 0, 1, 1], [], []>, transpose_lhs_hint = false} : vector<1024x768xf32>, vector<768x64xf32>, vector<1024x64xf32> -> vector<1024x64xf32>
    %get3A_14 = arith.constant 0 : index
    %get3A_15 = arith.constant 0 : index
    %get3A_16 = vector.load %arg4[%get3A_14, %get3A_15] : memref<1x64xf32, #tpu.memory_space<vmem>>, vector<1x64xf32>
    %add3A = vector.broadcast %get3A_16 : vector<1x64xf32> to vector<1024x64xf32>
    %add3A_17 = arith.addf %dot_general3A_5, %add3A : vector<1024x64xf32>
    %add3A_18 = arith.addf %add3A_17, %dot_general3A_13 : vector<1024x64xf32>
    %get3A_19 = arith.constant 0 : index
    %get3A_20 = arith.constant 0 : index
    %get3A_21 = vector.load %arg5[%get3A_19, %get3A_20] : memref<1x64xf32, #tpu.memory_space<vmem>>, vector<1x64xf32>
    %add3A_22 = vector.broadcast %get3A_21 : vector<1x64xf32> to vector<1024x64xf32>
    %add3A_23 = arith.addf %add3A_18, %add3A_22 : vector<1024x64xf32>
    %mul3A = arith.constant 5.000000e-01 : f32
    %mul3A_24 = vector.broadcast %mul3A : f32 to vector<1024x64xf32>
    %mul3A_25 = arith.mulf %add3A_23, %mul3A_24 : vector<1024x64xf32>
    %swap3A = arith.constant 0 : index
    %swap3A_26 = arith.constant 0 : index
    %swap3A_27 = vector.load %arg6[%swap3A, %swap3A_26] : memref<1024x64xf32, #tpu.memory_space<vmem>>, vector<1024x64xf32>
    tpu.vector_store %arg6[%swap3A, %swap3A_26], %mul3A_25 {strides = array<i32>} : memref<1024x64xf32, #tpu.memory_space<vmem>>, vector<1024x64xf32>,
    return
  }
}

module attributes {stable_mosaic.version = 14 : i64} {
  func.func @_sims_body(%arg0: i32, %arg1: memref<1024x64xf32, #tpu.memory_space<vmem>>, %arg2: memref<2048x64xf32, #tpu.memory_space<vmem>>, %arg3: memref<1024x2048xf32, #tpu.memory_space<vmem>>, %arg4: memref<1024x128xf32, #tpu.memory_space<vmem>>, %arg5: memref<1024x128xf32, #tpu.memory_space<vmem>>) attributes {dimension_semantics = [#tpu.dimension_semantics<arbitrary>], iteration_bounds = array<i64: 49>, scalar_prefetch = 0 : i64, scratch_operands = 1 : i64, tpu.core_type = #tpu.core_type<tc>, window_params = [{pipeline_mode = #tpu.pipeline_mode<synchronous>, transform_indices = @transform_0, window_bounds = array<i64: 1024, 64>}, {transform_indices = @transform_1, window_bounds = array<i64: 2048, 64>}, {transform_indices = @transform_2, window_bounds = array<i64: 1024, 2048>}, {pipeline_mode = #tpu.pipeline_mode<synchronous>, transform_indices = @transform_3, window_bounds = array<i64: 1024, 128>}]} {
    %get3A = arith.constant 0 : index
    %get3A_0 = arith.constant 0 : index
    %get3A_1 = vector.load %arg1[%get3A, %get3A_0] : memref<1024x64xf32, #tpu.memory_space<vmem>>, vector<1024x64xf32>
    %get3A_2 = arith.constant 0 : index
    %get3A_3 = arith.constant 0 : index
    %get3A_4 = vector.load %arg2[%get3A_2, %get3A_3] : memref<2048x64xf32, #tpu.memory_space<vmem>>, vector<2048x64xf32>
    %dot_general3A = arith.constant dense<0.000000e+00> : vector<1024x2048xf32>
    %dot_general3A_5 = tpu.matmul %get3A_1, %get3A_4, %dot_general3A {dimension_numbers = #tpu.dot_dimension_numbers<[1], [1], [0], [0], [0, 0, 1, 0], [], []>, transpose_lhs_hint = false} : vector<1024x64xf32>, vector<2048x64xf32>, vector<1024x2048xf32> -> vector<1024x2048xf32>
    %mul3A = arith.constant 2048 : i32
    %mul3A_6 = arith.muli %arg0, %mul3A : i32
    %iota3A = tpu.iota {dimensions = array<i32: 1>} : vector<1024x2048xi32>
    %add3A = vector.broadcast %mul3A_6 : i32 to vector<1024x2048xi32>
    %add3A_7 = arith.addi %add3A, %iota3A : vector<1024x2048xi32>
    %lt3A = arith.constant 100000 : i32
    %lt3A_8 = vector.broadcast %lt3A : i32 to vector<1024x2048xi32>
    %lt3A_9 = arith.cmpi slt, %add3A_7, %lt3A_8 : vector<1024x2048xi32>
    %jit3A = arith.constant -3.000000e+38 : f32
    %broadcast_in_dim3A = vector.broadcast %jit3A : f32 to vector<1024x2048xf32>
    %select_n3A = arith.select %lt3A_9, %dot_general3A_5, %broadcast_in_dim3A : vector<1024x2048xi1>, vector<1024x2048xf32>
    %swap3A = arith.constant 0 : index
    %swap3A_10 = arith.constant 0 : index
    %swap3A_11 = vector.load %arg3[%swap3A, %swap3A_10] : memref<1024x2048xf32, #tpu.memory_space<vmem>>, vector<1024x2048xf32>
    tpu.vector_store %arg3[%swap3A, %swap3A_10], %select_n3A {strides = array<i32>} : memref<1024x2048xf32, #tpu.memory_space<vmem>>, vector<1024x2048xf32>,
    %slice3A = vector.extract_strided_slice %select_n3A {offsets = [0, 0], sizes = [1024, 128], strides = [1, 1]} : vector<1024x2048xf32> to vector<1024x128xf32>
    %slice3A_12 = vector.extract_strided_slice %select_n3A {offsets = [0, 128], sizes = [1024, 128], strides = [1, 1]} : vector<1024x2048xf32> to vector<1024x128xf32>
    %max3A = arith.maximumf %slice3A, %slice3A_12 : vector<1024x128xf32>
    %slice3A_13 = vector.extract_strided_slice %select_n3A {offsets = [0, 256], sizes = [1024, 128], strides = [1, 1]} : vector<1024x2048xf32> to vector<1024x128xf32>
    %max3A_14 = arith.maximumf %max3A, %slice3A_13 : vector<1024x128xf32>
    %slice3A_15 = vector.extract_strided_slice %select_n3A {offsets = [0, 384], sizes = [1024, 128], strides = [1, 1]} : vector<1024x2048xf32> to vector<1024x128xf32>
    %max3A_16 = arith.maximumf %max3A_14, %slice3A_15 : vector<1024x128xf32>
    %slice3A_17 = vector.extract_strided_slice %select_n3A {offsets = [0, 512], sizes = [1024, 128], strides = [1, 1]} : vector<1024x2048xf32> to vector<1024x128xf32>
    %max3A_18 = arith.maximumf %max3A_16, %slice3A_17 : vector<1024x128xf32>
    %slice3A_19 = vector.extract_strided_slice %select_n3A {offsets = [0, 640], sizes = [1024, 128], strides = [1, 1]} : vector<1024x2048xf32> to vector<1024x128xf32>
    %max3A_20 = arith.maximumf %max3A_18, %slice3A_19 : vector<1024x128xf32>
    %slice3A_21 = vector.extract_strided_slice %select_n3A {offsets = [0, 768], sizes = [1024, 128], strides = [1, 1]} : vector<1024x2048xf32> to vector<1024x128xf32>
    %max3A_22 = arith.maximumf %max3A_20, %slice3A_21 : vector<1024x128xf32>
    %slice3A_23 = vector.extract_strided_slice %select_n3A {offsets = [0, 896], sizes = [1024, 128], strides = [1, 1]} : vector<1024x2048xf32> to vector<1024x128xf32>
    %max3A_24 = arith.maximumf %max3A_22, %slice3A_23 : vector<1024x128xf32>
    %slice3A_25 = vector.extract_strided_slice %select_n3A {offsets = [0, 1024], sizes = [1024, 128], strides = [1, 1]} : vector<1024x2048xf32> to vector<1024x128xf32>
    %max3A_26 = arith.maximumf %max3A_24, %slice3A_25 : vector<1024x128xf32>
    %slice3A_27 = vector.extract_strided_slice %select_n3A {offsets = [0, 1152], sizes = [1024, 128], strides = [1, 1]} : vector<1024x2048xf32> to vector<1024x128xf32>
    %max3A_28 = arith.maximumf %max3A_26, %slice3A_27 : vector<1024x128xf32>
    %slice3A_29 = vector.extract_strided_slice %select_n3A {offsets = [0, 1280], sizes = [1024, 128], strides = [1, 1]} : vector<1024x2048xf32> to vector<1024x128xf32>
    %max3A_30 = arith.maximumf %max3A_28, %slice3A_29 : vector<1024x128xf32>
    %slice3A_31 = vector.extract_strided_slice %select_n3A {offsets = [0, 1408], sizes = [1024, 128], strides = [1, 1]} : vector<1024x2048xf32> to vector<1024x128xf32>
    %max3A_32 = arith.maximumf %max3A_30, %slice3A_31 : vector<1024x128xf32>
    %slice3A_33 = vector.extract_strided_slice %select_n3A {offsets = [0, 1536], sizes = [1024, 128], strides = [1, 1]} : vector<1024x2048xf32> to vector<1024x128xf32>
    %max3A_34 = arith.maximumf %max3A_32, %slice3A_33 : vector<1024x128xf32>
    %slice3A_35 = vector.extract_strided_slice %select_n3A {offsets = [0, 1664], sizes = [1024, 128], strides = [1, 1]} : vector<1024x2048xf32> to vector<1024x128xf32>
    %max3A_36 = arith.maximumf %max3A_34, %slice3A_35 : vector<1024x128xf32>
    %slice3A_37 = vector.extract_strided_slice %select_n3A {offsets = [0, 1792], sizes = [1024, 128], strides = [1, 1]} : vector<1024x2048xf32> to vector<1024x128xf32>
    %max3A_38 = arith.maximumf %max3A_36, %slice3A_37 : vector<1024x128xf32>
    %slice3A_39 = vector.extract_strided_slice %select_n3A {offsets = [0, 1920], sizes = [1024, 128], strides = [1, 1]} : vector<1024x2048xf32> to vector<1024x128xf32>
    %max3A_40 = arith.maximumf %max3A_38, %slice3A_39 : vector<1024x128xf32>
    %eq3A = arith.constant 0 : i32
    %eq3A_41 = arith.cmpi eq, %arg0, %eq3A : i32
    %convert_element_type3A = arith.extui %eq3A_41 : i1 to i32
    %cond3A = arith.constant 0 : i32
    %cond3A_42 = arith.cmpi ne, %convert_element_type3A, %cond3A : i32
    scf.if %cond3A_42 {
      %swap3A_52 = arith.constant 0 : index
      %swap3A_53 = arith.constant 0 : index
      %swap3A_54 = vector.load %arg5[%swap3A_52, %swap3A_53] : memref<1024x128xf32, #tpu.memory_space<vmem>>, vector<1024x128xf32>
      tpu.vector_store %arg5[%swap3A_52, %swap3A_53], %max3A_40 {strides = array<i32>} : memref<1024x128xf32, #tpu.memory_space<vmem>>, vector<1024x128xf32>,
    } else {
    }
    %gt3A = arith.constant 0 : i32
    %gt3A_43 = arith.cmpi sgt, %arg0, %gt3A : i32
    %convert_element_type3A_44 = arith.extui %gt3A_43 : i1 to i32
    %cond3A_45 = arith.constant 0 : i32
    %cond3A_46 = arith.cmpi ne, %convert_element_type3A_44, %cond3A_45 : i32
    scf.if %cond3A_46 {
      %get3A_52 = arith.constant 0 : index
      %get3A_53 = arith.constant 0 : index
      %get3A_54 = vector.load %arg5[%get3A_52, %get3A_53] : memref<1024x128xf32, #tpu.memory_space<vmem>>, vector<1024x128xf32>
      %max3A_55 = arith.maximumf %get3A_54, %max3A_40 : vector<1024x128xf32>
      %swap3A_56 = arith.constant 0 : index
      %swap3A_57 = arith.constant 0 : index
      %swap3A_58 = vector.load %arg5[%swap3A_56, %swap3A_57] : memref<1024x128xf32, #tpu.memory_space<vmem>>, vector<1024x128xf32>
      tpu.vector_store %arg5[%swap3A_56, %swap3A_57], %max3A_55 {strides = array<i32>} : memref<1024x128xf32, #tpu.memory_space<vmem>>, vector<1024x128xf32>,
    } else {
    }
    %eq3A_47 = arith.constant 48 : i32
    %eq3A_48 = arith.cmpi eq, %arg0, %eq3A_47 : i32
    %convert_element_type3A_49 = arith.extui %eq3A_48 : i1 to i32
    %cond3A_50 = arith.constant 0 : i32
    %cond3A_51 = arith.cmpi ne, %convert_element_type3A_49, %cond3A_50 : i32
    scf.if %cond3A_51 {
      %get3A_52 = arith.constant 0 : index
      %get3A_53 = arith.constant 0 : index
      %get3A_54 = vector.load %arg5[%get3A_52, %get3A_53] : memref<1024x128xf32, #tpu.memory_space<vmem>>, vector<1024x128xf32>
      %reduce_min3A = arith.constant dense<0x7F800000> : vector<1024xf32>
      %reduce_min3A_55 = vector.multi_reduction <minimumf>, %get3A_54, %reduce_min3A [1] : vector<1024x128xf32> to vector<1024xf32>
      %broadcast_in_dim3A_56 = vector.shape_cast %reduce_min3A_55 : vector<1024xf32> to vector<1024x1xf32>
      %broadcast_in_dim3A_57 = vector.shape_cast %broadcast_in_dim3A_56 : vector<1024x1xf32> to vector<1024x1xf32>
      %broadcast_in_dim3A_58 = vector.broadcast %broadcast_in_dim3A_57 : vector<1024x1xf32> to vector<1024x128xf32>
      %swap3A_59 = arith.constant 0 : index
      %swap3A_60 = arith.constant 0 : index
      %swap3A_61 = vector.load %arg4[%swap3A_59, %swap3A_60] : memref<1024x128xf32, #tpu.memory_space<vmem>>, vector<1024x128xf32>
      tpu.vector_store %arg4[%swap3A_59, %swap3A_60], %broadcast_in_dim3A_58 {strides = array<i32>} : memref<1024x128xf32, #tpu.memory_space<vmem>>, vector<1024x128xf32>,
    } else {
    }
    return
  }
  func.func @transform_0(%arg0: i32) -> (i32, i32) {
    %c0_i32 = arith.constant 0 : i32
    %c0_i32_0 = arith.constant 0 : i32
    %c0_i32_1 = arith.constant 0 : i32
    return %c0_i32, %c0_i32_0 : i32, i32
  }
  func.func @transform_1(%arg0: i32) -> (i32, i32) {
    %c0_i32 = arith.constant 0 : i32
    %c0_i32_0 = arith.constant 0 : i32
    return %arg0, %c0_i32 : i32, i32
  }
  func.func @transform_2(%arg0: i32) -> (i32, i32) {
    %c0_i32 = arith.constant 0 : i32
    %c0_i32_0 = arith.constant 0 : i32
    return %c0_i32, %arg0 : i32, i32
  }
  func.func @transform_3(%arg0: i32) -> (i32, i32) {
    %c0_i32 = arith.constant 0 : i32
    %c0_i32_0 = arith.constant 0 : i32
    %c0_i32_1 = arith.constant 0 : i32
    return %c0_i32, %c0_i32_0 : i32, i32
  }
}

</mosaic_0001>

<sc_bundles>
// kernel: kernel.5.cloned.1.call-start
scs
__scs_entry_jumppad:
0x0: {  	(pc) =	sbr.rel $0x88, $3  }
0x1: {  	(tag) =	ssettag $0x0;
	lr =	simm.s32 $0x1  }
0x2: {  	[smem:$0x3F9A] =	sst lr;
	_ =	strace $0xD0000000  }
0x3: {  	_ = 	snop  }
0x4: {  	_ = 	snop  }
0x5: {  	_ = 	snop  }
0x6: {  	_ = 	snop  }
0x7: {  	_ = 	snop  }
__scs_overlays_trampoline_lowered:
0x8: {  	[smem:$0x3FA9] =	sst s0  }
0x9: {  	[smem:$0x3FAA] =	sst s1  }
0xa: {  	[smem:$0x3FAB] =	sst s2  }
0xb: {  	[smem:$0x3FAC] =	sst s3  }
0xc: {  	[smem:$0x3FAD] =	sst s4  }
0xd: {  	[smem:$0x3FAE] =	sst s5  }
0xe: {  	[smem:$0x3FAF] =	sst s6  }
0xf: {  	[smem:$0x3FB0] =	sst s7  }
0x10: {  	[smem:$0x3FB1] =	sst s8  }
0x11: {  	[smem:$0x3FB2] =	sst s9;
	s0 =	simm.s32 @!p0 $0x0  }
0x12: {  	s1 =	sld [smem:$0x3F98];
	s0 =	simm.s32 @p0 $0x1  }
0x13: {  	[smem:$0x3FB3] =	sst s0;
	s0 =	simm.s32 @!p1 $0x0  }
0x14: {  	s2 =	sld [smem:$0x3F97];
	s0 =	simm.s32 @p1 $0x1  }
0x15: {  	[smem:$0x3FB4] =	sst s0;
	s0 =	simm.s32 @!p2 $0x0  }
0x16: {  	s3 =	sld [smem:$0x3FDB];
	s0 =	simm.s32 @p2 $0x1  }
0x17: {  	s4 =	simm.s32 $0x1BF5;
	[smem:$0x3FB6] =	sst s0  }
0x18: {  	s0 =	sld [smem:$0x3F99];
	_ =	swait.ge [sflag:s4], $0x0  }
0x19: {  	s7 =	sld [smem:$0x3F9A]  }
0x1a: {  	s8 =	sadd.s32 $0xFFFFE003, lr  }
0x1b: {  	s9 =	sadd.s32 $0xFFFFFEF7, lr;
	s5 =	simm.s32 $0xFFFFFFFF;
	p2 =	slt.u32 s8, $0xFFFFF086  }
0x1c: {  	p1 =	slt.u32 s9, $0xF7A;
	s5 =	simm.s32 @!p2 $0x0  }
0x1d: {  	s5 =	simm.s32 @p1 $0x1;
	p0 =	seq.s32 s7, s2  }
0x1e: {  	s7 =	smul.u32 @!p0 $0xF7A, s2;
	p2 =	seq.s32 @!p0 s5, $0x0  }
0x1f: {  	s9 =	smul.u32 $0xF7A, s1;
	s8 =	simm.s32 @!p0 $0x1BF5;
	p2 =	por !p2, p0  }
0x20: {  	[sflag:s8] =	ssyncset.s32 @!p0 $0xFFFFF086;
	s6 =	sadd.s32 @!p0 s3, s7;
	s7 =	simm.s32 @!p0 $0x108  }
0x21: {  	s3 =	sadd.s32 s3, s9;
	s6 =	sadd.s32 @!p0 $0x88, s6;
	s7 =	simm.s32 @p2 $0x1082  }
0x22: {  	[simem:s7], [sflag:s8] =	dma.local @!p0 [hbm:s6], $0xF7A  }
0x23: {  	s9 =	sor.u32 $0xD0000000, s2;
	s6 =	simm.s32 $0x108;
	_ =	swait.ge @!p0 [sflag:s8], $0x0  }
0x24: {  	s3 =	sadd.s32 $0x88, s3;
	s6 =	simm.s32 @!p1 $0x1082;
	[sflag:s4] =	ssyncset.s32 $0xFFFFF086  }
0x25: {  	[simem:s6], [sflag:s4] =	dma.local [hbm:s3], $0xF7A  }
0x26: {  	[smem:$0x3F9A] =	sst s1;
	(tag) =	ssettag s2;
	_ =	strace s9  }
0x27: {  	s1 =	sld [smem:$0x3FAA]  }
0x28: {  	s2 =	sld [smem:$0x3FAB]  }
0x29: {  	s4 =	sld [smem:$0x3FAD]  }
0x2a: {  	p0 =	seq.s32 s5, $0x0;
	s5 =	sld [smem:$0x3FAE]  }
0x2b: {  	s6 =	sld [smem:$0x3FAF]  }
0x2c: {  	s7 =	sld [smem:$0x3FB0]  }
0x2d: {  	s3 =	simm.s32 $0x108;
	s8 =	sld [smem:$0x3FB1]  }
0x2e: {  	s3 =	simm.s32 @!p0 $0x1082;
	s9 =	sld [smem:$0x3FB2]  }
0x2f: {  	lr =	sadd.s32 s0, s3;
	s0 =	sld [smem:$0x3FA9]  }
0x30: {  	s3 =	sld [smem:$0x3FAC]  }
0x31: {  	[smem:$0x3FB5] =	sst s10  }
0x32: {  	s10 =	sld [smem:$0x3FB3];
	_ =	sdelay $0x3  }
0x33: {  	p0 =	seq.s32 s10, $0x1;
	s10 =	sld [smem:$0x3FB5];
	_ =	sdelay $0x3  }
0x34: {  	[smem:$0x3FB5] =	sst s10  }
0x35: {  	s10 =	sld [smem:$0x3FB4];
	_ =	sdelay $0x3  }
0x36: {  	p1 =	seq.s32 s10, $0x1;
	s10 =	sld [smem:$0x3FB5];
	_ =	sdelay $0x3  }
0x37: {  	[smem:$0x3FB5] =	sst s10  }
0x38: {  	s10 =	sld [smem:$0x3FB6]  }
0x39: {  	_ = 	snop;
	(pc) =	sbr.ind lr, $3  }
0x3a: {  	_ = 	snop  }
0x3b: {  	_ = 	snop  }
0x3c: {  	p2 =	seq.s32 s10, $0x1;
	s10 =	sld [smem:$0x3FB5]  }
0x3d: {  	_ =	shalt  }
0x3e: {  	_ =	shalt  }
0x3f: {  	_ =	shalt  }
0x40: {  	_ =	shalt  }
0x41: {  	_ =	shalt  }
0x42: {  	_ =	shalt  }
0x43: {  	_ =	shalt  }
0x44: {  	_ =	shalt  }
0x45: {  	_ =	shalt  }
0x46: {  	_ =	shalt  }
0x47: {  	_ =	shalt  }
0x48: {  	_ =	shalt  }
0x49: {  	_ =	shalt  }
0x4a: {  	_ =	shalt  }
0x4b: {  	_ =	shalt  }
0x4c: {  	_ =	shalt  }
0x4d: {  	_ =	shalt  }
0x4e: {  	_ =	shalt  }
0x4f: {  	_ =	shalt  }
0x50: {  	_ =	shalt  }
0x51: {  	_ =	shalt  }
0x52: {  	_ =	shalt  }
0x53: {  	_ =	shalt  }
0x54: {  	_ =	shalt  }
0x55: {  	_ =	shalt  }
0x56: {  	_ =	shalt  }
0x57: {  	_ =	shalt  }
0x58: {  	_ =	shalt  }
0x59: {  	_ =	shalt  }
0x5a: {  	_ =	shalt  }
0x5b: {  	_ =	shalt  }
0x5c: {  	_ =	shalt  }
0x5d: {  	_ =	shalt  }
0x5e: {  	_ =	shalt  }
0x5f: {  	_ =	shalt  }
0x60: {  	_ =	shalt  }
0x61: {  	_ =	shalt  }
0x62: {  	_ =	shalt  }
0x63: {  	_ =	shalt  }
0x64: {  	_ =	shalt  }
0x65: {  	_ =	shalt  }
0x66: {  	_ =	shalt  }
0x67: {  	_ =	shalt  }
0x68: {  	_ =	shalt  }
0x69: {  	_ =	shalt  }
0x6a: {  	_ =	shalt  }
0x6b: {  	_ =	shalt  }
0x6c: {  	_ =	shalt  }
0x6d: {  	_ =	shalt  }
0x6e: {  	_ =	shalt  }
0x6f: {  	_ =	shalt  }
0x70: {  	_ =	shalt  }
0x71: {  	_ =	shalt  }
0x72: {  	_ =	shalt  }
0x73: {  	_ =	shalt  }
0x74: {  	_ =	shalt  }
0x75: {  	_ =	shalt  }
0x76: {  	_ =	shalt  }
0x77: {  	_ =	shalt  }
0x78: {  	_ =	shalt  }
0x79: {  	_ =	shalt  }
0x7a: {  	_ =	shalt  }
0x7b: {  	_ =	shalt  }
0x7c: {  	_ =	shalt  }
0x7d: {  	_ =	shalt  }
0x7e: {  	_ =	shalt  }
0x7f: {  	_ =	shalt  }
0x80: {  	_ =	shalt  }
0x81: {  	_ =	shalt  }
0x82: {  	_ =	shalt  }
0x83: {  	_ =	shalt  }
0x84: {  	_ =	shalt  }
0x85: {  	_ =	shalt  }
0x86: {  	_ =	shalt  }
0x87: {  	_ =	shalt  }
.Lfunc_end0:
.L_simem_size_0:
called_computation.1_lowered:
.L_overlay_start_0:
0x88: {  	s2 =	sld [smem:$0x3FD9]  }
0x89: {  	s3 =	sld [smem:$0x3FFE];
	_ =	sdelay $0x1  }
0x8a: {  	s1 =	srdreg.scid  }
0x8b: {  	s0 =	sand.u32 $0x1, s1  }
0x8c: {  	s17 =	sshll.u32 s0, $0xA;
	s2 =	sadd.s32 s3, s2  }
0x8d: {  	s2 =	sadd.s32 s2, s17  }
0x8e: {  	[smem:$0x3FC1] =	sst s2  }
0x8f: {  	_ = 	snop  }
0x90: {  	s2 =	sld [smem:$0x3FD0];
	(tm) =	ssettm $0x1  }
0x91: {  	s18 =	sld [smem:$0x3FFB];
	_ =	sdelay $0x3  }
0x92: {  	_ =	strace s18  }
0x93: {  	s3 =	sld [smem:$0x3FFC];
	_ =	sdelay $0x3  }
0x94: {  	_ =	strace s3  }
0x95: {  	s3 =	sld [smem:$0x3FFD];
	_ =	sdelay $0x3  }
0x96: {  	_ =	strace s3  }
0x97: {  	_ =	strace $0x8FFFFFFF  }
0x98: {  	s19 =	sld [smem:$0x3FDB];
	_ =	sdelay $0x1  }
0x99: {  	s4 =	simm.s32 $_scs_section_size  }
0x9a: {  	s5 =	simm.s32 $_size__tile_overlayer_lowered;
	s6 =	simm.s32 $_tile_overlayer_lowered  }
0x9b: {  	s22 =	simm.s32 $0x1BFF;
	s21 =	sshll.u32 s6, $0x1;
	s3 =	sadd.s32 s4, s19  }
0x9c: {  	s7 =	simm.s32 $0x0;
	s20 =	sshll.u32 s5, $0x1;
	s5 =	sadd.s32 s21, s3  }
0x9d: {  	[timem:s7], [sflag:s22] =	dma.local [hbm:s5], s20  }
0x9e: {  	_ =	swait.ge [sflag:s22], s20  }
0x9f: {  	s4 =	ssub.s32 $0x0, s20;
	[sflag:s22] =	ssyncset.done $0x0  }
0xa0: {  	[sflag:s22] =	ssyncadd.s32 s4;
	_ =	sdelay $0x1  }
0xa1: {  	s23 =	simm.s32 $0x1B8B  }
0xa2: {  	_ =	swait.ge [sflag:s23], $0x1  }
0xa3: {  	[sflag:s23] =	ssyncset.done $0x0  }
0xa4: {  	s25 =	simm.s32 $0x1B8E;
	s24 =	sld [smem:$0x3FFE];
	[sflag:s23] =	ssyncadd.s32 $0xFFFFFFFF  }
0xa5: {  	s26 =	simm.s32 $execute0_lowered;
	[smem:$0x3FD2] =	sst s25  }
0xa6: {  	s5 =	sshll.u32 s26, $0x1;
	_ =	strace $0x80000049;
	[dreg:$0x1] =	wrdreg $0xFFFFFFFF  }
0xa7: {  	s28 =	simm.s32 $_size_execute0_lowered;
	s3 =	sadd.s32 s3, s5;
	[dreg:$0x0] =	wrdreg $0x0  }
0xa8: {  	s5 =	sshll.u32 s28, $0x1;
	[dreg:$0x2] =	wrdreg s3  }
0xa9: {  	[dreg:$0x3] =	wrdreg s5  }
0xaa: {  	[dreg:$0x4] =	wrdreg $0xC0  }
0xab: {  	_ =	task [dreg:s7], $0x5FFFF  }
0xac: {  	[dreg:$0x1] =	wrdreg $0xFFFFFFFF  }
0xad: {  	[dreg:$0x0] =	wrdreg $0x60  }
0xae: {  	[dreg:$0x2] =	wrdreg s24  }
0xaf: {  	[dreg:$0x3] =	wrdreg s2  }
0xb0: {  	[dreg:$0x4] =	wrdreg $0x9  }
0xb1: {  	_ =	task.clear_ibuf [dreg:s7], $0x5FFFF;
	_ =	strace $0x90000049  }
0xb2: {  	s29 =	simm.s32 $0x9;
	_ =	strace $0x8000004B  }
0xb3: {  	_ =	swait.ge [sflag:s29], $0x1  }
0xb4: {  	[sflag:s29] =	ssyncadd.s32 $0xFFFFFFFF  }
0xb5: {  	_ =	strace $0x9000004B  }
0xb6: {  	_ =	sfence  }
0xb7: {  	s30 =	sld [smem:$0x0];
	_ =	sdelay $0x2  }
0xb8: {  	s31 =	sshll.u32 s1, $0xD;
	s1 =	sshrl.u32 s1, $0x2  }
0xb9: {  	s3 =	sand.u32 $0x4000, s31;
	s1 =	sadd.s32 s1, s30  }
0xba: {  	s0 =	sor.u32 s3, s0;
	s1 =	sshll.u32 s1, $0x11  }
0xbb: {  	s0 =	sor.u32 s1, s0  }
0xbc: {  	s0 =	sadd.s32 $0x8F2B, s0  }
0xbd: {  	[sflag:s0] =	ssyncadd.remote.s32 $0x1  }
0xbe: {  	_ =	sfence.sel $0xFFFF  }
0xbf: {  	[dreg:$0x0] =	wrdreg $0xFFFFFFFF;
	(pc) =	sbr.abs _section_cstart, $3  }
0xc0: {  	[dreg:$0x1] =	wrdreg $0xFFFFFFFF  }
0xc1: {  	_ =	task.clear_ibuf [dreg:s7], $0x2FFFF;
	_ =	strace $0x9FFFFFFF  }
0xc2: {  	(tm) =	ssettm $0x7FFFFFFF  }
0xc3: {  	_ =	shalt  }
tec
execute0_lowered:
.L_overlay_start_1:
0x0: {  	(tag) =	ssettag $0x1  }
0x1: {  	s0 =	rddreg [dreg:$0x0]  }
0x2: {  	s2 =	rddreg [dreg:$0x1]  }
0x3: {  	s1 =	srdreg.scid;
	s4 =	stileid.u32;
	s3 =	simm.s32 $0x0  }
0x4: {  	s12 =	simm.s32 $0x6;
	s13 =	simm.s32 $0x3100;
	s14 =	simm.s32 $0x1  }
0x5: {  	s15 =	simm.s32 $0x6200;
	s16 =	simm.s32 $0x2;
	s17 =	simm.s32 $0x9300  }
0x6: {  	s18 =	simm.s32 $0x3;
	s19 =	simm.s32 $0x4;
	s1 =	sand.u32 $0x1, s1  }
0x7: {  	s4 =	sshll.u32 s4, $0x6;
	[smem:$0x7FF] =	sst s3;
	s5 =	sshll.u32 s1, $0x5  }
0x8: {  	s20 =	simm.s32 $0x70;
	_ =	strace $0x8000004A;
	s4 =	sor.u32 s5, s4  }
0x9: {  	s1 =	ssub.s32 $0x2, s1;
	s5 =	sadd.s32 $0x10D6A00, s0;
	s6 =	sshll.u32 s4, $0x1  }
0xa: {  	s29 =	sshrl.u32 s1, $0x1;
	s7 =	smul.u32 $0x3100, s4;
	s8 =	sadd.s32 s6, s0  }
.Ltmp0:
0xb: {  	s6 =	sadd.s32 $0x188000, s0;
	s30 =	sadd.s32 $0x1600, s8;
	(pc) =	sbr.rel .LBB2_1-.Ltmp0, $4  }
0xc: {  	s0 =	ssub.s32 s1, s29;
	s7 =	sadd.s32 s5, s7;
	[dreg:$0x4] =	wrdreg s30  }
0xd: {  	s21 =	simm.s32 $0xEA00;
	s0 =	smax.u32 s0, $0x1;
	[dreg:$0x3] =	wrdreg s7  }
0xe: {  	s22 =	simm.s32 $0xEA70;
	s31 =	sadd.s32 $0x620, s7;
	[dreg:$0x6] =	wrdreg s0  }
0xf: {  	v0 =	vlaneseq.u32;
	v1 =	vimm.f32 $-3.000000010e+38;
	s23 =	simm.s32 $0x5;
	s24 =	simm.s32 $0x0;
	[dreg:$0x5] =	wrdreg s31  }
.LBB2_109:
0x10: {  	s24 =	sadd.s32 $0x1, s24;
	s0 =	rddreg [dreg:$0x6]  }
0x11: {  	p0 =	sne.s32 s24, s0  }
.Ltmp1:
0x12: {  	_ = 	snop;
	(pc) =	sbr.rel @!p0 .LBB2_110-.Ltmp1, $1  }
0x13: {  	_ =	sdelay $0x3  }
.LBB2_1:
0x14: {  	s0 =	rddreg [dreg:$0x4];
	s1 =	simm.s32 $0xC400  }
0x15: {  	[tilespmem:s1], [sflag:$0x6] =	stream.linear.gather [hbm4b:s0+s3], $0x200, $0x38;
	[tilespmem:$0x10670] =	vst v63  }
0x16: {  	_ =	swait.ge [sflag:s12], $0x200  }
.Ltmp2:
0x17: {  	[sflag:s12] =	ssyncset.done $0x0;
	(pc) =	sbr.rel .LBB2_2-.Ltmp2, $4  }
0x18: {  	s30 =	rddreg [dreg:$0x3];
	[sflag:s12] =	ssyncadd.s32 $0xFFFFFE00  }
0x19: {  	[tilespmem:s3], [sflag:$0x1] =	stream.linear.gather [hbm4b:s30+s3], $0x3100, $0x38;
	[tilespmem:$0x10670] =	vst v63  }
0x1a: {  	s26 =	simm.s32 $0x0;
	s31 =	rddreg [dreg:$0x5]  }
0x1b: {  	[tilespmem:s13], [sflag:$0x2] =	stream.linear.gather [hbm4b:s31+s3], $0x3100, $0x38;
	[tilespmem:$0x10670] =	vst v63  }
.LBB2_108:
0x1c: {  	[tilespmem:$0xEA60] =	vst v2  }
0x1d: {  	[tilespmem:s22], [sflag:$0x5] =	stream.indirect.gather [hbm4b:s6+s20], $0x40, s21, s20, $0xb8;
	[tilespmem:$0x10670] =	vst v63  }
0x1e: {  	s0 =	smul.u32 $0x320, s25;
	_ =	swait.ge [sflag:s23], $0x1C00  }
0x1f: {  	p0 =	sne.s32 s26, $0x20;
	[sflag:s23] =	ssyncset.done $0x0  }
.Ltmp3:
0x20: {  	s0 =	sadd.s32 s2, s0;
	[sflag:s23] =	ssyncadd.s32 $0xFFFFE400;
	(pc) =	sbr.rel @!p0 .LBB2_109-.Ltmp3, $4  }
0x21: {  	[hbm4b:s0+s3] =	stream.linear.scatter [tilespmem:s22], [sflag:$0x6], $0x1900, $0x38;
	[tilespmem:$0x10670] =	vst v63  }
0x22: {  	_ =	swait.ge [sflag:s12], $0x1900  }
0x23: {  	[sflag:s12] =	ssyncset.done $0x0  }
0x24: {  	[sflag:s12] =	ssyncadd.s32 $0xFFFFE700  }
.LBB2_2:
0x25: {  	s25 =	sor.u32 s4, s26  }
0x26: {  	s0 =	sshll.u32 s26, $0x4;
	s28 =	smul.u32 $0x18800, s25  }
0x27: {  	s0 =	sand.u32 $0x3FFFFFF0, s0  }
0x28: {  	v2 =	vld [tilespmem:s0+$0xC400];
	_ =	swait.ge [sflag:s14], $0x3100;
	s1 =	sshrl.u32 s28, $0x3  }
0x29: {  	[sflag:s14] =	ssyncset.done $0x0;
	s29 =	sadd.s32 s5, s1  }
0x2a: {  	[sflag:s14] =	ssyncadd.s32 $0xFFFFCF00;
	s1 =	simm.s32 $0x0;
	s0 =	sadd.s32 $0xC40, s29  }
0x2b: {  	[tilespmem:s15], [sflag:$0x3] =	stream.linear.gather [hbm4b:s0+s1], $0x3100, $0x38;
	[tilespmem:$0x10670] =	vst v63  }
0x2c: {  	s0 =	simm.s32 $0x20  }
0x2d: {  	v3 =	vld [tilespmem:s0+$0xFFFFFFE0];
	_ =	sdelay $0x1  }
0x2e: {  	v4 =	vld [tilespmem:s0+$0xFFFFFFF0];
	_ =	sdelay $0x1  }
0x2f: {  	v5 =	vld [tilespmem:s0+$0x0]  }
0x30: {  	vm2 =	vge.f32 v3, v2  }
0x31: {  	v6 =	vld [tilespmem:s0+$0x10];
	v7 =	vmpcnt.ones.xlane vm2  }
0x32: {  	vm3 =	vge.f32 v4, v2  }
0x33: {  	v8 =	vmpcnt.ones.xlane vm3;
	(v2sf) =	vpush v7, $0x0  }
0x34: {  	vm1 =	vge.f32 v5, v2  }
0x35: {  	v7 =	vmpcnt.ones.xlane vm1;
	(v2sf) =	vpush v8, $0x0  }
0x36: {  	vm0 =	vge.f32 v6, v2  }
0x37: {  	v62 =	vmpcnt.ones.xlane vm0;
	(v2sf) =	vpush v7, $0x0;
	_ =	sdelay $0x1  }
0x38: {  	(v2sf) =	vpush v62, $0x0;
	_ =	sdelay $0x8  }
0x39: {  	p0 =	por $0x1, $0x1;
	s9 =	spop (v2sf)  }
0x3a: {  	s8 =	simm.s32 $0x0;
	s1 =	simm.s32 @!p0 $0xFF0;
	s9 =	sadd.s32 $0x0, s9  }
0x3b: {  	[tilespmem:s1+$0xC600] =	vst.msk vm2, v3;
	v7 =	vor.u32 s8, v0;
	s10 =	spop (v2sf);
	p0 =	slt.s32 s9, $0xFF0  }
0x3c: {  	s11 =	simm.s32 $0x10;
	[tilespmem:s1+$0xD600] =	vst.msk vm2, v7;
	s10 =	sadd.s32 s9, s10;
	s9 =	simm.s32 @!p0 $0xFF0  }
0x3d: {  	v63 =	vor.u32 s11, v0;
	v7 =	vimm.f32 $-3.000000010e+38;
	s7 =	spop (v2sf);
	p0 =	slt.s32 s10, $0xFF0;
	[tilespmem:s9+$0xC600] =	vst.msk vm3, v4  }
0x3e: {  	v3 =	vmax.f32 v7, v3;
	s8 =	sadd.s32 s10, s7;
	s7 =	simm.s32 $0x20;
	s10 =	simm.s32 @!p0 $0xFF0;
	[tilespmem:s9+$0xD600] =	vst.msk vm3, v63  }
0x3f: {  	v3 =	vmax.f32 v3, v4;
	s11 =	spop (v2sf);
	p0 =	slt.s32 s8, $0xFF0;
	v4 =	vor.u32 s7, v0;
	[tilespmem:s10+$0xC600] =	vst.msk vm1, v5  }
0x40: {  	v3 =	vmax.f32 v3, v5;
	s30 =	sadd.s32 s8, s11;
	s11 =	simm.s32 $0x30;
	s8 =	simm.s32 @!p0 $0xFF0;
	[tilespmem:s10+$0xD600] =	vst.msk vm1, v4  }
0x41: {  	s31 =	simm.s32 $0x70;
	v3 =	vmax.f32 v3, v6;
	v4 =	vor.u32 s11, v0;
	[tilespmem:s8+$0xC600] =	vst.msk vm0, v6  }
.LBB2_3:
0x42: {  	p0 =	sne.s32 s31, $0x30F0  }
0x43: {  	[tilespmem:s8+$0xD600] =	vst.msk vm0, v4;
	s0 =	sadd.s32 $0x40, s0;
	s1 =	smov.u32 s31;
	s31 =	sadd.s32 $0x40, s31  }
0x44: {  	v4 =	vld [tilespmem:s0+$0xFFFFFFE0]  }
0x45: {  	v5 =	vld [tilespmem:s0+$0xFFFFFFF0]  }
0x46: {  	v6 =	vld [tilespmem:s0+$0x0]  }
0x47: {  	v7 =	vld [tilespmem:s0+$0x10];
	_ =	sdelay $0x1  }
0x48: {  	vm3 =	vge.f32 v4, v2;
	v3 =	vmax.f32 v3, v4  }
0x49: {  	v8 =	vmpcnt.ones.xlane vm3;
	vm2 =	vge.f32 v5, v2;
	v3 =	vmax.f32 v3, v5  }
0x4a: {  	v9 =	vmpcnt.ones.xlane vm2;
	vm1 =	vge.f32 v6, v2;
	v3 =	vmax.f32 v3, v6  }
0x4b: {  	v10 =	vmpcnt.ones.xlane vm1;
	vm0 =	vge.f32 v7, v2;
	(v2sf) =	vpush v8, $0x0  }
0x4c: {  	v3 =	vmax.f32 v3, v7;
	v8 =	vmpcnt.ones.xlane vm0;
	(v2sf) =	vpush v9, $0x0  }
0x4d: {  	(v2sf) =	vpush v10, $0x0  }
0x4e: {  	(v2sf) =	vpush v8, $0x0;
	_ =	sdelay $0xa  }
0x4f: {  	s9 =	sadd.s32 $0xFFFFFFE0, s1  }
0x50: {  	p1 =	slt.s32 s30, $0xFF0;
	s8 =	sadd.s32 $0xFFFFFFD0, s1;
	s10 =	spop (v2sf)  }
0x51: {  	s10 =	sadd.s32 s30, s10;
	s30 =	simm.s32 @!p1 $0xFF0;
	s11 =	spop (v2sf)  }
0x52: {  	s11 =	sadd.s32 s10, s11;
	[tilespmem:s30+$0xC600] =	vst.msk vm3, v4;
	v4 =	vor.u32 s8, v0;
	p1 =	slt.s32 s10, $0xFF0;
	s8 =	spop (v2sf)  }
0x53: {  	[tilespmem:s30+$0xD600] =	vst.msk vm3, v4;
	s10 =	simm.s32 @!p1 $0xFF0;
	p1 =	slt.s32 s11, $0xFF0;
	s30 =	spop (v2sf)  }
.Ltmp4:
0x54: {  	s7 =	sadd.s32 $0xFFFFFFF0, s1;
	s8 =	sadd.s32 s11, s8;
	v4 =	vor.u32 s9, v0;
	[tilespmem:s10+$0xC600] =	vst.msk vm2, v5;
	(pc) =	sbr.rel @p0 .LBB2_3-.Ltmp4, $4  }
0x55: {  	s11 =	simm.s32 @!p1 $0xFF0;
	p1 =	slt.s32 s8, $0xFF0;
	s30 =	sadd.s32 s8, s30;
	[tilespmem:s10+$0xD600] =	vst.msk vm2, v4  }
0x56: {  	v4 =	vor.u32 s7, v0;
	[tilespmem:s11+$0xC600] =	vst.msk vm1, v6  }
0x57: {  	s8 =	simm.s32 @!p1 $0xFF0;
	[tilespmem:s11+$0xD600] =	vst.msk vm1, v4  }
0x58: {  	v4 =	vor.u32 s1, v0;
	[tilespmem:s8+$0xC600] =	vst.msk vm0, v7  }
0x59: {  	[tilespmem:s8+$0xD600] =	vst.msk vm0, v4  }
0x5a: {  	_ =	swait.ge [sflag:s16], $0x3100  }
0x5b: {  	[sflag:s16] =	ssyncset.done $0x0  }
0x5c: {  	s0 =	sadd.s32 $0x1260, s29;
	[sflag:s16] =	ssyncadd.s32 $0xFFFFCF00  }
0x5d: {  	[tilespmem:s17], [sflag:$0x4] =	stream.linear.gather [hbm4b:s0+s3], $0x3100, $0x38;
	[tilespmem:$0x10670] =	vst v63  }
0x5e: {  	s0 =	simm.s32 $0x3130  }
0x5f: {  	v4 =	vld [tilespmem:s0+$0xFFFFFFD0];
	_ =	sdelay $0x1  }
0x60: {  	v5 =	vld [tilespmem:s0+$0xFFFFFFE0];
	_ =	sdelay $0x1  }
0x61: {  	v6 =	vld [tilespmem:s0+$0xFFFFFFF0]  }
0x62: {  	vm2 =	vge.f32 v4, v2  }
0x63: {  	v7 =	vld [tilespmem:s0+$0x0];
	v8 =	vmpcnt.ones.xlane vm2  }
0x64: {  	vm3 =	vge.f32 v5, v2  }
0x65: {  	v9 =	vmpcnt.ones.xlane vm3;
	(v2sf) =	vpush v8, $0x0  }
0x66: {  	vm1 =	vge.f32 v6, v2  }
0x67: {  	v60 =	vmpcnt.ones.xlane vm1;
	(v2sf) =	vpush v9, $0x0  }
0x68: {  	vm0 =	vge.f32 v7, v2  }
0x69: {  	v61 =	vmpcnt.ones.xlane vm0;
	(v2sf) =	vpush v60, $0x0;
	_ =	sdelay $0x1  }
0x6a: {  	(v2sf) =	vpush v61, $0x0;
	_ =	sdelay $0x8  }
0x6b: {  	p0 =	slt.s32 s30, $0xFF0;
	s1 =	spop (v2sf)  }
0x6c: {  	s7 =	simm.s32 $0x3100;
	s1 =	sadd.s32 s30, s1;
	s30 =	simm.s32 @!p0 $0xFF0  }
0x6d: {  	v62 =	vor.u32 s7, v0;
	s10 =	spop (v2sf);
	[tilespmem:s30+$0xC600] =	vst.msk vm2, v4;
	p0 =	slt.s32 s1, $0xFF0  }
0x6e: {  	s11 =	simm.s32 $0x3110;
	s9 =	sadd.s32 s1, s10;
	[tilespmem:s30+$0xD600] =	vst.msk vm2, v62;
	s1 =	simm.s32 @!p0 $0xFF0  }
0x6f: {  	v63 =	vor.u32 s11, v0;
	s10 =	spop (v2sf);
	p0 =	slt.s32 s9, $0xFF0;
	[tilespmem:s1+$0xC600] =	vst.msk vm3, v5  }
0x70: {  	v3 =	vmax.f32 v3, v4;
	s8 =	sadd.s32 s9, s10;
	s10 =	simm.s32 $0x3120;
	s9 =	simm.s32 @!p0 $0xFF0;
	[tilespmem:s1+$0xD600] =	vst.msk vm3, v63  }
0x71: {  	v3 =	vmax.f32 v3, v5;
	s11 =	spop (v2sf);
	p0 =	slt.s32 s8, $0xFF0;
	v4 =	vor.u32 s10, v0;
	[tilespmem:s9+$0xC600] =	vst.msk vm1, v6  }
0x72: {  	v3 =	vmax.f32 v3, v6;
	s30 =	sadd.s32 s8, s11;
	s11 =	simm.s32 $0x3130;
	s8 =	simm.s32 @!p0 $0xFF0;
	[tilespmem:s9+$0xD600] =	vst.msk vm1, v4  }
0x73: {  	s31 =	simm.s32 $0x3140;
	v3 =	vmax.f32 v3, v7;
	v4 =	vor.u32 s11, v0;
	[tilespmem:s8+$0xC600] =	vst.msk vm0, v7  }
.LBB2_5:
0x74: {  	p0 =	sne.s32 s31, $0x61C0  }
0x75: {  	[tilespmem:s8+$0xD600] =	vst.msk vm0, v4;
	s0 =	sadd.s32 $0x40, s0;
	s1 =	smov.u32 s31;
	s31 =	sadd.s32 $0x40, s31  }
0x76: {  	_ = 	snop  }
0x77: {  	v4 =	vld [tilespmem:s0+$0xFFFFFFD0]  }
0x78: {  	v5 =	vld [tilespmem:s0+$0xFFFFFFE0]  }
0x79: {  	v6 =	vld [tilespmem:s0+$0xFFFFFFF0]  }
0x7a: {  	v7 =	vld [tilespmem:s0+$0x0];
	_ =	sdelay $0x1  }
0x7b: {  	vm3 =	vge.f32 v4, v2;
	v3 =	vmax.f32 v3, v4  }
0x7c: {  	v8 =	vmpcnt.ones.xlane vm3;
	vm2 =	vge.f32 v5, v2;
	v3 =	vmax.f32 v3, v5  }
0x7d: {  	v9 =	vmpcnt.ones.xlane vm2;
	vm1 =	vge.f32 v6, v2;
	v3 =	vmax.f32 v3, v6  }
0x7e: {  	v10 =	vmpcnt.ones.xlane vm1;
	vm0 =	vge.f32 v7, v2;
	(v2sf) =	vpush v8, $0x0  }
0x7f: {  	v3 =	vmax.f32 v3, v7;
	v8 =	vmpcnt.ones.xlane vm0;
	(v2sf) =	vpush v9, $0x0  }
0x80: {  	(v2sf) =	vpush v10, $0x0  }
0x81: {  	(v2sf) =	vpush v8, $0x0;
	_ =	sdelay $0xb  }
0x82: {  	p1 =	slt.s32 s30, $0xFF0;
	s7 =	sadd.s32 $0x10, s1;
	s8 =	spop (v2sf)  }
0x83: {  	s9 =	sadd.s32 s30, s8;
	s30 =	simm.s32 @!p1 $0xFF0;
	s8 =	spop (v2sf)  }
0x84: {  	s10 =	sadd.s32 s9, s8;
	s8 =	spop (v2sf)  }
0x85: {  	[tilespmem:s30+$0xC600] =	vst.msk vm3, v4;
	v4 =	vor.u32 s1, v0;
	p1 =	slt.s32 s9, $0xFF0;
	s8 =	sadd.s32 s10, s8  }
0x86: {  	[tilespmem:s30+$0xD600] =	vst.msk vm3, v4;
	s9 =	simm.s32 @!p1 $0xFF0;
	s11 =	spop (v2sf);
	p1 =	slt.s32 s10, $0xFF0  }
.Ltmp5:
0x87: {  	v4 =	vor.u32 s7, v0;
	[tilespmem:s9+$0xC600] =	vst.msk vm2, v5;
	p2 =	slt.s32 s8, $0xFF0;
	s30 =	sadd.s32 s8, s11;
	(pc) =	sbr.rel @p0 .LBB2_5-.Ltmp5, $4  }
0x88: {  	s7 =	sadd.s32 $0x20, s1;
	s10 =	simm.s32 @!p1 $0xFF0;
	[tilespmem:s9+$0xD600] =	vst.msk vm2, v4  }
0x89: {  	v4 =	vor.u32 s7, v0;
	[tilespmem:s10+$0xC600] =	vst.msk vm1, v6  }
0x8a: {  	s1 =	sadd.s32 $0x30, s1;
	s8 =	simm.s32 @!p2 $0xFF0;
	[tilespmem:s10+$0xD600] =	vst.msk vm1, v4  }
0x8b: {  	v4 =	vor.u32 s1, v0;
	[tilespmem:s8+$0xC600] =	vst.msk vm0, v7  }
0x8c: {  	[tilespmem:s8+$0xD600] =	vst.msk vm0, v4  }
0x8d: {  	_ =	swait.ge [sflag:s18], $0x3100  }
0x8e: {  	[sflag:s18] =	ssyncset.done $0x0  }
0x8f: {  	s0 =	sadd.s32 $0x1880, s29;
	[sflag:s18] =	ssyncadd.s32 $0xFFFFCF00  }
0x90: {  	[tilespmem:s3], [sflag:$0x1] =	stream.linear.gather [hbm4b:s0+s3], $0x3100, $0x38;
	[tilespmem:$0x10670] =	vst v63  }
0x91: {  	s0 =	simm.s32 $0x6230  }
0x92: {  	v4 =	vld [tilespmem:s0+$0xFFFFFFD0];
	_ =	sdelay $0x1  }
0x93: {  	v5 =	vld [tilespmem:s0+$0xFFFFFFE0];
	_ =	sdelay $0x1  }
0x94: {  	v6 =	vld [tilespmem:s0+$0xFFFFFFF0]  }
0x95: {  	vm2 =	vge.f32 v4, v2  }
0x96: {  	v7 =	vld [tilespmem:s0+$0x0];
	v8 =	vmpcnt.ones.xlane vm2  }
0x97: {  	vm3 =	vge.f32 v5, v2  }
0x98: {  	v9 =	vmpcnt.ones.xlane vm3;
	(v2sf) =	vpush v8, $0x0  }
0x99: {  	vm1 =	vge.f32 v6, v2  }
0x9a: {  	v60 =	vmpcnt.ones.xlane vm1;
	(v2sf) =	vpush v9, $0x0  }
0x9b: {  	vm0 =	vge.f32 v7, v2  }
0x9c: {  	v61 =	vmpcnt.ones.xlane vm0;
	(v2sf) =	vpush v60, $0x0;
	_ =	sdelay $0x1  }
0x9d: {  	(v2sf) =	vpush v61, $0x0;
	_ =	sdelay $0x8  }
0x9e: {  	p0 =	slt.s32 s30, $0xFF0;
	s1 =	spop (v2sf)  }
0x9f: {  	s7 =	simm.s32 $0x6200;
	s1 =	sadd.s32 s30, s1;
	s30 =	simm.s32 @!p0 $0xFF0  }
0xa0: {  	v62 =	vor.u32 s7, v0;
	s9 =	spop (v2sf);
	[tilespmem:s30+$0xC600] =	vst.msk vm2, v4;
	p0 =	slt.s32 s1, $0xFF0  }
0xa1: {  	s10 =	simm.s32 $0x6210;
	s9 =	sadd.s32 s1, s9;
	[tilespmem:s30+$0xD600] =	vst.msk vm2, v62;
	s1 =	simm.s32 @!p0 $0xFF0  }
0xa2: {  	v63 =	vor.u32 s10, v0;
	s11 =	spop (v2sf);
	p0 =	slt.s32 s9, $0xFF0;
	[tilespmem:s1+$0xC600] =	vst.msk vm3, v5  }
0xa3: {  	v3 =	vmax.f32 v3, v4;
	s8 =	sadd.s32 s9, s11;
	s11 =	simm.s32 $0x6220;
	s9 =	simm.s32 @!p0 $0xFF0;
	[tilespmem:s1+$0xD600] =	vst.msk vm3, v63  }
0xa4: {  	v3 =	vmax.f32 v3, v5;
	s10 =	spop (v2sf);
	p0 =	slt.s32 s8, $0xFF0;
	v4 =	vor.u32 s11, v0;
	[tilespmem:s9+$0xC600] =	vst.msk vm1, v6  }
0xa5: {  	v3 =	vmax.f32 v3, v6;
	s30 =	sadd.s32 s8, s10;
	s8 =	simm.s32 @!p0 $0xFF0;
	[tilespmem:s9+$0xD600] =	vst.msk vm1, v4  }
0xa6: {  	s31 =	simm.s32 $0x6270;
	v3 =	vmax.f32 v3, v7;
	v4 =	vor.u32 s0, v0;
	[tilespmem:s8+$0xC600] =	vst.msk vm0, v7  }
.LBB2_7:
0xa7: {  	p0 =	sne.s32 s31, $0x92F0  }
0xa8: {  	[tilespmem:s8+$0xD600] =	vst.msk vm0, v4;
	s0 =	sadd.s32 $0x40, s0;
	s1 =	smov.u32 s31;
	s31 =	sadd.s32 $0x40, s31  }
0xa9: {  	_ = 	snop  }
0xaa: {  	v4 =	vld [tilespmem:s0+$0xFFFFFFD0]  }
0xab: {  	v5 =	vld [tilespmem:s0+$0xFFFFFFE0]  }
0xac: {  	v6 =	vld [tilespmem:s0+$0xFFFFFFF0]  }
0xad: {  	v7 =	vld [tilespmem:s0+$0x0];
	_ =	sdelay $0x1  }
0xae: {  	vm3 =	vge.f32 v4, v2;
	v3 =	vmax.f32 v3, v4  }
0xaf: {  	v8 =	vmpcnt.ones.xlane vm3;
	vm2 =	vge.f32 v5, v2;
	v3 =	vmax.f32 v3, v5  }
0xb0: {  	v9 =	vmpcnt.ones.xlane vm2;
	vm1 =	vge.f32 v6, v2;
	v3 =	vmax.f32 v3, v6  }
0xb1: {  	v10 =	vmpcnt.ones.xlane vm1;
	vm0 =	vge.f32 v7, v2;
	(v2sf) =	vpush v8, $0x0  }
0xb2: {  	v3 =	vmax.f32 v3, v7;
	v8 =	vmpcnt.ones.xlane vm0;
	(v2sf) =	vpush v9, $0x0  }
0xb3: {  	(v2sf) =	vpush v10, $0x0  }
0xb4: {  	(v2sf) =	vpush v8, $0x0;
	_ =	sdelay $0xa  }
0xb5: {  	s7 =	sadd.s32 $0xFFFFFFE0, s1  }
0xb6: {  	p1 =	slt.s32 s30, $0xFF0;
	s8 =	sadd.s32 $0xFFFFFFD0, s1;
	s9 =	spop (v2sf)  }
0xb7: {  	s9 =	sadd.s32 s30, s9;
	s30 =	simm.s32 @!p1 $0xFF0;
	s10 =	spop (v2sf)  }
0xb8: {  	s10 =	sadd.s32 s9, s10;
	[tilespmem:s30+$0xC600] =	vst.msk vm3, v4;
	v4 =	vor.u32 s8, v0;
	s8 =	spop (v2sf)  }
0xb9: {  	p1 =	slt.s32 s9, $0xFF0;
	s8 =	sadd.s32 s10, s8  }
0xba: {  	[tilespmem:s30+$0xD600] =	vst.msk vm3, v4;
	s9 =	simm.s32 @!p1 $0xFF0;
	s11 =	spop (v2sf);
	p1 =	slt.s32 s10, $0xFF0  }
.Ltmp6:
0xbb: {  	v4 =	vor.u32 s7, v0;
	[tilespmem:s9+$0xC600] =	vst.msk vm2, v5;
	p2 =	slt.s32 s8, $0xFF0;
	s30 =	sadd.s32 s8, s11;
	(pc) =	sbr.rel @p0 .LBB2_7-.Ltmp6, $4  }
0xbc: {  	s7 =	sadd.s32 $0xFFFFFFF0, s1;
	s10 =	simm.s32 @!p1 $0xFF0;
	[tilespmem:s9+$0xD600] =	vst.msk vm2, v4  }
0xbd: {  	v4 =	vor.u32 s7, v0;
	[tilespmem:s10+$0xC600] =	vst.msk vm1, v6  }
0xbe: {  	s8 =	simm.s32 @!p2 $0xFF0;
	[tilespmem:s10+$0xD600] =	vst.msk vm1, v4  }
0xbf: {  	v4 =	vor.u32 s1, v0;
	[tilespmem:s8+$0xC600] =	vst.msk vm0, v7  }
0xc0: {  	[tilespmem:s8+$0xD600] =	vst.msk vm0, v4  }
0xc1: {  	_ =	swait.ge [sflag:s19], $0x3100  }
0xc2: {  	[sflag:s19] =	ssyncset.done $0x0  }
0xc3: {  	s0 =	sadd.s32 $0x1EA0, s29;
	[sflag:s19] =	ssyncadd.s32 $0xFFFFCF00  }
0xc4: {  	[tilespmem:s13], [sflag:$0x2] =	stream.linear.gather [hbm4b:s0+s3], $0x3100, $0x38;
	[tilespmem:$0x10670] =	vst v63  }
0xc5: {  	s0 =	simm.s32 $0x9330  }
0xc6: {  	v4 =	vld [tilespmem:s0+$0xFFFFFFD0];
	_ =	sdelay $0x1  }
0xc7: {  	v5 =	vld [tilespmem:s0+$0xFFFFFFE0];
	_ =	sdelay $0x1  }
0xc8: {  	v6 =	vld [tilespmem:s0+$0xFFFFFFF0]  }
0xc9: {  	vm2 =	vge.f32 v4, v2  }
0xca: {  	v7 =	vld [tilespmem:s0+$0x0];
	v8 =	vmpcnt.ones.xlane vm2  }
0xcb: {  	vm3 =	vge.f32 v5, v2  }
0xcc: {  	v9 =	vmpcnt.ones.xlane vm3;
	(v2sf) =	vpush v8, $0x0  }
0xcd: {  	vm1 =	vge.f32 v6, v2  }
0xce: {  	v60 =	vmpcnt.ones.xlane vm1;
	(v2sf) =	vpush v9, $0x0  }
0xcf: {  	vm0 =	vge.f32 v7, v2  }
0xd0: {  	v61 =	vmpcnt.ones.xlane vm0;
	(v2sf) =	vpush v60, $0x0;
	_ =	sdelay $0x1  }
0xd1: {  	(v2sf) =	vpush v61, $0x0;
	_ =	sdelay $0x8  }
0xd2: {  	p0 =	slt.s32 s30, $0xFF0;
	s1 =	spop (v2sf)  }
0xd3: {  	s7 =	simm.s32 $0x9300;
	s1 =	sadd.s32 s30, s1;
	s30 =	simm.s32 @!p0 $0xFF0  }
0xd4: {  	v62 =	vor.u32 s7, v0;
	s9 =	spop (v2sf);
	[tilespmem:s30+$0xC600] =	vst.msk vm2, v4;
	p0 =	slt.s32 s1, $0xFF0  }
0xd5: {  	s10 =	simm.s32 $0x9310;
	s9 =	sadd.s32 s1, s9;
	[tilespmem:s30+$0xD600] =	vst.msk vm2, v62;
	s1 =	simm.s32 @!p0 $0xFF0  }
0xd6: {  	v63 =	vor.u32 s10, v0;
	s11 =	spop (v2sf);
	p0 =	slt.s32 s9, $0xFF0;
	[tilespmem:s1+$0xC600] =	vst.msk vm3, v5  }
0xd7: {  	v3 =	vmax.f32 v3, v4;
	s8 =	sadd.s32 s9, s11;
	s11 =	simm.s32 $0x9320;
	s9 =	simm.s32 @!p0 $0xFF0;
	[tilespmem:s1+$0xD600] =	vst.msk vm3, v63  }
0xd8: {  	v3 =	vmax.f32 v3, v5;
	s10 =	spop (v2sf);
	p0 =	slt.s32 s8, $0xFF0;
	v4 =	vor.u32 s11, v0;
	[tilespmem:s9+$0xC600] =	vst.msk vm1, v6  }
0xd9: {  	v3 =	vmax.f32 v3, v6;
	s30 =	sadd.s32 s8, s10;
	s8 =	simm.s32 @!p0 $0xFF0;
	[tilespmem:s9+$0xD600] =	vst.msk vm1, v4  }
0xda: {  	s31 =	simm.s32 $0x9370;
	v3 =	vmax.f32 v3, v7;
	v4 =	vor.u32 s0, v0;
	[tilespmem:s8+$0xC600] =	vst.msk vm0, v7  }
.LBB2_9:
0xdb: {  	p0 =	sne.s32 s31, $0xC3F0  }
0xdc: {  	[tilespmem:s8+$0xD600] =	vst.msk vm0, v4;
	s0 =	sadd.s32 $0x40, s0;
	s1 =	smov.u32 s31;
	s31 =	sadd.s32 $0x40, s31  }
0xdd: {  	_ = 	snop  }
0xde: {  	v4 =	vld [tilespmem:s0+$0xFFFFFFD0]  }
0xdf: {  	v5 =	vld [tilespmem:s0+$0xFFFFFFE0]  }
0xe0: {  	v6 =	vld [tilespmem:s0+$0xFFFFFFF0]  }
0xe1: {  	v7 =	vld [tilespmem:s0+$0x0];
	_ =	sdelay $0x1  }
0xe2: {  	vm3 =	vge.f32 v4, v2;
	v3 =	vmax.f32 v3, v4  }
0xe3: {  	v8 =	vmpcnt.ones.xlane vm3;
	vm2 =	vge.f32 v5, v2;
	v3 =	vmax.f32 v3, v5  }
0xe4: {  	v9 =	vmpcnt.ones.xlane vm2;
	vm1 =	vge.f32 v6, v2;
	v3 =	vmax.f32 v3, v6  }
0xe5: {  	v10 =	vmpcnt.ones.xlane vm1;
	vm0 =	vge.f32 v7, v2;
	(v2sf) =	vpush v8, $0x0  }
0xe6: {  	v3 =	vmax.f32 v3, v7;
	v8 =	vmpcnt.ones.xlane vm0;
	(v2sf) =	vpush v9, $0x0  }
0xe7: {  	(v2sf) =	vpush v10, $0x0  }
0xe8: {  	(v2sf) =	vpush v8, $0x0;
	_ =	sdelay $0xa  }
0xe9: {  	s7 =	sadd.s32 $0xFFFFFFE0, s1  }
0xea: {  	p1 =	slt.s32 s30, $0xFF0;
	s8 =	sadd.s32 $0xFFFFFFD0, s1;
	s9 =	spop (v2sf)  }
0xeb: {  	s9 =	sadd.s32 s30, s9;
	s30 =	simm.s32 @!p1 $0xFF0;
	s10 =	spop (v2sf)  }
0xec: {  	s10 =	sadd.s32 s9, s10;
	[tilespmem:s30+$0xC600] =	vst.msk vm3, v4;
	v4 =	vor.u32 s8, v0;
	s8 =	spop (v2sf)  }
0xed: {  	p1 =	slt.s32 s9, $0xFF0;
	s8 =	sadd.s32 s10, s8  }
0xee: {  	[tilespmem:s30+$0xD600] =	vst.msk vm3, v4;
	s9 =	simm.s32 @!p1 $0xFF0;
	s11 =	spop (v2sf);
	p1 =	slt.s32 s10, $0xFF0  }
.Ltmp7:
0xef: {  	v4 =	vor.u32 s7, v0;
	[tilespmem:s9+$0xC600] =	vst.msk vm2, v5;
	p2 =	slt.s32 s8, $0xFF0;
	s30 =	sadd.s32 s8, s11;
	(pc) =	sbr.rel @p0 .LBB2_9-.Ltmp7, $4  }
0xf0: {  	s7 =	sadd.s32 $0xFFFFFFF0, s1;
	s10 =	simm.s32 @!p1 $0xFF0;
	[tilespmem:s9+$0xD600] =	vst.msk vm2, v4  }
0xf1: {  	v4 =	vor.u32 s7, v0;
	[tilespmem:s10+$0xC600] =	vst.msk vm1, v6  }
0xf2: {  	s8 =	simm.s32 @!p2 $0xFF0;
	[tilespmem:s10+$0xD600] =	vst.msk vm1, v4  }
0xf3: {  	v4 =	vor.u32 s1, v0;
	[tilespmem:s8+$0xC600] =	vst.msk vm0, v7  }
0xf4: {  	[tilespmem:s8+$0xD600] =	vst.msk vm0, v4  }
0xf5: {  	_ =	swait.ge [sflag:s14], $0x3100  }
0xf6: {  	[sflag:s14] =	ssyncset.done $0x0  }
0xf7: {  	s0 =	sadd.s32 $0x24C0, s29;
	[sflag:s14] =	ssyncadd.s32 $0xFFFFCF00  }
0xf8: {  	[tilespmem:s15], [sflag:$0x3] =	stream.linear.gather [hbm4b:s0+s3], $0x3100, $0x38;
	[tilespmem:$0x10670] =	vst v63  }
0xf9: {  	s0 =	simm.s32 $0x20  }
0xfa: {  	v4 =	vld [tilespmem:s0+$0xFFFFFFE0];
	_ =	sdelay $0x1  }
0xfb: {  	v5 =	vld [tilespmem:s0+$0xFFFFFFF0];
	_ =	sdelay $0x1  }
0xfc: {  	v6 =	vld [tilespmem:s0+$0x0]  }
0xfd: {  	vm2 =	vge.f32 v4, v2  }
0xfe: {  	v7 =	vld [tilespmem:s0+$0x10];
	v8 =	vmpcnt.ones.xlane vm2  }
0xff: {  	vm3 =	vge.f32 v5, v2  }
0x100: {  	v9 =	vmpcnt.ones.xlane vm3;
	(v2sf) =	vpush v8, $0x0  }
0x101: {  	vm1 =	vge.f32 v6, v2  }
0x102: {  	v60 =	vmpcnt.ones.xlane vm1;
	(v2sf) =	vpush v9, $0x0  }
0x103: {  	vm0 =	vge.f32 v7, v2  }
0x104: {  	v61 =	vmpcnt.ones.xlane vm0;
	(v2sf) =	vpush v60, $0x0;
	_ =	sdelay $0x1  }
0x105: {  	(v2sf) =	vpush v61, $0x0;
	_ =	sdelay $0x8  }
0x106: {  	p0 =	slt.s32 s30, $0xFF0;
	s1 =	spop (v2sf)  }
0x107: {  	s7 =	simm.s32 $0xC400;
	s1 =	sadd.s32 s30, s1;
	s30 =	simm.s32 @!p0 $0xFF0  }
0x108: {  	v62 =	vor.u32 s7, v0;
	s10 =	spop (v2sf);
	[tilespmem:s30+$0xC600] =	vst.msk vm2, v4;
	p0 =	slt.s32 s1, $0xFF0  }
0x109: {  	s11 =	simm.s32 $0xC410;
	s9 =	sadd.s32 s1, s10;
	[tilespmem:s30+$0xD600] =	vst.msk vm2, v62;
	s1 =	simm.s32 @!p0 $0xFF0  }
0x10a: {  	v63 =	vor.u32 s11, v0;
	s10 =	spop (v2sf);
	p0 =	slt.s32 s9, $0xFF0;
	[tilespmem:s1+$0xC600] =	vst.msk vm3, v5  }
0x10b: {  	v3 =	vmax.f32 v3, v4;
	s8 =	sadd.s32 s9, s10;
	s10 =	simm.s32 $0xC420;
	s9 =	simm.s32 @!p0 $0xFF0;
	[tilespmem:s1+$0xD600] =	vst.msk vm3, v63  }
0x10c: {  	v3 =	vmax.f32 v3, v5;
	s11 =	spop (v2sf);
	p0 =	slt.s32 s8, $0xFF0;
	v4 =	vor.u32 s10, v0;
	[tilespmem:s9+$0xC600] =	vst.msk vm1, v6  }
0x10d: {  	v3 =	vmax.f32 v3, v6;
	s30 =	sadd.s32 s8, s11;
	s11 =	simm.s32 $0xC430;
	s8 =	simm.s32 @!p0 $0xFF0;
	[tilespmem:s9+$0xD600] =	vst.msk vm1, v4  }
0x10e: {  	s31 =	simm.s32 $0xC440;
	v3 =	vmax.f32 v3, v7;
	v4 =	vor.u32 s11, v0;
	[tilespmem:s8+$0xC600] =	vst.msk vm0, v7  }
.LBB2_11:
0x10f: {  	p0 =	sne.s32 s31, $0xF4C0  }
0x110: {  	[tilespmem:s8+$0xD600] =	vst.msk vm0, v4;
	s0 =	sadd.s32 $0x40, s0;
	s1 =	smov.u32 s31;
	s31 =	sadd.s32 $0x40, s31  }
0x111: {  	_ = 	snop  }
0x112: {  	v4 =	vld [tilespmem:s0+$0xFFFFFFE0]  }
0x113: {  	v5 =	vld [tilespmem:s0+$0xFFFFFFF0]  }
0x114: {  	v6 =	vld [tilespmem:s0+$0x0]  }
0x115: {  	v7 =	vld [tilespmem:s0+$0x10];
	_ =	sdelay $0x1  }
0x116: {  	vm3 =	vge.f32 v4, v2;
	v3 =	vmax.f32 v3, v4  }
0x117: {  	v8 =	vmpcnt.ones.xlane vm3;
	vm2 =	vge.f32 v5, v2;
	v3 =	vmax.f32 v3, v5  }
0x118: {  	v9 =	vmpcnt.ones.xlane vm2;
	vm1 =	vge.f32 v6, v2;
	v3 =	vmax.f32 v3, v6  }
0x119: {  	v10 =	vmpcnt.ones.xlane vm1;
	vm0 =	vge.f32 v7, v2;
	(v2sf) =	vpush v8, $0x0  }
0x11a: {  	v3 =	vmax.f32 v3, v7;
	v8 =	vmpcnt.ones.xlane vm0;
	(v2sf) =	vpush v9, $0x0  }
0x11b: {  	(v2sf) =	vpush v10, $0x0  }
0x11c: {  	(v2sf) =	vpush v8, $0x0;
	_ =	sdelay $0xb  }
0x11d: {  	p1 =	slt.s32 s30, $0xFF0;
	s7 =	sadd.s32 $0x10, s1;
	s8 =	spop (v2sf)  }
0x11e: {  	s9 =	sadd.s32 s30, s8;
	s30 =	simm.s32 @!p1 $0xFF0;
	s8 =	spop (v2sf)  }
0x11f: {  	s10 =	sadd.s32 s9, s8;
	s8 =	spop (v2sf)  }
0x120: {  	[tilespmem:s30+$0xC600] =	vst.msk vm3, v4;
	v4 =	vor.u32 s1, v0;
	p1 =	slt.s32 s9, $0xFF0;
	s8 =	sadd.s32 s10, s8  }
0x121: {  	[tilespmem:s30+$0xD600] =	vst.msk vm3, v4;
	s9 =	simm.s32 @!p1 $0xFF0;
	s11 =	spop (v2sf);
	p1 =	slt.s32 s10, $0xFF0  }
.Ltmp8:
0x122: {  	v4 =	vor.u32 s7, v0;
	[tilespmem:s9+$0xC600] =	vst.msk vm2, v5;
	p2 =	slt.s32 s8, $0xFF0;
	s30 =	sadd.s32 s8, s11;
	(pc) =	sbr.rel @p0 .LBB2_11-.Ltmp8, $4  }
0x123: {  	s7 =	sadd.s32 $0x20, s1;
	s10 =	simm.s32 @!p1 $0xFF0;
	[tilespmem:s9+$0xD600] =	vst.msk vm2, v4  }
0x124: {  	v4 =	vor.u32 s7, v0;
	[tilespmem:s10+$0xC600] =	vst.msk vm1, v6  }
0x125: {  	s1 =	sadd.s32 $0x30, s1;
	s8 =	simm.s32 @!p2 $0xFF0;
	[tilespmem:s10+$0xD600] =	vst.msk vm1, v4  }
0x126: {  	v4 =	vor.u32 s1, v0;
	[tilespmem:s8+$0xC600] =	vst.msk vm0, v7  }
0x127: {  	[tilespmem:s8+$0xD600] =	vst.msk vm0, v4  }
0x128: {  	_ =	swait.ge [sflag:s16], $0x3100  }
0x129: {  	[sflag:s16] =	ssyncset.done $0x0  }
0x12a: {  	s0 =	sadd.s32 $0x2AE0, s29;
	[sflag:s16] =	ssyncadd.s32 $0xFFFFCF00  }
0x12b: {  	[tilespmem:s17], [sflag:$0x4] =	stream.linear.gather [hbm4b:s0+s3], $0x3100, $0x38;
	[tilespmem:$0x10670] =	vst v63  }
0x12c: {  	s0 =	simm.s32 $0x3130  }
0x12d: {  	v4 =	vld [tilespmem:s0+$0xFFFFFFD0];
	_ =	sdelay $0x1  }
0x12e: {  	v5 =	vld [tilespmem:s0+$0xFFFFFFE0];
	_ =	sdelay $0x1  }
0x12f: {  	v6 =	vld [tilespmem:s0+$0xFFFFFFF0]  }
0x130: {  	vm2 =	vge.f32 v4, v2  }
0x131: {  	v7 =	vld [tilespmem:s0+$0x0];
	v8 =	vmpcnt.ones.xlane vm2  }
0x132: {  	vm3 =	vge.f32 v5, v2  }
0x133: {  	v9 =	vmpcnt.ones.xlane vm3;
	(v2sf) =	vpush v8, $0x0  }
0x134: {  	vm1 =	vge.f32 v6, v2  }
0x135: {  	v60 =	vmpcnt.ones.xlane vm1;
	(v2sf) =	vpush v9, $0x0  }
0x136: {  	vm0 =	vge.f32 v7, v2  }
0x137: {  	v61 =	vmpcnt.ones.xlane vm0;
	(v2sf) =	vpush v60, $0x0;
	_ =	sdelay $0x1  }
0x138: {  	(v2sf) =	vpush v61, $0x0;
	_ =	sdelay $0x8  }
0x139: {  	p0 =	slt.s32 s30, $0xFF0;
	s1 =	spop (v2sf)  }
0x13a: {  	s7 =	simm.s32 $0xF500;
	s1 =	sadd.s32 s30, s1;
	s30 =	simm.s32 @!p0 $0xFF0  }
0x13b: {  	v62 =	vor.u32 s7, v0;
	s9 =	spop (v2sf);
	[tilespmem:s30+$0xC600] =	vst.msk vm2, v4;
	p0 =	slt.s32 s1, $0xFF0  }
0x13c: {  	s10 =	simm.s32 $0xF510;
	s9 =	sadd.s32 s1, s9;
	[tilespmem:s30+$0xD600] =	vst.msk vm2, v62;
	s1 =	simm.s32 @!p0 $0xFF0  }
0x13d: {  	v63 =	vor.u32 s10, v0;
	s11 =	spop (v2sf);
	p0 =	slt.s32 s9, $0xFF0;
	[tilespmem:s1+$0xC600] =	vst.msk vm3, v5  }
0x13e: {  	v3 =	vmax.f32 v3, v4;
	s8 =	sadd.s32 s9, s11;
	s11 =	simm.s32 $0xF520;
	s9 =	simm.s32 @!p0 $0xFF0;
	[tilespmem:s1+$0xD600] =	vst.msk vm3, v63  }
0x13f: {  	v3 =	vmax.f32 v3, v5;
	s10 =	spop (v2sf);
	p0 =	slt.s32 s8, $0xFF0;
	v4 =	vor.u32 s11, v0;
	[tilespmem:s9+$0xC600] =	vst.msk vm1, v6  }
0x140: {  	v3 =	vmax.f32 v3, v6;
	s30 =	simm.s32 $0xF530;
	s31 =	sadd.s32 s8, s10;
	s8 =	simm.s32 @!p0 $0xFF0;
	[tilespmem:s9+$0xD600] =	vst.msk vm1, v4  }
0x141: {  	s29 =	simm.s32 $0xF540;
	v3 =	vmax.f32 v3, v7;
	v4 =	vor.u32 s30, v0;
	[tilespmem:s8+$0xC600] =	vst.msk vm0, v7  }
.LBB2_13:
0x142: {  	p0 =	sne.s32 s29, $0x125C0  }
0x143: {  	[tilespmem:s8+$0xD600] =	vst.msk vm0, v4;
	s0 =	sadd.s32 $0x40, s0;
	s1 =	smov.u32 s29;
	s29 =	sadd.s32 $0x40, s29  }
0x144: {  	_ = 	snop  }
0x145: {  	v4 =	vld [tilespmem:s0+$0xFFFFFFD0]  }
0x146: {  	v5 =	vld [tilespmem:s0+$0xFFFFFFE0]  }
0x147: {  	v6 =	vld [tilespmem:s0+$0xFFFFFFF0]  }
0x148: {  	v7 =	vld [tilespmem:s0+$0x0];
	_ =	sdelay $0x1  }
0x149: {  	vm3 =	vge.f32 v4, v2;
	v3 =	vmax.f32 v3, v4  }
0x14a: {  	v8 =	vmpcnt.ones.xlane vm3;
	vm2 =	vge.f32 v5, v2;
	v3 =	vmax.f32 v3, v5  }
0x14b: {  	v9 =	vmpcnt.ones.xlane vm2;
	vm1 =	vge.f32 v6, v2;
	v3 =	vmax.f32 v3, v6  }
0x14c: {  	v10 =	vmpcnt.ones.xlane vm1;
	vm0 =	vge.f32 v7, v2;
	(v2sf) =	vpush v8, $0x0  }
0x14d: {  	v3 =	vmax.f32 v3, v7;
	v8 =	vmpcnt.ones.xlane vm0;
	(v2sf) =	vpush v9, $0x0  }
0x14e: {  	(v2sf) =	vpush v10, $0x0  }
0x14f: {  	(v2sf) =	vpush v8, $0x0;
	_ =	sdelay $0xb  }
0x150: {  	p1 =	slt.s32 s31, $0xFF0;
	s7 =	sadd.s32 $0x10, s1;
	s8 =	spop (v2sf)  }
0x151: {  	s9 =	sadd.s32 s31, s8;
	s31 =	simm.s32 @!p1 $0xFF0;
	s8 =	spop (v2sf)  }
0x152: {  	s10 =	sadd.s32 s9, s8;
	s8 =	spop (v2sf)  }
0x153: {  	[tilespmem:s31+$0xC600] =	vst.msk vm3, v4;
	v4 =	vor.u32 s1, v0;
	p1 =	slt.s32 s9, $0xFF0;
	s8 =	sadd.s32 s10, s8  }
0x154: {  	[tilespmem:s31+$0xD600] =	vst.msk vm3, v4;
	s9 =	simm.s32 @!p1 $0xFF0;
	s11 =	spop (v2sf);
	p1 =	slt.s32 s10, $0xFF0  }
.Ltmp9:
0x155: {  	v4 =	vor.u32 s7, v0;
	[tilespmem:s9+$0xC600] =	vst.msk vm2, v5;
	p2 =	slt.s32 s8, $0xFF0;
	s31 =	sadd.s32 s8, s11;
	(pc) =	sbr.rel @p0 .LBB2_13-.Ltmp9, $4  }
0x156: {  	s7 =	sadd.s32 $0x20, s1;
	s10 =	simm.s32 @!p1 $0xFF0;
	[tilespmem:s9+$0xD600] =	vst.msk vm2, v4  }
0x157: {  	v4 =	vor.u32 s7, v0;
	[tilespmem:s10+$0xC600] =	vst.msk vm1, v6  }
0x158: {  	s1 =	sadd.s32 $0x30, s1;
	s8 =	simm.s32 @!p2 $0xFF0;
	[tilespmem:s10+$0xD600] =	vst.msk vm1, v4  }
0x159: {  	v4 =	vor.u32 s1, v0;
	[tilespmem:s8+$0xC600] =	vst.msk vm0, v7  }
0x15a: {  	(v2sf) =	vpush v2, $0x0;
	_ =	sdelay $0xe  }
0x15b: {  	[tilespmem:s8+$0xD600] =	vst.msk vm0, v4;
	p0 =	seq.s32 s26, $0x1F;
	s29 =	spop (v2sf)  }
0x15c: {  	s0 =	sshrl.u32 @!p0 s28, $0x3;
	_ =	swait.ge [sflag:s18], $0x3100  }
0x15d: {  	s30 =	simm.s32 $0x6230;
	s28 =	sadd.s32 @!p0 s5, s0;
	[sflag:s18] =	ssyncset.done $0x0  }
0x15e: {  	s1 =	simm.s32 @!p0 $0x0;
	s0 =	sadd.s32 @!p0 $0x3100, s28;
	[sflag:s18] =	ssyncadd.s32 $0xFFFFCF00  }
0x15f: {  	[tilespmem:s1], [sflag:$0x1] =	stream.linear.gather @!p0 [hbm4b:s0+s1], $0x3100, $0x38;
	[tilespmem:$0x10670] =	vst v63  }
0x160: {  	v4 =	vld [tilespmem:s30+$0xFFFFFFD0];
	_ =	sdelay $0x1  }
0x161: {  	v5 =	vld [tilespmem:s30+$0xFFFFFFE0];
	_ =	sdelay $0x1  }
0x162: {  	v6 =	vld [tilespmem:s30+$0xFFFFFFF0]  }
0x163: {  	vm2 =	vge.f32 v4, v2  }
0x164: {  	v7 =	vld [tilespmem:s30+$0x0];
	v8 =	vmpcnt.ones.xlane vm2  }
0x165: {  	vm3 =	vge.f32 v5, v2  }
0x166: {  	v9 =	vmpcnt.ones.xlane vm3;
	(v2sf) =	vpush v8, $0x0  }
0x167: {  	vm1 =	vge.f32 v6, v2  }
0x168: {  	v60 =	vmpcnt.ones.xlane vm1;
	(v2sf) =	vpush v9, $0x0  }
0x169: {  	vm0 =	vge.f32 v7, v2  }
0x16a: {  	v61 =	vmpcnt.ones.xlane vm0;
	(v2sf) =	vpush v60, $0x0;
	_ =	sdelay $0x1  }
0x16b: {  	(v2sf) =	vpush v61, $0x0;
	_ =	sdelay $0x8  }
0x16c: {  	p1 =	slt.s32 s31, $0xFF0;
	s8 =	spop (v2sf)  }
0x16d: {  	s9 =	simm.s32 $0x12600;
	s0 =	sadd.s32 s31, s8;
	s31 =	simm.s32 @!p1 $0xFF0  }
0x16e: {  	v62 =	vor.u32 s9, v0;
	s7 =	spop (v2sf);
	[tilespmem:s31+$0xC600] =	vst.msk vm2, v4;
	p1 =	slt.s32 s0, $0xFF0  }
0x16f: {  	s10 =	simm.s32 $0x12610;
	s7 =	sadd.s32 s0, s7;
	[tilespmem:s31+$0xD600] =	vst.msk vm2, v62;
	s0 =	simm.s32 @!p1 $0xFF0  }
0x170: {  	v63 =	vor.u32 s10, v0;
	s11 =	spop (v2sf);
	p1 =	slt.s32 s7, $0xFF0;
	[tilespmem:s0+$0xC600] =	vst.msk vm3, v5  }
0x171: {  	s10 =	simm.s32 $0x12620;
	v3 =	vmax.f32 v3, v4;
	s8 =	sadd.s32 s7, s11;
	s7 =	simm.s32 @!p1 $0xFF0;
	[tilespmem:s0+$0xD600] =	vst.msk vm3, v63  }
0x172: {  	v3 =	vmax.f32 v3, v5;
	v4 =	vor.u32 s10, v0;
	s9 =	spop (v2sf);
	p1 =	slt.s32 s8, $0xFF0;
	[tilespmem:s7+$0xC600] =	vst.msk vm1, v6  }
0x173: {  	v3 =	vmax.f32 v3, v6;
	s11 =	simm.s32 $0x12630;
	s31 =	sadd.s32 s8, s9;
	s8 =	simm.s32 @!p1 $0xFF0;
	[tilespmem:s7+$0xD600] =	vst.msk vm1, v4  }
0x174: {  	s26 =	sadd.s32 $0x1, s26;
	v3 =	vmax.f32 v3, v7;
	s0 =	simm.s32 $0x12670;
	v4 =	vor.u32 s11, v0;
	[tilespmem:s8+$0xC600] =	vst.msk vm0, v7  }
.LBB2_15:
0x175: {  	p1 =	sne.s32 s0, $0x156F0  }
0x176: {  	[tilespmem:s8+$0xD600] =	vst.msk vm0, v4;
	s30 =	sadd.s32 $0x40, s30;
	s1 =	smov.u32 s0;
	s0 =	sadd.s32 $0x40, s0  }
0x177: {  	_ = 	snop  }
0x178: {  	v4 =	vld [tilespmem:s30+$0xFFFFFFD0]  }
0x179: {  	v5 =	vld [tilespmem:s30+$0xFFFFFFE0]  }
0x17a: {  	v6 =	vld [tilespmem:s30+$0xFFFFFFF0]  }
0x17b: {  	v7 =	vld [tilespmem:s30+$0x0];
	_ =	sdelay $0x1  }
0x17c: {  	vm3 =	vge.f32 v4, v2;
	v3 =	vmax.f32 v3, v4  }
0x17d: {  	v8 =	vmpcnt.ones.xlane vm3;
	vm2 =	vge.f32 v5, v2;
	v3 =	vmax.f32 v3, v5  }
0x17e: {  	v9 =	vmpcnt.ones.xlane vm2;
	vm1 =	vge.f32 v6, v2;
	v3 =	vmax.f32 v3, v6  }
0x17f: {  	v10 =	vmpcnt.ones.xlane vm1;
	vm0 =	vge.f32 v7, v2;
	(v2sf) =	vpush v8, $0x0  }
0x180: {  	v3 =	vmax.f32 v3, v7;
	v8 =	vmpcnt.ones.xlane vm0;
	(v2sf) =	vpush v9, $0x0  }
0x181: {  	(v2sf) =	vpush v10, $0x0  }
0x182: {  	(v2sf) =	vpush v8, $0x0;
	_ =	sdelay $0xa  }
0x183: {  	s7 =	sadd.s32 $0xFFFFFFE0, s1  }
0x184: {  	p2 =	slt.s32 s31, $0xFF0;
	s8 =	sadd.s32 $0xFFFFFFD0, s1;
	s9 =	spop (v2sf)  }
0x185: {  	s9 =	sadd.s32 s31, s9;
	s31 =	simm.s32 @!p2 $0xFF0;
	s10 =	spop (v2sf)  }
0x186: {  	s10 =	sadd.s32 s9, s10;
	[tilespmem:s31+$0xC600] =	vst.msk vm3, v4;
	v4 =	vor.u32 s8, v0;
	s8 =	spop (v2sf)  }
0x187: {  	p2 =	slt.s32 s9, $0xFF0;
	s8 =	sadd.s32 s10, s8  }
0x188: {  	[tilespmem:s31+$0xD600] =	vst.msk vm3, v4;
	s9 =	simm.s32 @!p2 $0xFF0;
	s11 =	spop (v2sf);
	p2 =	slt.s32 s10, $0xFF0  }
.Ltmp10:
0x189: {  	v4 =	vor.u32 s7, v0;
	[tilespmem:s9+$0xC600] =	vst.msk vm2, v5;
	p3 =	slt.s32 s8, $0xFF0;
	s31 =	sadd.s32 s8, s11;
	(pc) =	sbr.rel @p1 .LBB2_15-.Ltmp10, $4  }
0x18a: {  	s7 =	sadd.s32 $0xFFFFFFF0, s1;
	s10 =	simm.s32 @!p2 $0xFF0;
	[tilespmem:s9+$0xD600] =	vst.msk vm2, v4  }
0x18b: {  	v4 =	vor.u32 s7, v0;
	[tilespmem:s10+$0xC600] =	vst.msk vm1, v6  }
0x18c: {  	s8 =	simm.s32 @!p3 $0xFF0;
	[tilespmem:s10+$0xD600] =	vst.msk vm1, v4  }
0x18d: {  	v4 =	vor.u32 s1, v0;
	[tilespmem:s8+$0xC600] =	vst.msk vm0, v7  }
0x18e: {  	[tilespmem:s8+$0xD600] =	vst.msk vm0, v4  }
0x18f: {  	_ =	swait.ge [sflag:s19], $0x3100  }
0x190: {  	s0 =	sadd.s32 @!p0 $0x3720, s28;
	[sflag:s19] =	ssyncset.done $0x0  }
0x191: {  	s1 =	simm.s32 @!p0 $0x0;
	s7 =	simm.s32 @!p0 $0x3100;
	[sflag:s19] =	ssyncadd.s32 $0xFFFFCF00  }
0x192: {  	[tilespmem:s7], [sflag:$0x2] =	stream.linear.gather @!p0 [hbm4b:s0+s1], $0x3100, $0x38;
	[tilespmem:$0x10670] =	vst v63  }
0x193: {  	s0 =	simm.s32 $0x9330  }
0x194: {  	v4 =	vld [tilespmem:s0+$0xFFFFFFD0];
	_ =	sdelay $0x1  }
0x195: {  	v5 =	vld [tilespmem:s0+$0xFFFFFFE0];
	_ =	sdelay $0x1  }
0x196: {  	v6 =	vld [tilespmem:s0+$0xFFFFFFF0]  }
0x197: {  	vm2 =	vge.f32 v4, v2  }
0x198: {  	v7 =	vld [tilespmem:s0+$0x0];
	v8 =	vmpcnt.ones.xlane vm2  }
0x199: {  	vm3 =	vge.f32 v5, v2  }
0x19a: {  	v9 =	vmpcnt.ones.xlane vm3;
	(v2sf) =	vpush v8, $0x0  }
0x19b: {  	vm1 =	vge.f32 v6, v2  }
0x19c: {  	v60 =	vmpcnt.ones.xlane vm1;
	(v2sf) =	vpush v9, $0x0  }
0x19d: {  	vm0 =	vge.f32 v7, v2  }
0x19e: {  	v61 =	vmpcnt.ones.xlane vm0;
	(v2sf) =	vpush v60, $0x0;
	_ =	sdelay $0x1  }
0x19f: {  	(v2sf) =	vpush v61, $0x0;
	_ =	sdelay $0x8  }
0x1a0: {  	p0 =	slt.s32 s31, $0xFF0;
	s10 =	spop (v2sf)  }
0x1a1: {  	s11 =	simm.s32 $0x15700;
	s1 =	sadd.s32 s31, s10;
	s31 =	simm.s32 @!p0 $0xFF0  }
0x1a2: {  	v62 =	vor.u32 s11, v0;
	s9 =	spop (v2sf);
	[tilespmem:s31+$0xC600] =	vst.msk vm2, v4;
	p0 =	slt.s32 s1, $0xFF0  }
0x1a3: {  	s10 =	simm.s32 $0x15710;
	s9 =	sadd.s32 s1, s9;
	[tilespmem:s31+$0xD600] =	vst.msk vm2, v62;
	s1 =	simm.s32 @!p0 $0xFF0  }
0x1a4: {  	s11 =	spop (v2sf);
	v63 =	vor.u32 s10, v0;
	p0 =	slt.s32 s9, $0xFF0;
	[tilespmem:s1+$0xC600] =	vst.msk vm3, v5  }
0x1a5: {  	v3 =	vmax.f32 v3, v4;
	s8 =	sadd.s32 s9, s11;
	s11 =	simm.s32 $0x15720;
	s9 =	simm.s32 @!p0 $0xFF0;
	[tilespmem:s1+$0xD600] =	vst.msk vm3, v63  }
0x1a6: {  	v3 =	vmax.f32 v3, v5;
	s10 =	spop (v2sf);
	p0 =	slt.s32 s8, $0xFF0;
	v4 =	vor.u32 s11, v0;
	[tilespmem:s9+$0xC600] =	vst.msk vm1, v6  }
0x1a7: {  	v3 =	vmax.f32 v3, v6;
	s31 =	simm.s32 $0x15730;
	s28 =	sadd.s32 s8, s10;
	s8 =	simm.s32 @!p0 $0xFF0;
	[tilespmem:s9+$0xD600] =	vst.msk vm1, v4  }
0x1a8: {  	s30 =	simm.s32 $0x15770;
	v3 =	vmax.f32 v3, v7;
	v4 =	vor.u32 s31, v0;
	[tilespmem:s8+$0xC600] =	vst.msk vm0, v7  }
.LBB2_17:
0x1a9: {  	p0 =	sne.s32 s30, $0x187F0  }
0x1aa: {  	[tilespmem:s8+$0xD600] =	vst.msk vm0, v4;
	s0 =	sadd.s32 $0x40, s0;
	s1 =	smov.u32 s30;
	s30 =	sadd.s32 $0x40, s30  }
0x1ab: {  	_ = 	snop  }
0x1ac: {  	v4 =	vld [tilespmem:s0+$0xFFFFFFD0]  }
0x1ad: {  	v5 =	vld [tilespmem:s0+$0xFFFFFFE0]  }
0x1ae: {  	v6 =	vld [tilespmem:s0+$0xFFFFFFF0]  }
0x1af: {  	v7 =	vld [tilespmem:s0+$0x0];
	_ =	sdelay $0x1  }
0x1b0: {  	vm3 =	vge.f32 v4, v2;
	v3 =	vmax.f32 v3, v4  }
0x1b1: {  	v8 =	vmpcnt.ones.xlane vm3;
	vm2 =	vge.f32 v5, v2;
	v3 =	vmax.f32 v3, v5  }
0x1b2: {  	v9 =	vmpcnt.ones.xlane vm2;
	vm1 =	vge.f32 v6, v2;
	v3 =	vmax.f32 v3, v6  }
0x1b3: {  	v10 =	vmpcnt.ones.xlane vm1;
	vm0 =	vge.f32 v7, v2;
	(v2sf) =	vpush v8, $0x0  }
0x1b4: {  	v3 =	vmax.f32 v3, v7;
	v8 =	vmpcnt.ones.xlane vm0;
	(v2sf) =	vpush v9, $0x0  }
0x1b5: {  	(v2sf) =	vpush v10, $0x0  }
0x1b6: {  	(v2sf) =	vpush v8, $0x0;
	_ =	sdelay $0xa  }
0x1b7: {  	s7 =	sadd.s32 $0xFFFFFFE0, s1  }
0x1b8: {  	p1 =	slt.s32 s28, $0xFF0;
	s8 =	sadd.s32 $0xFFFFFFD0, s1;
	s9 =	spop (v2sf)  }
0x1b9: {  	s9 =	sadd.s32 s28, s9;
	s28 =	simm.s32 @!p1 $0xFF0;
	s10 =	spop (v2sf)  }
0x1ba: {  	s10 =	sadd.s32 s9, s10;
	[tilespmem:s28+$0xC600] =	vst.msk vm3, v4;
	v4 =	vor.u32 s8, v0;
	s8 =	spop (v2sf)  }
0x1bb: {  	p1 =	slt.s32 s9, $0xFF0;
	s8 =	sadd.s32 s10, s8  }
0x1bc: {  	[tilespmem:s28+$0xD600] =	vst.msk vm3, v4;
	s9 =	simm.s32 @!p1 $0xFF0;
	s11 =	spop (v2sf);
	p1 =	slt.s32 s10, $0xFF0  }
.Ltmp11:
0x1bd: {  	v4 =	vor.u32 s7, v0;
	[tilespmem:s9+$0xC600] =	vst.msk vm2, v5;
	p2 =	slt.s32 s8, $0xFF0;
	s28 =	sadd.s32 s8, s11;
	(pc) =	sbr.rel @p0 .LBB2_17-.Ltmp11, $4  }
0x1be: {  	s7 =	sadd.s32 $0xFFFFFFF0, s1;
	s10 =	simm.s32 @!p1 $0xFF0;
	[tilespmem:s9+$0xD600] =	vst.msk vm2, v4  }
0x1bf: {  	v4 =	vor.u32 s7, v0;
	[tilespmem:s10+$0xC600] =	vst.msk vm1, v6  }
0x1c0: {  	s8 =	simm.s32 @!p2 $0xFF0;
	[tilespmem:s10+$0xD600] =	vst.msk vm1, v4  }
0x1c1: {  	v4 =	vor.u32 s1, v0;
	[tilespmem:s8+$0xC600] =	vst.msk vm0, v7  }
0x1c2: {  	(xrf0) =	vmax.scan.msk.f32 $0xffff, v3;
	_ =	sdelay $0x5  }
0x1c3: {  	v2, _, _ =	vpop (xrf0)  }
0x1c4: {  	(v2sf) =	vpush v2, $0xF;
	_ =	sdelay $0x8  }
0x1c5: {  	p0 =	slt.s32 s28, $0xFC0;
	s0 =	smov.u32 s28  }
0x1c6: {  	s0 =	simm.s32 @!p0 $0xFC0  }
0x1c7: {  	s1 =	sadd.s32 $0x3F, s0  }
0x1c8: {  	s7 =	sshra.s32 s1, $0x1F;
	s9 =	sand.u32 $0x3F, s1  }
0x1c9: {  	p6 =	slt.s32 s28, $0xFFFFFFC2;
	s7 =	sshrl.u32 s7, $0x1A;
	p1 =	sne.s32 s9, $0x0  }
.Ltmp12:
0x1ca: {  	[tilespmem:s8+$0xD600] =	vst.msk vm0, v4;
	s1 =	sadd.s32 s7, s1;
	p0 =	por !p6, !p1;
	(pc) =	sbr.rel .LBB2_19-.Ltmp12, $4  }
0x1cb: {  	[tilespmem:s0+$0xC600] =	vst v1;
	s7 =	simm.s32 $0x1;
	p0 =	por !p0, !p0;
	s11 =	spop (v2sf)  }
0x1cc: {  	[tilespmem:s0+$0xC610] =	vst v1;
	s1 =	sshra.s32 s1, $0x6;
	s7 =	simm.s32 @!p0 $0x0;
	s30 =	sadd.f32 $1.000000000e+00, s11  }
0x1cd: {  	[tilespmem:s0+$0xC620] =	vst v1;
	s1 =	ssub.s32 s1, s7  }
0x1ce: {  	s31 =	simm.s32 $0x0;
	[tilespmem:s0+$0xC630] =	vst v1;
	p0 =	slt.s32 s1, $0x1;
	s8 =	smov.u32 s30  }
.LBB2_22:
0x1cf: {  	vm1 =	vge.f32 v8, v3;
	vm2 =	vge.f32 v9, v3  }
0x1d0: {  	vm15 =	vge.f32 v6, v3;
	v8 =	vmpcnt.ones.xlane vm1;
	v3 =	vmpcnt.ones.xlane vm2  }
0x1d1: {  	v6 =	vmpcnt.ones.xlane vm15  }
0x1d2: {  	v63 =	vmpcnt.ones.xlane vm0;
	v5 =	vadd.s32 v5, v8;
	v3 =	vadd.s32 v7, v3  }
0x1d3: {  	v4 =	vadd.s32 v4, v6;
	v3 =	vadd.s32 v3, v5  }
0x1d4: {  	v2 =	vadd.s32 v2, v63;
	v3 =	vadd.s32 v4, v3  }
0x1d5: {  	v2 =	vadd.s32 v2, v3  }
.LBB2_23:
0x1d6: {  	(v2sf) =	vpush v2, $0x0;
	_ =	sdelay $0xe  }
0x1d7: {  	s7 =	spop (v2sf)  }
0x1d8: {  	s31 =	sadd.s32 $0x1, s31;
	p1 =	sgt.s32 s7, $0x6F  }
0x1d9: {  	s29 =	smov.u32 @p1 s11;
	s11 =	smov.u32 @p1 s8;
	p1 =	sne.s32 s31, $0x12  }
.Ltmp13:
0x1da: {  	_ = 	snop;
	(pc) =	sbr.rel @!p1 .LBB2_24-.Ltmp13, $2  }
0x1db: {  	_ =	sdelay $0x2  }
0x1dc: {  	s8 =	smov.u32 s11  }
.LBB2_19:
.Ltmp14:
0x1dd: {  	(pc) =	sbr.rel @p0 .LBB2_23-.Ltmp14, $3  }
0x1de: {  	_ = 	snop  }
0x1df: {  	s7 =	sadd.f32 s8, s29;
	_ =	sdelay $0x1  }
0x1e0: {  	v2 =	vimm.s32 $0x0;
	s11 =	smul.f32 $5.000000000e-01, s7  }
0x1e1: {  	s7 =	simm.s32 $0xC620  }
0x1e2: {  	v4 =	vld [tilespmem:s7+$0x10]  }
0x1e3: {  	p1 =	sne.s32 s1, $0x1;
	v8 =	vld [tilespmem:s7+$0xFFFFFFF0]  }
.Ltmp15:
0x1e4: {  	v9 =	vld [tilespmem:s7+$0xFFFFFFE0];
	(pc) =	sbr.rel @!p1 .LBB2_22-.Ltmp15, $3  }
0x1e5: {  	v6 =	vld [tilespmem:s7+$0x0];
	_ =	sdelay $0x1  }
0x1e6: {  	v5 =	vimm.s32 $0x0;
	v3 =	vmov s11  }
0x1e7: {  	s9 =	sadd.s32 $0xFFFFFFFF, s1;
	s10 =	simm.s32 $0xC660;
	v7 =	vimm.s32 $0x0;
	vm0 =	vge.f32 v4, v3;
	v4 =	vimm.s32 $0x0  }
.LBB2_21:
0x1e8: {  	v10 =	vld [tilespmem:s10+$0x10];
	p1 =	sne.s32 s9, $0x1;
	s9 =	sadd.s32 $0xFFFFFFFF, s9;
	vm1 =	vge.f32 v8, v3;
	v11 =	vmpcnt.ones.xlane vm0  }
.Ltmp16:
0x1e9: {  	vm0 =	vge.f32 v6, v3;
	v8 =	vld [tilespmem:s10+$0xFFFFFFF0];
	v12 =	vmpcnt.ones.xlane vm1;
	(pc) =	sbr.rel @p1 .LBB2_21-.Ltmp16, $4  }
0x1ea: {  	vm1 =	vge.f32 v9, v3;
	v13 =	vmpcnt.ones.xlane vm0;
	v6 =	vld [tilespmem:s10+$0x0];
	v2 =	vadd.s32 v2, v11  }
0x1eb: {  	v11 =	vmpcnt.ones.xlane vm1;
	v9 =	vld [tilespmem:s10+$0xFFFFFFE0];
	v5 =	vadd.s32 v5, v12  }
0x1ec: {  	v4 =	vadd.s32 v4, v13  }
0x1ed: {  	s10 =	sadd.s32 $0x40, s10;
	v7 =	vadd.s32 v7, v11;
	vm0 =	vge.f32 v10, v3  }
.Ltmp17:
0x1ee: {  	_ = 	snop;
	(pc) =	sbr.rel .LBB2_22-.Ltmp17, $1  }
0x1ef: {  	_ =	sdelay $0x3  }
.LBB2_24:
0x1f0: {  	s0 =	sadd.s32 $0xF, s0  }
0x1f1: {  	s1 =	sand.u32 $0xF, s0  }
0x1f2: {  	p0 =	slt.s32 s28, $0xFFFFFFF2;
	s7 =	sshra.s32 s0, $0x1F;
	p1 =	sne.s32 s1, $0x0  }
0x1f3: {  	s28 =	sshrl.u32 s7, $0x1C;
	p0 =	por !p0, !p1  }
0x1f4: {  	s1 =	simm.s32 $0x1;
	s0 =	sadd.s32 s28, s0;
	p0 =	por !p0, !p0  }
0x1f5: {  	s0 =	sshra.s32 s0, $0x4;
	s1 =	simm.s32 @!p0 $0x0  }
0x1f6: {  	s1 =	ssub.s32 s0, s1  }
0x1f7: {  	p0 =	slt.s32 s1, $0x1  }
.Ltmp18:
0x1f8: {  	_ = 	snop;
	(pc) =	sbr.rel @p0 .LBB2_31-.Ltmp18, $2  }
0x1f9: {  	_ =	sdelay $0x2  }
0x1fa: {  	s31 =	simm.s32 $0x0;
	s0 =	simm.s32 $0x0  }
0x1fb: {  	p1 =	sne.s32 s1, $0x1  }
.Ltmp19:
0x1fc: {  	_ = 	snop;
	(pc) =	sbr.rel @!p1 .LBB2_26-.Ltmp19, $3  }
0x1fd: {  	_ =	sdelay $0x1  }
0x1fe: {  	s7 =	simm.s32 $0xC600  }
0x1ff: {  	v2 =	vmov s29;
	s0 =	simm.s32 $0xD600;
	s1 =	sadd.s32 $0xFFFFFFFF, s1;
	p0 =	por $0x0, $0x0;
	v3 =	vld [tilespmem:s7+$0x0]  }
0x200: {  	_ =	sdelay $0x3  }
0x201: {  	vm0 =	vge.f32 v3, v2  }
0x202: {  	v5 =	vmpcnt.ones.xlane vm0;
	_ =	sdelay $0x1  }
0x203: {  	(v2sf) =	vpush v5, $0x0;
	_ =	sdelay $0x1  }
0x204: {  	v4 =	vld [tilespmem:s0+$0x0]  }
0x205: {  	p1 =	sne.s32 s1, $0x1  }
.Ltmp20:
0x206: {  	p0 =	por $0x1, $0x1;
	s7 =	simm.s32 $0x0;
	(pc) =	sbr.rel @!p1 .LBB2_28-.Ltmp20, $4  }
0x207: {  	s7 =	simm.s32 @!p0 $0x1F0  }
0x208: {  	[tilespmem:s7+$0xE600] =	vst.msk vm0, v3  }
0x209: {  	s11 =	simm.s32 $0xC610;
	s28 =	sadd.s32 $0xFFFFFFFF, s1;
	[tilespmem:s7+$0xE800] =	vst.msk vm0, v4  }
0x20a: {  	s1 =	simm.s32 $0xD600;
	s8 =	simm.s32 $0x0;
	p0 =	por $0x1, $0x1;
	v3 =	vld [tilespmem:s11+$0x0]  }
.LBB2_29:
0x20b: {  	p1 =	sne.s32 s28, $0x1;
	_ =	sdelay $0x3  }
0x20c: {  	vm0 =	vge.f32 v3, v2  }
0x20d: {  	s1 =	sadd.s32 $0x10, s1;
	v4 =	vmpcnt.ones.xlane vm0  }
0x20e: {  	v5 =	vld [tilespmem:s1+$0x0];
	s7 =	spop (v2sf)  }
0x20f: {  	(v2sf) =	vpush v4, $0x0;
	s8 =	sadd.s32 s8, s7  }
0x210: {  	p2 =	slt.s32 s8, $0x1F0;
	s7 =	smov.u32 s8  }
0x211: {  	s7 =	simm.s32 @!p2 $0x1F0  }
0x212: {  	[tilespmem:s7+$0xE600] =	vst.msk vm0, v3  }
.Ltmp21:
0x213: {  	[tilespmem:s7+$0xE800] =	vst.msk vm0, v5;
	(pc) =	sbr.rel @p1 .LBB2_29-.Ltmp21, $3  }
0x214: {  	_ =	sdelay $0x1  }
0x215: {  	s11 =	sadd.s32 $0x10, s11  }
0x216: {  	s28 =	sadd.s32 $0xFFFFFFFF, s28;
	v3 =	vld [tilespmem:s11+$0x0]  }
.LBB2_30:
0x217: {  	_ =	sdelay $0x3  }
0x218: {  	vm0 =	vge.f32 v3, v2  }
0x219: {  	v2 =	vmpcnt.ones.xlane vm0;
	_ =	sdelay $0x1  }
0x21a: {  	(v2sf) =	vpush v2, $0x0;
	_ =	sdelay $0x8  }
0x21b: {  	s1 =	sadd.s32 @p0 $0x10, s1  }
0x21c: {  	s0 =	smov.u32 @p0 s1;
	s1 =	spop @p0 (v2sf)  }
0x21d: {  	v2 =	vld [tilespmem:s0+$0x0];
	s0 =	sadd.s32 @p0 s8, s1;
	s1 =	simm.s32 $0x0  }
0x21e: {  	s1 =	smov.u32 @p0 s0  }
0x21f: {  	p0 =	slt.s32 s1, $0x1F0;
	s0 =	smov.u32 s1  }
0x220: {  	s0 =	simm.s32 @!p0 $0x1F0  }
0x221: {  	[tilespmem:s0+$0xE600] =	vst.msk vm0, v3;
	s7 =	spop (v2sf)  }
0x222: {  	[tilespmem:s0+$0xE800] =	vst.msk vm0, v2;
	s0 =	sadd.s32 s1, s7  }
.LBB2_31:
0x223: {  	p0 =	slt.s32 s0, $0x1E0  }
0x224: {  	p1 =	slt.s32 s0, $0xFFFFFFE2;
	s0 =	simm.s32 @!p0 $0x1E0  }
0x225: {  	s1 =	sadd.s32 $0x1F, s0  }
0x226: {  	s7 =	sand.u32 $0x1F, s1  }
0x227: {  	s29 =	sshra.s32 s1, $0x1F;
	p6 =	sne.s32 s7, $0x0  }
.Ltmp22:
0x228: {  	s7 =	sshrl.u32 s29, $0x1B;
	p0 =	por !p1, !p6;
	(pc) =	sbr.rel .LBB2_32-.Ltmp22, $4  }
0x229: {  	s1 =	sadd.s32 s7, s1;
	s7 =	simm.s32 $0x1;
	p0 =	por !p0, !p0  }
0x22a: {  	s1 =	sshra.s32 s1, $0x5;
	s7 =	simm.s32 @!p0 $0x0  }
0x22b: {  	[tilespmem:s0+$0xE600] =	vst v1;
	s28 =	ssub.s32 s1, s7  }
0x22c: {  	v2 =	vimm.s32 $0x0;
	[tilespmem:s0+$0xE610] =	vst v1;
	s0 =	simm.s32 $0xFFFFFFFF;
	p0 =	slt.s32 s28, $0x1  }
.LBB2_33:
0x22d: {  	v4 =	vimm.s32 $0xC0000000  }
.LBB2_41:
0x22e: {  	(xrf0) =	vmax.scan.msk.f32 $0xffff, v3;
	_ =	sdelay $0x5  }
0x22f: {  	v5, _, _ =	vpop (xrf0)  }
0x230: {  	v6 =	vbroadcast v5, $0xF;
	_ =	sdelay $0x1  }
0x231: {  	vm0 =	veq.f32 v3, v6  }
0x232: {  	v3 =	vnsel vm0, $0xC0000000, v4  }
0x233: {  	(xrf0) =	vmin.scan.msk.u32 $0xffff, v3;
	_ =	sdelay $0x5  }
0x234: {  	(v2sf) =	vpush v5, $0xF;
	v3, _, _ =	vpop (xrf0)  }
0x235: {  	(v2sf) =	vpush v3, $0xF;
	_ =	sdelay $0xa  }
0x236: {  	v3 =	vmov s31;
	s31 =	sadd.s32 $0x1, s31  }
0x237: {  	p1 =	sne.s32 s31, $0x10  }
.Ltmp23:
0x238: {  	_ = 	snop;
	(pc) =	sbr.rel @!p1 .LBB2_42-.Ltmp23, $4  }
0x239: {  	s30 =	spop (v2sf)  }
0x23a: {  	s0 =	spop (v2sf)  }
0x23b: {  	vm15 =	veq.s32 v3, v0;
	s0 =	sxor.u32 $0x80000000, s0  }
0x23c: {  	v2 =	vsel vm15, s0, v2  }
.LBB2_32:
.Ltmp24:
0x23d: {  	(pc) =	sbr.rel @p0 .LBB2_33-.Ltmp24, $2  }
0x23e: {  	_ =	sdelay $0x2  }
0x23f: {  	v3 =	vimm.f32 $-3.000000010e+38  }
0x240: {  	s1 =	simm.s32 $0xE610  }
0x241: {  	p2 =	sne.s32 s28, $0x1;
	v13 =	vld [tilespmem:s1+$0xFFFFFFF0]  }
.Ltmp25:
0x242: {  	_ = 	snop;
	(pc) =	sbr.rel @!p2 .LBB2_35-.Ltmp25, $4  }
0x243: {  	_ = 	snop  }
0x244: {  	s7 =	simm.s32 $0xE810;
	v14 =	vld [tilespmem:s1+$0x0]  }
0x245: {  	v5 =	vmov s30;
	v17 =	vld [tilespmem:s7+$0xFFFFFFF0]  }
0x246: {  	v6 =	vmov s0;
	v4 =	vimm.s32 $0x40000000;
	s8 =	sadd.s32 $0xFFFFFFFF, s28;
	p1 =	por $0x0, $0x0;
	v7 =	vld [tilespmem:s7+$0x0];
	vm0 =	vlt.f32 v13, v5  }
0x247: {  	_ =	sdelay $0x2  }
0x248: {  	vm1 =	veq.f32 v13, v5  }
0x249: {  	vm3 =	veq.f32 v14, v5;
	vm2 =	vgt.s32 v17, v6;
	vm4 =	vgt.s32 v7, v6  }
0x24a: {  	s0 =	simm.s32 $0xE630;
	vm5 =	vlt.f32 v14, v5;
	vm1 =	vmand vm1, vm2;
	vm2 =	vmand vm3, vm4  }
0x24b: {  	p2 =	sne.s32 s8, $0x1;
	v11 =	vld [tilespmem:s0+$0xFFFFFFF0];
	vm0 =	vmor vm0, vm1;
	vm1 =	vmor vm5, vm2  }
.Ltmp26:
0x24c: {  	s1 =	simm.s32 $0xE830;
	v12 =	vnsel vm1, $0xFF61B1E6, v14;
	v14 =	vld [tilespmem:s0+$0x0];
	(pc) =	sbr.rel @!p2 .LBB2_37-.Ltmp26, $4  }
0x24d: {  	v15 =	vnsel vm0, $0x40000000, v17;
	v17 =	vld [tilespmem:s1+$0xFFFFFFF0]  }
0x24e: {  	v8 =	vimm.f32 $-3.000000010e+38;
	v10 =	vnsel vm0, $0xFF61B1E6, v13;
	v16 =	vnsel vm1, $0x40000000, v7  }
0x24f: {  	v9 =	vimm.s32 $0x40000000;
	v7 =	vld [tilespmem:s1+$0x0];
	vm2 =	veq.f32 v12, v10;
	vm3 =	vlt.s32 v16, v15  }
0x250: {  	s8 =	sadd.s32 $0xFFFFFFFF, s8;
	p1 =	por $0x1, $0x1;
	vm0 =	vlt.f32 v11, v5;
	vm1 =	vgt.f32 v12, v10;
	vm2 =	vmand vm2, vm3  }
.LBB2_38:
0x251: {  	p2 =	sne.s32 s8, $0x1;
	vm3 =	veq.f32 v11, v5;
	vm4 =	vlt.f32 v14, v5;
	vm1 =	vmor vm1, vm2;
	v13 =	vmovc v14  }
0x252: {  	vm2 =	vgt.s32 v17, v6;
	v10 =	vsel vm1, v12, v10;
	v12 =	vsel vm1, v16, v15;
	v15 =	vmovc v17  }
0x253: {  	vm1 =	veq.f32 v13, v5;
	vm5 =	veq.f32 v10, v8;
	vm6 =	vlt.s32 v12, v9  }
0x254: {  	s0 =	sadd.s32 $0x20, s0;
	vm8 =	vgt.f32 v10, v8;
	vm7 =	vgt.s32 v7, v6;
	vm5 =	vmand vm5, vm6  }
0x255: {  	vm2 =	vmand vm3, vm2;
	v18 =	vld [tilespmem:s0+$0xFFFFFFF0];
	vm1 =	vmand vm1, vm7;
	vm3 =	vmor vm8, vm5  }
.Ltmp27:
0x256: {  	s1 =	sadd.s32 $0x20, s1;
	vm0 =	vmor vm0, vm2;
	v14 =	vld [tilespmem:s0+$0x0];
	v8 =	vsel vm3, v10, v8;
	v9 =	vsel vm3, v12, v9;
	(pc) =	sbr.rel @p2 .LBB2_38-.Ltmp27, $4  }
0x257: {  	v10 =	vnsel vm0, $0xFF61B1E6, v11;
	vm1 =	vmor vm4, vm1;
	v17 =	vld [tilespmem:s1+$0xFFFFFFF0]  }
0x258: {  	v15 =	vnsel vm0, $0x40000000, v15;
	v12 =	vnsel vm1, $0xFF61B1E6, v13;
	v16 =	vnsel vm1, $0x40000000, v7  }
0x259: {  	vm2 =	veq.f32 v12, v10;
	vm3 =	vlt.s32 v16, v15;
	v7 =	vld [tilespmem:s1+$0x0]  }
0x25a: {  	s8 =	sadd.s32 $0xFFFFFFFF, s8;
	vm1 =	vgt.f32 v12, v10;
	vm2 =	vmand vm2, vm3;
	vm0 =	vlt.f32 v18, v5;
	v11 =	vmovc v18  }
0x25b: {  	v13 =	vmov v11  }
.LBB2_40:
0x25c: {  	vm3 =	veq.f32 v13, v5;
	vm1 =	vmor @p1 vm1, vm2  }
0x25d: {  	vm14 =	vlt.f32 v14, v5;
	vm4 =	vgt.s32 v17, v6;
	vm15 =	veq.f32 v14, v5  }
0x25e: {  	v10 =	vsel @p1 vm1, v12, v10;
	v11 =	vsel @p1 vm1, v16, v15;
	vm3 =	vmand vm3, vm4  }
0x25f: {  	vm5 =	veq.f32 @p1 v10, v8;
	vm6 =	vlt.s32 @p1 v11, v9;
	vm7 =	vgt.s32 v7, v6  }
0x260: {  	vm4 =	vgt.f32 @p1 v10, v8;
	vm0 =	vmor vm0, vm3;
	vm1 =	vmand vm15, vm7  }
0x261: {  	vm3 =	vmand @p1 vm5, vm6;
	v5 =	vnsel vm0, $0xFF61B1E6, v13;
	vm1 =	vmor vm14, vm1  }
0x262: {  	v6 =	vnsel vm0, $0x40000000, v17;
	v63 =	vnsel vm1, $0xFF61B1E6, v14;
	v7 =	vnsel vm1, $0x40000000, v7  }
0x263: {  	vm0 =	vmor @p1 vm4, vm3;
	vm9 =	veq.f32 v63, v5;
	vm10 =	vlt.s32 v7, v6  }
0x264: {  	v8 =	vsel @p1 vm0, v10, v8;
	vm11 =	vgt.f32 v63, v5;
	vm1 =	vmand vm9, vm10  }
0x265: {  	v9 =	vsel @p1 vm0, v11, v9;
	v3 =	vpsel p1, v8, v3;
	vm12 =	vmor vm11, vm1  }
0x266: {  	v4 =	vpsel p1, v9, v4;
	v5 =	vsel vm12, v63, v5;
	v6 =	vsel vm12, v7, v6  }
.Ltmp28:
0x267: {  	vm13 =	veq.f32 v5, v3;
	vm14 =	vlt.s32 v6, v4;
	(pc) =	sbr.rel .LBB2_41-.Ltmp28, $4  }
0x268: {  	vm15 =	vgt.f32 v5, v3;
	vm0 =	vmand vm13, vm14  }
0x269: {  	vm0 =	vmor vm15, vm0  }
0x26a: {  	v4 =	vsel vm0, v6, v4  }
0x26b: {  	v3 =	vsel vm0, v5, v3;
	v4 =	vxor.u32 $0x80000000, v4  }
.LBB2_35:
.Ltmp29:
0x26c: {  	(pc) =	sbr.rel .LBB2_40-.Ltmp29, $2  }
0x26d: {  	_ =	sdelay $0x2  }
0x26e: {  	v8 =	vimm.f32 $-3.000000010e+38;
	v9 =	vimm.s32 $0x40000000  }
.LBB2_37:
.Ltmp30:
0x26f: {  	(pc) =	sbr.rel .LBB2_40-.Ltmp30, $2  }
0x270: {  	_ =	sdelay $0x2  }
0x271: {  	v13 =	vmov v11;
	v8 =	vimm.f32 $-3.000000010e+38;
	v9 =	vimm.s32 $0x40000000  }
.LBB2_42:
.Ltmp31:
0x272: {  	(pc) =	sbr.rel .LBB2_43-.Ltmp31, $2  }
0x273: {  	_ =	sdelay $0x2  }
0x274: {  	[tilespmem:$0xEA00] =	vst v2;
	s29 =	simm.s32 $0x0;
	v2 =	vimm.s32 $0x0  }
.LBB2_44:
0x275: {  	v4 =	vimm.s32 $0xC0000000  }
.LBB2_52:
0x276: {  	(xrf0) =	vmax.scan.msk.f32 $0xffff, v3;
	_ =	sdelay $0x5  }
0x277: {  	v5, _, _ =	vpop (xrf0)  }
0x278: {  	v6 =	vbroadcast v5, $0xF;
	_ =	sdelay $0x1  }
0x279: {  	vm0 =	veq.f32 v3, v6  }
0x27a: {  	v3 =	vnsel vm0, $0xC0000000, v4  }
0x27b: {  	(xrf0) =	vmin.scan.msk.u32 $0xffff, v3;
	_ =	sdelay $0x5  }
0x27c: {  	(v2sf) =	vpush v5, $0xF;
	v3, _, _ =	vpop (xrf0)  }
0x27d: {  	(v2sf) =	vpush v3, $0xF;
	_ =	sdelay $0xa  }
0x27e: {  	v3 =	vmov s29;
	s29 =	sadd.s32 $0x1, s29  }
0x27f: {  	p1 =	sne.s32 s29, $0x10  }
.Ltmp32:
0x280: {  	_ = 	snop;
	(pc) =	sbr.rel @!p1 .LBB2_53-.Ltmp32, $4  }
0x281: {  	s30 =	spop (v2sf)  }
0x282: {  	s0 =	spop (v2sf)  }
0x283: {  	vm15 =	veq.s32 v3, v0;
	s0 =	sxor.u32 $0x80000000, s0  }
0x284: {  	v2 =	vsel vm15, s0, v2  }
.LBB2_43:
.Ltmp33:
0x285: {  	(pc) =	sbr.rel @p0 .LBB2_44-.Ltmp33, $2  }
0x286: {  	_ =	sdelay $0x2  }
0x287: {  	v3 =	vimm.f32 $-3.000000010e+38  }
0x288: {  	s1 =	simm.s32 $0xE610  }
0x289: {  	p2 =	sne.s32 s28, $0x1;
	v13 =	vld [tilespmem:s1+$0xFFFFFFF0]  }
.Ltmp34:
0x28a: {  	_ = 	snop;
	(pc) =	sbr.rel @!p2 .LBB2_46-.Ltmp34, $4  }
0x28b: {  	_ = 	snop  }
0x28c: {  	s7 =	simm.s32 $0xE810;
	v14 =	vld [tilespmem:s1+$0x0]  }
0x28d: {  	v5 =	vmov s30;
	v17 =	vld [tilespmem:s7+$0xFFFFFFF0]  }
0x28e: {  	v6 =	vmov s0;
	v4 =	vimm.s32 $0x40000000;
	s8 =	sadd.s32 $0xFFFFFFFF, s28;
	p1 =	por $0x0, $0x0;
	v7 =	vld [tilespmem:s7+$0x0];
	vm0 =	vlt.f32 v13, v5  }
0x28f: {  	_ =	sdelay $0x2  }
0x290: {  	vm1 =	veq.f32 v13, v5  }
0x291: {  	vm3 =	veq.f32 v14, v5;
	vm2 =	vgt.s32 v17, v6;
	vm4 =	vgt.s32 v7, v6  }
0x292: {  	s0 =	simm.s32 $0xE630;
	vm5 =	vlt.f32 v14, v5;
	vm1 =	vmand vm1, vm2;
	vm2 =	vmand vm3, vm4  }
0x293: {  	p2 =	sne.s32 s8, $0x1;
	v11 =	vld [tilespmem:s0+$0xFFFFFFF0];
	vm0 =	vmor vm0, vm1;
	vm1 =	vmor vm5, vm2  }
.Ltmp35:
0x294: {  	s1 =	simm.s32 $0xE830;
	v12 =	vnsel vm1, $0xFF61B1E6, v14;
	v14 =	vld [tilespmem:s0+$0x0];
	(pc) =	sbr.rel @!p2 .LBB2_48-.Ltmp35, $4  }
0x295: {  	v15 =	vnsel vm0, $0x40000000, v17;
	v17 =	vld [tilespmem:s1+$0xFFFFFFF0]  }
0x296: {  	v8 =	vimm.f32 $-3.000000010e+38;
	v10 =	vnsel vm0, $0xFF61B1E6, v13;
	v16 =	vnsel vm1, $0x40000000, v7  }
0x297: {  	v9 =	vimm.s32 $0x40000000;
	v7 =	vld [tilespmem:s1+$0x0];
	vm2 =	veq.f32 v12, v10;
	vm3 =	vlt.s32 v16, v15  }
0x298: {  	s8 =	sadd.s32 $0xFFFFFFFF, s8;
	p1 =	por $0x1, $0x1;
	vm0 =	vlt.f32 v11, v5;
	vm1 =	vgt.f32 v12, v10;
	vm2 =	vmand vm2, vm3  }
.LBB2_49:
0x299: {  	p2 =	sne.s32 s8, $0x1;
	vm3 =	veq.f32 v11, v5;
	vm4 =	vlt.f32 v14, v5;
	vm1 =	vmor vm1, vm2;
	v13 =	vmovc v14  }
0x29a: {  	vm2 =	vgt.s32 v17, v6;
	v10 =	vsel vm1, v12, v10;
	v12 =	vsel vm1, v16, v15;
	v15 =	vmovc v17  }
0x29b: {  	vm1 =	veq.f32 v13, v5;
	vm5 =	veq.f32 v10, v8;
	vm6 =	vlt.s32 v12, v9  }
0x29c: {  	s0 =	sadd.s32 $0x20, s0;
	vm8 =	vgt.f32 v10, v8;
	vm7 =	vgt.s32 v7, v6;
	vm5 =	vmand vm5, vm6  }
0x29d: {  	vm2 =	vmand vm3, vm2;
	v18 =	vld [tilespmem:s0+$0xFFFFFFF0];
	vm1 =	vmand vm1, vm7;
	vm3 =	vmor vm8, vm5  }
.Ltmp36:
0x29e: {  	s1 =	sadd.s32 $0x20, s1;
	vm0 =	vmor vm0, vm2;
	v14 =	vld [tilespmem:s0+$0x0];
	v8 =	vsel vm3, v10, v8;
	v9 =	vsel vm3, v12, v9;
	(pc) =	sbr.rel @p2 .LBB2_49-.Ltmp36, $4  }
0x29f: {  	v10 =	vnsel vm0, $0xFF61B1E6, v11;
	vm1 =	vmor vm4, vm1;
	v17 =	vld [tilespmem:s1+$0xFFFFFFF0]  }
0x2a0: {  	v15 =	vnsel vm0, $0x40000000, v15;
	v12 =	vnsel vm1, $0xFF61B1E6, v13;
	v16 =	vnsel vm1, $0x40000000, v7  }
0x2a1: {  	vm2 =	veq.f32 v12, v10;
	vm3 =	vlt.s32 v16, v15;
	v7 =	vld [tilespmem:s1+$0x0]  }
0x2a2: {  	s8 =	sadd.s32 $0xFFFFFFFF, s8;
	vm1 =	vgt.f32 v12, v10;
	vm2 =	vmand vm2, vm3;
	vm0 =	vlt.f32 v18, v5;
	v11 =	vmovc v18  }
0x2a3: {  	v13 =	vmov v11  }
.LBB2_51:
0x2a4: {  	vm3 =	veq.f32 v13, v5;
	vm1 =	vmor @p1 vm1, vm2  }
0x2a5: {  	vm14 =	vlt.f32 v14, v5;
	vm4 =	vgt.s32 v17, v6;
	vm15 =	veq.f32 v14, v5  }
0x2a6: {  	v10 =	vsel @p1 vm1, v12, v10;
	v11 =	vsel @p1 vm1, v16, v15;
	vm3 =	vmand vm3, vm4  }
0x2a7: {  	vm5 =	veq.f32 @p1 v10, v8;
	vm6 =	vlt.s32 @p1 v11, v9;
	vm7 =	vgt.s32 v7, v6  }
0x2a8: {  	vm4 =	vgt.f32 @p1 v10, v8;
	vm0 =	vmor vm0, vm3;
	vm1 =	vmand vm15, vm7  }
0x2a9: {  	vm3 =	vmand @p1 vm5, vm6;
	v5 =	vnsel vm0, $0xFF61B1E6, v13;
	vm1 =	vmor vm14, vm1  }
0x2aa: {  	v6 =	vnsel vm0, $0x40000000, v17;
	v63 =	vnsel vm1, $0xFF61B1E6, v14;
	v7 =	vnsel vm1, $0x40000000, v7  }
0x2ab: {  	vm0 =	vmor @p1 vm4, vm3;
	vm9 =	veq.f32 v63, v5;
	vm10 =	vlt.s32 v7, v6  }
0x2ac: {  	v8 =	vsel @p1 vm0, v10, v8;
	vm11 =	vgt.f32 v63, v5;
	vm1 =	vmand vm9, vm10  }
0x2ad: {  	v9 =	vsel @p1 vm0, v11, v9;
	v3 =	vpsel p1, v8, v3;
	vm12 =	vmor vm11, vm1  }
0x2ae: {  	v4 =	vpsel p1, v9, v4;
	v5 =	vsel vm12, v63, v5;
	v6 =	vsel vm12, v7, v6  }
.Ltmp37:
0x2af: {  	vm13 =	veq.f32 v5, v3;
	vm14 =	vlt.s32 v6, v4;
	(pc) =	sbr.rel .LBB2_52-.Ltmp37, $4  }
0x2b0: {  	vm15 =	vgt.f32 v5, v3;
	vm0 =	vmand vm13, vm14  }
0x2b1: {  	vm0 =	vmor vm15, vm0  }
0x2b2: {  	v4 =	vsel vm0, v6, v4  }
0x2b3: {  	v3 =	vsel vm0, v5, v3;
	v4 =	vxor.u32 $0x80000000, v4  }
.LBB2_46:
.Ltmp38:
0x2b4: {  	(pc) =	sbr.rel .LBB2_51-.Ltmp38, $2  }
0x2b5: {  	_ =	sdelay $0x2  }
0x2b6: {  	v8 =	vimm.f32 $-3.000000010e+38;
	v9 =	vimm.s32 $0x40000000  }
.LBB2_48:
.Ltmp39:
0x2b7: {  	(pc) =	sbr.rel .LBB2_51-.Ltmp39, $2  }
0x2b8: {  	_ =	sdelay $0x2  }
0x2b9: {  	v13 =	vmov v11;
	v8 =	vimm.f32 $-3.000000010e+38;
	v9 =	vimm.s32 $0x40000000  }
.LBB2_53:
.Ltmp40:
0x2ba: {  	(pc) =	sbr.rel .LBB2_54-.Ltmp40, $2  }
0x2bb: {  	_ =	sdelay $0x2  }
0x2bc: {  	[tilespmem:$0xEA10] =	vst v2;
	s29 =	simm.s32 $0x0;
	v2 =	vimm.s32 $0x0  }
.LBB2_55:
0x2bd: {  	v4 =	vimm.s32 $0xC0000000  }
.LBB2_63:
0x2be: {  	(xrf0) =	vmax.scan.msk.f32 $0xffff, v3;
	_ =	sdelay $0x5  }
0x2bf: {  	v5, _, _ =	vpop (xrf0)  }
0x2c0: {  	v6 =	vbroadcast v5, $0xF;
	_ =	sdelay $0x1  }
0x2c1: {  	vm0 =	veq.f32 v3, v6  }
0x2c2: {  	v3 =	vnsel vm0, $0xC0000000, v4  }
0x2c3: {  	(xrf0) =	vmin.scan.msk.u32 $0xffff, v3;
	_ =	sdelay $0x5  }
0x2c4: {  	(v2sf) =	vpush v5, $0xF;
	v3, _, _ =	vpop (xrf0)  }
0x2c5: {  	(v2sf) =	vpush v3, $0xF;
	_ =	sdelay $0xa  }
0x2c6: {  	v3 =	vmov s29;
	s29 =	sadd.s32 $0x1, s29  }
0x2c7: {  	p1 =	sne.s32 s29, $0x10  }
.Ltmp41:
0x2c8: {  	_ = 	snop;
	(pc) =	sbr.rel @!p1 .LBB2_64-.Ltmp41, $4  }
0x2c9: {  	s30 =	spop (v2sf)  }
0x2ca: {  	s0 =	spop (v2sf)  }
0x2cb: {  	vm15 =	veq.s32 v3, v0;
	s0 =	sxor.u32 $0x80000000, s0  }
0x2cc: {  	v2 =	vsel vm15, s0, v2  }
.LBB2_54:
.Ltmp42:
0x2cd: {  	(pc) =	sbr.rel @p0 .LBB2_55-.Ltmp42, $2  }
0x2ce: {  	_ =	sdelay $0x2  }
0x2cf: {  	v3 =	vimm.f32 $-3.000000010e+38  }
0x2d0: {  	s1 =	simm.s32 $0xE610  }
0x2d1: {  	p2 =	sne.s32 s28, $0x1;
	v13 =	vld [tilespmem:s1+$0xFFFFFFF0]  }
.Ltmp43:
0x2d2: {  	_ = 	snop;
	(pc) =	sbr.rel @!p2 .LBB2_57-.Ltmp43, $4  }
0x2d3: {  	_ = 	snop  }
0x2d4: {  	s7 =	simm.s32 $0xE810;
	v14 =	vld [tilespmem:s1+$0x0]  }
0x2d5: {  	v5 =	vmov s30;
	v17 =	vld [tilespmem:s7+$0xFFFFFFF0]  }
0x2d6: {  	v6 =	vmov s0;
	v4 =	vimm.s32 $0x40000000;
	s8 =	sadd.s32 $0xFFFFFFFF, s28;
	p1 =	por $0x0, $0x0;
	v7 =	vld [tilespmem:s7+$0x0];
	vm0 =	vlt.f32 v13, v5  }
0x2d7: {  	_ =	sdelay $0x2  }
0x2d8: {  	vm1 =	veq.f32 v13, v5  }
0x2d9: {  	vm3 =	veq.f32 v14, v5;
	vm2 =	vgt.s32 v17, v6;
	vm4 =	vgt.s32 v7, v6  }
0x2da: {  	s0 =	simm.s32 $0xE630;
	vm5 =	vlt.f32 v14, v5;
	vm1 =	vmand vm1, vm2;
	vm2 =	vmand vm3, vm4  }
0x2db: {  	p2 =	sne.s32 s8, $0x1;
	v11 =	vld [tilespmem:s0+$0xFFFFFFF0];
	vm0 =	vmor vm0, vm1;
	vm1 =	vmor vm5, vm2  }
.Ltmp44:
0x2dc: {  	s1 =	simm.s32 $0xE830;
	v12 =	vnsel vm1, $0xFF61B1E6, v14;
	v14 =	vld [tilespmem:s0+$0x0];
	(pc) =	sbr.rel @!p2 .LBB2_59-.Ltmp44, $4  }
0x2dd: {  	v15 =	vnsel vm0, $0x40000000, v17;
	v17 =	vld [tilespmem:s1+$0xFFFFFFF0]  }
0x2de: {  	v8 =	vimm.f32 $-3.000000010e+38;
	v10 =	vnsel vm0, $0xFF61B1E6, v13;
	v16 =	vnsel vm1, $0x40000000, v7  }
0x2df: {  	v9 =	vimm.s32 $0x40000000;
	v7 =	vld [tilespmem:s1+$0x0];
	vm2 =	veq.f32 v12, v10;
	vm3 =	vlt.s32 v16, v15  }
0x2e0: {  	s8 =	sadd.s32 $0xFFFFFFFF, s8;
	p1 =	por $0x1, $0x1;
	vm0 =	vlt.f32 v11, v5;
	vm1 =	vgt.f32 v12, v10;
	vm2 =	vmand vm2, vm3  }
.LBB2_60:
0x2e1: {  	p2 =	sne.s32 s8, $0x1;
	vm3 =	veq.f32 v11, v5;
	vm4 =	vlt.f32 v14, v5;
	vm1 =	vmor vm1, vm2;
	v13 =	vmovc v14  }
0x2e2: {  	vm2 =	vgt.s32 v17, v6;
	v10 =	vsel vm1, v12, v10;
	v12 =	vsel vm1, v16, v15;
	v15 =	vmovc v17  }
0x2e3: {  	vm1 =	veq.f32 v13, v5;
	vm5 =	veq.f32 v10, v8;
	vm6 =	vlt.s32 v12, v9  }
0x2e4: {  	s0 =	sadd.s32 $0x20, s0;
	vm8 =	vgt.f32 v10, v8;
	vm7 =	vgt.s32 v7, v6;
	vm5 =	vmand vm5, vm6  }
0x2e5: {  	vm2 =	vmand vm3, vm2;
	v18 =	vld [tilespmem:s0+$0xFFFFFFF0];
	vm1 =	vmand vm1, vm7;
	vm3 =	vmor vm8, vm5  }
.Ltmp45:
0x2e6: {  	s1 =	sadd.s32 $0x20, s1;
	vm0 =	vmor vm0, vm2;
	v14 =	vld [tilespmem:s0+$0x0];
	v8 =	vsel vm3, v10, v8;
	v9 =	vsel vm3, v12, v9;
	(pc) =	sbr.rel @p2 .LBB2_60-.Ltmp45, $4  }
0x2e7: {  	v10 =	vnsel vm0, $0xFF61B1E6, v11;
	vm1 =	vmor vm4, vm1;
	v17 =	vld [tilespmem:s1+$0xFFFFFFF0]  }
0x2e8: {  	v15 =	vnsel vm0, $0x40000000, v15;
	v12 =	vnsel vm1, $0xFF61B1E6, v13;
	v16 =	vnsel vm1, $0x40000000, v7  }
0x2e9: {  	vm2 =	veq.f32 v12, v10;
	vm3 =	vlt.s32 v16, v15;
	v7 =	vld [tilespmem:s1+$0x0]  }
0x2ea: {  	s8 =	sadd.s32 $0xFFFFFFFF, s8;
	vm1 =	vgt.f32 v12, v10;
	vm2 =	vmand vm2, vm3;
	vm0 =	vlt.f32 v18, v5;
	v11 =	vmovc v18  }
0x2eb: {  	v13 =	vmov v11  }
.LBB2_62:
0x2ec: {  	vm3 =	veq.f32 v13, v5;
	vm1 =	vmor @p1 vm1, vm2  }
0x2ed: {  	vm14 =	vlt.f32 v14, v5;
	vm4 =	vgt.s32 v17, v6;
	vm15 =	veq.f32 v14, v5  }
0x2ee: {  	v10 =	vsel @p1 vm1, v12, v10;
	v11 =	vsel @p1 vm1, v16, v15;
	vm3 =	vmand vm3, vm4  }
0x2ef: {  	vm5 =	veq.f32 @p1 v10, v8;
	vm6 =	vlt.s32 @p1 v11, v9;
	vm7 =	vgt.s32 v7, v6  }
0x2f0: {  	vm4 =	vgt.f32 @p1 v10, v8;
	vm0 =	vmor vm0, vm3;
	vm1 =	vmand vm15, vm7  }
0x2f1: {  	vm3 =	vmand @p1 vm5, vm6;
	v5 =	vnsel vm0, $0xFF61B1E6, v13;
	vm1 =	vmor vm14, vm1  }
0x2f2: {  	v6 =	vnsel vm0, $0x40000000, v17;
	v63 =	vnsel vm1, $0xFF61B1E6, v14;
	v7 =	vnsel vm1, $0x40000000, v7  }
0x2f3: {  	vm0 =	vmor @p1 vm4, vm3;
	vm9 =	veq.f32 v63, v5;
	vm10 =	vlt.s32 v7, v6  }
0x2f4: {  	v8 =	vsel @p1 vm0, v10, v8;
	vm11 =	vgt.f32 v63, v5;
	vm1 =	vmand vm9, vm10  }
0x2f5: {  	v9 =	vsel @p1 vm0, v11, v9;
	v3 =	vpsel p1, v8, v3;
	vm12 =	vmor vm11, vm1  }
0x2f6: {  	v4 =	vpsel p1, v9, v4;
	v5 =	vsel vm12, v63, v5;
	v6 =	vsel vm12, v7, v6  }
.Ltmp46:
0x2f7: {  	vm13 =	veq.f32 v5, v3;
	vm14 =	vlt.s32 v6, v4;
	(pc) =	sbr.rel .LBB2_63-.Ltmp46, $4  }
0x2f8: {  	vm15 =	vgt.f32 v5, v3;
	vm0 =	vmand vm13, vm14  }
0x2f9: {  	vm0 =	vmor vm15, vm0  }
0x2fa: {  	v4 =	vsel vm0, v6, v4  }
0x2fb: {  	v3 =	vsel vm0, v5, v3;
	v4 =	vxor.u32 $0x80000000, v4  }
.LBB2_57:
.Ltmp47:
0x2fc: {  	(pc) =	sbr.rel .LBB2_62-.Ltmp47, $2  }
0x2fd: {  	_ =	sdelay $0x2  }
0x2fe: {  	v8 =	vimm.f32 $-3.000000010e+38;
	v9 =	vimm.s32 $0x40000000  }
.LBB2_59:
.Ltmp48:
0x2ff: {  	(pc) =	sbr.rel .LBB2_62-.Ltmp48, $2  }
0x300: {  	_ =	sdelay $0x2  }
0x301: {  	v13 =	vmov v11;
	v8 =	vimm.f32 $-3.000000010e+38;
	v9 =	vimm.s32 $0x40000000  }
.LBB2_64:
.Ltmp49:
0x302: {  	(pc) =	sbr.rel .LBB2_65-.Ltmp49, $2  }
0x303: {  	_ =	sdelay $0x2  }
0x304: {  	[tilespmem:$0xEA20] =	vst v2;
	s29 =	simm.s32 $0x0;
	v2 =	vimm.s32 $0x0  }
.LBB2_66:
0x305: {  	v4 =	vimm.s32 $0xC0000000  }
.LBB2_74:
0x306: {  	(xrf0) =	vmax.scan.msk.f32 $0xffff, v3;
	_ =	sdelay $0x5  }
0x307: {  	v5, _, _ =	vpop (xrf0)  }
0x308: {  	v6 =	vbroadcast v5, $0xF;
	_ =	sdelay $0x1  }
0x309: {  	vm0 =	veq.f32 v3, v6  }
0x30a: {  	v3 =	vnsel vm0, $0xC0000000, v4  }
0x30b: {  	(xrf0) =	vmin.scan.msk.u32 $0xffff, v3;
	_ =	sdelay $0x5  }
0x30c: {  	(v2sf) =	vpush v5, $0xF;
	v3, _, _ =	vpop (xrf0)  }
0x30d: {  	(v2sf) =	vpush v3, $0xF;
	_ =	sdelay $0xa  }
0x30e: {  	v3 =	vmov s29;
	s29 =	sadd.s32 $0x1, s29  }
0x30f: {  	p1 =	sne.s32 s29, $0x10  }
.Ltmp50:
0x310: {  	_ = 	snop;
	(pc) =	sbr.rel @!p1 .LBB2_75-.Ltmp50, $4  }
0x311: {  	s30 =	spop (v2sf)  }
0x312: {  	s0 =	spop (v2sf)  }
0x313: {  	vm15 =	veq.s32 v3, v0;
	s0 =	sxor.u32 $0x80000000, s0  }
0x314: {  	v2 =	vsel vm15, s0, v2  }
.LBB2_65:
.Ltmp51:
0x315: {  	(pc) =	sbr.rel @p0 .LBB2_66-.Ltmp51, $2  }
0x316: {  	_ =	sdelay $0x2  }
0x317: {  	v3 =	vimm.f32 $-3.000000010e+38  }
0x318: {  	s1 =	simm.s32 $0xE610  }
0x319: {  	p2 =	sne.s32 s28, $0x1;
	v13 =	vld [tilespmem:s1+$0xFFFFFFF0]  }
.Ltmp52:
0x31a: {  	_ = 	snop;
	(pc) =	sbr.rel @!p2 .LBB2_68-.Ltmp52, $4  }
0x31b: {  	_ = 	snop  }
0x31c: {  	s7 =	simm.s32 $0xE810;
	v14 =	vld [tilespmem:s1+$0x0]  }
0x31d: {  	v5 =	vmov s30;
	v17 =	vld [tilespmem:s7+$0xFFFFFFF0]  }
0x31e: {  	v6 =	vmov s0;
	v4 =	vimm.s32 $0x40000000;
	s8 =	sadd.s32 $0xFFFFFFFF, s28;
	p1 =	por $0x0, $0x0;
	v7 =	vld [tilespmem:s7+$0x0];
	vm0 =	vlt.f32 v13, v5  }
0x31f: {  	_ =	sdelay $0x2  }
0x320: {  	vm1 =	veq.f32 v13, v5  }
0x321: {  	vm3 =	veq.f32 v14, v5;
	vm2 =	vgt.s32 v17, v6;
	vm4 =	vgt.s32 v7, v6  }
0x322: {  	s0 =	simm.s32 $0xE630;
	vm5 =	vlt.f32 v14, v5;
	vm1 =	vmand vm1, vm2;
	vm2 =	vmand vm3, vm4  }
0x323: {  	p2 =	sne.s32 s8, $0x1;
	v11 =	vld [tilespmem:s0+$0xFFFFFFF0];
	vm0 =	vmor vm0, vm1;
	vm1 =	vmor vm5, vm2  }
.Ltmp53:
0x324: {  	s1 =	simm.s32 $0xE830;
	v12 =	vnsel vm1, $0xFF61B1E6, v14;
	v14 =	vld [tilespmem:s0+$0x0];
	(pc) =	sbr.rel @!p2 .LBB2_70-.Ltmp53, $4  }
0x325: {  	v15 =	vnsel vm0, $0x40000000, v17;
	v17 =	vld [tilespmem:s1+$0xFFFFFFF0]  }
0x326: {  	v8 =	vimm.f32 $-3.000000010e+38;
	v10 =	vnsel vm0, $0xFF61B1E6, v13;
	v16 =	vnsel vm1, $0x40000000, v7  }
0x327: {  	v9 =	vimm.s32 $0x40000000;
	v7 =	vld [tilespmem:s1+$0x0];
	vm2 =	veq.f32 v12, v10;
	vm3 =	vlt.s32 v16, v15  }
0x328: {  	s8 =	sadd.s32 $0xFFFFFFFF, s8;
	p1 =	por $0x1, $0x1;
	vm0 =	vlt.f32 v11, v5;
	vm1 =	vgt.f32 v12, v10;
	vm2 =	vmand vm2, vm3  }
.LBB2_71:
0x329: {  	p2 =	sne.s32 s8, $0x1;
	vm3 =	veq.f32 v11, v5;
	vm4 =	vlt.f32 v14, v5;
	vm1 =	vmor vm1, vm2;
	v13 =	vmovc v14  }
0x32a: {  	vm2 =	vgt.s32 v17, v6;
	v10 =	vsel vm1, v12, v10;
	v12 =	vsel vm1, v16, v15;
	v15 =	vmovc v17  }
0x32b: {  	vm1 =	veq.f32 v13, v5;
	vm5 =	veq.f32 v10, v8;
	vm6 =	vlt.s32 v12, v9  }
0x32c: {  	s0 =	sadd.s32 $0x20, s0;
	vm8 =	vgt.f32 v10, v8;
	vm7 =	vgt.s32 v7, v6;
	vm5 =	vmand vm5, vm6  }
0x32d: {  	vm2 =	vmand vm3, vm2;
	v18 =	vld [tilespmem:s0+$0xFFFFFFF0];
	vm1 =	vmand vm1, vm7;
	vm3 =	vmor vm8, vm5  }
.Ltmp54:
0x32e: {  	s1 =	sadd.s32 $0x20, s1;
	vm0 =	vmor vm0, vm2;
	v14 =	vld [tilespmem:s0+$0x0];
	v8 =	vsel vm3, v10, v8;
	v9 =	vsel vm3, v12, v9;
	(pc) =	sbr.rel @p2 .LBB2_71-.Ltmp54, $4  }
0x32f: {  	v10 =	vnsel vm0, $0xFF61B1E6, v11;
	vm1 =	vmor vm4, vm1;
	v17 =	vld [tilespmem:s1+$0xFFFFFFF0]  }
0x330: {  	v15 =	vnsel vm0, $0x40000000, v15;
	v12 =	vnsel vm1, $0xFF61B1E6, v13;
	v16 =	vnsel vm1, $0x40000000, v7  }
0x331: {  	vm2 =	veq.f32 v12, v10;
	vm3 =	vlt.s32 v16, v15;
	v7 =	vld [tilespmem:s1+$0x0]  }
0x332: {  	s8 =	sadd.s32 $0xFFFFFFFF, s8;
	vm1 =	vgt.f32 v12, v10;
	vm2 =	vmand vm2, vm3;
	vm0 =	vlt.f32 v18, v5;
	v11 =	vmovc v18  }
0x333: {  	v13 =	vmov v11  }
.LBB2_73:
0x334: {  	vm3 =	veq.f32 v13, v5;
	vm1 =	vmor @p1 vm1, vm2  }
0x335: {  	vm14 =	vlt.f32 v14, v5;
	vm4 =	vgt.s32 v17, v6;
	vm15 =	veq.f32 v14, v5  }
0x336: {  	v10 =	vsel @p1 vm1, v12, v10;
	v11 =	vsel @p1 vm1, v16, v15;
	vm3 =	vmand vm3, vm4  }
0x337: {  	vm5 =	veq.f32 @p1 v10, v8;
	vm6 =	vlt.s32 @p1 v11, v9;
	vm7 =	vgt.s32 v7, v6  }
0x338: {  	vm4 =	vgt.f32 @p1 v10, v8;
	vm0 =	vmor vm0, vm3;
	vm1 =	vmand vm15, vm7  }
0x339: {  	vm3 =	vmand @p1 vm5, vm6;
	v5 =	vnsel vm0, $0xFF61B1E6, v13;
	vm1 =	vmor vm14, vm1  }
0x33a: {  	v6 =	vnsel vm0, $0x40000000, v17;
	v63 =	vnsel vm1, $0xFF61B1E6, v14;
	v7 =	vnsel vm1, $0x40000000, v7  }
0x33b: {  	vm0 =	vmor @p1 vm4, vm3;
	vm9 =	veq.f32 v63, v5;
	vm10 =	vlt.s32 v7, v6  }
0x33c: {  	v8 =	vsel @p1 vm0, v10, v8;
	vm11 =	vgt.f32 v63, v5;
	vm1 =	vmand vm9, vm10  }
0x33d: {  	v9 =	vsel @p1 vm0, v11, v9;
	v3 =	vpsel p1, v8, v3;
	vm12 =	vmor vm11, vm1  }
0x33e: {  	v4 =	vpsel p1, v9, v4;
	v5 =	vsel vm12, v63, v5;
	v6 =	vsel vm12, v7, v6  }
.Ltmp55:
0x33f: {  	vm13 =	veq.f32 v5, v3;
	vm14 =	vlt.s32 v6, v4;
	(pc) =	sbr.rel .LBB2_74-.Ltmp55, $4  }
0x340: {  	vm15 =	vgt.f32 v5, v3;
	vm0 =	vmand vm13, vm14  }
0x341: {  	vm0 =	vmor vm15, vm0  }
0x342: {  	v4 =	vsel vm0, v6, v4  }
0x343: {  	v3 =	vsel vm0, v5, v3;
	v4 =	vxor.u32 $0x80000000, v4  }
.LBB2_68:
.Ltmp56:
0x344: {  	(pc) =	sbr.rel .LBB2_73-.Ltmp56, $2  }
0x345: {  	_ =	sdelay $0x2  }
0x346: {  	v8 =	vimm.f32 $-3.000000010e+38;
	v9 =	vimm.s32 $0x40000000  }
.LBB2_70:
.Ltmp57:
0x347: {  	(pc) =	sbr.rel .LBB2_73-.Ltmp57, $2  }
0x348: {  	_ =	sdelay $0x2  }
0x349: {  	v13 =	vmov v11;
	v8 =	vimm.f32 $-3.000000010e+38;
	v9 =	vimm.s32 $0x40000000  }
.LBB2_75:
.Ltmp58:
0x34a: {  	(pc) =	sbr.rel .LBB2_76-.Ltmp58, $2  }
0x34b: {  	_ =	sdelay $0x2  }
0x34c: {  	[tilespmem:$0xEA30] =	vst v2;
	s29 =	simm.s32 $0x0;
	v2 =	vimm.s32 $0x0  }
.LBB2_77:
0x34d: {  	v4 =	vimm.s32 $0xC0000000  }
.LBB2_85:
0x34e: {  	(xrf0) =	vmax.scan.msk.f32 $0xffff, v3;
	_ =	sdelay $0x5  }
0x34f: {  	v5, _, _ =	vpop (xrf0)  }
0x350: {  	v6 =	vbroadcast v5, $0xF;
	_ =	sdelay $0x1  }
0x351: {  	vm0 =	veq.f32 v3, v6  }
0x352: {  	v3 =	vnsel vm0, $0xC0000000, v4  }
0x353: {  	(xrf0) =	vmin.scan.msk.u32 $0xffff, v3;
	_ =	sdelay $0x5  }
0x354: {  	(v2sf) =	vpush v5, $0xF;
	v3, _, _ =	vpop (xrf0)  }
0x355: {  	(v2sf) =	vpush v3, $0xF;
	_ =	sdelay $0xa  }
0x356: {  	v3 =	vmov s29;
	s29 =	sadd.s32 $0x1, s29  }
0x357: {  	p1 =	sne.s32 s29, $0x10  }
.Ltmp59:
0x358: {  	_ = 	snop;
	(pc) =	sbr.rel @!p1 .LBB2_86-.Ltmp59, $4  }
0x359: {  	s30 =	spop (v2sf)  }
0x35a: {  	s0 =	spop (v2sf)  }
0x35b: {  	vm15 =	veq.s32 v3, v0;
	s0 =	sxor.u32 $0x80000000, s0  }
0x35c: {  	v2 =	vsel vm15, s0, v2  }
.LBB2_76:
.Ltmp60:
0x35d: {  	(pc) =	sbr.rel @p0 .LBB2_77-.Ltmp60, $2  }
0x35e: {  	_ =	sdelay $0x2  }
0x35f: {  	v3 =	vimm.f32 $-3.000000010e+38  }
0x360: {  	s1 =	simm.s32 $0xE610  }
0x361: {  	p2 =	sne.s32 s28, $0x1;
	v13 =	vld [tilespmem:s1+$0xFFFFFFF0]  }
.Ltmp61:
0x362: {  	_ = 	snop;
	(pc) =	sbr.rel @!p2 .LBB2_79-.Ltmp61, $4  }
0x363: {  	_ = 	snop  }
0x364: {  	s7 =	simm.s32 $0xE810;
	v14 =	vld [tilespmem:s1+$0x0]  }
0x365: {  	v5 =	vmov s30;
	v17 =	vld [tilespmem:s7+$0xFFFFFFF0]  }
0x366: {  	v6 =	vmov s0;
	v4 =	vimm.s32 $0x40000000;
	s8 =	sadd.s32 $0xFFFFFFFF, s28;
	p1 =	por $0x0, $0x0;
	v7 =	vld [tilespmem:s7+$0x0];
	vm0 =	vlt.f32 v13, v5  }
0x367: {  	_ =	sdelay $0x2  }
0x368: {  	vm1 =	veq.f32 v13, v5  }
0x369: {  	vm3 =	veq.f32 v14, v5;
	vm2 =	vgt.s32 v17, v6;
	vm4 =	vgt.s32 v7, v6  }
0x36a: {  	s0 =	simm.s32 $0xE630;
	vm5 =	vlt.f32 v14, v5;
	vm1 =	vmand vm1, vm2;
	vm2 =	vmand vm3, vm4  }
0x36b: {  	p2 =	sne.s32 s8, $0x1;
	v11 =	vld [tilespmem:s0+$0xFFFFFFF0];
	vm0 =	vmor vm0, vm1;
	vm1 =	vmor vm5, vm2  }
.Ltmp62:
0x36c: {  	s1 =	simm.s32 $0xE830;
	v12 =	vnsel vm1, $0xFF61B1E6, v14;
	v14 =	vld [tilespmem:s0+$0x0];
	(pc) =	sbr.rel @!p2 .LBB2_81-.Ltmp62, $4  }
0x36d: {  	v15 =	vnsel vm0, $0x40000000, v17;
	v17 =	vld [tilespmem:s1+$0xFFFFFFF0]  }
0x36e: {  	v8 =	vimm.f32 $-3.000000010e+38;
	v10 =	vnsel vm0, $0xFF61B1E6, v13;
	v16 =	vnsel vm1, $0x40000000, v7  }
0x36f: {  	v9 =	vimm.s32 $0x40000000;
	v7 =	vld [tilespmem:s1+$0x0];
	vm2 =	veq.f32 v12, v10;
	vm3 =	vlt.s32 v16, v15  }
0x370: {  	s8 =	sadd.s32 $0xFFFFFFFF, s8;
	p1 =	por $0x1, $0x1;
	vm0 =	vlt.f32 v11, v5;
	vm1 =	vgt.f32 v12, v10;
	vm2 =	vmand vm2, vm3  }
.LBB2_82:
0x371: {  	p2 =	sne.s32 s8, $0x1;
	vm3 =	veq.f32 v11, v5;
	vm4 =	vlt.f32 v14, v5;
	vm1 =	vmor vm1, vm2;
	v13 =	vmovc v14  }
0x372: {  	vm2 =	vgt.s32 v17, v6;
	v10 =	vsel vm1, v12, v10;
	v12 =	vsel vm1, v16, v15;
	v15 =	vmovc v17  }
0x373: {  	vm1 =	veq.f32 v13, v5;
	vm5 =	veq.f32 v10, v8;
	vm6 =	vlt.s32 v12, v9  }
0x374: {  	s0 =	sadd.s32 $0x20, s0;
	vm8 =	vgt.f32 v10, v8;
	vm7 =	vgt.s32 v7, v6;
	vm5 =	vmand vm5, vm6  }
0x375: {  	vm2 =	vmand vm3, vm2;
	v18 =	vld [tilespmem:s0+$0xFFFFFFF0];
	vm1 =	vmand vm1, vm7;
	vm3 =	vmor vm8, vm5  }
.Ltmp63:
0x376: {  	s1 =	sadd.s32 $0x20, s1;
	vm0 =	vmor vm0, vm2;
	v14 =	vld [tilespmem:s0+$0x0];
	v8 =	vsel vm3, v10, v8;
	v9 =	vsel vm3, v12, v9;
	(pc) =	sbr.rel @p2 .LBB2_82-.Ltmp63, $4  }
0x377: {  	v10 =	vnsel vm0, $0xFF61B1E6, v11;
	vm1 =	vmor vm4, vm1;
	v17 =	vld [tilespmem:s1+$0xFFFFFFF0]  }
0x378: {  	v15 =	vnsel vm0, $0x40000000, v15;
	v12 =	vnsel vm1, $0xFF61B1E6, v13;
	v16 =	vnsel vm1, $0x40000000, v7  }
0x379: {  	vm2 =	veq.f32 v12, v10;
	vm3 =	vlt.s32 v16, v15;
	v7 =	vld [tilespmem:s1+$0x0]  }
0x37a: {  	s8 =	sadd.s32 $0xFFFFFFFF, s8;
	vm1 =	vgt.f32 v12, v10;
	vm2 =	vmand vm2, vm3;
	vm0 =	vlt.f32 v18, v5;
	v11 =	vmovc v18  }
0x37b: {  	v13 =	vmov v11  }
.LBB2_84:
0x37c: {  	vm3 =	veq.f32 v13, v5;
	vm1 =	vmor @p1 vm1, vm2  }
0x37d: {  	vm14 =	vlt.f32 v14, v5;
	vm4 =	vgt.s32 v17, v6;
	vm15 =	veq.f32 v14, v5  }
0x37e: {  	v10 =	vsel @p1 vm1, v12, v10;
	v11 =	vsel @p1 vm1, v16, v15;
	vm3 =	vmand vm3, vm4  }
0x37f: {  	vm5 =	veq.f32 @p1 v10, v8;
	vm6 =	vlt.s32 @p1 v11, v9;
	vm7 =	vgt.s32 v7, v6  }
0x380: {  	vm4 =	vgt.f32 @p1 v10, v8;
	vm0 =	vmor vm0, vm3;
	vm1 =	vmand vm15, vm7  }
0x381: {  	vm3 =	vmand @p1 vm5, vm6;
	v5 =	vnsel vm0, $0xFF61B1E6, v13;
	vm1 =	vmor vm14, vm1  }
0x382: {  	v6 =	vnsel vm0, $0x40000000, v17;
	v63 =	vnsel vm1, $0xFF61B1E6, v14;
	v7 =	vnsel vm1, $0x40000000, v7  }
0x383: {  	vm0 =	vmor @p1 vm4, vm3;
	vm9 =	veq.f32 v63, v5;
	vm10 =	vlt.s32 v7, v6  }
0x384: {  	v8 =	vsel @p1 vm0, v10, v8;
	vm11 =	vgt.f32 v63, v5;
	vm1 =	vmand vm9, vm10  }
0x385: {  	v9 =	vsel @p1 vm0, v11, v9;
	v3 =	vpsel p1, v8, v3;
	vm12 =	vmor vm11, vm1  }
0x386: {  	v4 =	vpsel p1, v9, v4;
	v5 =	vsel vm12, v63, v5;
	v6 =	vsel vm12, v7, v6  }
.Ltmp64:
0x387: {  	vm13 =	veq.f32 v5, v3;
	vm14 =	vlt.s32 v6, v4;
	(pc) =	sbr.rel .LBB2_85-.Ltmp64, $4  }
0x388: {  	vm15 =	vgt.f32 v5, v3;
	vm0 =	vmand vm13, vm14  }
0x389: {  	vm0 =	vmor vm15, vm0  }
0x38a: {  	v4 =	vsel vm0, v6, v4  }
0x38b: {  	v3 =	vsel vm0, v5, v3;
	v4 =	vxor.u32 $0x80000000, v4  }
.LBB2_79:
.Ltmp65:
0x38c: {  	(pc) =	sbr.rel .LBB2_84-.Ltmp65, $2  }
0x38d: {  	_ =	sdelay $0x2  }
0x38e: {  	v8 =	vimm.f32 $-3.000000010e+38;
	v9 =	vimm.s32 $0x40000000  }
.LBB2_81:
.Ltmp66:
0x38f: {  	(pc) =	sbr.rel .LBB2_84-.Ltmp66, $2  }
0x390: {  	_ =	sdelay $0x2  }
0x391: {  	v13 =	vmov v11;
	v8 =	vimm.f32 $-3.000000010e+38;
	v9 =	vimm.s32 $0x40000000  }
.LBB2_86:
.Ltmp67:
0x392: {  	(pc) =	sbr.rel .LBB2_87-.Ltmp67, $2  }
0x393: {  	_ =	sdelay $0x2  }
0x394: {  	[tilespmem:$0xEA40] =	vst v2;
	s29 =	simm.s32 $0x0;
	v2 =	vimm.s32 $0x0  }
.LBB2_88:
0x395: {  	v4 =	vimm.s32 $0xC0000000  }
.LBB2_96:
0x396: {  	(xrf0) =	vmax.scan.msk.f32 $0xffff, v3;
	_ =	sdelay $0x5  }
0x397: {  	v5, _, _ =	vpop (xrf0)  }
0x398: {  	v6 =	vbroadcast v5, $0xF;
	_ =	sdelay $0x1  }
0x399: {  	vm0 =	veq.f32 v3, v6  }
0x39a: {  	v3 =	vnsel vm0, $0xC0000000, v4  }
0x39b: {  	(xrf0) =	vmin.scan.msk.u32 $0xffff, v3;
	_ =	sdelay $0x5  }
0x39c: {  	(v2sf) =	vpush v5, $0xF;
	v3, _, _ =	vpop (xrf0)  }
0x39d: {  	(v2sf) =	vpush v3, $0xF;
	_ =	sdelay $0xa  }
0x39e: {  	v3 =	vmov s29;
	s29 =	sadd.s32 $0x1, s29  }
0x39f: {  	p1 =	sne.s32 s29, $0x10  }
.Ltmp68:
0x3a0: {  	_ = 	snop;
	(pc) =	sbr.rel @!p1 .LBB2_97-.Ltmp68, $4  }
0x3a1: {  	s30 =	spop (v2sf)  }
0x3a2: {  	s0 =	spop (v2sf)  }
0x3a3: {  	vm15 =	veq.s32 v3, v0;
	s0 =	sxor.u32 $0x80000000, s0  }
0x3a4: {  	v2 =	vsel vm15, s0, v2  }
.LBB2_87:
.Ltmp69:
0x3a5: {  	(pc) =	sbr.rel @p0 .LBB2_88-.Ltmp69, $2  }
0x3a6: {  	_ =	sdelay $0x2  }
0x3a7: {  	v3 =	vimm.f32 $-3.000000010e+38  }
0x3a8: {  	s1 =	simm.s32 $0xE610  }
0x3a9: {  	p2 =	sne.s32 s28, $0x1;
	v13 =	vld [tilespmem:s1+$0xFFFFFFF0]  }
.Ltmp70:
0x3aa: {  	_ = 	snop;
	(pc) =	sbr.rel @!p2 .LBB2_90-.Ltmp70, $4  }
0x3ab: {  	_ = 	snop  }
0x3ac: {  	s7 =	simm.s32 $0xE810;
	v14 =	vld [tilespmem:s1+$0x0]  }
0x3ad: {  	v5 =	vmov s30;
	v17 =	vld [tilespmem:s7+$0xFFFFFFF0]  }
0x3ae: {  	v6 =	vmov s0;
	v4 =	vimm.s32 $0x40000000;
	s8 =	sadd.s32 $0xFFFFFFFF, s28;
	p1 =	por $0x0, $0x0;
	v7 =	vld [tilespmem:s7+$0x0];
	vm0 =	vlt.f32 v13, v5  }
0x3af: {  	_ =	sdelay $0x2  }
0x3b0: {  	vm1 =	veq.f32 v13, v5  }
0x3b1: {  	vm3 =	veq.f32 v14, v5;
	vm2 =	vgt.s32 v17, v6;
	vm4 =	vgt.s32 v7, v6  }
0x3b2: {  	s0 =	simm.s32 $0xE630;
	vm5 =	vlt.f32 v14, v5;
	vm1 =	vmand vm1, vm2;
	vm2 =	vmand vm3, vm4  }
0x3b3: {  	p2 =	sne.s32 s8, $0x1;
	v11 =	vld [tilespmem:s0+$0xFFFFFFF0];
	vm0 =	vmor vm0, vm1;
	vm1 =	vmor vm5, vm2  }
.Ltmp71:
0x3b4: {  	s1 =	simm.s32 $0xE830;
	v12 =	vnsel vm1, $0xFF61B1E6, v14;
	v14 =	vld [tilespmem:s0+$0x0];
	(pc) =	sbr.rel @!p2 .LBB2_92-.Ltmp71, $4  }
0x3b5: {  	v15 =	vnsel vm0, $0x40000000, v17;
	v17 =	vld [tilespmem:s1+$0xFFFFFFF0]  }
0x3b6: {  	v8 =	vimm.f32 $-3.000000010e+38;
	v10 =	vnsel vm0, $0xFF61B1E6, v13;
	v16 =	vnsel vm1, $0x40000000, v7  }
0x3b7: {  	v9 =	vimm.s32 $0x40000000;
	v7 =	vld [tilespmem:s1+$0x0];
	vm2 =	veq.f32 v12, v10;
	vm3 =	vlt.s32 v16, v15  }
0x3b8: {  	s8 =	sadd.s32 $0xFFFFFFFF, s8;
	p1 =	por $0x1, $0x1;
	vm0 =	vlt.f32 v11, v5;
	vm1 =	vgt.f32 v12, v10;
	vm2 =	vmand vm2, vm3  }
.LBB2_93:
0x3b9: {  	p2 =	sne.s32 s8, $0x1;
	vm3 =	veq.f32 v11, v5;
	vm4 =	vlt.f32 v14, v5;
	vm1 =	vmor vm1, vm2;
	v13 =	vmovc v14  }
0x3ba: {  	vm2 =	vgt.s32 v17, v6;
	v10 =	vsel vm1, v12, v10;
	v12 =	vsel vm1, v16, v15;
	v15 =	vmovc v17  }
0x3bb: {  	vm1 =	veq.f32 v13, v5;
	vm5 =	veq.f32 v10, v8;
	vm6 =	vlt.s32 v12, v9  }
0x3bc: {  	s0 =	sadd.s32 $0x20, s0;
	vm8 =	vgt.f32 v10, v8;
	vm7 =	vgt.s32 v7, v6;
	vm5 =	vmand vm5, vm6  }
0x3bd: {  	vm2 =	vmand vm3, vm2;
	v18 =	vld [tilespmem:s0+$0xFFFFFFF0];
	vm1 =	vmand vm1, vm7;
	vm3 =	vmor vm8, vm5  }
.Ltmp72:
0x3be: {  	s1 =	sadd.s32 $0x20, s1;
	vm0 =	vmor vm0, vm2;
	v14 =	vld [tilespmem:s0+$0x0];
	v8 =	vsel vm3, v10, v8;
	v9 =	vsel vm3, v12, v9;
	(pc) =	sbr.rel @p2 .LBB2_93-.Ltmp72, $4  }
0x3bf: {  	v10 =	vnsel vm0, $0xFF61B1E6, v11;
	vm1 =	vmor vm4, vm1;
	v17 =	vld [tilespmem:s1+$0xFFFFFFF0]  }
0x3c0: {  	v15 =	vnsel vm0, $0x40000000, v15;
	v12 =	vnsel vm1, $0xFF61B1E6, v13;
	v16 =	vnsel vm1, $0x40000000, v7  }
0x3c1: {  	vm2 =	veq.f32 v12, v10;
	vm3 =	vlt.s32 v16, v15;
	v7 =	vld [tilespmem:s1+$0x0]  }
0x3c2: {  	s8 =	sadd.s32 $0xFFFFFFFF, s8;
	vm1 =	vgt.f32 v12, v10;
	vm2 =	vmand vm2, vm3;
	vm0 =	vlt.f32 v18, v5;
	v11 =	vmovc v18  }
0x3c3: {  	v13 =	vmov v11  }
.LBB2_95:
0x3c4: {  	vm3 =	veq.f32 v13, v5;
	vm1 =	vmor @p1 vm1, vm2  }
0x3c5: {  	vm14 =	vlt.f32 v14, v5;
	vm4 =	vgt.s32 v17, v6;
	vm15 =	veq.f32 v14, v5  }
0x3c6: {  	v10 =	vsel @p1 vm1, v12, v10;
	v11 =	vsel @p1 vm1, v16, v15;
	vm3 =	vmand vm3, vm4  }
0x3c7: {  	vm5 =	veq.f32 @p1 v10, v8;
	vm6 =	vlt.s32 @p1 v11, v9;
	vm7 =	vgt.s32 v7, v6  }
0x3c8: {  	vm4 =	vgt.f32 @p1 v10, v8;
	vm0 =	vmor vm0, vm3;
	vm1 =	vmand vm15, vm7  }
0x3c9: {  	vm3 =	vmand @p1 vm5, vm6;
	v5 =	vnsel vm0, $0xFF61B1E6, v13;
	vm1 =	vmor vm14, vm1  }
0x3ca: {  	v6 =	vnsel vm0, $0x40000000, v17;
	v63 =	vnsel vm1, $0xFF61B1E6, v14;
	v7 =	vnsel vm1, $0x40000000, v7  }
0x3cb: {  	vm0 =	vmor @p1 vm4, vm3;
	vm9 =	veq.f32 v63, v5;
	vm10 =	vlt.s32 v7, v6  }
0x3cc: {  	v8 =	vsel @p1 vm0, v10, v8;
	vm11 =	vgt.f32 v63, v5;
	vm1 =	vmand vm9, vm10  }
0x3cd: {  	v9 =	vsel @p1 vm0, v11, v9;
	v3 =	vpsel p1, v8, v3;
	vm12 =	vmor vm11, vm1  }
0x3ce: {  	v4 =	vpsel p1, v9, v4;
	v5 =	vsel vm12, v63, v5;
	v6 =	vsel vm12, v7, v6  }
.Ltmp73:
0x3cf: {  	vm13 =	veq.f32 v5, v3;
	vm14 =	vlt.s32 v6, v4;
	(pc) =	sbr.rel .LBB2_96-.Ltmp73, $4  }
0x3d0: {  	vm15 =	vgt.f32 v5, v3;
	vm0 =	vmand vm13, vm14  }
0x3d1: {  	vm0 =	vmor vm15, vm0  }
0x3d2: {  	v4 =	vsel vm0, v6, v4  }
0x3d3: {  	v3 =	vsel vm0, v5, v3;
	v4 =	vxor.u32 $0x80000000, v4  }
.LBB2_90:
.Ltmp74:
0x3d4: {  	(pc) =	sbr.rel .LBB2_95-.Ltmp74, $2  }
0x3d5: {  	_ =	sdelay $0x2  }
0x3d6: {  	v8 =	vimm.f32 $-3.000000010e+38;
	v9 =	vimm.s32 $0x40000000  }
.LBB2_92:
.Ltmp75:
0x3d7: {  	(pc) =	sbr.rel .LBB2_95-.Ltmp75, $2  }
0x3d8: {  	_ =	sdelay $0x2  }
0x3d9: {  	v13 =	vmov v11;
	v8 =	vimm.f32 $-3.000000010e+38;
	v9 =	vimm.s32 $0x40000000  }
.LBB2_97:
.Ltmp76:
0x3da: {  	(pc) =	sbr.rel .LBB2_98-.Ltmp76, $2  }
0x3db: {  	_ =	sdelay $0x2  }
0x3dc: {  	[tilespmem:$0xEA50] =	vst v2;
	s29 =	simm.s32 $0x0;
	v2 =	vimm.s32 $0x0  }
.LBB2_99:
0x3dd: {  	v4 =	vimm.s32 $0xC0000000  }
.LBB2_107:
0x3de: {  	(xrf0) =	vmax.scan.msk.f32 $0xffff, v3;
	_ =	sdelay $0x5  }
0x3df: {  	v5, _, _ =	vpop (xrf0)  }
0x3e0: {  	v6 =	vbroadcast v5, $0xF;
	_ =	sdelay $0x1  }
0x3e1: {  	vm0 =	veq.f32 v3, v6  }
0x3e2: {  	v3 =	vnsel vm0, $0xC0000000, v4  }
0x3e3: {  	(xrf0) =	vmin.scan.msk.u32 $0xffff, v3;
	_ =	sdelay $0x5  }
0x3e4: {  	(v2sf) =	vpush v5, $0xF;
	v3, _, _ =	vpop (xrf0)  }
0x3e5: {  	(v2sf) =	vpush v3, $0xF;
	_ =	sdelay $0xa  }
0x3e6: {  	v3 =	vmov s29;
	s29 =	sadd.s32 $0x1, s29  }
0x3e7: {  	p1 =	sne.s32 s29, $0x10  }
.Ltmp77:
0x3e8: {  	_ = 	snop;
	(pc) =	sbr.rel @!p1 .LBB2_108-.Ltmp77, $4  }
0x3e9: {  	s30 =	spop (v2sf)  }
0x3ea: {  	s0 =	spop (v2sf)  }
0x3eb: {  	vm15 =	veq.s32 v3, v0;
	s0 =	sxor.u32 $0x80000000, s0  }
0x3ec: {  	v2 =	vsel vm15, s0, v2  }
.LBB2_98:
.Ltmp78:
0x3ed: {  	(pc) =	sbr.rel @p0 .LBB2_99-.Ltmp78, $2  }
0x3ee: {  	_ =	sdelay $0x2  }
0x3ef: {  	v3 =	vimm.f32 $-3.000000010e+38  }
0x3f0: {  	s1 =	simm.s32 $0xE610  }
0x3f1: {  	p2 =	sne.s32 s28, $0x1;
	v13 =	vld [tilespmem:s1+$0xFFFFFFF0]  }
.Ltmp79:
0x3f2: {  	_ = 	snop;
	(pc) =	sbr.rel @!p2 .LBB2_101-.Ltmp79, $4  }
0x3f3: {  	_ = 	snop  }
0x3f4: {  	s7 =	simm.s32 $0xE810;
	v14 =	vld [tilespmem:s1+$0x0]  }
0x3f5: {  	v5 =	vmov s30;
	v17 =	vld [tilespmem:s7+$0xFFFFFFF0]  }
0x3f6: {  	v6 =	vmov s0;
	v4 =	vimm.s32 $0x40000000;
	s8 =	sadd.s32 $0xFFFFFFFF, s28;
	p1 =	por $0x0, $0x0;
	v7 =	vld [tilespmem:s7+$0x0];
	vm0 =	vlt.f32 v13, v5  }
0x3f7: {  	_ =	sdelay $0x2  }
0x3f8: {  	vm1 =	veq.f32 v13, v5  }
0x3f9: {  	vm3 =	veq.f32 v14, v5;
	vm2 =	vgt.s32 v17, v6;
	vm4 =	vgt.s32 v7, v6  }
0x3fa: {  	s0 =	simm.s32 $0xE630;
	vm5 =	vlt.f32 v14, v5;
	vm1 =	vmand vm1, vm2;
	vm2 =	vmand vm3, vm4  }
0x3fb: {  	p2 =	sne.s32 s8, $0x1;
	v11 =	vld [tilespmem:s0+$0xFFFFFFF0];
	vm0 =	vmor vm0, vm1;
	vm1 =	vmor vm5, vm2  }
.Ltmp80:
0x3fc: {  	s1 =	simm.s32 $0xE830;
	v12 =	vnsel vm1, $0xFF61B1E6, v14;
	v14 =	vld [tilespmem:s0+$0x0];
	(pc) =	sbr.rel @!p2 .LBB2_103-.Ltmp80, $4  }
0x3fd: {  	v15 =	vnsel vm0, $0x40000000, v17;
	v17 =	vld [tilespmem:s1+$0xFFFFFFF0]  }
0x3fe: {  	v8 =	vimm.f32 $-3.000000010e+38;
	v10 =	vnsel vm0, $0xFF61B1E6, v13;
	v16 =	vnsel vm1, $0x40000000, v7  }
0x3ff: {  	v9 =	vimm.s32 $0x40000000;
	v7 =	vld [tilespmem:s1+$0x0];
	vm2 =	veq.f32 v12, v10;
	vm3 =	vlt.s32 v16, v15  }
0x400: {  	s8 =	sadd.s32 $0xFFFFFFFF, s8;
	p1 =	por $0x1, $0x1;
	vm0 =	vlt.f32 v11, v5;
	vm1 =	vgt.f32 v12, v10;
	vm2 =	vmand vm2, vm3  }
.LBB2_104:
0x401: {  	p2 =	sne.s32 s8, $0x1;
	vm3 =	veq.f32 v11, v5;
	vm4 =	vlt.f32 v14, v5;
	vm1 =	vmor vm1, vm2;
	v13 =	vmovc v14  }
0x402: {  	vm2 =	vgt.s32 v17, v6;
	v10 =	vsel vm1, v12, v10;
	v12 =	vsel vm1, v16, v15;
	v15 =	vmovc v17  }
0x403: {  	vm1 =	veq.f32 v13, v5;
	vm5 =	veq.f32 v10, v8;
	vm6 =	vlt.s32 v12, v9  }
0x404: {  	s0 =	sadd.s32 $0x20, s0;
	vm8 =	vgt.f32 v10, v8;
	vm7 =	vgt.s32 v7, v6;
	vm5 =	vmand vm5, vm6  }
0x405: {  	vm2 =	vmand vm3, vm2;
	v18 =	vld [tilespmem:s0+$0xFFFFFFF0];
	vm1 =	vmand vm1, vm7;
	vm3 =	vmor vm8, vm5  }
.Ltmp81:
0x406: {  	s1 =	sadd.s32 $0x20, s1;
	vm0 =	vmor vm0, vm2;
	v14 =	vld [tilespmem:s0+$0x0];
	v8 =	vsel vm3, v10, v8;
	v9 =	vsel vm3, v12, v9;
	(pc) =	sbr.rel @p2 .LBB2_104-.Ltmp81, $4  }
0x407: {  	v10 =	vnsel vm0, $0xFF61B1E6, v11;
	vm1 =	vmor vm4, vm1;
	v17 =	vld [tilespmem:s1+$0xFFFFFFF0]  }
0x408: {  	v15 =	vnsel vm0, $0x40000000, v15;
	v12 =	vnsel vm1, $0xFF61B1E6, v13;
	v16 =	vnsel vm1, $0x40000000, v7  }
0x409: {  	vm2 =	veq.f32 v12, v10;
	vm3 =	vlt.s32 v16, v15;
	v7 =	vld [tilespmem:s1+$0x0]  }
0x40a: {  	s8 =	sadd.s32 $0xFFFFFFFF, s8;
	vm1 =	vgt.f32 v12, v10;
	vm2 =	vmand vm2, vm3;
	vm0 =	vlt.f32 v18, v5;
	v11 =	vmovc v18  }
0x40b: {  	v13 =	vmov v11  }
.LBB2_106:
0x40c: {  	vm3 =	veq.f32 v13, v5;
	vm1 =	vmor @p1 vm1, vm2  }
0x40d: {  	vm14 =	vlt.f32 v14, v5;
	vm4 =	vgt.s32 v17, v6;
	vm15 =	veq.f32 v14, v5  }
0x40e: {  	v10 =	vsel @p1 vm1, v12, v10;
	v11 =	vsel @p1 vm1, v16, v15;
	vm3 =	vmand vm3, vm4  }
0x40f: {  	vm5 =	veq.f32 @p1 v10, v8;
	vm6 =	vlt.s32 @p1 v11, v9;
	vm7 =	vgt.s32 v7, v6  }
0x410: {  	vm4 =	vgt.f32 @p1 v10, v8;
	vm0 =	vmor vm0, vm3;
	vm1 =	vmand vm15, vm7  }
0x411: {  	vm3 =	vmand @p1 vm5, vm6;
	v5 =	vnsel vm0, $0xFF61B1E6, v13;
	vm1 =	vmor vm14, vm1  }
0x412: {  	v6 =	vnsel vm0, $0x40000000, v17;
	v63 =	vnsel vm1, $0xFF61B1E6, v14;
	v7 =	vnsel vm1, $0x40000000, v7  }
0x413: {  	vm0 =	vmor @p1 vm4, vm3;
	vm9 =	veq.f32 v63, v5;
	vm10 =	vlt.s32 v7, v6  }
0x414: {  	v8 =	vsel @p1 vm0, v10, v8;
	vm11 =	vgt.f32 v63, v5;
	vm1 =	vmand vm9, vm10  }
0x415: {  	v9 =	vsel @p1 vm0, v11, v9;
	v3 =	vpsel p1, v8, v3;
	vm12 =	vmor vm11, vm1  }
0x416: {  	v4 =	vpsel p1, v9, v4;
	v5 =	vsel vm12, v63, v5;
	v6 =	vsel vm12, v7, v6  }
.Ltmp82:
0x417: {  	vm13 =	veq.f32 v5, v3;
	vm14 =	vlt.s32 v6, v4;
	(pc) =	sbr.rel .LBB2_107-.Ltmp82, $4  }
0x418: {  	vm15 =	vgt.f32 v5, v3;
	vm0 =	vmand vm13, vm14  }
0x419: {  	vm0 =	vmor vm15, vm0  }
0x41a: {  	v4 =	vsel vm0, v6, v4  }
0x41b: {  	v3 =	vsel vm0, v5, v3;
	v4 =	vxor.u32 $0x80000000, v4  }
.LBB2_101:
.Ltmp83:
0x41c: {  	(pc) =	sbr.rel .LBB2_106-.Ltmp83, $2  }
0x41d: {  	_ =	sdelay $0x2  }
0x41e: {  	v8 =	vimm.f32 $-3.000000010e+38;
	v9 =	vimm.s32 $0x40000000  }
.LBB2_103:
.Ltmp84:
0x41f: {  	(pc) =	sbr.rel .LBB2_106-.Ltmp84, $2  }
0x420: {  	_ =	sdelay $0x2  }
0x421: {  	v13 =	vmov v11;
	v8 =	vimm.f32 $-3.000000010e+38;
	v9 =	vimm.s32 $0x40000000  }
.LBB2_26:
.Ltmp85:
0x422: {  	(pc) =	sbr.rel .LBB2_30-.Ltmp85, $2  }
0x423: {  	_ =	sdelay $0x2  }
0x424: {  	s1 =	simm.s32 $0xD600;
	s8 =	simm.s32 $0x0  }
.LBB2_28:
.Ltmp86:
0x425: {  	(pc) =	sbr.rel .LBB2_30-.Ltmp86, $2  }
0x426: {  	_ =	sdelay $0x2  }
0x427: {  	s1 =	simm.s32 $0xD600;
	s8 =	simm.s32 $0x0  }
.LBB2_110:
0x428: {  	_ =	sfence.sel $0x180000  }
0x429: {  	[bflag:$0x0] =	sbarrier.arrive $0xFFFF  }
0x42a: {  	_ =	strace $0x9000004A  }
0x42b: {  	s0 =	stileid.u32;
	[bflag:$0x2] =	sbarrier.arrive $0xFFFF  }
0x42c: {  	p0 =	sne.s32 s0, $0x0;
	s0 =	rddreg [dreg:$0x2]  }
0x42d: {  	s0 =	sadd.s32 @!p0 $0x100000, s0  }
0x42e: {  	[sflag:s0] =	ssyncadd.tile.s32 @!p0 $0x1;
	_ =	shalt  }
.Lfunc_end2:
_tile_overlayer_lowered:
.L_overlay_start_2:
0x42f: {  	(tag) =	ssettag $0x2  }
0x430: {  	s0 =	rddreg [dreg:$0x0];
	s2 =	stileid.u32  }
0x431: {  	s1 =	rddreg [dreg:$0x1];
	p0 =	sne.s32 s2, $0x0  }
0x432: {  	s3 =	rddreg [dreg:$0x2];
	[bflag:$0x3] =	sbarrier.arrive $0xFFFF;
	s2 =	simm.s32 @!p0 $0x1C06  }
0x433: {  	[timem:s3], [sflag:s2] =	dma.local @!p0 [hbm:s0], s1  }
0x434: {  	s0 =	simm.s32 @!p0 $0x6  }
0x435: {  	_ =	swait.ge @!p0 [sflag:s0], s1  }
0x436: {  	s1 =	ssub.s32 @!p0 $0x0, s1;
	[sflag:s0] =	ssyncset.done @!p0 $0x0  }
0x437: {  	[sflag:s0] =	ssyncadd.s32 @!p0 s1  }
0x438: {  	[bflag:$0x3] =	sbarrier.arrive $0xFFFF  }
0x439: {  	_ =	shalt  }

// kernel: sparse-core-data-format-call.cloned.1.call-start
scs
called_computation_lowered:
.L_overlay_start_0:
0x0: {  	s1 =	sld [smem:$0x3FD9]  }
0x1: {  	s2 =	sld [smem:$0x3FFE];
	_ =	sdelay $0x1  }
0x2: {  	s3 =	srdreg.scid  }
0x3: {  	s0 =	sand.u32 $0x1, s3  }
0x4: {  	s17 =	sshll.u32 s0, $0xA;
	s1 =	sadd.s32 s2, s1  }
0x5: {  	s1 =	sadd.s32 s1, s17  }
0x6: {  	[smem:$0x3FC1] =	sst s1  }
0x7: {  	_ = 	snop  }
0x8: {  	(tm) =	ssettm $0x1  }
0x9: {  	s18 =	sld [smem:$0x3FFB];
	_ =	sdelay $0x3  }
0xa: {  	_ =	strace s18  }
0xb: {  	s1 =	sld [smem:$0x3FFC];
	_ =	sdelay $0x3  }
0xc: {  	_ =	strace s1  }
0xd: {  	s1 =	sld [smem:$0x3FFD];
	_ =	sdelay $0x3  }
0xe: {  	_ =	strace s1  }
0xf: {  	_ =	strace $0x8FFFFFFF  }
0x10: {  	s19 =	sld [smem:$0x3FDB];
	_ =	sdelay $0x1  }
0x11: {  	s20 =	simm.s32 $_scs_section_size  }
0x12: {  	s4 =	simm.s32 $_size__tile_overlayer_lowered;
	s5 =	simm.s32 $_tile_overlayer_lowered  }
0x13: {  	s23 =	simm.s32 $0x1BFF;
	s22 =	sshll.u32 s5, $0x1;
	s1 =	sadd.s32 s20, s19  }
0x14: {  	s6 =	simm.s32 $0x0;
	s21 =	sshll.u32 s4, $0x1;
	s4 =	sadd.s32 s22, s1  }
0x15: {  	[timem:s6], [sflag:s23] =	dma.local [hbm:s4], s21  }
0x16: {  	_ =	swait.ge [sflag:s23], s21  }
0x17: {  	s2 =	ssub.s32 $0x0, s21;
	[sflag:s23] =	ssyncset.done $0x0  }
0x18: {  	[sflag:s23] =	ssyncadd.s32 s2;
	_ =	sdelay $0x1  }
0x19: {  	s24 =	simm.s32 $0x1B8B  }
0x1a: {  	_ =	swait.ge [sflag:s24], $0x1  }
0x1b: {  	[sflag:s24] =	ssyncset.done $0x0  }
0x1c: {  	s26 =	simm.s32 $0x1B8E;
	s25 =	sld [smem:$0x3FFE];
	[sflag:s24] =	ssyncadd.s32 $0xFFFFFFFF  }
0x1d: {  	s27 =	simm.s32 $execute0_lowered;
	[smem:$0x3FD2] =	sst s26  }
0x1e: {  	s4 =	sshll.u32 s27, $0x1;
	_ =	strace $0x80000046;
	[dreg:$0x1] =	wrdreg $0xFFFFFFFF  }
0x1f: {  	s28 =	simm.s32 $_size_execute0_lowered;
	s1 =	sadd.s32 s1, s4;
	[dreg:$0x0] =	wrdreg $0x0  }
0x20: {  	s4 =	sshll.u32 s28, $0x1;
	[dreg:$0x2] =	wrdreg s1  }
0x21: {  	[dreg:$0x3] =	wrdreg s4  }
0x22: {  	[dreg:$0x4] =	wrdreg $0xC0  }
0x23: {  	_ =	task [dreg:s6], $0x5FFFF  }
0x24: {  	[dreg:$0x1] =	wrdreg $0xFFFFFFFF  }
0x25: {  	[dreg:$0x0] =	wrdreg $0x60  }
0x26: {  	[dreg:$0x2] =	wrdreg s25  }
0x27: {  	[dreg:$0x3] =	wrdreg $0x9  }
0x28: {  	_ =	task.clear_ibuf [dreg:s6], $0x4FFFF;
	_ =	strace $0x90000046  }
0x29: {  	s29 =	simm.s32 $0x9;
	_ =	strace $0x80000048  }
0x2a: {  	_ =	swait.ge [sflag:s29], $0x1  }
0x2b: {  	[sflag:s29] =	ssyncadd.s32 $0xFFFFFFFF  }
0x2c: {  	_ =	strace $0x90000048  }
0x2d: {  	_ =	sfence  }
0x2e: {  	s30 =	sld [smem:$0x0];
	_ =	sdelay $0x2  }
0x2f: {  	s31 =	sshll.u32 s3, $0xD;
	s3 =	sshrl.u32 s3, $0x2  }
0x30: {  	s2 =	sand.u32 $0x4000, s31;
	s1 =	sadd.s32 s3, s30  }
0x31: {  	s0 =	sor.u32 s2, s0;
	s1 =	sshll.u32 s1, $0x11  }
0x32: {  	s0 =	sor.u32 s1, s0  }
0x33: {  	s0 =	sadd.s32 $0x8F2B, s0  }
0x34: {  	[sflag:s0] =	ssyncadd.remote.s32 $0x1  }
0x35: {  	_ =	sfence.sel $0xFFFF  }
0x36: {  	[dreg:$0x0] =	wrdreg $0xFFFFFFFF;
	(pc) =	sbr.abs _section_cstart, $3  }
0x37: {  	[dreg:$0x1] =	wrdreg $0xFFFFFFFF  }
0x38: {  	_ =	task.clear_ibuf [dreg:s6], $0x2FFFF;
	_ =	strace $0x9FFFFFFF  }
0x39: {  	(tm) =	ssettm $0x7FFFFFFF  }
tec
execute0_lowered:
.L_overlay_start_1:
0x0: {  	(tag) =	ssettag $0x1  }
0x1: {  	s1 =	rddreg [dreg:$0x0]  }
0x2: {  	s0 =	rddreg [dreg:$0x1]  }
0x3: {  	_ =	strace $0x80000047;
	s4 =	srdreg.scid;
	s6 =	simm.s32 $0x2  }
0x4: {  	s11 =	simm.s32 $0x0;
	p0 =	por $0x0, $0x0;
	s7 =	simm.s32 $0x18800  }
.Ltmp0:
0x5: {  	s12 =	simm.s32 $0x0;
	s9 =	simm.s32 $0x0;
	(pc) =	sbr.rel .LBB1_1-.Ltmp0, $4  }
0x6: {  	s2 =	sadd.s32 $0x496A00, s1;
	s3 =	sadd.s32 $0x10D6A00, s1;
	s5 =	sshll.u32 s4, $0x4  }
0x7: {  	s1 =	stileid.u32;
	s4 =	simm.s32 $0x1;
	s5 =	sand.u32 $0x10, s5  }
0x8: {  	s8 =	simm.s32 $0x0;
	[sflag:s4] =	ssyncpa.u1 $0x0;
	s5 =	sor.u32 s1, s5  }
0x9: {  	[sflag:s6] =	ssyncpa.u1 $0x0;
	s6 =	simm.s32 $0x800;
	s10 =	smov.u32 s5  }
.LBB1_7:
0xa: {  	s13 =	sadd.s32 $0x10, s9  }
0xb: {  	s11 =	sadd.s32 $0x20, s10;
	s15 =	smov.u32 s10;
	p2 =	sgt.s32 s13, $0x30F  }
0xc: {  	p1 =	slt.u32 s8, $0x2;
	s15 =	smov.u32 @p2 s11  }
0xd: {  	s8 =	sadd.s32 $0x1, s8;
	s13 =	simm.s32 @p2 $0x0;
	p2 =	sgt.s32 s15, $0x7F  }
0xe: {  	s15 =	smov.u32 @p2 s5;
	p2 =	sne.s32 s8, $0xC6  }
.Ltmp1:
0xf: {  	_ = 	snop;
	(pc) =	sbr.rel @!p2 .LBB1_8-.Ltmp1, $4  }
0x10: {  	s14 =	simm.s32 @!p1 $0x2  }
0x11: {  	s12 =	smov.u32 s10;
	_ =	swait.ge @!p1 [sflag:s14], $0x4000  }
0x12: {  	p0 =	por !p0, !p0;
	s11 =	smov.u32 s9;
	[sflag:s14] =	ssyncset.done @!p1 $0x0  }
0x13: {  	s9 =	smov.u32 s13;
	[sflag:s14] =	ssyncadd.s32 @!p1 $0xFFFFC000;
	s10 =	smov.u32 s15  }
.LBB1_1:
0x14: {  	p1 =	sgt.u32 s8, $0xC3  }
0x15: {  	s13 =	smul.u32 @!p1 $0x18800, s10  }
0x16: {  	s14 =	sxor.u32 @!p1 $0xFFFFFFFF, s8  }
0x17: {  	s15 =	sshll.u32 @!p1 s9, $0x7;
	s14 =	sshll.u32 @!p1 s14, $0xE;
	s13 =	sadd.s32 @!p1 s2, s13  }
0x18: {  	s14 =	sand.u32 @!p1 $0x4000, s14;
	s13 =	sadd.s32 @!p1 s15, s13;
	s15 =	simm.s32 @!p1 $0x0  }
0x19: {  	[tilespmem:s14], [sflag:$0x1] =	stream.linear.gather @!p1 [hbm4b:s13+s15], $0x4000, $0x38;
	[tilespmem:$0x10000] =	vst v63  }
0x1a: {  	p1 =	seq.s32 s8, $0x0  }
0x1b: {  	p2 =	seq.s32 @!p1 s8, $0xC5  }
0x1c: {  	p1 =	por p1, p2  }
.Ltmp2:
0x1d: {  	_ = 	snop;
	(pc) =	sbr.rel @p1 .LBB1_7-.Ltmp2, $1  }
0x1e: {  	_ =	sdelay $0x3  }
0x1f: {  	s13 =	simm.s32 $0x1;
	_ =	swait.ge [sflag:s4], $0x4000;
	s16 =	sshll.u32 s8, $0xE  }
0x20: {  	s13 =	simm.s32 @!p0 $0x0;
	[sflag:s4] =	ssyncset.done $0x0;
	s31 =	sand.u32 $0x4000, s16  }
0x21: {  	s16 =	simm.s32 $0x0;
	s13 =	sshll.u32 s13, $0xE;
	[sflag:s4] =	ssyncadd.s32 $0xFFFFC000  }
0x22: {  	s14 =	sor.u32 $0x8040, s13;
	s15 =	sor.u32 $0x40, s13;
	s13 =	sor.u32 $0x8000, s31  }
.LBB1_3:
0x23: {  	v0 =	vmov s15;
	_ =	sdelay $0x3  }
0x24: {  	s18 =	simm.s32 $0x0  }
0x25: {  	v6 =	vld.idx.msk [tilespmem:v0+s18+$0x30 ss:$0x1], $0xffff  }
0x26: {  	v7 =	vld.idx.msk [tilespmem:v0+s18+$0xFFFFFFC0 ss:$0x1], $0xffff  }
0x27: {  	v5 =	vld.idx.msk [tilespmem:v0+s18+$0xFFFFFFD0 ss:$0x1], $0xffff  }
0x28: {  	v4 =	vld.idx.msk [tilespmem:v0+s18+$0xFFFFFFE0 ss:$0x1], $0xffff  }
0x29: {  	v3 =	vld.idx.msk [tilespmem:v0+s18+$0xFFFFFFF0 ss:$0x1], $0xffff  }
0x2a: {  	v1 =	vld.idx.msk [tilespmem:v0+s18+$0x0 ss:$0x1], $0xffff  }
0x2b: {  	v2 =	vld.idx.msk [tilespmem:v0+s18+$0x10 ss:$0x1], $0xffff;
	[tilespmem:s14+$0x30] =	vst v6  }
0x2c: {  	s17 =	simm.s32 $0x80;
	s19 =	simm.s32 $0x400;
	[tilespmem:s14+$0xFFFFFFC0] =	vst v7;
	v6 =	vld.idx.msk [tilespmem:v0+s18+$0x20 ss:$0x1], $0xffff;
	s18 =	smov.u32 s14  }
.LBB1_4:
0x2d: {  	p1 =	sne.s32 s19, $0xE00;
	v7 =	vld.idx.msk [tilespmem:v0+s17+$0x30 ss:$0x1], $0xffff;
	[tilespmem:s18+$0xFFFFFFD0] =	vst v5  }
0x2e: {  	v8 =	vld.idx.msk [tilespmem:v0+s17+$0xFFFFFFC0 ss:$0x1], $0xffff;
	[tilespmem:s18+$0xFFFFFFE0] =	vst v4  }
0x2f: {  	v5 =	vld.idx.msk [tilespmem:v0+s17+$0xFFFFFFD0 ss:$0x1], $0xffff;
	[tilespmem:s18+$0xFFFFFFF0] =	vst v3  }
.Ltmp3:
0x30: {  	v4 =	vld.idx.msk [tilespmem:v0+s17+$0xFFFFFFE0 ss:$0x1], $0xffff;
	[tilespmem:s18+$0x0] =	vst v1;
	(pc) =	sbr.rel @p1 .LBB1_4-.Ltmp3, $4  }
0x31: {  	v3 =	vld.idx.msk [tilespmem:v0+s17+$0xFFFFFFF0 ss:$0x1], $0xffff;
	[tilespmem:s18+$0x10] =	vst v2  }
0x32: {  	v1 =	vld.idx.msk [tilespmem:v0+s17+$0x0 ss:$0x1], $0xffff;
	[tilespmem:s18+$0x20] =	vst v6;
	s18 =	sadd.s32 $0x800, s18  }
0x33: {  	v2 =	vld.idx.msk [tilespmem:v0+s17+$0x10 ss:$0x1], $0xffff;
	[tilespmem:s18+$0x30] =	vst v7  }
0x34: {  	[tilespmem:s18+$0xFFFFFFC0] =	vst v8;
	v6 =	vld.idx.msk [tilespmem:v0+s17+$0x20 ss:$0x1], $0xffff;
	s17 =	sshra.s32 s19, $0x2;
	s19 =	sadd.s32 $0x200, s19  }
0x35: {  	_ =	sdelay $0x2  }
0x36: {  	[tilespmem:s18+$0xFFFFFFD0] =	vst v5  }
0x37: {  	v56 =	vld.idx.msk [tilespmem:v0+s17+$0x30 ss:$0x1], $0xffff;
	[tilespmem:s18+$0xFFFFFFE0] =	vst v4  }
0x38: {  	v57 =	vld.idx.msk [tilespmem:v0+s17+$0xFFFFFFC0 ss:$0x1], $0xffff;
	[tilespmem:s18+$0xFFFFFFF0] =	vst v3  }
0x39: {  	v58 =	vld.idx.msk [tilespmem:v0+s17+$0xFFFFFFD0 ss:$0x1], $0xffff;
	[tilespmem:s18+$0x0] =	vst v1  }
0x3a: {  	v59 =	vld.idx.msk [tilespmem:v0+s17+$0xFFFFFFE0 ss:$0x1], $0xffff;
	[tilespmem:s18+$0x10] =	vst v2  }
0x3b: {  	v60 =	vld.idx.msk [tilespmem:v0+s17+$0xFFFFFFF0 ss:$0x1], $0xffff;
	s31 =	sadd.s32 $0x800, s18;
	[tilespmem:s18+$0x20] =	vst v6  }
0x3c: {  	v61 =	vld.idx.msk [tilespmem:v0+s17+$0x0 ss:$0x1], $0xffff;
	[tilespmem:s31+$0x30] =	vst v56  }
0x3d: {  	v62 =	vld.idx.msk [tilespmem:v0+s17+$0x10 ss:$0x1], $0xffff;
	s16 =	sadd.s32 $0x1, s16;
	[tilespmem:s31+$0xFFFFFFC0] =	vst v57  }
0x3e: {  	v63 =	vld.idx.msk [tilespmem:v0+s17+$0x20 ss:$0x1], $0xffff;
	p1 =	sne.s32 s16, $0x10;
	[tilespmem:s31+$0xFFFFFFD0] =	vst v58  }
.Ltmp4:
0x3f: {  	[tilespmem:s31+$0xFFFFFFE0] =	vst v59;
	(pc) =	sbr.rel @p1 .LBB1_3-.Ltmp4, $4  }
0x40: {  	[tilespmem:s31+$0xFFFFFFF0] =	vst v60  }
0x41: {  	[tilespmem:s31+$0x0] =	vst v61  }
0x42: {  	[tilespmem:s31+$0x10] =	vst v62  }
0x43: {  	s14 =	sadd.s32 $0x80, s14;
	s15 =	sadd.s32 $0x400, s15;
	[tilespmem:s31+$0x20] =	vst v63  }
0x44: {  	s11 =	sand.u32 $0x1FFFFFF, s11  }
0x45: {  	s14 =	smulhi.u32 $0x14E5E0B, s11;
	_ =	sdelay $0x1  }
0x46: {  	s12 =	smul.u32 $0x18800, s12;
	s14 =	sshrl.u32 s14, $0x2  }
0x47: {  	s14 =	smul.u32 $0x310, s14  }
.Ltmp5:
0x48: {  	_ = 	snop;
	(pc) =	sbr.rel .LBB1_7-.Ltmp5, $4  }
0x49: {  	s11 =	ssub.s32 s11, s14  }
0x4a: {  	s12 =	sadd.s32 s3, s12;
	s11 =	sshll.u32 s11, $0x4  }
0x4b: {  	s11 =	sadd.s32 s11, s12  }
0x4c: {  	[hbm4b:s11+s6] =	stream.strided.scatter [tilespmem:s13], [sflag:$0x2], $0x4000, s7, s6, $0x38;
	[tilespmem:$0x10000] =	vst v63  }
.LBB1_8:
0x4d: {  	_ =	sfence.sel $0x180000  }
0x4e: {  	s2 =	simm.s32 $0x1;
	[bflag:$0x0] =	sbarrier.arrive $0xFFFF  }
0x4f: {  	s31 =	simm.s32 $0x2;
	[sflag:s2] =	ssyncpa.u1 $0x1  }
0x50: {  	[sflag:s31] =	ssyncpa.u1 $0x1  }
0x51: {  	p0 =	sne.s32 s1, $0x0;
	_ =	strace $0x90000047  }
0x52: {  	s0 =	sadd.s32 @!p0 $0x100000, s0;
	[bflag:$0x2] =	sbarrier.arrive $0xFFFF  }
0x53: {  	[sflag:s0] =	ssyncadd.tile.s32 @!p0 $0x1;
	_ =	shalt  }
.Lfunc_end1:
_tile_overlayer_lowered:
.L_overlay_start_2:
0x54: {  	(tag) =	ssettag $0x2  }
0x55: {  	s0 =	rddreg [dreg:$0x0];
	s2 =	stileid.u32  }
0x56: {  	s1 =	rddreg [dreg:$0x1];
	p0 =	sne.s32 s2, $0x0  }
0x57: {  	s3 =	rddreg [dreg:$0x2];
	[bflag:$0x3] =	sbarrier.arrive $0xFFFF;
	s2 =	simm.s32 @!p0 $0x1C01  }
0x58: {  	[timem:s3], [sflag:s2] =	dma.local @!p0 [hbm:s0], s1  }
0x59: {  	s0 =	simm.s32 @!p0 $0x1  }
0x5a: {  	_ =	swait.ge @!p0 [sflag:s0], s1  }
0x5b: {  	s1 =	ssub.s32 @!p0 $0x0, s1;
	[sflag:s0] =	ssyncset.done @!p0 $0x0  }
0x5c: {  	[sflag:s0] =	ssyncadd.s32 @!p0 s1  }
0x5d: {  	[bflag:$0x3] =	sbarrier.arrive $0xFFFF  }
0x5e: {  	_ =	shalt  }

</sc_bundles>
